<compile_context>
chip_gen: v7x
topology: tpu7x:2x2x1
jax: 0.10.2.dev20260603
libtpu: 0.0.44.dev20260713+nightly
codegen_flags: <defaults>
</compile_context>

<pallas_src>
import functools

import jax
import jax.numpy as jnp
from jax import lax
from jax.experimental import pallas as pl
from jax.experimental.pallas import tpu as pltpu
from jax.experimental.pallas import tpu_sc as plsc

N = 10000
D = 128
H = 128
E = 320000
P = 65536
NC = 2
NS = 16
NW = NC * NS
C = 128
CH = 80
PH = CH // 2
EPAD = NW * CH * C - E
NPAD = 10240
NPT = NPAD // NS
PP = 2 * P
PPW = PP // NW
PC = 128
PCH = PPW // PC

f32 = jnp.float32


def _sc_aggregate(table, src_r, dst_r):
    mesh = plsc.VectorSubcoreMesh(core_axis_name="c", subcore_axis_name="s")

    @functools.partial(
        pl.kernel,
        out_type=(jax.ShapeDtypeStruct((NC, NPAD, D), f32),
                  jax.ShapeDtypeStruct((NC, 1, NPAD), f32)),
        mesh=mesh,
        scratch_types=[
            pltpu.VMEM((PH, 1, C), jnp.int32),
            pltpu.VMEM((PH, 1, C), jnp.int32),
            pltpu.VMEM((C, D), f32),
            pltpu.VMEM((C, D), f32),
            pltpu.VMEM((C,), f32),
            pltpu.VMEM((NPT,), f32),
            pltpu.VMEM_SHARED((NPAD, D), f32),
            pltpu.VMEM_SHARED((NPAD,), f32),
            pltpu.SemaphoreType.DMA,
            pltpu.SemaphoreType.DMA,
            pltpu.SemaphoreType.DMA,
        ],
    )
    def k(tab_hbm, src_hbm, dst_hbm, acc_out, deg_out,
          src_v, dst_v, rows0_v, rows1_v, ones_v, z1_v,
          acc_sh, deg_sh, sem0, sem1, dsem):
        cid = lax.axis_index("c")
        sid = lax.axis_index("s")
        wid = cid * NS + sid
        off = pl.multiple_of(sid * NPT, 128)
        z16 = jnp.zeros((16,), f32)

        def zrow(i, carry):
            for g in range(D // 16):
                rows0_v[i, pl.ds(g * 16, 16)] = z16
            return carry

        lax.fori_loop(0, C, zrow, 0)
        for g in range(NPT // 16):
            z1_v[pl.ds(g * 16, 16)] = z16
        for r in range(NPT // C):
            pltpu.sync_copy(rows0_v, acc_sh.at[pl.ds(off + r * C, C)])
        pltpu.sync_copy(z1_v, deg_sh.at[pl.ds(off, NPT)])

        ones16 = jnp.ones((16,), f32)
        for g in range(C // 16):
            ones_v[pl.ds(g * 16, 16)] = ones16
        plsc.subcore_barrier()

        def start(j, buf, sem):
            pltpu.async_copy(tab_hbm.at[src_v.at[j, 0]], buf, sem)

        def wait(j, buf, sem):
            pltpu.make_async_copy(tab_hbm.at[src_v.at[j, 0]], buf, sem).wait()

        def drain(j, buf):
            dcp = pltpu.async_copy(ones_v, deg_sh.at[dst_v.at[j, 0]], dsem,
                                   add=True)
            pltpu.sync_copy(buf, acc_sh.at[dst_v.at[j, 0]], add=True)
            dcp.wait()

        for p in range(2):
            pltpu.sync_copy(src_hbm.at[wid, pl.ds(p * PH, PH)], src_v)
            pltpu.sync_copy(dst_hbm.at[wid, pl.ds(p * PH, PH)], dst_v)
            start(0, rows0_v, sem0)

            def chunk2(jj, carry):
                j0 = jj * 2
                j1 = j0 + 1
                start(j1, rows1_v, sem1)
                wait(j0, rows0_v, sem0)
                drain(j0, rows0_v)
                start(jnp.minimum(j1 + 1, PH - 1), rows0_v, sem0)
                wait(j1, rows1_v, sem1)
                drain(j1, rows1_v)
                return carry

            lax.fori_loop(0, PH // 2, chunk2, 0)
            wait(PH - 1, rows0_v, sem0)
        plsc.subcore_barrier()
        pltpu.sync_copy(acc_sh.at[pl.ds(off, NPT)],
                        acc_out.at[cid, pl.ds(off, NPT)])
        pltpu.sync_copy(deg_sh.at[pl.ds(off, NPT)],
                        deg_out.at[cid, 0, pl.ds(off, NPT)])

    return k(table, src_r, dst_r)


def _tc_combine1(x, acc, deg_t, Ws, Wn, br):
    R = 2000

    def body(x_ref, acc_ref, deg_ref, ws_ref, wn_ref, b_ref, out_ref):
        accs = acc_ref[0] + acc_ref[1]
        deg = jnp.maximum(jnp.sum(deg_ref[:], axis=1, keepdims=True), 1.0)
        mean = accs / deg
        h = (jnp.dot(x_ref[:], ws_ref[:], preferred_element_type=f32)
             + jnp.dot(mean, wn_ref[:], preferred_element_type=f32)
             + b_ref[:])
        out_ref[:] = jnp.maximum(h, 0.0)

    return pl.pallas_call(
        body,
        grid=(N // R,),
        in_specs=[
            pl.BlockSpec((R, D), lambda i: (i, 0)),
            pl.BlockSpec((NC, R, D), lambda i: (0, i, 0)),
            pl.BlockSpec((R, NC), lambda i: (i, 0)),
            pl.BlockSpec((D, H), lambda i: (0, 0)),
            pl.BlockSpec((D, H), lambda i: (0, 0)),
            pl.BlockSpec((1, H), lambda i: (0, 0)),
        ],
        out_specs=pl.BlockSpec((R, D), lambda i: (i, 0)),
        out_shape=jax.ShapeDtypeStruct((N, D), f32),
    )(x, acc, deg_t, Ws, Wn, br)


def _tc_combine2(h1, acc, deg_t, Ws, Wn, br, Wu, Wv):
    R = 2000

    def body(h_ref, acc_ref, deg_ref, ws_ref, wn_ref, b_ref, wu_ref, wv_ref,
             u_ref, v_ref):
        accs = acc_ref[0] + acc_ref[1]
        deg = jnp.maximum(jnp.sum(deg_ref[:], axis=1, keepdims=True), 1.0)
        mean = accs / deg
        h2 = (jnp.dot(h_ref[:], ws_ref[:], preferred_element_type=f32)
              + jnp.dot(mean, wn_ref[:], preferred_element_type=f32)
              + b_ref[:])
        u_ref[:] = jnp.dot(h2, wu_ref[:], preferred_element_type=f32)
        v_ref[:] = jnp.dot(h2, wv_ref[:], preferred_element_type=f32)

    return pl.pallas_call(
        body,
        grid=(N // R,),
        in_specs=[
            pl.BlockSpec((R, D), lambda i: (i, 0)),
            pl.BlockSpec((NC, R, D), lambda i: (0, i, 0)),
            pl.BlockSpec((R, NC), lambda i: (i, 0)),
            pl.BlockSpec((H, H), lambda i: (0, 0)),
            pl.BlockSpec((H, H), lambda i: (0, 0)),
            pl.BlockSpec((1, H), lambda i: (0, 0)),
            pl.BlockSpec((H, H), lambda i: (0, 0)),
            pl.BlockSpec((H, H), lambda i: (0, 0)),
        ],
        out_specs=[
            pl.BlockSpec((R, H), lambda i: (i, 0)),
            pl.BlockSpec((R, H), lambda i: (i, 0)),
        ],
        out_shape=[
            jax.ShapeDtypeStruct((N, H), f32),
            jax.ShapeDtypeStruct((N, H), f32),
        ],
    )(h1, acc, deg_t, Ws, Wn, br, Wu, Wv)


def _sc_pair_gather_add(u, v, src_ids, dst_ids, npairs):
    W = npairs // NW
    CHp = W // PC
    mesh = plsc.VectorSubcoreMesh(core_axis_name="c", subcore_axis_name="s")

    @functools.partial(
        pl.kernel,
        out_type=jax.ShapeDtypeStruct((npairs, H), f32),
        mesh=mesh,
        scratch_types=[
            pltpu.VMEM((W,), jnp.int32),
            pltpu.VMEM((W,), jnp.int32),
            pltpu.VMEM((PC, H), f32),
            pltpu.VMEM((PC, H), f32),
            pltpu.VMEM((PC, H), f32),
            pltpu.VMEM((PC, H), f32),
            pltpu.SemaphoreType.DMA,
            pltpu.SemaphoreType.DMA,
            pltpu.SemaphoreType.DMA,
            pltpu.SemaphoreType.DMA,
        ],
    )
    def k(u_hbm, v_hbm, src_hbm, dst_hbm, z_out, src_v, dst_v,
          u0_v, v0_v, u1_v, v1_v, us0, vs0, us1, vs1):
        cid = lax.axis_index("c")
        sid = lax.axis_index("s")
        wid = cid * NS + sid
        base = pl.multiple_of(wid * W, 128)
        pltpu.sync_copy(src_hbm.at[pl.ds(base, W)], src_v)
        pltpu.sync_copy(dst_hbm.at[pl.ds(base, W)], dst_v)

        def idx(ref, j):
            return ref.at[pl.ds(pl.multiple_of(j * PC, 128), PC)]

        def start(j, ub, vb, us, vs):
            pltpu.async_copy(u_hbm.at[idx(src_v, j)], ub, us)
            pltpu.async_copy(v_hbm.at[idx(dst_v, j)], vb, vs)

        def wait(j, ub, vb, us, vs):
            pltpu.make_async_copy(u_hbm.at[idx(src_v, j)], ub, us).wait()
            pltpu.make_async_copy(v_hbm.at[idx(dst_v, j)], vb, vs).wait()

        def drain(j, ub, vb):
            def addrow(i, carry):
                for g in range(H // 16):
                    sl = pl.ds(g * 16, 16)
                    ub[i, sl] = ub[i, sl] + vb[i, sl]
                return carry

            lax.fori_loop(0, PC, addrow, 0)
            out_off = pl.multiple_of(base + j * PC, 8)
            pltpu.sync_copy(ub, z_out.at[pl.ds(out_off, PC)])

        start(0, u0_v, v0_v, us0, vs0)

        def chunk2(jj, carry):
            j0 = jj * 2
            j1 = j0 + 1
            start(j1, u1_v, v1_v, us1, vs1)
            wait(j0, u0_v, v0_v, us0, vs0)
            drain(j0, u0_v, v0_v)
            start(jnp.minimum(j1 + 1, CHp - 1), u0_v, v0_v, us0, vs0)
            wait(j1, u1_v, v1_v, us1, vs1)
            drain(j1, u1_v, v1_v)
            return carry

        lax.fori_loop(0, CHp // 2, chunk2, 0)
        wait(CHp - 1, u0_v, v0_v, us0, vs0)

    return k(u, v, src_ids, dst_ids)


def _tc_mlp(z, b1r, W2, b2r, W3, b3r):
    R = 4096
    npairs = z.shape[0]

    def body(z_ref, b1_ref, w2_ref, b2_ref, w3_ref, b3_ref, out_ref):
        z1 = jnp.maximum(z_ref[:] + b1_ref[:], 0.0)
        z2 = jnp.maximum(
            jnp.dot(z1, w2_ref[:], preferred_element_type=f32) + b2_ref[:],
            0.0)
        out_ref[:] = jnp.sum(z2 * w3_ref[:], axis=1, keepdims=True) + b3_ref[:]

    return pl.pallas_call(
        body,
        grid=(npairs // R,),
        in_specs=[
            pl.BlockSpec((R, H), lambda i: (i, 0)),
            pl.BlockSpec((1, H), lambda i: (0, 0)),
            pl.BlockSpec((H, H), lambda i: (0, 0)),
            pl.BlockSpec((1, H), lambda i: (0, 0)),
            pl.BlockSpec((1, H), lambda i: (0, 0)),
            pl.BlockSpec((1, 1), lambda i: (0, 0)),
        ],
        out_specs=pl.BlockSpec((R, 1), lambda i: (i, 0)),
        out_shape=jax.ShapeDtypeStruct((npairs, 1), f32),
    )(z, b1r, W2, b2r, W3, b3r)


def kernel(x, edge_index1, edge_index2, pos_src, pos_dst, neg_src, neg_dst,
           W_self1, W_neigh1, b1, W_self2, W_neigh2, b2,
           Wp1, bp1, Wp2, bp2, Wp3, bp3):
    pad_src = (jnp.arange(EPAD, dtype=jnp.int32) * 37) % N
    pad_dst = N + jnp.arange(EPAD, dtype=jnp.int32) % (NPAD - N)
    src1 = jnp.concatenate([edge_index1[0], pad_src]).reshape(NW, CH, 1, C)
    dst1 = jnp.concatenate([edge_index1[1], pad_dst]).reshape(NW, CH, 1, C)
    src2 = jnp.concatenate([edge_index2[0], pad_src]).reshape(NW, CH, 1, C)
    dst2 = jnp.concatenate([edge_index2[1], pad_dst]).reshape(NW, CH, 1, C)

    acc1, deg1 = _sc_aggregate(x, src1, dst1)
    h1 = _tc_combine1(x, acc1, deg1.reshape(NC, NPAD).T,
                      W_self1, W_neigh1, b1.reshape(1, H))
    acc2, deg2 = _sc_aggregate(h1, src2, dst2)
    u, v = _tc_combine2(h1, acc2, deg2.reshape(NC, NPAD).T,
                        W_self2, W_neigh2, b2.reshape(1, H),
                        Wp1[:H], Wp1[H:])

    b1r, b2r = bp1.reshape(1, H), bp2.reshape(1, H)
    w3r, b3r = Wp3.reshape(1, H), bp3.reshape(1, 1)
    z_pos = _sc_pair_gather_add(u, v, pos_src, pos_dst, P)
    z_neg = _sc_pair_gather_add(u, v, neg_src, neg_dst, P)
    s_pos = _tc_mlp(z_pos, b1r, Wp2, b2r, w3r, b3r)
    s_neg = _tc_mlp(z_neg, b1r, Wp2, b2r, w3r, b3r)
    return s_pos, s_neg

# --- scband reference (transcript-rebuilt; emitter-appended) ---
"""Pipeline reference for scband-model-26508538151583 (READ-ONLY COPY).

The authoritative reference and input builder live on the scoring server;
editing this copy changes nothing except your own understanding.
"""

import jax, jax.numpy as jnp
import numpy as np

N = 10000
E = 320000
P = 65536
D = 128
H = 128


def _init_w(key, shape, fan_in):
    return (jax.random.normal(key, shape, dtype=jnp.float32) / np.sqrt(fan_in)).astype(jnp.float32)


def setup_inputs(seed: int = 0) -> dict:
    key = jax.random.key(seed)
    ks = jax.random.split(key, 24)
    x = jax.random.normal(ks[0], (N, D), dtype=jnp.float32)
    edge_index1 = jax.random.randint(ks[1], (2, E), 0, N, dtype=jnp.int32)
    edge_index2 = jax.random.randint(ks[2], (2, E), 0, N, dtype=jnp.int32)
    pos_src = jax.random.randint(ks[3], (P,), 0, N, dtype=jnp.int32)
    pos_dst = jax.random.randint(ks[4], (P,), 0, N, dtype=jnp.int32)
    neg_src = jax.random.randint(ks[5], (P,), 0, N, dtype=jnp.int32)
    neg_dst = jax.random.randint(ks[6], (P,), 0, N, dtype=jnp.int32)
    # SAGEConv layer 1: in_feats=D -> n_hidden=H
    W_self1 = _init_w(ks[7], (D, H), D)
    W_neigh1 = _init_w(ks[8], (D, H), D)
    b1 = jnp.zeros((H,), dtype=jnp.float32)
    # SAGEConv layer 2: H -> H
    W_self2 = _init_w(ks[9], (H, H), H)
    W_neigh2 = _init_w(ks[10], (H, H), H)
    b2 = jnp.zeros((H,), dtype=jnp.float32)
    # predictor MLP: Linear(2H -> H), Linear(H -> H), Linear(H -> 1)
    Wp1 = _init_w(ks[11], (2 * H, H), 2 * H)
    bp1 = jnp.zeros((H,), dtype=jnp.float32)
    Wp2 = _init_w(ks[12], (H, H), H)
    bp2 = jnp.zeros((H,), dtype=jnp.float32)
    Wp3 = _init_w(ks[13], (H, 1), H)
    bp3 = jnp.zeros((1,), dtype=jnp.float32)
    return {
        "x": x, "edge_index1": edge_index1, "edge_index2": edge_index2,
        "pos_src": pos_src, "pos_dst": pos_dst, "neg_src": neg_src, "neg_dst": neg_dst,
        "W_self1": W_self1, "W_neigh1": W_neigh1, "b1": b1,
        "W_self2": W_self2, "W_neigh2": W_neigh2, "b2": b2,
        "Wp1": Wp1, "bp1": bp1, "Wp2": Wp2, "bp2": bp2, "Wp3": Wp3, "bp3": bp3,
    }


def _sage_conv(h, edge_index, W_self, W_neigh, b):
    src = edge_index[0]
    dst = edge_index[1]
    msgs = jnp.take(h, src, axis=0)
    agg = jax.ops.segment_sum(msgs, dst, num_segments=N)
    deg = jax.ops.segment_sum(jnp.ones((src.shape[0],), dtype=h.dtype), dst, num_segments=N)
    mean = agg / jnp.clip(deg, 1.0)[:, None]
    return h @ W_self + mean @ W_neigh + b


def _predict(h_src, h_dst, Wp1, bp1, Wp2, bp2, Wp3, bp3):
    z = jnp.concatenate([h_src, h_dst], axis=1)
    z = jax.nn.relu(z @ Wp1 + bp1)
    z = jax.nn.relu(z @ Wp2 + bp2)
    return z @ Wp3 + bp3


def reference(x, edge_index1, edge_index2, pos_src, pos_dst, neg_src, neg_dst,
              W_self1, W_neigh1, b1, W_self2, W_neigh2, b2,
              Wp1, bp1, Wp2, bp2, Wp3, bp3):
    h = _sage_conv(x, edge_index1, W_self1, W_neigh1, b1)
    h = jax.nn.relu(h)
    h = _sage_conv(h, edge_index2, W_self2, W_neigh2, b2)
    h_pos = _predict(jnp.take(h, pos_src, axis=0), jnp.take(h, pos_dst, axis=0), Wp1, bp1, Wp2, bp2, Wp3, bp3)
    h_neg = _predict(jnp.take(h, neg_src, axis=0), jnp.take(h, neg_dst, axis=0), Wp1, bp1, Wp2, bp2, Wp3, bp3)
    return (h_pos, h_neg)

if __name__ == "__main__":
    import jax
    _d = setup_inputs()
    print(jax.jit(kernel)(*tuple(_d.values())))

</pallas_src>

<mosaic_0001>
#map = affine_map<(d0, d1) -> (0, 0)>
#map1 = affine_map<(d0, d1) -> (0, 0, 0, 0)>
#map2 = affine_map<(d0, d1) -> (0, 0, 0)>
module attributes {stable_mosaic.version = 14 : i64} {
  func.func @k(%arg0: i32, %arg1: i32, %arg2: memref<10000x128xf32, #tpu.memory_space<hbm>>, %arg3: memref<32x80x1x128xi32, #tpu.memory_space<hbm>>, %arg4: memref<32x80x1x128xi32, #tpu.memory_space<hbm>>, %arg5: memref<2x10240x128xf32, #tpu.memory_space<hbm>>, %arg6: memref<2x1x10240xf32, #tpu.memory_space<hbm>>, %arg7: memref<40x1x128xi32, #tpu.memory_space<vmem>>, %arg8: memref<40x1x128xi32, #tpu.memory_space<vmem>>, %arg9: memref<128x128xf32, #tpu.memory_space<vmem>>, %arg10: memref<128x128xf32, #tpu.memory_space<vmem>>, %arg11: memref<128xf32, #tpu.memory_space<vmem>>, %arg12: memref<640xf32, #tpu.memory_space<vmem>>, %arg13: memref<10240x128xf32, #tpu.memory_space<vmem_shared>>, %arg14: memref<10240xf32, #tpu.memory_space<vmem_shared>>, %arg15: memref<!tpu.dma_semaphore, #tpu.memory_space<semaphore_mem>>, %arg16: memref<!tpu.dma_semaphore, #tpu.memory_space<semaphore_mem>>, %arg17: memref<!tpu.dma_semaphore, #tpu.memory_space<semaphore_mem>>) attributes {dimension_semantics = [#tpu.dimension_semantics<core_parallel>, #tpu.dimension_semantics<subcore_parallel>], iteration_bounds = array<i64: 2, 16>, scalar_prefetch = 0 : i64, scratch_operands = 11 : i64, tpu.core_type = #tpu.core_type<sc_vector_subcore>, window_params = [{transform_indices = #map}, {transform_indices = #map1}, {transform_indices = #map1}, {transform_indices = #map2}, {transform_indices = #map2}]} {
    %mul3A = arith.constant 16 : i32
    %mul3A_0 = arith.muli %arg0, %mul3A : i32
    %add3A = arith.addi %mul3A_0, %arg1 : i32
    %mul3A_1 = arith.constant 640 : i32
    %mul3A_2 = arith.muli %arg1, %mul3A_1 : i32
    %multiple_of3A = tpu.assume_multiple %mul3A_2, 128 : i32
    %broadcast_in_dim3A = arith.constant 0.000000e+00 : f32
    %broadcast_in_dim3A_3 = vector.broadcast %broadcast_in_dim3A : f32 to vector<16xf32>
    %scan3A = arith.constant 0 : i32
    %scan3A_4 = arith.constant 0 : i32
    %scan3A_5 = arith.constant 128 : i32
    %scan3A_6 = arith.addi %scan3A_4, %scan3A_5 : i32
    %scan3A_7 = arith.constant 1 : i32
    scf.for %scan3A_255 = %scan3A_4 to %scan3A_6 step %scan3A_7  : i32 {
      %swap3A_256 = arith.index_cast %scan3A_255 : i32 to index
      %swap3A_257 = arith.constant 0 : index
      %swap3A_258 = tpu.vector_load %arg9[%swap3A_256, %swap3A_257] {strides = array<i32>} : memref<128x128xf32, #tpu.memory_space<vmem>>, vector<1x16xf32>,
      %swap3A_259 = vector.shape_cast %swap3A_258 : vector<1x16xf32> to vector<16xf32>
      %swap3A_260 = vector.shape_cast %broadcast_in_dim3A_3 : vector<16xf32> to vector<1x16xf32>
      tpu.vector_store %arg9[%swap3A_256, %swap3A_257], %swap3A_260 {strides = array<i32>} : memref<128x128xf32, #tpu.memory_space<vmem>>, vector<1x16xf32>,
      %swap3A_261 = arith.index_cast %scan3A_255 : i32 to index
      %swap3A_262 = arith.constant 16 : index
      %swap3A_263 = tpu.vector_load %arg9[%swap3A_261, %swap3A_262] {strides = array<i32>} : memref<128x128xf32, #tpu.memory_space<vmem>>, vector<1x16xf32>,
      %swap3A_264 = vector.shape_cast %swap3A_263 : vector<1x16xf32> to vector<16xf32>
      %swap3A_265 = vector.shape_cast %broadcast_in_dim3A_3 : vector<16xf32> to vector<1x16xf32>
      tpu.vector_store %arg9[%swap3A_261, %swap3A_262], %swap3A_265 {strides = array<i32>} : memref<128x128xf32, #tpu.memory_space<vmem>>, vector<1x16xf32>,
      %swap3A_266 = arith.index_cast %scan3A_255 : i32 to index
      %swap3A_267 = arith.constant 32 : index
      %swap3A_268 = tpu.vector_load %arg9[%swap3A_266, %swap3A_267] {strides = array<i32>} : memref<128x128xf32, #tpu.memory_space<vmem>>, vector<1x16xf32>,
      %swap3A_269 = vector.shape_cast %swap3A_268 : vector<1x16xf32> to vector<16xf32>
      %swap3A_270 = vector.shape_cast %broadcast_in_dim3A_3 : vector<16xf32> to vector<1x16xf32>
      tpu.vector_store %arg9[%swap3A_266, %swap3A_267], %swap3A_270 {strides = array<i32>} : memref<128x128xf32, #tpu.memory_space<vmem>>, vector<1x16xf32>,
      %swap3A_271 = arith.index_cast %scan3A_255 : i32 to index
      %swap3A_272 = arith.constant 48 : index
      %swap3A_273 = tpu.vector_load %arg9[%swap3A_271, %swap3A_272] {strides = array<i32>} : memref<128x128xf32, #tpu.memory_space<vmem>>, vector<1x16xf32>,
      %swap3A_274 = vector.shape_cast %swap3A_273 : vector<1x16xf32> to vector<16xf32>
      %swap3A_275 = vector.shape_cast %broadcast_in_dim3A_3 : vector<16xf32> to vector<1x16xf32>
      tpu.vector_store %arg9[%swap3A_271, %swap3A_272], %swap3A_275 {strides = array<i32>} : memref<128x128xf32, #tpu.memory_space<vmem>>, vector<1x16xf32>,
      %swap3A_276 = arith.index_cast %scan3A_255 : i32 to index
      %swap3A_277 = arith.constant 64 : index
      %swap3A_278 = tpu.vector_load %arg9[%swap3A_276, %swap3A_277] {strides = array<i32>} : memref<128x128xf32, #tpu.memory_space<vmem>>, vector<1x16xf32>,
      %swap3A_279 = vector.shape_cast %swap3A_278 : vector<1x16xf32> to vector<16xf32>
      %swap3A_280 = vector.shape_cast %broadcast_in_dim3A_3 : vector<16xf32> to vector<1x16xf32>
      tpu.vector_store %arg9[%swap3A_276, %swap3A_277], %swap3A_280 {strides = array<i32>} : memref<128x128xf32, #tpu.memory_space<vmem>>, vector<1x16xf32>,
      %swap3A_281 = arith.index_cast %scan3A_255 : i32 to index
      %swap3A_282 = arith.constant 80 : index
      %swap3A_283 = tpu.vector_load %arg9[%swap3A_281, %swap3A_282] {strides = array<i32>} : memref<128x128xf32, #tpu.memory_space<vmem>>, vector<1x16xf32>,
      %swap3A_284 = vector.shape_cast %swap3A_283 : vector<1x16xf32> to vector<16xf32>
      %swap3A_285 = vector.shape_cast %broadcast_in_dim3A_3 : vector<16xf32> to vector<1x16xf32>
      tpu.vector_store %arg9[%swap3A_281, %swap3A_282], %swap3A_285 {strides = array<i32>} : memref<128x128xf32, #tpu.memory_space<vmem>>, vector<1x16xf32>,
      %swap3A_286 = arith.index_cast %scan3A_255 : i32 to index
      %swap3A_287 = arith.constant 96 : index
      %swap3A_288 = tpu.vector_load %arg9[%swap3A_286, %swap3A_287] {strides = array<i32>} : memref<128x128xf32, #tpu.memory_space<vmem>>, vector<1x16xf32>,
      %swap3A_289 = vector.shape_cast %swap3A_288 : vector<1x16xf32> to vector<16xf32>
      %swap3A_290 = vector.shape_cast %broadcast_in_dim3A_3 : vector<16xf32> to vector<1x16xf32>
      tpu.vector_store %arg9[%swap3A_286, %swap3A_287], %swap3A_290 {strides = array<i32>} : memref<128x128xf32, #tpu.memory_space<vmem>>, vector<1x16xf32>,
      %swap3A_291 = arith.index_cast %scan3A_255 : i32 to index
      %swap3A_292 = arith.constant 112 : index
      %swap3A_293 = tpu.vector_load %arg9[%swap3A_291, %swap3A_292] {strides = array<i32>} : memref<128x128xf32, #tpu.memory_space<vmem>>, vector<1x16xf32>,
      %swap3A_294 = vector.shape_cast %swap3A_293 : vector<1x16xf32> to vector<16xf32>
      %swap3A_295 = vector.shape_cast %broadcast_in_dim3A_3 : vector<16xf32> to vector<1x16xf32>
      tpu.vector_store %arg9[%swap3A_291, %swap3A_292], %swap3A_295 {strides = array<i32>} : memref<128x128xf32, #tpu.memory_space<vmem>>, vector<1x16xf32>,
    }
    %scan3A_8 = arith.constant 128 : i32
    %swap3A = arith.constant 0 : index
    %swap3A_9 = tpu.vector_load %arg12[%swap3A] {strides = array<i32>} : memref<640xf32, #tpu.memory_space<vmem>>, vector<16xf32>,
    %swap3A_10 = vector.shape_cast %swap3A_9 : vector<16xf32> to vector<16xf32>
    %swap3A_11 = vector.shape_cast %broadcast_in_dim3A_3 : vector<16xf32> to vector<16xf32>
    tpu.vector_store %arg12[%swap3A], %swap3A_11 {strides = array<i32>} : memref<640xf32, #tpu.memory_space<vmem>>, vector<16xf32>,
    %swap3A_12 = arith.constant 16 : index
    %swap3A_13 = tpu.vector_load %arg12[%swap3A_12] {strides = array<i32>} : memref<640xf32, #tpu.memory_space<vmem>>, vector<16xf32>,
    %swap3A_14 = vector.shape_cast %swap3A_13 : vector<16xf32> to vector<16xf32>
    %swap3A_15 = vector.shape_cast %broadcast_in_dim3A_3 : vector<16xf32> to vector<16xf32>
    tpu.vector_store %arg12[%swap3A_12], %swap3A_15 {strides = array<i32>} : memref<640xf32, #tpu.memory_space<vmem>>, vector<16xf32>,
    %swap3A_16 = arith.constant 32 : index
    %swap3A_17 = tpu.vector_load %arg12[%swap3A_16] {strides = array<i32>} : memref<640xf32, #tpu.memory_space<vmem>>, vector<16xf32>,
    %swap3A_18 = vector.shape_cast %swap3A_17 : vector<16xf32> to vector<16xf32>
    %swap3A_19 = vector.shape_cast %broadcast_in_dim3A_3 : vector<16xf32> to vector<16xf32>
    tpu.vector_store %arg12[%swap3A_16], %swap3A_19 {strides = array<i32>} : memref<640xf32, #tpu.memory_space<vmem>>, vector<16xf32>,
    %swap3A_20 = arith.constant 48 : index
    %swap3A_21 = tpu.vector_load %arg12[%swap3A_20] {strides = array<i32>} : memref<640xf32, #tpu.memory_space<vmem>>, vector<16xf32>,
    %swap3A_22 = vector.shape_cast %swap3A_21 : vector<16xf32> to vector<16xf32>
    %swap3A_23 = vector.shape_cast %broadcast_in_dim3A_3 : vector<16xf32> to vector<16xf32>
    tpu.vector_store %arg12[%swap3A_20], %swap3A_23 {strides = array<i32>} : memref<640xf32, #tpu.memory_space<vmem>>, vector<16xf32>,
    %swap3A_24 = arith.constant 64 : index
    %swap3A_25 = tpu.vector_load %arg12[%swap3A_24] {strides = array<i32>} : memref<640xf32, #tpu.memory_space<vmem>>, vector<16xf32>,
    %swap3A_26 = vector.shape_cast %swap3A_25 : vector<16xf32> to vector<16xf32>
    %swap3A_27 = vector.shape_cast %broadcast_in_dim3A_3 : vector<16xf32> to vector<16xf32>
    tpu.vector_store %arg12[%swap3A_24], %swap3A_27 {strides = array<i32>} : memref<640xf32, #tpu.memory_space<vmem>>, vector<16xf32>,
    %swap3A_28 = arith.constant 80 : index
    %swap3A_29 = tpu.vector_load %arg12[%swap3A_28] {strides = array<i32>} : memref<640xf32, #tpu.memory_space<vmem>>, vector<16xf32>,
    %swap3A_30 = vector.shape_cast %swap3A_29 : vector<16xf32> to vector<16xf32>
    %swap3A_31 = vector.shape_cast %broadcast_in_dim3A_3 : vector<16xf32> to vector<16xf32>
    tpu.vector_store %arg12[%swap3A_28], %swap3A_31 {strides = array<i32>} : memref<640xf32, #tpu.memory_space<vmem>>, vector<16xf32>,
    %swap3A_32 = arith.constant 96 : index
    %swap3A_33 = tpu.vector_load %arg12[%swap3A_32] {strides = array<i32>} : memref<640xf32, #tpu.memory_space<vmem>>, vector<16xf32>,
    %swap3A_34 = vector.shape_cast %swap3A_33 : vector<16xf32> to vector<16xf32>
    %swap3A_35 = vector.shape_cast %broadcast_in_dim3A_3 : vector<16xf32> to vector<16xf32>
    tpu.vector_store %arg12[%swap3A_32], %swap3A_35 {strides = array<i32>} : memref<640xf32, #tpu.memory_space<vmem>>, vector<16xf32>,
    %swap3A_36 = arith.constant 112 : index
    %swap3A_37 = tpu.vector_load %arg12[%swap3A_36] {strides = array<i32>} : memref<640xf32, #tpu.memory_space<vmem>>, vector<16xf32>,
    %swap3A_38 = vector.shape_cast %swap3A_37 : vector<16xf32> to vector<16xf32>
    %swap3A_39 = vector.shape_cast %broadcast_in_dim3A_3 : vector<16xf32> to vector<16xf32>
    tpu.vector_store %arg12[%swap3A_36], %swap3A_39 {strides = array<i32>} : memref<640xf32, #tpu.memory_space<vmem>>, vector<16xf32>,
    %swap3A_40 = arith.constant 128 : index
    %swap3A_41 = tpu.vector_load %arg12[%swap3A_40] {strides = array<i32>} : memref<640xf32, #tpu.memory_space<vmem>>, vector<16xf32>,
    %swap3A_42 = vector.shape_cast %swap3A_41 : vector<16xf32> to vector<16xf32>
    %swap3A_43 = vector.shape_cast %broadcast_in_dim3A_3 : vector<16xf32> to vector<16xf32>
    tpu.vector_store %arg12[%swap3A_40], %swap3A_43 {strides = array<i32>} : memref<640xf32, #tpu.memory_space<vmem>>, vector<16xf32>,
    %swap3A_44 = arith.constant 144 : index
    %swap3A_45 = tpu.vector_load %arg12[%swap3A_44] {strides = array<i32>} : memref<640xf32, #tpu.memory_space<vmem>>, vector<16xf32>,
    %swap3A_46 = vector.shape_cast %swap3A_45 : vector<16xf32> to vector<16xf32>
    %swap3A_47 = vector.shape_cast %broadcast_in_dim3A_3 : vector<16xf32> to vector<16xf32>
    tpu.vector_store %arg12[%swap3A_44], %swap3A_47 {strides = array<i32>} : memref<640xf32, #tpu.memory_space<vmem>>, vector<16xf32>,
    %swap3A_48 = arith.constant 160 : index
    %swap3A_49 = tpu.vector_load %arg12[%swap3A_48] {strides = array<i32>} : memref<640xf32, #tpu.memory_space<vmem>>, vector<16xf32>,
    %swap3A_50 = vector.shape_cast %swap3A_49 : vector<16xf32> to vector<16xf32>
    %swap3A_51 = vector.shape_cast %broadcast_in_dim3A_3 : vector<16xf32> to vector<16xf32>
    tpu.vector_store %arg12[%swap3A_48], %swap3A_51 {strides = array<i32>} : memref<640xf32, #tpu.memory_space<vmem>>, vector<16xf32>,
    %swap3A_52 = arith.constant 176 : index
    %swap3A_53 = tpu.vector_load %arg12[%swap3A_52] {strides = array<i32>} : memref<640xf32, #tpu.memory_space<vmem>>, vector<16xf32>,
    %swap3A_54 = vector.shape_cast %swap3A_53 : vector<16xf32> to vector<16xf32>
    %swap3A_55 = vector.shape_cast %broadcast_in_dim3A_3 : vector<16xf32> to vector<16xf32>
    tpu.vector_store %arg12[%swap3A_52], %swap3A_55 {strides = array<i32>} : memref<640xf32, #tpu.memory_space<vmem>>, vector<16xf32>,
    %swap3A_56 = arith.constant 192 : index
    %swap3A_57 = tpu.vector_load %arg12[%swap3A_56] {strides = array<i32>} : memref<640xf32, #tpu.memory_space<vmem>>, vector<16xf32>,
    %swap3A_58 = vector.shape_cast %swap3A_57 : vector<16xf32> to vector<16xf32>
    %swap3A_59 = vector.shape_cast %broadcast_in_dim3A_3 : vector<16xf32> to vector<16xf32>
    tpu.vector_store %arg12[%swap3A_56], %swap3A_59 {strides = array<i32>} : memref<640xf32, #tpu.memory_space<vmem>>, vector<16xf32>,
    %swap3A_60 = arith.constant 208 : index
    %swap3A_61 = tpu.vector_load %arg12[%swap3A_60] {strides = array<i32>} : memref<640xf32, #tpu.memory_space<vmem>>, vector<16xf32>,
    %swap3A_62 = vector.shape_cast %swap3A_61 : vector<16xf32> to vector<16xf32>
    %swap3A_63 = vector.shape_cast %broadcast_in_dim3A_3 : vector<16xf32> to vector<16xf32>
    tpu.vector_store %arg12[%swap3A_60], %swap3A_63 {strides = array<i32>} : memref<640xf32, #tpu.memory_space<vmem>>, vector<16xf32>,
    %swap3A_64 = arith.constant 224 : index
    %swap3A_65 = tpu.vector_load %arg12[%swap3A_64] {strides = array<i32>} : memref<640xf32, #tpu.memory_space<vmem>>, vector<16xf32>,
    %swap3A_66 = vector.shape_cast %swap3A_65 : vector<16xf32> to vector<16xf32>
    %swap3A_67 = vector.shape_cast %broadcast_in_dim3A_3 : vector<16xf32> to vector<16xf32>
    tpu.vector_store %arg12[%swap3A_64], %swap3A_67 {strides = array<i32>} : memref<640xf32, #tpu.memory_space<vmem>>, vector<16xf32>,
    %swap3A_68 = arith.constant 240 : index
    %swap3A_69 = tpu.vector_load %arg12[%swap3A_68] {strides = array<i32>} : memref<640xf32, #tpu.memory_space<vmem>>, vector<16xf32>,
    %swap3A_70 = vector.shape_cast %swap3A_69 : vector<16xf32> to vector<16xf32>
    %swap3A_71 = vector.shape_cast %broadcast_in_dim3A_3 : vector<16xf32> to vector<16xf32>
    tpu.vector_store %arg12[%swap3A_68], %swap3A_71 {strides = array<i32>} : memref<640xf32, #tpu.memory_space<vmem>>, vector<16xf32>,
    %swap3A_72 = arith.constant 256 : index
    %swap3A_73 = tpu.vector_load %arg12[%swap3A_72] {strides = array<i32>} : memref<640xf32, #tpu.memory_space<vmem>>, vector<16xf32>,
    %swap3A_74 = vector.shape_cast %swap3A_73 : vector<16xf32> to vector<16xf32>
    %swap3A_75 = vector.shape_cast %broadcast_in_dim3A_3 : vector<16xf32> to vector<16xf32>
    tpu.vector_store %arg12[%swap3A_72], %swap3A_75 {strides = array<i32>} : memref<640xf32, #tpu.memory_space<vmem>>, vector<16xf32>,
    %swap3A_76 = arith.constant 272 : index
    %swap3A_77 = tpu.vector_load %arg12[%swap3A_76] {strides = array<i32>} : memref<640xf32, #tpu.memory_space<vmem>>, vector<16xf32>,
    %swap3A_78 = vector.shape_cast %swap3A_77 : vector<16xf32> to vector<16xf32>
    %swap3A_79 = vector.shape_cast %broadcast_in_dim3A_3 : vector<16xf32> to vector<16xf32>
    tpu.vector_store %arg12[%swap3A_76], %swap3A_79 {strides = array<i32>} : memref<640xf32, #tpu.memory_space<vmem>>, vector<16xf32>,
    %swap3A_80 = arith.constant 288 : index
    %swap3A_81 = tpu.vector_load %arg12[%swap3A_80] {strides = array<i32>} : memref<640xf32, #tpu.memory_space<vmem>>, vector<16xf32>,
    %swap3A_82 = vector.shape_cast %swap3A_81 : vector<16xf32> to vector<16xf32>
    %swap3A_83 = vector.shape_cast %broadcast_in_dim3A_3 : vector<16xf32> to vector<16xf32>
    tpu.vector_store %arg12[%swap3A_80], %swap3A_83 {strides = array<i32>} : memref<640xf32, #tpu.memory_space<vmem>>, vector<16xf32>,
    %swap3A_84 = arith.constant 304 : index
    %swap3A_85 = tpu.vector_load %arg12[%swap3A_84] {strides = array<i32>} : memref<640xf32, #tpu.memory_space<vmem>>, vector<16xf32>,
    %swap3A_86 = vector.shape_cast %swap3A_85 : vector<16xf32> to vector<16xf32>
    %swap3A_87 = vector.shape_cast %broadcast_in_dim3A_3 : vector<16xf32> to vector<16xf32>
    tpu.vector_store %arg12[%swap3A_84], %swap3A_87 {strides = array<i32>} : memref<640xf32, #tpu.memory_space<vmem>>, vector<16xf32>,
    %swap3A_88 = arith.constant 320 : index
    %swap3A_89 = tpu.vector_load %arg12[%swap3A_88] {strides = array<i32>} : memref<640xf32, #tpu.memory_space<vmem>>, vector<16xf32>,
    %swap3A_90 = vector.shape_cast %swap3A_89 : vector<16xf32> to vector<16xf32>
    %swap3A_91 = vector.shape_cast %broadcast_in_dim3A_3 : vector<16xf32> to vector<16xf32>
    tpu.vector_store %arg12[%swap3A_88], %swap3A_91 {strides = array<i32>} : memref<640xf32, #tpu.memory_space<vmem>>, vector<16xf32>,
    %swap3A_92 = arith.constant 336 : index
    %swap3A_93 = tpu.vector_load %arg12[%swap3A_92] {strides = array<i32>} : memref<640xf32, #tpu.memory_space<vmem>>, vector<16xf32>,
    %swap3A_94 = vector.shape_cast %swap3A_93 : vector<16xf32> to vector<16xf32>
    %swap3A_95 = vector.shape_cast %broadcast_in_dim3A_3 : vector<16xf32> to vector<16xf32>
    tpu.vector_store %arg12[%swap3A_92], %swap3A_95 {strides = array<i32>} : memref<640xf32, #tpu.memory_space<vmem>>, vector<16xf32>,
    %swap3A_96 = arith.constant 352 : index
    %swap3A_97 = tpu.vector_load %arg12[%swap3A_96] {strides = array<i32>} : memref<640xf32, #tpu.memory_space<vmem>>, vector<16xf32>,
    %swap3A_98 = vector.shape_cast %swap3A_97 : vector<16xf32> to vector<16xf32>
    %swap3A_99 = vector.shape_cast %broadcast_in_dim3A_3 : vector<16xf32> to vector<16xf32>
    tpu.vector_store %arg12[%swap3A_96], %swap3A_99 {strides = array<i32>} : memref<640xf32, #tpu.memory_space<vmem>>, vector<16xf32>,
    %swap3A_100 = arith.constant 368 : index
    %swap3A_101 = tpu.vector_load %arg12[%swap3A_100] {strides = array<i32>} : memref<640xf32, #tpu.memory_space<vmem>>, vector<16xf32>,
    %swap3A_102 = vector.shape_cast %swap3A_101 : vector<16xf32> to vector<16xf32>
    %swap3A_103 = vector.shape_cast %broadcast_in_dim3A_3 : vector<16xf32> to vector<16xf32>
    tpu.vector_store %arg12[%swap3A_100], %swap3A_103 {strides = array<i32>} : memref<640xf32, #tpu.memory_space<vmem>>, vector<16xf32>,
    %swap3A_104 = arith.constant 384 : index
    %swap3A_105 = tpu.vector_load %arg12[%swap3A_104] {strides = array<i32>} : memref<640xf32, #tpu.memory_space<vmem>>, vector<16xf32>,
    %swap3A_106 = vector.shape_cast %swap3A_105 : vector<16xf32> to vector<16xf32>
    %swap3A_107 = vector.shape_cast %broadcast_in_dim3A_3 : vector<16xf32> to vector<16xf32>
    tpu.vector_store %arg12[%swap3A_104], %swap3A_107 {strides = array<i32>} : memref<640xf32, #tpu.memory_space<vmem>>, vector<16xf32>,
    %swap3A_108 = arith.constant 400 : index
    %swap3A_109 = tpu.vector_load %arg12[%swap3A_108] {strides = array<i32>} : memref<640xf32, #tpu.memory_space<vmem>>, vector<16xf32>,
    %swap3A_110 = vector.shape_cast %swap3A_109 : vector<16xf32> to vector<16xf32>
    %swap3A_111 = vector.shape_cast %broadcast_in_dim3A_3 : vector<16xf32> to vector<16xf32>
    tpu.vector_store %arg12[%swap3A_108], %swap3A_111 {strides = array<i32>} : memref<640xf32, #tpu.memory_space<vmem>>, vector<16xf32>,
    %swap3A_112 = arith.constant 416 : index
    %swap3A_113 = tpu.vector_load %arg12[%swap3A_112] {strides = array<i32>} : memref<640xf32, #tpu.memory_space<vmem>>, vector<16xf32>,
    %swap3A_114 = vector.shape_cast %swap3A_113 : vector<16xf32> to vector<16xf32>
    %swap3A_115 = vector.shape_cast %broadcast_in_dim3A_3 : vector<16xf32> to vector<16xf32>
    tpu.vector_store %arg12[%swap3A_112], %swap3A_115 {strides = array<i32>} : memref<640xf32, #tpu.memory_space<vmem>>, vector<16xf32>,
    %swap3A_116 = arith.constant 432 : index
    %swap3A_117 = tpu.vector_load %arg12[%swap3A_116] {strides = array<i32>} : memref<640xf32, #tpu.memory_space<vmem>>, vector<16xf32>,
    %swap3A_118 = vector.shape_cast %swap3A_117 : vector<16xf32> to vector<16xf32>
    %swap3A_119 = vector.shape_cast %broadcast_in_dim3A_3 : vector<16xf32> to vector<16xf32>
    tpu.vector_store %arg12[%swap3A_116], %swap3A_119 {strides = array<i32>} : memref<640xf32, #tpu.memory_space<vmem>>, vector<16xf32>,
    %swap3A_120 = arith.constant 448 : index
    %swap3A_121 = tpu.vector_load %arg12[%swap3A_120] {strides = array<i32>} : memref<640xf32, #tpu.memory_space<vmem>>, vector<16xf32>,
    %swap3A_122 = vector.shape_cast %swap3A_121 : vector<16xf32> to vector<16xf32>
    %swap3A_123 = vector.shape_cast %broadcast_in_dim3A_3 : vector<16xf32> to vector<16xf32>
    tpu.vector_store %arg12[%swap3A_120], %swap3A_123 {strides = array<i32>} : memref<640xf32, #tpu.memory_space<vmem>>, vector<16xf32>,
    %swap3A_124 = arith.constant 464 : index
    %swap3A_125 = tpu.vector_load %arg12[%swap3A_124] {strides = array<i32>} : memref<640xf32, #tpu.memory_space<vmem>>, vector<16xf32>,
    %swap3A_126 = vector.shape_cast %swap3A_125 : vector<16xf32> to vector<16xf32>
    %swap3A_127 = vector.shape_cast %broadcast_in_dim3A_3 : vector<16xf32> to vector<16xf32>
    tpu.vector_store %arg12[%swap3A_124], %swap3A_127 {strides = array<i32>} : memref<640xf32, #tpu.memory_space<vmem>>, vector<16xf32>,
    %swap3A_128 = arith.constant 480 : index
    %swap3A_129 = tpu.vector_load %arg12[%swap3A_128] {strides = array<i32>} : memref<640xf32, #tpu.memory_space<vmem>>, vector<16xf32>,
    %swap3A_130 = vector.shape_cast %swap3A_129 : vector<16xf32> to vector<16xf32>
    %swap3A_131 = vector.shape_cast %broadcast_in_dim3A_3 : vector<16xf32> to vector<16xf32>
    tpu.vector_store %arg12[%swap3A_128], %swap3A_131 {strides = array<i32>} : memref<640xf32, #tpu.memory_space<vmem>>, vector<16xf32>,
    %swap3A_132 = arith.constant 496 : index
    %swap3A_133 = tpu.vector_load %arg12[%swap3A_132] {strides = array<i32>} : memref<640xf32, #tpu.memory_space<vmem>>, vector<16xf32>,
    %swap3A_134 = vector.shape_cast %swap3A_133 : vector<16xf32> to vector<16xf32>
    %swap3A_135 = vector.shape_cast %broadcast_in_dim3A_3 : vector<16xf32> to vector<16xf32>
    tpu.vector_store %arg12[%swap3A_132], %swap3A_135 {strides = array<i32>} : memref<640xf32, #tpu.memory_space<vmem>>, vector<16xf32>,
    %swap3A_136 = arith.constant 512 : index
    %swap3A_137 = tpu.vector_load %arg12[%swap3A_136] {strides = array<i32>} : memref<640xf32, #tpu.memory_space<vmem>>, vector<16xf32>,
    %swap3A_138 = vector.shape_cast %swap3A_137 : vector<16xf32> to vector<16xf32>
    %swap3A_139 = vector.shape_cast %broadcast_in_dim3A_3 : vector<16xf32> to vector<16xf32>
    tpu.vector_store %arg12[%swap3A_136], %swap3A_139 {strides = array<i32>} : memref<640xf32, #tpu.memory_space<vmem>>, vector<16xf32>,
    %swap3A_140 = arith.constant 528 : index
    %swap3A_141 = tpu.vector_load %arg12[%swap3A_140] {strides = array<i32>} : memref<640xf32, #tpu.memory_space<vmem>>, vector<16xf32>,
    %swap3A_142 = vector.shape_cast %swap3A_141 : vector<16xf32> to vector<16xf32>
    %swap3A_143 = vector.shape_cast %broadcast_in_dim3A_3 : vector<16xf32> to vector<16xf32>
    tpu.vector_store %arg12[%swap3A_140], %swap3A_143 {strides = array<i32>} : memref<640xf32, #tpu.memory_space<vmem>>, vector<16xf32>,
    %swap3A_144 = arith.constant 544 : index
    %swap3A_145 = tpu.vector_load %arg12[%swap3A_144] {strides = array<i32>} : memref<640xf32, #tpu.memory_space<vmem>>, vector<16xf32>,
    %swap3A_146 = vector.shape_cast %swap3A_145 : vector<16xf32> to vector<16xf32>
    %swap3A_147 = vector.shape_cast %broadcast_in_dim3A_3 : vector<16xf32> to vector<16xf32>
    tpu.vector_store %arg12[%swap3A_144], %swap3A_147 {strides = array<i32>} : memref<640xf32, #tpu.memory_space<vmem>>, vector<16xf32>,
    %swap3A_148 = arith.constant 560 : index
    %swap3A_149 = tpu.vector_load %arg12[%swap3A_148] {strides = array<i32>} : memref<640xf32, #tpu.memory_space<vmem>>, vector<16xf32>,
    %swap3A_150 = vector.shape_cast %swap3A_149 : vector<16xf32> to vector<16xf32>
    %swap3A_151 = vector.shape_cast %broadcast_in_dim3A_3 : vector<16xf32> to vector<16xf32>
    tpu.vector_store %arg12[%swap3A_148], %swap3A_151 {strides = array<i32>} : memref<640xf32, #tpu.memory_space<vmem>>, vector<16xf32>,
    %swap3A_152 = arith.constant 576 : index
    %swap3A_153 = tpu.vector_load %arg12[%swap3A_152] {strides = array<i32>} : memref<640xf32, #tpu.memory_space<vmem>>, vector<16xf32>,
    %swap3A_154 = vector.shape_cast %swap3A_153 : vector<16xf32> to vector<16xf32>
    %swap3A_155 = vector.shape_cast %broadcast_in_dim3A_3 : vector<16xf32> to vector<16xf32>
    tpu.vector_store %arg12[%swap3A_152], %swap3A_155 {strides = array<i32>} : memref<640xf32, #tpu.memory_space<vmem>>, vector<16xf32>,
    %swap3A_156 = arith.constant 592 : index
    %swap3A_157 = tpu.vector_load %arg12[%swap3A_156] {strides = array<i32>} : memref<640xf32, #tpu.memory_space<vmem>>, vector<16xf32>,
    %swap3A_158 = vector.shape_cast %swap3A_157 : vector<16xf32> to vector<16xf32>
    %swap3A_159 = vector.shape_cast %broadcast_in_dim3A_3 : vector<16xf32> to vector<16xf32>
    tpu.vector_store %arg12[%swap3A_156], %swap3A_159 {strides = array<i32>} : memref<640xf32, #tpu.memory_space<vmem>>, vector<16xf32>,
    %swap3A_160 = arith.constant 608 : index
    %swap3A_161 = tpu.vector_load %arg12[%swap3A_160] {strides = array<i32>} : memref<640xf32, #tpu.memory_space<vmem>>, vector<16xf32>,
    %swap3A_162 = vector.shape_cast %swap3A_161 : vector<16xf32> to vector<16xf32>
    %swap3A_163 = vector.shape_cast %broadcast_in_dim3A_3 : vector<16xf32> to vector<16xf32>
    tpu.vector_store %arg12[%swap3A_160], %swap3A_163 {strides = array<i32>} : memref<640xf32, #tpu.memory_space<vmem>>, vector<16xf32>,
    %swap3A_164 = arith.constant 624 : index
    %swap3A_165 = tpu.vector_load %arg12[%swap3A_164] {strides = array<i32>} : memref<640xf32, #tpu.memory_space<vmem>>, vector<16xf32>,
    %swap3A_166 = vector.shape_cast %swap3A_165 : vector<16xf32> to vector<16xf32>
    %swap3A_167 = vector.shape_cast %broadcast_in_dim3A_3 : vector<16xf32> to vector<16xf32>
    tpu.vector_store %arg12[%swap3A_164], %swap3A_167 {strides = array<i32>} : memref<640xf32, #tpu.memory_space<vmem>>, vector<16xf32>,
    %add3A_168 = arith.constant 0 : i32
    %add3A_169 = arith.addi %multiple_of3A, %add3A_168 : i32
    "tpu.region"() ({
      %run_scoped3A_255 = tpu.sem_alloc : memref<!tpu.dma_semaphore, #tpu.memory_space<semaphore_mem>>
      %dma_start3A_256 = arith.constant 0 : i32
      %dma_start3A_257 = tpu.memref_slice %arg13[%add3A_169, %dma_start3A_256] : memref<10240x128xf32, #tpu.memory_space<vmem_shared>> -> memref<128x128xf32, #tpu.memory_space<vmem_shared>>
      %dma_start3A_258 = arith.constant 0 : i32
      %dma_start3A_259 = tpu.memref_slice %arg13[%add3A_169, %dma_start3A_258] : memref<10240x128xf32, #tpu.memory_space<vmem_shared>> -> memref<128x128xf32, #tpu.memory_space<vmem_shared>>
      tpu.enqueue_dma source(%arg9 : memref<128x128xf32, #tpu.memory_space<vmem>>) target(%dma_start3A_259 : memref<128x128xf32, #tpu.memory_space<vmem_shared>>) target_semaphore(%run_scoped3A_255 : memref<!tpu.dma_semaphore, #tpu.memory_space<semaphore_mem>>)
      %dma_wait3A_260 = arith.constant 0 : i32
      %dma_wait3A_261 = tpu.memref_slice %arg13[%add3A_169, %dma_wait3A_260] : memref<10240x128xf32, #tpu.memory_space<vmem_shared>> -> memref<128x128xf32, #tpu.memory_space<vmem_shared>>
      %dma_wait3A_262 = arith.constant 0 : i32
      %dma_wait3A_263 = tpu.memref_slice %arg13[%add3A_169, %dma_wait3A_262] : memref<10240x128xf32, #tpu.memory_space<vmem_shared>> -> memref<128x128xf32, #tpu.memory_space<vmem_shared>>
      tpu.wait_dma2 semaphore(%run_scoped3A_255 : memref<!tpu.dma_semaphore, #tpu.memory_space<semaphore_mem>>) src(%arg9 : memref<128x128xf32, #tpu.memory_space<vmem>>) dst(%dma_wait3A_263 : memref<128x128xf32, #tpu.memory_space<vmem_shared>>)
      tpu.yield
    }) : () -> ()
    %add3A_170 = arith.constant 128 : i32
    %add3A_171 = arith.addi %multiple_of3A, %add3A_170 : i32
    "tpu.region"() ({
      %run_scoped3A_255 = tpu.sem_alloc : memref<!tpu.dma_semaphore, #tpu.memory_space<semaphore_mem>>
      %dma_start3A_256 = arith.constant 0 : i32
      %dma_start3A_257 = tpu.memref_slice %arg13[%add3A_171, %dma_start3A_256] : memref<10240x128xf32, #tpu.memory_space<vmem_shared>> -> memref<128x128xf32, #tpu.memory_space<vmem_shared>>
      %dma_start3A_258 = arith.constant 0 : i32
      %dma_start3A_259 = tpu.memref_slice %arg13[%add3A_171, %dma_start3A_258] : memref<10240x128xf32, #tpu.memory_space<vmem_shared>> -> memref<128x128xf32, #tpu.memory_space<vmem_shared>>
      tpu.enqueue_dma source(%arg9 : memref<128x128xf32, #tpu.memory_space<vmem>>) target(%dma_start3A_259 : memref<128x128xf32, #tpu.memory_space<vmem_shared>>) target_semaphore(%run_scoped3A_255 : memref<!tpu.dma_semaphore, #tpu.memory_space<semaphore_mem>>)
      %dma_wait3A_260 = arith.constant 0 : i32
      %dma_wait3A_261 = tpu.memref_slice %arg13[%add3A_171, %dma_wait3A_260] : memref<10240x128xf32, #tpu.memory_space<vmem_shared>> -> memref<128x128xf32, #tpu.memory_space<vmem_shared>>
      %dma_wait3A_262 = arith.constant 0 : i32
      %dma_wait3A_263 = tpu.memref_slice %arg13[%add3A_171, %dma_wait3A_262] : memref<10240x128xf32, #tpu.memory_space<vmem_shared>> -> memref<128x128xf32, #tpu.memory_space<vmem_shared>>
      tpu.wait_dma2 semaphore(%run_scoped3A_255 : memref<!tpu.dma_semaphore, #tpu.memory_space<semaphore_mem>>) src(%arg9 : memref<128x128xf32, #tpu.memory_space<vmem>>) dst(%dma_wait3A_263 : memref<128x128xf32, #tpu.memory_space<vmem_shared>>)
      tpu.yield
    }) : () -> ()
    %add3A_172 = arith.constant 256 : i32
    %add3A_173 = arith.addi %multiple_of3A, %add3A_172 : i32
    "tpu.region"() ({
      %run_scoped3A_255 = tpu.sem_alloc : memref<!tpu.dma_semaphore, #tpu.memory_space<semaphore_mem>>
      %dma_start3A_256 = arith.constant 0 : i32
      %dma_start3A_257 = tpu.memref_slice %arg13[%add3A_173, %dma_start3A_256] : memref<10240x128xf32, #tpu.memory_space<vmem_shared>> -> memref<128x128xf32, #tpu.memory_space<vmem_shared>>
      %dma_start3A_258 = arith.constant 0 : i32
      %dma_start3A_259 = tpu.memref_slice %arg13[%add3A_173, %dma_start3A_258] : memref<10240x128xf32, #tpu.memory_space<vmem_shared>> -> memref<128x128xf32, #tpu.memory_space<vmem_shared>>
      tpu.enqueue_dma source(%arg9 : memref<128x128xf32, #tpu.memory_space<vmem>>) target(%dma_start3A_259 : memref<128x128xf32, #tpu.memory_space<vmem_shared>>) target_semaphore(%run_scoped3A_255 : memref<!tpu.dma_semaphore, #tpu.memory_space<semaphore_mem>>)
      %dma_wait3A_260 = arith.constant 0 : i32
      %dma_wait3A_261 = tpu.memref_slice %arg13[%add3A_173, %dma_wait3A_260] : memref<10240x128xf32, #tpu.memory_space<vmem_shared>> -> memref<128x128xf32, #tpu.memory_space<vmem_shared>>
      %dma_wait3A_262 = arith.constant 0 : i32
      %dma_wait3A_263 = tpu.memref_slice %arg13[%add3A_173, %dma_wait3A_262] : memref<10240x128xf32, #tpu.memory_space<vmem_shared>> -> memref<128x128xf32, #tpu.memory_space<vmem_shared>>
      tpu.wait_dma2 semaphore(%run_scoped3A_255 : memref<!tpu.dma_semaphore, #tpu.memory_space<semaphore_mem>>) src(%arg9 : memref<128x128xf32, #tpu.memory_space<vmem>>) dst(%dma_wait3A_263 : memref<128x128xf32, #tpu.memory_space<vmem_shared>>)
      tpu.yield
    }) : () -> ()
    %add3A_174 = arith.constant 384 : i32
    %add3A_175 = arith.addi %multiple_of3A, %add3A_174 : i32
    "tpu.region"() ({
      %run_scoped3A_255 = tpu.sem_alloc : memref<!tpu.dma_semaphore, #tpu.memory_space<semaphore_mem>>
      %dma_start3A_256 = arith.constant 0 : i32
      %dma_start3A_257 = tpu.memref_slice %arg13[%add3A_175, %dma_start3A_256] : memref<10240x128xf32, #tpu.memory_space<vmem_shared>> -> memref<128x128xf32, #tpu.memory_space<vmem_shared>>
      %dma_start3A_258 = arith.constant 0 : i32
      %dma_start3A_259 = tpu.memref_slice %arg13[%add3A_175, %dma_start3A_258] : memref<10240x128xf32, #tpu.memory_space<vmem_shared>> -> memref<128x128xf32, #tpu.memory_space<vmem_shared>>
      tpu.enqueue_dma source(%arg9 : memref<128x128xf32, #tpu.memory_space<vmem>>) target(%dma_start3A_259 : memref<128x128xf32, #tpu.memory_space<vmem_shared>>) target_semaphore(%run_scoped3A_255 : memref<!tpu.dma_semaphore, #tpu.memory_space<semaphore_mem>>)
      %dma_wait3A_260 = arith.constant 0 : i32
      %dma_wait3A_261 = tpu.memref_slice %arg13[%add3A_175, %dma_wait3A_260] : memref<10240x128xf32, #tpu.memory_space<vmem_shared>> -> memref<128x128xf32, #tpu.memory_space<vmem_shared>>
      %dma_wait3A_262 = arith.constant 0 : i32
      %dma_wait3A_263 = tpu.memref_slice %arg13[%add3A_175, %dma_wait3A_262] : memref<10240x128xf32, #tpu.memory_space<vmem_shared>> -> memref<128x128xf32, #tpu.memory_space<vmem_shared>>
      tpu.wait_dma2 semaphore(%run_scoped3A_255 : memref<!tpu.dma_semaphore, #tpu.memory_space<semaphore_mem>>) src(%arg9 : memref<128x128xf32, #tpu.memory_space<vmem>>) dst(%dma_wait3A_263 : memref<128x128xf32, #tpu.memory_space<vmem_shared>>)
      tpu.yield
    }) : () -> ()
    %add3A_176 = arith.constant 512 : i32
    %add3A_177 = arith.addi %multiple_of3A, %add3A_176 : i32
    "tpu.region"() ({
      %run_scoped3A_255 = tpu.sem_alloc : memref<!tpu.dma_semaphore, #tpu.memory_space<semaphore_mem>>
      %dma_start3A_256 = arith.constant 0 : i32
      %dma_start3A_257 = tpu.memref_slice %arg13[%add3A_177, %dma_start3A_256] : memref<10240x128xf32, #tpu.memory_space<vmem_shared>> -> memref<128x128xf32, #tpu.memory_space<vmem_shared>>
      %dma_start3A_258 = arith.constant 0 : i32
      %dma_start3A_259 = tpu.memref_slice %arg13[%add3A_177, %dma_start3A_258] : memref<10240x128xf32, #tpu.memory_space<vmem_shared>> -> memref<128x128xf32, #tpu.memory_space<vmem_shared>>
      tpu.enqueue_dma source(%arg9 : memref<128x128xf32, #tpu.memory_space<vmem>>) target(%dma_start3A_259 : memref<128x128xf32, #tpu.memory_space<vmem_shared>>) target_semaphore(%run_scoped3A_255 : memref<!tpu.dma_semaphore, #tpu.memory_space<semaphore_mem>>)
      %dma_wait3A_260 = arith.constant 0 : i32
      %dma_wait3A_261 = tpu.memref_slice %arg13[%add3A_177, %dma_wait3A_260] : memref<10240x128xf32, #tpu.memory_space<vmem_shared>> -> memref<128x128xf32, #tpu.memory_space<vmem_shared>>
      %dma_wait3A_262 = arith.constant 0 : i32
      %dma_wait3A_263 = tpu.memref_slice %arg13[%add3A_177, %dma_wait3A_262] : memref<10240x128xf32, #tpu.memory_space<vmem_shared>> -> memref<128x128xf32, #tpu.memory_space<vmem_shared>>
      tpu.wait_dma2 semaphore(%run_scoped3A_255 : memref<!tpu.dma_semaphore, #tpu.memory_space<semaphore_mem>>) src(%arg9 : memref<128x128xf32, #tpu.memory_space<vmem>>) dst(%dma_wait3A_263 : memref<128x128xf32, #tpu.memory_space<vmem_shared>>)
      tpu.yield
    }) : () -> ()
    "tpu.region"() ({
      %run_scoped3A_255 = tpu.sem_alloc : memref<!tpu.dma_semaphore, #tpu.memory_space<semaphore_mem>>
      %dma_start3A_256 = tpu.memref_slice %arg14[%multiple_of3A] : memref<10240xf32, #tpu.memory_space<vmem_shared>> -> memref<640xf32, #tpu.memory_space<vmem_shared>>
      %dma_start3A_257 = tpu.memref_slice %arg14[%multiple_of3A] : memref<10240xf32, #tpu.memory_space<vmem_shared>> -> memref<640xf32, #tpu.memory_space<vmem_shared>>
      tpu.enqueue_dma source(%arg12 : memref<640xf32, #tpu.memory_space<vmem>>) target(%dma_start3A_257 : memref<640xf32, #tpu.memory_space<vmem_shared>>) target_semaphore(%run_scoped3A_255 : memref<!tpu.dma_semaphore, #tpu.memory_space<semaphore_mem>>)
      %dma_wait3A_258 = tpu.memref_slice %arg14[%multiple_of3A] : memref<10240xf32, #tpu.memory_space<vmem_shared>> -> memref<640xf32, #tpu.memory_space<vmem_shared>>
      %dma_wait3A_259 = tpu.memref_slice %arg14[%multiple_of3A] : memref<10240xf32, #tpu.memory_space<vmem_shared>> -> memref<640xf32, #tpu.memory_space<vmem_shared>>
      tpu.wait_dma2 semaphore(%run_scoped3A_255 : memref<!tpu.dma_semaphore, #tpu.memory_space<semaphore_mem>>) src(%arg12 : memref<640xf32, #tpu.memory_space<vmem>>) dst(%dma_wait3A_259 : memref<640xf32, #tpu.memory_space<vmem_shared>>)
      tpu.yield
    }) : () -> ()
    %broadcast_in_dim3A_178 = arith.constant 1.000000e+00 : f32
    %broadcast_in_dim3A_179 = vector.broadcast %broadcast_in_dim3A_178 : f32 to vector<16xf32>
    %swap3A_180 = arith.constant 0 : index
    %swap3A_181 = tpu.vector_load %arg11[%swap3A_180] {strides = array<i32>} : memref<128xf32, #tpu.memory_space<vmem>>, vector<16xf32>,
    %swap3A_182 = vector.shape_cast %swap3A_181 : vector<16xf32> to vector<16xf32>
    %swap3A_183 = vector.shape_cast %broadcast_in_dim3A_179 : vector<16xf32> to vector<16xf32>
    tpu.vector_store %arg11[%swap3A_180], %swap3A_183 {strides = array<i32>} : memref<128xf32, #tpu.memory_space<vmem>>, vector<16xf32>,
    %swap3A_184 = arith.constant 16 : index
    %swap3A_185 = tpu.vector_load %arg11[%swap3A_184] {strides = array<i32>} : memref<128xf32, #tpu.memory_space<vmem>>, vector<16xf32>,
    %swap3A_186 = vector.shape_cast %swap3A_185 : vector<16xf32> to vector<16xf32>
    %swap3A_187 = vector.shape_cast %broadcast_in_dim3A_179 : vector<16xf32> to vector<16xf32>
    tpu.vector_store %arg11[%swap3A_184], %swap3A_187 {strides = array<i32>} : memref<128xf32, #tpu.memory_space<vmem>>, vector<16xf32>,
    %swap3A_188 = arith.constant 32 : index
    %swap3A_189 = tpu.vector_load %arg11[%swap3A_188] {strides = array<i32>} : memref<128xf32, #tpu.memory_space<vmem>>, vector<16xf32>,
    %swap3A_190 = vector.shape_cast %swap3A_189 : vector<16xf32> to vector<16xf32>
    %swap3A_191 = vector.shape_cast %broadcast_in_dim3A_179 : vector<16xf32> to vector<16xf32>
    tpu.vector_store %arg11[%swap3A_188], %swap3A_191 {strides = array<i32>} : memref<128xf32, #tpu.memory_space<vmem>>, vector<16xf32>,
    %swap3A_192 = arith.constant 48 : index
    %swap3A_193 = tpu.vector_load %arg11[%swap3A_192] {strides = array<i32>} : memref<128xf32, #tpu.memory_space<vmem>>, vector<16xf32>,
    %swap3A_194 = vector.shape_cast %swap3A_193 : vector<16xf32> to vector<16xf32>
    %swap3A_195 = vector.shape_cast %broadcast_in_dim3A_179 : vector<16xf32> to vector<16xf32>
    tpu.vector_store %arg11[%swap3A_192], %swap3A_195 {strides = array<i32>} : memref<128xf32, #tpu.memory_space<vmem>>, vector<16xf32>,
    %swap3A_196 = arith.constant 64 : index
    %swap3A_197 = tpu.vector_load %arg11[%swap3A_196] {strides = array<i32>} : memref<128xf32, #tpu.memory_space<vmem>>, vector<16xf32>,
    %swap3A_198 = vector.shape_cast %swap3A_197 : vector<16xf32> to vector<16xf32>
    %swap3A_199 = vector.shape_cast %broadcast_in_dim3A_179 : vector<16xf32> to vector<16xf32>
    tpu.vector_store %arg11[%swap3A_196], %swap3A_199 {strides = array<i32>} : memref<128xf32, #tpu.memory_space<vmem>>, vector<16xf32>,
    %swap3A_200 = arith.constant 80 : index
    %swap3A_201 = tpu.vector_load %arg11[%swap3A_200] {strides = array<i32>} : memref<128xf32, #tpu.memory_space<vmem>>, vector<16xf32>,
    %swap3A_202 = vector.shape_cast %swap3A_201 : vector<16xf32> to vector<16xf32>
    %swap3A_203 = vector.shape_cast %broadcast_in_dim3A_179 : vector<16xf32> to vector<16xf32>
    tpu.vector_store %arg11[%swap3A_200], %swap3A_203 {strides = array<i32>} : memref<128xf32, #tpu.memory_space<vmem>>, vector<16xf32>,
    %swap3A_204 = arith.constant 96 : index
    %swap3A_205 = tpu.vector_load %arg11[%swap3A_204] {strides = array<i32>} : memref<128xf32, #tpu.memory_space<vmem>>, vector<16xf32>,
    %swap3A_206 = vector.shape_cast %swap3A_205 : vector<16xf32> to vector<16xf32>
    %swap3A_207 = vector.shape_cast %broadcast_in_dim3A_179 : vector<16xf32> to vector<16xf32>
    tpu.vector_store %arg11[%swap3A_204], %swap3A_207 {strides = array<i32>} : memref<128xf32, #tpu.memory_space<vmem>>, vector<16xf32>,
    %swap3A_208 = arith.constant 112 : index
    %swap3A_209 = tpu.vector_load %arg11[%swap3A_208] {strides = array<i32>} : memref<128xf32, #tpu.memory_space<vmem>>, vector<16xf32>,
    %swap3A_210 = vector.shape_cast %swap3A_209 : vector<16xf32> to vector<16xf32>
    %swap3A_211 = vector.shape_cast %broadcast_in_dim3A_179 : vector<16xf32> to vector<16xf32>
    tpu.vector_store %arg11[%swap3A_208], %swap3A_211 {strides = array<i32>} : memref<128xf32, #tpu.memory_space<vmem>>, vector<16xf32>,
    %barrier3A = arith.constant 0 : index
    tpu.barrier barrier_id(%barrier3A)
    "tpu.region"() ({
      %run_scoped3A_255 = tpu.sem_alloc : memref<!tpu.dma_semaphore, #tpu.memory_space<semaphore_mem>>
      %dma_start3A_256 = arith.constant 0 : i32
      %dma_start3A_257 = arith.constant 0 : i32
      %dma_start3A_258 = arith.constant 0 : i32
      %dma_start3A_259 = tpu.memref_slice %arg3[%add3A, %dma_start3A_256, %dma_start3A_257, %dma_start3A_258] : memref<32x80x1x128xi32, #tpu.memory_space<hbm>> -> memref<1x40x1x128xi32, #tpu.memory_space<hbm>>
      %dma_start3A_260 = tpu.memref_squeeze %dma_start3A_259 : memref<1x40x1x128xi32, #tpu.memory_space<hbm>> -> memref<40x1x128xi32, #tpu.memory_space<hbm>>
      %dma_start3A_261 = arith.constant 0 : i32
      %dma_start3A_262 = arith.constant 0 : i32
      %dma_start3A_263 = arith.constant 0 : i32
      %dma_start3A_264 = tpu.memref_slice %arg3[%add3A, %dma_start3A_261, %dma_start3A_262, %dma_start3A_263] : memref<32x80x1x128xi32, #tpu.memory_space<hbm>> -> memref<1x40x1x128xi32, #tpu.memory_space<hbm>>
      %dma_start3A_265 = tpu.memref_squeeze %dma_start3A_264 : memref<1x40x1x128xi32, #tpu.memory_space<hbm>> -> memref<40x1x128xi32, #tpu.memory_space<hbm>>
      tpu.enqueue_dma source(%dma_start3A_265 : memref<40x1x128xi32, #tpu.memory_space<hbm>>) target(%arg7 : memref<40x1x128xi32, #tpu.memory_space<vmem>>) target_semaphore(%run_scoped3A_255 : memref<!tpu.dma_semaphore, #tpu.memory_space<semaphore_mem>>)
      %dma_wait3A_266 = arith.constant 0 : i32
      %dma_wait3A_267 = arith.constant 0 : i32
      %dma_wait3A_268 = arith.constant 0 : i32
      %dma_wait3A_269 = tpu.memref_slice %arg3[%add3A, %dma_wait3A_266, %dma_wait3A_267, %dma_wait3A_268] : memref<32x80x1x128xi32, #tpu.memory_space<hbm>> -> memref<1x40x1x128xi32, #tpu.memory_space<hbm>>
      %dma_wait3A_270 = tpu.memref_squeeze %dma_wait3A_269 : memref<1x40x1x128xi32, #tpu.memory_space<hbm>> -> memref<40x1x128xi32, #tpu.memory_space<hbm>>
      %dma_wait3A_271 = arith.constant 0 : i32
      %dma_wait3A_272 = arith.constant 0 : i32
      %dma_wait3A_273 = arith.constant 0 : i32
      %dma_wait3A_274 = tpu.memref_slice %arg3[%add3A, %dma_wait3A_271, %dma_wait3A_272, %dma_wait3A_273] : memref<32x80x1x128xi32, #tpu.memory_space<hbm>> -> memref<1x40x1x128xi32, #tpu.memory_space<hbm>>
      %dma_wait3A_275 = tpu.memref_squeeze %dma_wait3A_274 : memref<1x40x1x128xi32, #tpu.memory_space<hbm>> -> memref<40x1x128xi32, #tpu.memory_space<hbm>>
      tpu.wait_dma2 semaphore(%run_scoped3A_255 : memref<!tpu.dma_semaphore, #tpu.memory_space<semaphore_mem>>) src(%dma_wait3A_275 : memref<40x1x128xi32, #tpu.memory_space<hbm>>) dst(%arg7 : memref<40x1x128xi32, #tpu.memory_space<vmem>>)
      tpu.yield
    }) : () -> ()
    "tpu.region"() ({
      %run_scoped3A_255 = tpu.sem_alloc : memref<!tpu.dma_semaphore, #tpu.memory_space<semaphore_mem>>
      %dma_start3A_256 = arith.constant 0 : i32
      %dma_start3A_257 = arith.constant 0 : i32
      %dma_start3A_258 = arith.constant 0 : i32
      %dma_start3A_259 = tpu.memref_slice %arg4[%add3A, %dma_start3A_256, %dma_start3A_257, %dma_start3A_258] : memref<32x80x1x128xi32, #tpu.memory_space<hbm>> -> memref<1x40x1x128xi32, #tpu.memory_space<hbm>>
      %dma_start3A_260 = tpu.memref_squeeze %dma_start3A_259 : memref<1x40x1x128xi32, #tpu.memory_space<hbm>> -> memref<40x1x128xi32, #tpu.memory_space<hbm>>
      %dma_start3A_261 = arith.constant 0 : i32
      %dma_start3A_262 = arith.constant 0 : i32
      %dma_start3A_263 = arith.constant 0 : i32
      %dma_start3A_264 = tpu.memref_slice %arg4[%add3A, %dma_start3A_261, %dma_start3A_262, %dma_start3A_263] : memref<32x80x1x128xi32, #tpu.memory_space<hbm>> -> memref<1x40x1x128xi32, #tpu.memory_space<hbm>>
      %dma_start3A_265 = tpu.memref_squeeze %dma_start3A_264 : memref<1x40x1x128xi32, #tpu.memory_space<hbm>> -> memref<40x1x128xi32, #tpu.memory_space<hbm>>
      tpu.enqueue_dma source(%dma_start3A_265 : memref<40x1x128xi32, #tpu.memory_space<hbm>>) target(%arg8 : memref<40x1x128xi32, #tpu.memory_space<vmem>>) target_semaphore(%run_scoped3A_255 : memref<!tpu.dma_semaphore, #tpu.memory_space<semaphore_mem>>)
      %dma_wait3A_266 = arith.constant 0 : i32
      %dma_wait3A_267 = arith.constant 0 : i32
      %dma_wait3A_268 = arith.constant 0 : i32
      %dma_wait3A_269 = tpu.memref_slice %arg4[%add3A, %dma_wait3A_266, %dma_wait3A_267, %dma_wait3A_268] : memref<32x80x1x128xi32, #tpu.memory_space<hbm>> -> memref<1x40x1x128xi32, #tpu.memory_space<hbm>>
      %dma_wait3A_270 = tpu.memref_squeeze %dma_wait3A_269 : memref<1x40x1x128xi32, #tpu.memory_space<hbm>> -> memref<40x1x128xi32, #tpu.memory_space<hbm>>
      %dma_wait3A_271 = arith.constant 0 : i32
      %dma_wait3A_272 = arith.constant 0 : i32
      %dma_wait3A_273 = arith.constant 0 : i32
      %dma_wait3A_274 = tpu.memref_slice %arg4[%add3A, %dma_wait3A_271, %dma_wait3A_272, %dma_wait3A_273] : memref<32x80x1x128xi32, #tpu.memory_space<hbm>> -> memref<1x40x1x128xi32, #tpu.memory_space<hbm>>
      %dma_wait3A_275 = tpu.memref_squeeze %dma_wait3A_274 : memref<1x40x1x128xi32, #tpu.memory_space<hbm>> -> memref<40x1x128xi32, #tpu.memory_space<hbm>>
      tpu.wait_dma2 semaphore(%run_scoped3A_255 : memref<!tpu.dma_semaphore, #tpu.memory_space<semaphore_mem>>) src(%dma_wait3A_275 : memref<40x1x128xi32, #tpu.memory_space<hbm>>) dst(%arg8 : memref<40x1x128xi32, #tpu.memory_space<vmem>>)
      tpu.yield
    }) : () -> ()
    %dma_start3A = arith.constant 0 : i32
    %dma_start3A_212 = arith.constant 0 : i32
    %dma_start3A_213 = arith.constant 0 : i32
    %dma_start3A_214 = tpu.memref_slice %arg7[%dma_start3A, %dma_start3A_212, %dma_start3A_213] : memref<40x1x128xi32, #tpu.memory_space<vmem>> -> memref<1x1x128xi32, #tpu.memory_space<vmem>>
    %dma_start3A_215 = tpu.memref_squeeze %dma_start3A_214 : memref<1x1x128xi32, #tpu.memory_space<vmem>> -> memref<128xi32, #tpu.memory_space<vmem>>
    %dma_start3A_216 = arith.constant 0 : i32
    %dma_start3A_217 = arith.constant 0 : i32
    %dma_start3A_218 = tpu.memref_slice %arg2[%dma_start3A_216, %dma_start3A_217] : memref<10000x128xf32, #tpu.memory_space<hbm>> -> memref<10000x128xf32, #tpu.memory_space<hbm>>
    tpu.enqueue_indirect_dma source(%dma_start3A_218 : memref<10000x128xf32, #tpu.memory_space<hbm>>) target(%arg9 : memref<128x128xf32, #tpu.memory_space<vmem>>) offsets(%dma_start3A_215 : memref<128xi32, #tpu.memory_space<vmem>>) semaphore(%arg15 : memref<!tpu.dma_semaphore, #tpu.memory_space<semaphore_mem>>)
    %scan3A_219 = arith.constant 0 : i32
    %scan3A_220 = arith.constant 0 : i32
    %scan3A_221 = arith.constant 20 : i32
    %scan3A_222 = arith.addi %scan3A_220, %scan3A_221 : i32
    %scan3A_223 = arith.constant 1 : i32
    scf.for %scan3A_255 = %scan3A_220 to %scan3A_222 step %scan3A_223  : i32 {
      %mul3A_256 = arith.constant 2 : i32
      %mul3A_257 = arith.muli %scan3A_255, %mul3A_256 : i32
      %add3A_258 = arith.constant 1 : i32
      %add3A_259 = arith.addi %mul3A_257, %add3A_258 : i32
      %dma_start3A_260 = arith.constant 0 : i32
      %dma_start3A_261 = arith.constant 0 : i32
      %dma_start3A_262 = tpu.memref_slice %arg7[%add3A_259, %dma_start3A_260, %dma_start3A_261] : memref<40x1x128xi32, #tpu.memory_space<vmem>> -> memref<1x1x128xi32, #tpu.memory_space<vmem>>
      %dma_start3A_263 = tpu.memref_squeeze %dma_start3A_262 : memref<1x1x128xi32, #tpu.memory_space<vmem>> -> memref<128xi32, #tpu.memory_space<vmem>>
      %dma_start3A_264 = arith.constant 0 : i32
      %dma_start3A_265 = arith.constant 0 : i32
      %dma_start3A_266 = tpu.memref_slice %arg2[%dma_start3A_264, %dma_start3A_265] : memref<10000x128xf32, #tpu.memory_space<hbm>> -> memref<10000x128xf32, #tpu.memory_space<hbm>>
      tpu.enqueue_indirect_dma source(%dma_start3A_266 : memref<10000x128xf32, #tpu.memory_space<hbm>>) target(%arg10 : memref<128x128xf32, #tpu.memory_space<vmem>>) offsets(%dma_start3A_263 : memref<128xi32, #tpu.memory_space<vmem>>) semaphore(%arg16 : memref<!tpu.dma_semaphore, #tpu.memory_space<semaphore_mem>>)
      %dma_wait3A_267 = arith.constant 0 : i32
      %dma_wait3A_268 = arith.constant 0 : i32
      %dma_wait3A_269 = tpu.memref_slice %arg7[%mul3A_257, %dma_wait3A_267, %dma_wait3A_268] : memref<40x1x128xi32, #tpu.memory_space<vmem>> -> memref<1x1x128xi32, #tpu.memory_space<vmem>>
      %dma_wait3A_270 = tpu.memref_squeeze %dma_wait3A_269 : memref<1x1x128xi32, #tpu.memory_space<vmem>> -> memref<128xi32, #tpu.memory_space<vmem>>
      %dma_wait3A_271 = arith.constant 0 : i32
      %dma_wait3A_272 = arith.constant 0 : i32
      %dma_wait3A_273 = tpu.memref_slice %arg2[%dma_wait3A_271, %dma_wait3A_272] : memref<10000x128xf32, #tpu.memory_space<hbm>> -> memref<10000x128xf32, #tpu.memory_space<hbm>>
      tpu.wait_indirect_dma semaphore(%arg15 : memref<!tpu.dma_semaphore, #tpu.memory_space<semaphore_mem>>) src(%dma_wait3A_273 : memref<10000x128xf32, #tpu.memory_space<hbm>>) dst(%arg9 : memref<128x128xf32, #tpu.memory_space<vmem>>)
      %dma_start3A_274 = arith.constant 0 : i32
      %dma_start3A_275 = arith.constant 0 : i32
      %dma_start3A_276 = tpu.memref_slice %arg8[%mul3A_257, %dma_start3A_274, %dma_start3A_275] : memref<40x1x128xi32, #tpu.memory_space<vmem>> -> memref<1x1x128xi32, #tpu.memory_space<vmem>>
      %dma_start3A_277 = tpu.memref_squeeze %dma_start3A_276 : memref<1x1x128xi32, #tpu.memory_space<vmem>> -> memref<128xi32, #tpu.memory_space<vmem>>
      %dma_start3A_278 = arith.constant 0 : i32
      %dma_start3A_279 = tpu.memref_slice %arg14[%dma_start3A_278] : memref<10240xf32, #tpu.memory_space<vmem_shared>> -> memref<10240xf32, #tpu.memory_space<vmem_shared>>
      tpu.enqueue_indirect_dma source(%arg11 : memref<128xf32, #tpu.memory_space<vmem>>) target(%dma_start3A_279 : memref<10240xf32, #tpu.memory_space<vmem_shared>>) offsets(%dma_start3A_277 : memref<128xi32, #tpu.memory_space<vmem>>) semaphore(%arg17 : memref<!tpu.dma_semaphore, #tpu.memory_space<semaphore_mem>>) {add = true}
      %run_scoped3A_280 = arith.constant 0 : i32
      "tpu.region"() ({
        %run_scoped3A_317 = tpu.sem_alloc : memref<!tpu.dma_semaphore, #tpu.memory_space<semaphore_mem>>
        %dma_start3A_318 = arith.constant 0 : i32
        %dma_start3A_319 = tpu.memref_slice %arg8[%mul3A_257, %run_scoped3A_280, %dma_start3A_318] : memref<40x1x128xi32, #tpu.memory_space<vmem>> -> memref<1x1x128xi32, #tpu.memory_space<vmem>>
        %dma_start3A_320 = tpu.memref_squeeze %dma_start3A_319 : memref<1x1x128xi32, #tpu.memory_space<vmem>> -> memref<128xi32, #tpu.memory_space<vmem>>
        %dma_start3A_321 = arith.constant 0 : i32
        %dma_start3A_322 = arith.constant 0 : i32
        %dma_start3A_323 = tpu.memref_slice %arg13[%dma_start3A_321, %dma_start3A_322] : memref<10240x128xf32, #tpu.memory_space<vmem_shared>> -> memref<10240x128xf32, #tpu.memory_space<vmem_shared>>
        tpu.enqueue_indirect_dma source(%arg9 : memref<128x128xf32, #tpu.memory_space<vmem>>) target(%dma_start3A_323 : memref<10240x128xf32, #tpu.memory_space<vmem_shared>>) offsets(%dma_start3A_320 : memref<128xi32, #tpu.memory_space<vmem>>) semaphore(%run_scoped3A_317 : memref<!tpu.dma_semaphore, #tpu.memory_space<semaphore_mem>>) {add = true}
        %dma_wait3A_324 = arith.constant 0 : i32
        %dma_wait3A_325 = tpu.memref_slice %arg8[%mul3A_257, %run_scoped3A_280, %dma_wait3A_324] : memref<40x1x128xi32, #tpu.memory_space<vmem>> -> memref<1x1x128xi32, #tpu.memory_space<vmem>>
        %dma_wait3A_326 = tpu.memref_squeeze %dma_wait3A_325 : memref<1x1x128xi32, #tpu.memory_space<vmem>> -> memref<128xi32, #tpu.memory_space<vmem>>
        %dma_wait3A_327 = arith.constant 0 : i32
        %dma_wait3A_328 = arith.constant 0 : i32
        %dma_wait3A_329 = tpu.memref_slice %arg13[%dma_wait3A_327, %dma_wait3A_328] : memref<10240x128xf32, #tpu.memory_space<vmem_shared>> -> memref<10240x128xf32, #tpu.memory_space<vmem_shared>>
        tpu.wait_indirect_dma semaphore(%run_scoped3A_317 : memref<!tpu.dma_semaphore, #tpu.memory_space<semaphore_mem>>) src(%arg9 : memref<128x128xf32, #tpu.memory_space<vmem>>) dst(%dma_wait3A_329 : memref<10240x128xf32, #tpu.memory_space<vmem_shared>>)
        tpu.yield
      }) : () -> ()
      %dma_wait3A_281 = arith.constant 0 : i32
      %dma_wait3A_282 = arith.constant 0 : i32
      %dma_wait3A_283 = tpu.memref_slice %arg8[%mul3A_257, %dma_wait3A_281, %dma_wait3A_282] : memref<40x1x128xi32, #tpu.memory_space<vmem>> -> memref<1x1x128xi32, #tpu.memory_space<vmem>>
      %dma_wait3A_284 = tpu.memref_squeeze %dma_wait3A_283 : memref<1x1x128xi32, #tpu.memory_space<vmem>> -> memref<128xi32, #tpu.memory_space<vmem>>
      %dma_wait3A_285 = arith.constant 0 : i32
      %dma_wait3A_286 = tpu.memref_slice %arg14[%dma_wait3A_285] : memref<10240xf32, #tpu.memory_space<vmem_shared>> -> memref<10240xf32, #tpu.memory_space<vmem_shared>>
      tpu.wait_indirect_dma semaphore(%arg17 : memref<!tpu.dma_semaphore, #tpu.memory_space<semaphore_mem>>) src(%arg11 : memref<128xf32, #tpu.memory_space<vmem>>) dst(%dma_wait3A_286 : memref<10240xf32, #tpu.memory_space<vmem_shared>>)
      %add3A_287 = arith.constant 1 : i32
      %add3A_288 = arith.addi %add3A_259, %add3A_287 : i32
      %min3A = arith.constant 39 : i32
      %min3A_289 = arith.minsi %add3A_288, %min3A : i32
      %dma_start3A_290 = arith.constant 0 : i32
      %dma_start3A_291 = arith.constant 0 : i32
      %dma_start3A_292 = tpu.memref_slice %arg7[%min3A_289, %dma_start3A_290, %dma_start3A_291] : memref<40x1x128xi32, #tpu.memory_space<vmem>> -> memref<1x1x128xi32, #tpu.memory_space<vmem>>
      %dma_start3A_293 = tpu.memref_squeeze %dma_start3A_292 : memref<1x1x128xi32, #tpu.memory_space<vmem>> -> memref<128xi32, #tpu.memory_space<vmem>>
      %dma_start3A_294 = arith.constant 0 : i32
      %dma_start3A_295 = arith.constant 0 : i32
      %dma_start3A_296 = tpu.memref_slice %arg2[%dma_start3A_294, %dma_start3A_295] : memref<10000x128xf32, #tpu.memory_space<hbm>> -> memref<10000x128xf32, #tpu.memory_space<hbm>>
      tpu.enqueue_indirect_dma source(%dma_start3A_296 : memref<10000x128xf32, #tpu.memory_space<hbm>>) target(%arg9 : memref<128x128xf32, #tpu.memory_space<vmem>>) offsets(%dma_start3A_293 : memref<128xi32, #tpu.memory_space<vmem>>) semaphore(%arg15 : memref<!tpu.dma_semaphore, #tpu.memory_space<semaphore_mem>>)
      %dma_wait3A_297 = arith.constant 0 : i32
      %dma_wait3A_298 = arith.constant 0 : i32
      %dma_wait3A_299 = tpu.memref_slice %arg7[%add3A_259, %dma_wait3A_297, %dma_wait3A_298] : memref<40x1x128xi32, #tpu.memory_space<vmem>> -> memref<1x1x128xi32, #tpu.memory_space<vmem>>
      %dma_wait3A_300 = tpu.memref_squeeze %dma_wait3A_299 : memref<1x1x128xi32, #tpu.memory_space<vmem>> -> memref<128xi32, #tpu.memory_space<vmem>>
      %dma_wait3A_301 = arith.constant 0 : i32
      %dma_wait3A_302 = arith.constant 0 : i32
      %dma_wait3A_303 = tpu.memref_slice %arg2[%dma_wait3A_301, %dma_wait3A_302] : memref<10000x128xf32, #tpu.memory_space<hbm>> -> memref<10000x128xf32, #tpu.memory_space<hbm>>
      tpu.wait_indirect_dma semaphore(%arg16 : memref<!tpu.dma_semaphore, #tpu.memory_space<semaphore_mem>>) src(%dma_wait3A_303 : memref<10000x128xf32, #tpu.memory_space<hbm>>) dst(%arg10 : memref<128x128xf32, #tpu.memory_space<vmem>>)
      %dma_start3A_304 = arith.constant 0 : i32
      %dma_start3A_305 = arith.constant 0 : i32
      %dma_start3A_306 = tpu.memref_slice %arg8[%add3A_259, %dma_start3A_304, %dma_start3A_305] : memref<40x1x128xi32, #tpu.memory_space<vmem>> -> memref<1x1x128xi32, #tpu.memory_space<vmem>>
      %dma_start3A_307 = tpu.memref_squeeze %dma_start3A_306 : memref<1x1x128xi32, #tpu.memory_space<vmem>> -> memref<128xi32, #tpu.memory_space<vmem>>
      %dma_start3A_308 = arith.constant 0 : i32
      %dma_start3A_309 = tpu.memref_slice %arg14[%dma_start3A_308] : memref<10240xf32, #tpu.memory_space<vmem_shared>> -> memref<10240xf32, #tpu.memory_space<vmem_shared>>
      tpu.enqueue_indirect_dma source(%arg11 : memref<128xf32, #tpu.memory_space<vmem>>) target(%dma_start3A_309 : memref<10240xf32, #tpu.memory_space<vmem_shared>>) offsets(%dma_start3A_307 : memref<128xi32, #tpu.memory_space<vmem>>) semaphore(%arg17 : memref<!tpu.dma_semaphore, #tpu.memory_space<semaphore_mem>>) {add = true}
      %run_scoped3A_310 = arith.constant 0 : i32
      "tpu.region"() ({
        %run_scoped3A_317 = tpu.sem_alloc : memref<!tpu.dma_semaphore, #tpu.memory_space<semaphore_mem>>
        %dma_start3A_318 = arith.constant 0 : i32
        %dma_start3A_319 = tpu.memref_slice %arg8[%add3A_259, %run_scoped3A_310, %dma_start3A_318] : memref<40x1x128xi32, #tpu.memory_space<vmem>> -> memref<1x1x128xi32, #tpu.memory_space<vmem>>
        %dma_start3A_320 = tpu.memref_squeeze %dma_start3A_319 : memref<1x1x128xi32, #tpu.memory_space<vmem>> -> memref<128xi32, #tpu.memory_space<vmem>>
        %dma_start3A_321 = arith.constant 0 : i32
        %dma_start3A_322 = arith.constant 0 : i32
        %dma_start3A_323 = tpu.memref_slice %arg13[%dma_start3A_321, %dma_start3A_322] : memref<10240x128xf32, #tpu.memory_space<vmem_shared>> -> memref<10240x128xf32, #tpu.memory_space<vmem_shared>>
        tpu.enqueue_indirect_dma source(%arg10 : memref<128x128xf32, #tpu.memory_space<vmem>>) target(%dma_start3A_323 : memref<10240x128xf32, #tpu.memory_space<vmem_shared>>) offsets(%dma_start3A_320 : memref<128xi32, #tpu.memory_space<vmem>>) semaphore(%run_scoped3A_317 : memref<!tpu.dma_semaphore, #tpu.memory_space<semaphore_mem>>) {add = true}
        %dma_wait3A_324 = arith.constant 0 : i32
        %dma_wait3A_325 = tpu.memref_slice %arg8[%add3A_259, %run_scoped3A_310, %dma_wait3A_324] : memref<40x1x128xi32, #tpu.memory_space<vmem>> -> memref<1x1x128xi32, #tpu.memory_space<vmem>>
        %dma_wait3A_326 = tpu.memref_squeeze %dma_wait3A_325 : memref<1x1x128xi32, #tpu.memory_space<vmem>> -> memref<128xi32, #tpu.memory_space<vmem>>
        %dma_wait3A_327 = arith.constant 0 : i32
        %dma_wait3A_328 = arith.constant 0 : i32
        %dma_wait3A_329 = tpu.memref_slice %arg13[%dma_wait3A_327, %dma_wait3A_328] : memref<10240x128xf32, #tpu.memory_space<vmem_shared>> -> memref<10240x128xf32, #tpu.memory_space<vmem_shared>>
        tpu.wait_indirect_dma semaphore(%run_scoped3A_317 : memref<!tpu.dma_semaphore, #tpu.memory_space<semaphore_mem>>) src(%arg10 : memref<128x128xf32, #tpu.memory_space<vmem>>) dst(%dma_wait3A_329 : memref<10240x128xf32, #tpu.memory_space<vmem_shared>>)
        tpu.yield
      }) : () -> ()
      %dma_wait3A_311 = arith.constant 0 : i32
      %dma_wait3A_312 = arith.constant 0 : i32
      %dma_wait3A_313 = tpu.memref_slice %arg8[%add3A_259, %dma_wait3A_311, %dma_wait3A_312] : memref<40x1x128xi32, #tpu.memory_space<vmem>> -> memref<1x1x128xi32, #tpu.memory_space<vmem>>
      %dma_wait3A_314 = tpu.memref_squeeze %dma_wait3A_313 : memref<1x1x128xi32, #tpu.memory_space<vmem>> -> memref<128xi32, #tpu.memory_space<vmem>>
      %dma_wait3A_315 = arith.constant 0 : i32
      %dma_wait3A_316 = tpu.memref_slice %arg14[%dma_wait3A_315] : memref<10240xf32, #tpu.memory_space<vmem_shared>> -> memref<10240xf32, #tpu.memory_space<vmem_shared>>
      tpu.wait_indirect_dma semaphore(%arg17 : memref<!tpu.dma_semaphore, #tpu.memory_space<semaphore_mem>>) src(%arg11 : memref<128xf32, #tpu.memory_space<vmem>>) dst(%dma_wait3A_316 : memref<10240xf32, #tpu.memory_space<vmem_shared>>)
    }
    %scan3A_224 = arith.constant 20 : i32
    %dma_wait3A = arith.constant 39 : i32
    %dma_wait3A_225 = arith.constant 0 : i32
    %dma_wait3A_226 = arith.constant 0 : i32
    %dma_wait3A_227 = tpu.memref_slice %arg7[%dma_wait3A, %dma_wait3A_225, %dma_wait3A_226] : memref<40x1x128xi32, #tpu.memory_space<vmem>> -> memref<1x1x128xi32, #tpu.memory_space<vmem>>
    %dma_wait3A_228 = tpu.memref_squeeze %dma_wait3A_227 : memref<1x1x128xi32, #tpu.memory_space<vmem>> -> memref<128xi32, #tpu.memory_space<vmem>>
    %dma_wait3A_229 = arith.constant 0 : i32
    %dma_wait3A_230 = arith.constant 0 : i32
    %dma_wait3A_231 = tpu.memref_slice %arg2[%dma_wait3A_229, %dma_wait3A_230] : memref<10000x128xf32, #tpu.memory_space<hbm>> -> memref<10000x128xf32, #tpu.memory_space<hbm>>
    tpu.wait_indirect_dma semaphore(%arg15 : memref<!tpu.dma_semaphore, #tpu.memory_space<semaphore_mem>>) src(%dma_wait3A_231 : memref<10000x128xf32, #tpu.memory_space<hbm>>) dst(%arg9 : memref<128x128xf32, #tpu.memory_space<vmem>>)
    "tpu.region"() ({
      %run_scoped3A_255 = tpu.sem_alloc : memref<!tpu.dma_semaphore, #tpu.memory_space<semaphore_mem>>
      %dma_start3A_256 = arith.constant 40 : i32
      %dma_start3A_257 = arith.constant 0 : i32
      %dma_start3A_258 = arith.constant 0 : i32
      %dma_start3A_259 = tpu.memref_slice %arg3[%add3A, %dma_start3A_256, %dma_start3A_257, %dma_start3A_258] : memref<32x80x1x128xi32, #tpu.memory_space<hbm>> -> memref<1x40x1x128xi32, #tpu.memory_space<hbm>>
      %dma_start3A_260 = tpu.memref_squeeze %dma_start3A_259 : memref<1x40x1x128xi32, #tpu.memory_space<hbm>> -> memref<40x1x128xi32, #tpu.memory_space<hbm>>
      %dma_start3A_261 = arith.constant 40 : i32
      %dma_start3A_262 = arith.constant 0 : i32
      %dma_start3A_263 = arith.constant 0 : i32
      %dma_start3A_264 = tpu.memref_slice %arg3[%add3A, %dma_start3A_261, %dma_start3A_262, %dma_start3A_263] : memref<32x80x1x128xi32, #tpu.memory_space<hbm>> -> memref<1x40x1x128xi32, #tpu.memory_space<hbm>>
      %dma_start3A_265 = tpu.memref_squeeze %dma_start3A_264 : memref<1x40x1x128xi32, #tpu.memory_space<hbm>> -> memref<40x1x128xi32, #tpu.memory_space<hbm>>
      tpu.enqueue_dma source(%dma_start3A_265 : memref<40x1x128xi32, #tpu.memory_space<hbm>>) target(%arg7 : memref<40x1x128xi32, #tpu.memory_space<vmem>>) target_semaphore(%run_scoped3A_255 : memref<!tpu.dma_semaphore, #tpu.memory_space<semaphore_mem>>)
      %dma_wait3A_266 = arith.constant 40 : i32
      %dma_wait3A_267 = arith.constant 0 : i32
      %dma_wait3A_268 = arith.constant 0 : i32
      %dma_wait3A_269 = tpu.memref_slice %arg3[%add3A, %dma_wait3A_266, %dma_wait3A_267, %dma_wait3A_268] : memref<32x80x1x128xi32, #tpu.memory_space<hbm>> -> memref<1x40x1x128xi32, #tpu.memory_space<hbm>>
      %dma_wait3A_270 = tpu.memref_squeeze %dma_wait3A_269 : memref<1x40x1x128xi32, #tpu.memory_space<hbm>> -> memref<40x1x128xi32, #tpu.memory_space<hbm>>
      %dma_wait3A_271 = arith.constant 40 : i32
      %dma_wait3A_272 = arith.constant 0 : i32
      %dma_wait3A_273 = arith.constant 0 : i32
      %dma_wait3A_274 = tpu.memref_slice %arg3[%add3A, %dma_wait3A_271, %dma_wait3A_272, %dma_wait3A_273] : memref<32x80x1x128xi32, #tpu.memory_space<hbm>> -> memref<1x40x1x128xi32, #tpu.memory_space<hbm>>
      %dma_wait3A_275 = tpu.memref_squeeze %dma_wait3A_274 : memref<1x40x1x128xi32, #tpu.memory_space<hbm>> -> memref<40x1x128xi32, #tpu.memory_space<hbm>>
      tpu.wait_dma2 semaphore(%run_scoped3A_255 : memref<!tpu.dma_semaphore, #tpu.memory_space<semaphore_mem>>) src(%dma_wait3A_275 : memref<40x1x128xi32, #tpu.memory_space<hbm>>) dst(%arg7 : memref<40x1x128xi32, #tpu.memory_space<vmem>>)
      tpu.yield
    }) : () -> ()
    "tpu.region"() ({
      %run_scoped3A_255 = tpu.sem_alloc : memref<!tpu.dma_semaphore, #tpu.memory_space<semaphore_mem>>
      %dma_start3A_256 = arith.constant 40 : i32
      %dma_start3A_257 = arith.constant 0 : i32
      %dma_start3A_258 = arith.constant 0 : i32
      %dma_start3A_259 = tpu.memref_slice %arg4[%add3A, %dma_start3A_256, %dma_start3A_257, %dma_start3A_258] : memref<32x80x1x128xi32, #tpu.memory_space<hbm>> -> memref<1x40x1x128xi32, #tpu.memory_space<hbm>>
      %dma_start3A_260 = tpu.memref_squeeze %dma_start3A_259 : memref<1x40x1x128xi32, #tpu.memory_space<hbm>> -> memref<40x1x128xi32, #tpu.memory_space<hbm>>
      %dma_start3A_261 = arith.constant 40 : i32
      %dma_start3A_262 = arith.constant 0 : i32
      %dma_start3A_263 = arith.constant 0 : i32
      %dma_start3A_264 = tpu.memref_slice %arg4[%add3A, %dma_start3A_261, %dma_start3A_262, %dma_start3A_263] : memref<32x80x1x128xi32, #tpu.memory_space<hbm>> -> memref<1x40x1x128xi32, #tpu.memory_space<hbm>>
      %dma_start3A_265 = tpu.memref_squeeze %dma_start3A_264 : memref<1x40x1x128xi32, #tpu.memory_space<hbm>> -> memref<40x1x128xi32, #tpu.memory_space<hbm>>
      tpu.enqueue_dma source(%dma_start3A_265 : memref<40x1x128xi32, #tpu.memory_space<hbm>>) target(%arg8 : memref<40x1x128xi32, #tpu.memory_space<vmem>>) target_semaphore(%run_scoped3A_255 : memref<!tpu.dma_semaphore, #tpu.memory_space<semaphore_mem>>)
      %dma_wait3A_266 = arith.constant 40 : i32
      %dma_wait3A_267 = arith.constant 0 : i32
      %dma_wait3A_268 = arith.constant 0 : i32
      %dma_wait3A_269 = tpu.memref_slice %arg4[%add3A, %dma_wait3A_266, %dma_wait3A_267, %dma_wait3A_268] : memref<32x80x1x128xi32, #tpu.memory_space<hbm>> -> memref<1x40x1x128xi32, #tpu.memory_space<hbm>>
      %dma_wait3A_270 = tpu.memref_squeeze %dma_wait3A_269 : memref<1x40x1x128xi32, #tpu.memory_space<hbm>> -> memref<40x1x128xi32, #tpu.memory_space<hbm>>
      %dma_wait3A_271 = arith.constant 40 : i32
      %dma_wait3A_272 = arith.constant 0 : i32
      %dma_wait3A_273 = arith.constant 0 : i32
      %dma_wait3A_274 = tpu.memref_slice %arg4[%add3A, %dma_wait3A_271, %dma_wait3A_272, %dma_wait3A_273] : memref<32x80x1x128xi32, #tpu.memory_space<hbm>> -> memref<1x40x1x128xi32, #tpu.memory_space<hbm>>
      %dma_wait3A_275 = tpu.memref_squeeze %dma_wait3A_274 : memref<1x40x1x128xi32, #tpu.memory_space<hbm>> -> memref<40x1x128xi32, #tpu.memory_space<hbm>>
      tpu.wait_dma2 semaphore(%run_scoped3A_255 : memref<!tpu.dma_semaphore, #tpu.memory_space<semaphore_mem>>) src(%dma_wait3A_275 : memref<40x1x128xi32, #tpu.memory_space<hbm>>) dst(%arg8 : memref<40x1x128xi32, #tpu.memory_space<vmem>>)
      tpu.yield
    }) : () -> ()
    %dma_start3A_232 = arith.constant 0 : i32
    %dma_start3A_233 = arith.constant 0 : i32
    %dma_start3A_234 = arith.constant 0 : i32
    %dma_start3A_235 = tpu.memref_slice %arg7[%dma_start3A_232, %dma_start3A_233, %dma_start3A_234] : memref<40x1x128xi32, #tpu.memory_space<vmem>> -> memref<1x1x128xi32, #tpu.memory_space<vmem>>
    %dma_start3A_236 = tpu.memref_squeeze %dma_start3A_235 : memref<1x1x128xi32, #tpu.memory_space<vmem>> -> memref<128xi32, #tpu.memory_space<vmem>>
    %dma_start3A_237 = arith.constant 0 : i32
    %dma_start3A_238 = arith.constant 0 : i32
    %dma_start3A_239 = tpu.memref_slice %arg2[%dma_start3A_237, %dma_start3A_238] : memref<10000x128xf32, #tpu.memory_space<hbm>> -> memref<10000x128xf32, #tpu.memory_space<hbm>>
    tpu.enqueue_indirect_dma source(%dma_start3A_239 : memref<10000x128xf32, #tpu.memory_space<hbm>>) target(%arg9 : memref<128x128xf32, #tpu.memory_space<vmem>>) offsets(%dma_start3A_236 : memref<128xi32, #tpu.memory_space<vmem>>) semaphore(%arg15 : memref<!tpu.dma_semaphore, #tpu.memory_space<semaphore_mem>>)
    %scan3A_240 = arith.constant 0 : i32
    %scan3A_241 = arith.constant 0 : i32
    %scan3A_242 = arith.constant 20 : i32
    %scan3A_243 = arith.addi %scan3A_241, %scan3A_242 : i32
    %scan3A_244 = arith.constant 1 : i32
    scf.for %scan3A_255 = %scan3A_241 to %scan3A_243 step %scan3A_244  : i32 {
      %mul3A_256 = arith.constant 2 : i32
      %mul3A_257 = arith.muli %scan3A_255, %mul3A_256 : i32
      %add3A_258 = arith.constant 1 : i32
      %add3A_259 = arith.addi %mul3A_257, %add3A_258 : i32
      %dma_start3A_260 = arith.constant 0 : i32
      %dma_start3A_261 = arith.constant 0 : i32
      %dma_start3A_262 = tpu.memref_slice %arg7[%add3A_259, %dma_start3A_260, %dma_start3A_261] : memref<40x1x128xi32, #tpu.memory_space<vmem>> -> memref<1x1x128xi32, #tpu.memory_space<vmem>>
      %dma_start3A_263 = tpu.memref_squeeze %dma_start3A_262 : memref<1x1x128xi32, #tpu.memory_space<vmem>> -> memref<128xi32, #tpu.memory_space<vmem>>
      %dma_start3A_264 = arith.constant 0 : i32
      %dma_start3A_265 = arith.constant 0 : i32
      %dma_start3A_266 = tpu.memref_slice %arg2[%dma_start3A_264, %dma_start3A_265] : memref<10000x128xf32, #tpu.memory_space<hbm>> -> memref<10000x128xf32, #tpu.memory_space<hbm>>
      tpu.enqueue_indirect_dma source(%dma_start3A_266 : memref<10000x128xf32, #tpu.memory_space<hbm>>) target(%arg10 : memref<128x128xf32, #tpu.memory_space<vmem>>) offsets(%dma_start3A_263 : memref<128xi32, #tpu.memory_space<vmem>>) semaphore(%arg16 : memref<!tpu.dma_semaphore, #tpu.memory_space<semaphore_mem>>)
      %dma_wait3A_267 = arith.constant 0 : i32
      %dma_wait3A_268 = arith.constant 0 : i32
      %dma_wait3A_269 = tpu.memref_slice %arg7[%mul3A_257, %dma_wait3A_267, %dma_wait3A_268] : memref<40x1x128xi32, #tpu.memory_space<vmem>> -> memref<1x1x128xi32, #tpu.memory_space<vmem>>
      %dma_wait3A_270 = tpu.memref_squeeze %dma_wait3A_269 : memref<1x1x128xi32, #tpu.memory_space<vmem>> -> memref<128xi32, #tpu.memory_space<vmem>>
      %dma_wait3A_271 = arith.constant 0 : i32
      %dma_wait3A_272 = arith.constant 0 : i32
      %dma_wait3A_273 = tpu.memref_slice %arg2[%dma_wait3A_271, %dma_wait3A_272] : memref<10000x128xf32, #tpu.memory_space<hbm>> -> memref<10000x128xf32, #tpu.memory_space<hbm>>
      tpu.wait_indirect_dma semaphore(%arg15 : memref<!tpu.dma_semaphore, #tpu.memory_space<semaphore_mem>>) src(%dma_wait3A_273 : memref<10000x128xf32, #tpu.memory_space<hbm>>) dst(%arg9 : memref<128x128xf32, #tpu.memory_space<vmem>>)
      %dma_start3A_274 = arith.constant 0 : i32
      %dma_start3A_275 = arith.constant 0 : i32
      %dma_start3A_276 = tpu.memref_slice %arg8[%mul3A_257, %dma_start3A_274, %dma_start3A_275] : memref<40x1x128xi32, #tpu.memory_space<vmem>> -> memref<1x1x128xi32, #tpu.memory_space<vmem>>
      %dma_start3A_277 = tpu.memref_squeeze %dma_start3A_276 : memref<1x1x128xi32, #tpu.memory_space<vmem>> -> memref<128xi32, #tpu.memory_space<vmem>>
      %dma_start3A_278 = arith.constant 0 : i32
      %dma_start3A_279 = tpu.memref_slice %arg14[%dma_start3A_278] : memref<10240xf32, #tpu.memory_space<vmem_shared>> -> memref<10240xf32, #tpu.memory_space<vmem_shared>>
      tpu.enqueue_indirect_dma source(%arg11 : memref<128xf32, #tpu.memory_space<vmem>>) target(%dma_start3A_279 : memref<10240xf32, #tpu.memory_space<vmem_shared>>) offsets(%dma_start3A_277 : memref<128xi32, #tpu.memory_space<vmem>>) semaphore(%arg17 : memref<!tpu.dma_semaphore, #tpu.memory_space<semaphore_mem>>) {add = true}
      %run_scoped3A_280 = arith.constant 0 : i32
      "tpu.region"() ({
        %run_scoped3A_317 = tpu.sem_alloc : memref<!tpu.dma_semaphore, #tpu.memory_space<semaphore_mem>>
        %dma_start3A_318 = arith.constant 0 : i32
        %dma_start3A_319 = tpu.memref_slice %arg8[%mul3A_257, %run_scoped3A_280, %dma_start3A_318] : memref<40x1x128xi32, #tpu.memory_space<vmem>> -> memref<1x1x128xi32, #tpu.memory_space<vmem>>
        %dma_start3A_320 = tpu.memref_squeeze %dma_start3A_319 : memref<1x1x128xi32, #tpu.memory_space<vmem>> -> memref<128xi32, #tpu.memory_space<vmem>>
        %dma_start3A_321 = arith.constant 0 : i32
        %dma_start3A_322 = arith.constant 0 : i32
        %dma_start3A_323 = tpu.memref_slice %arg13[%dma_start3A_321, %dma_start3A_322] : memref<10240x128xf32, #tpu.memory_space<vmem_shared>> -> memref<10240x128xf32, #tpu.memory_space<vmem_shared>>
        tpu.enqueue_indirect_dma source(%arg9 : memref<128x128xf32, #tpu.memory_space<vmem>>) target(%dma_start3A_323 : memref<10240x128xf32, #tpu.memory_space<vmem_shared>>) offsets(%dma_start3A_320 : memref<128xi32, #tpu.memory_space<vmem>>) semaphore(%run_scoped3A_317 : memref<!tpu.dma_semaphore, #tpu.memory_space<semaphore_mem>>) {add = true}
        %dma_wait3A_324 = arith.constant 0 : i32
        %dma_wait3A_325 = tpu.memref_slice %arg8[%mul3A_257, %run_scoped3A_280, %dma_wait3A_324] : memref<40x1x128xi32, #tpu.memory_space<vmem>> -> memref<1x1x128xi32, #tpu.memory_space<vmem>>
        %dma_wait3A_326 = tpu.memref_squeeze %dma_wait3A_325 : memref<1x1x128xi32, #tpu.memory_space<vmem>> -> memref<128xi32, #tpu.memory_space<vmem>>
        %dma_wait3A_327 = arith.constant 0 : i32
        %dma_wait3A_328 = arith.constant 0 : i32
        %dma_wait3A_329 = tpu.memref_slice %arg13[%dma_wait3A_327, %dma_wait3A_328] : memref<10240x128xf32, #tpu.memory_space<vmem_shared>> -> memref<10240x128xf32, #tpu.memory_space<vmem_shared>>
        tpu.wait_indirect_dma semaphore(%run_scoped3A_317 : memref<!tpu.dma_semaphore, #tpu.memory_space<semaphore_mem>>) src(%arg9 : memref<128x128xf32, #tpu.memory_space<vmem>>) dst(%dma_wait3A_329 : memref<10240x128xf32, #tpu.memory_space<vmem_shared>>)
        tpu.yield
      }) : () -> ()
      %dma_wait3A_281 = arith.constant 0 : i32
      %dma_wait3A_282 = arith.constant 0 : i32
      %dma_wait3A_283 = tpu.memref_slice %arg8[%mul3A_257, %dma_wait3A_281, %dma_wait3A_282] : memref<40x1x128xi32, #tpu.memory_space<vmem>> -> memref<1x1x128xi32, #tpu.memory_space<vmem>>
      %dma_wait3A_284 = tpu.memref_squeeze %dma_wait3A_283 : memref<1x1x128xi32, #tpu.memory_space<vmem>> -> memref<128xi32, #tpu.memory_space<vmem>>
      %dma_wait3A_285 = arith.constant 0 : i32
      %dma_wait3A_286 = tpu.memref_slice %arg14[%dma_wait3A_285] : memref<10240xf32, #tpu.memory_space<vmem_shared>> -> memref<10240xf32, #tpu.memory_space<vmem_shared>>
      tpu.wait_indirect_dma semaphore(%arg17 : memref<!tpu.dma_semaphore, #tpu.memory_space<semaphore_mem>>) src(%arg11 : memref<128xf32, #tpu.memory_space<vmem>>) dst(%dma_wait3A_286 : memref<10240xf32, #tpu.memory_space<vmem_shared>>)
      %add3A_287 = arith.constant 1 : i32
      %add3A_288 = arith.addi %add3A_259, %add3A_287 : i32
      %min3A = arith.constant 39 : i32
      %min3A_289 = arith.minsi %add3A_288, %min3A : i32
      %dma_start3A_290 = arith.constant 0 : i32
      %dma_start3A_291 = arith.constant 0 : i32
      %dma_start3A_292 = tpu.memref_slice %arg7[%min3A_289, %dma_start3A_290, %dma_start3A_291] : memref<40x1x128xi32, #tpu.memory_space<vmem>> -> memref<1x1x128xi32, #tpu.memory_space<vmem>>
      %dma_start3A_293 = tpu.memref_squeeze %dma_start3A_292 : memref<1x1x128xi32, #tpu.memory_space<vmem>> -> memref<128xi32, #tpu.memory_space<vmem>>
      %dma_start3A_294 = arith.constant 0 : i32
      %dma_start3A_295 = arith.constant 0 : i32
      %dma_start3A_296 = tpu.memref_slice %arg2[%dma_start3A_294, %dma_start3A_295] : memref<10000x128xf32, #tpu.memory_space<hbm>> -> memref<10000x128xf32, #tpu.memory_space<hbm>>
      tpu.enqueue_indirect_dma source(%dma_start3A_296 : memref<10000x128xf32, #tpu.memory_space<hbm>>) target(%arg9 : memref<128x128xf32, #tpu.memory_space<vmem>>) offsets(%dma_start3A_293 : memref<128xi32, #tpu.memory_space<vmem>>) semaphore(%arg15 : memref<!tpu.dma_semaphore, #tpu.memory_space<semaphore_mem>>)
      %dma_wait3A_297 = arith.constant 0 : i32
      %dma_wait3A_298 = arith.constant 0 : i32
      %dma_wait3A_299 = tpu.memref_slice %arg7[%add3A_259, %dma_wait3A_297, %dma_wait3A_298] : memref<40x1x128xi32, #tpu.memory_space<vmem>> -> memref<1x1x128xi32, #tpu.memory_space<vmem>>
      %dma_wait3A_300 = tpu.memref_squeeze %dma_wait3A_299 : memref<1x1x128xi32, #tpu.memory_space<vmem>> -> memref<128xi32, #tpu.memory_space<vmem>>
      %dma_wait3A_301 = arith.constant 0 : i32
      %dma_wait3A_302 = arith.constant 0 : i32
      %dma_wait3A_303 = tpu.memref_slice %arg2[%dma_wait3A_301, %dma_wait3A_302] : memref<10000x128xf32, #tpu.memory_space<hbm>> -> memref<10000x128xf32, #tpu.memory_space<hbm>>
      tpu.wait_indirect_dma semaphore(%arg16 : memref<!tpu.dma_semaphore, #tpu.memory_space<semaphore_mem>>) src(%dma_wait3A_303 : memref<10000x128xf32, #tpu.memory_space<hbm>>) dst(%arg10 : memref<128x128xf32, #tpu.memory_space<vmem>>)
      %dma_start3A_304 = arith.constant 0 : i32
      %dma_start3A_305 = arith.constant 0 : i32
      %dma_start3A_306 = tpu.memref_slice %arg8[%add3A_259, %dma_start3A_304, %dma_start3A_305] : memref<40x1x128xi32, #tpu.memory_space<vmem>> -> memref<1x1x128xi32, #tpu.memory_space<vmem>>
      %dma_start3A_307 = tpu.memref_squeeze %dma_start3A_306 : memref<1x1x128xi32, #tpu.memory_space<vmem>> -> memref<128xi32, #tpu.memory_space<vmem>>
      %dma_start3A_308 = arith.constant 0 : i32
      %dma_start3A_309 = tpu.memref_slice %arg14[%dma_start3A_308] : memref<10240xf32, #tpu.memory_space<vmem_shared>> -> memref<10240xf32, #tpu.memory_space<vmem_shared>>
      tpu.enqueue_indirect_dma source(%arg11 : memref<128xf32, #tpu.memory_space<vmem>>) target(%dma_start3A_309 : memref<10240xf32, #tpu.memory_space<vmem_shared>>) offsets(%dma_start3A_307 : memref<128xi32, #tpu.memory_space<vmem>>) semaphore(%arg17 : memref<!tpu.dma_semaphore, #tpu.memory_space<semaphore_mem>>) {add = true}
      %run_scoped3A_310 = arith.constant 0 : i32
      "tpu.region"() ({
        %run_scoped3A_317 = tpu.sem_alloc : memref<!tpu.dma_semaphore, #tpu.memory_space<semaphore_mem>>
        %dma_start3A_318 = arith.constant 0 : i32
        %dma_start3A_319 = tpu.memref_slice %arg8[%add3A_259, %run_scoped3A_310, %dma_start3A_318] : memref<40x1x128xi32, #tpu.memory_space<vmem>> -> memref<1x1x128xi32, #tpu.memory_space<vmem>>
        %dma_start3A_320 = tpu.memref_squeeze %dma_start3A_319 : memref<1x1x128xi32, #tpu.memory_space<vmem>> -> memref<128xi32, #tpu.memory_space<vmem>>
        %dma_start3A_321 = arith.constant 0 : i32
        %dma_start3A_322 = arith.constant 0 : i32
        %dma_start3A_323 = tpu.memref_slice %arg13[%dma_start3A_321, %dma_start3A_322] : memref<10240x128xf32, #tpu.memory_space<vmem_shared>> -> memref<10240x128xf32, #tpu.memory_space<vmem_shared>>
        tpu.enqueue_indirect_dma source(%arg10 : memref<128x128xf32, #tpu.memory_space<vmem>>) target(%dma_start3A_323 : memref<10240x128xf32, #tpu.memory_space<vmem_shared>>) offsets(%dma_start3A_320 : memref<128xi32, #tpu.memory_space<vmem>>) semaphore(%run_scoped3A_317 : memref<!tpu.dma_semaphore, #tpu.memory_space<semaphore_mem>>) {add = true}
        %dma_wait3A_324 = arith.constant 0 : i32
        %dma_wait3A_325 = tpu.memref_slice %arg8[%add3A_259, %run_scoped3A_310, %dma_wait3A_324] : memref<40x1x128xi32, #tpu.memory_space<vmem>> -> memref<1x1x128xi32, #tpu.memory_space<vmem>>
        %dma_wait3A_326 = tpu.memref_squeeze %dma_wait3A_325 : memref<1x1x128xi32, #tpu.memory_space<vmem>> -> memref<128xi32, #tpu.memory_space<vmem>>
        %dma_wait3A_327 = arith.constant 0 : i32
        %dma_wait3A_328 = arith.constant 0 : i32
        %dma_wait3A_329 = tpu.memref_slice %arg13[%dma_wait3A_327, %dma_wait3A_328] : memref<10240x128xf32, #tpu.memory_space<vmem_shared>> -> memref<10240x128xf32, #tpu.memory_space<vmem_shared>>
        tpu.wait_indirect_dma semaphore(%run_scoped3A_317 : memref<!tpu.dma_semaphore, #tpu.memory_space<semaphore_mem>>) src(%arg10 : memref<128x128xf32, #tpu.memory_space<vmem>>) dst(%dma_wait3A_329 : memref<10240x128xf32, #tpu.memory_space<vmem_shared>>)
        tpu.yield
      }) : () -> ()
      %dma_wait3A_311 = arith.constant 0 : i32
      %dma_wait3A_312 = arith.constant 0 : i32
      %dma_wait3A_313 = tpu.memref_slice %arg8[%add3A_259, %dma_wait3A_311, %dma_wait3A_312] : memref<40x1x128xi32, #tpu.memory_space<vmem>> -> memref<1x1x128xi32, #tpu.memory_space<vmem>>
      %dma_wait3A_314 = tpu.memref_squeeze %dma_wait3A_313 : memref<1x1x128xi32, #tpu.memory_space<vmem>> -> memref<128xi32, #tpu.memory_space<vmem>>
      %dma_wait3A_315 = arith.constant 0 : i32
      %dma_wait3A_316 = tpu.memref_slice %arg14[%dma_wait3A_315] : memref<10240xf32, #tpu.memory_space<vmem_shared>> -> memref<10240xf32, #tpu.memory_space<vmem_shared>>
      tpu.wait_indirect_dma semaphore(%arg17 : memref<!tpu.dma_semaphore, #tpu.memory_space<semaphore_mem>>) src(%arg11 : memref<128xf32, #tpu.memory_space<vmem>>) dst(%dma_wait3A_316 : memref<10240xf32, #tpu.memory_space<vmem_shared>>)
    }
    %scan3A_245 = arith.constant 20 : i32
    %dma_wait3A_246 = arith.constant 39 : i32
    %dma_wait3A_247 = arith.constant 0 : i32
    %dma_wait3A_248 = arith.constant 0 : i32
    %dma_wait3A_249 = tpu.memref_slice %arg7[%dma_wait3A_246, %dma_wait3A_247, %dma_wait3A_248] : memref<40x1x128xi32, #tpu.memory_space<vmem>> -> memref<1x1x128xi32, #tpu.memory_space<vmem>>
    %dma_wait3A_250 = tpu.memref_squeeze %dma_wait3A_249 : memref<1x1x128xi32, #tpu.memory_space<vmem>> -> memref<128xi32, #tpu.memory_space<vmem>>
    %dma_wait3A_251 = arith.constant 0 : i32
    %dma_wait3A_252 = arith.constant 0 : i32
    %dma_wait3A_253 = tpu.memref_slice %arg2[%dma_wait3A_251, %dma_wait3A_252] : memref<10000x128xf32, #tpu.memory_space<hbm>> -> memref<10000x128xf32, #tpu.memory_space<hbm>>
    tpu.wait_indirect_dma semaphore(%arg15 : memref<!tpu.dma_semaphore, #tpu.memory_space<semaphore_mem>>) src(%dma_wait3A_253 : memref<10000x128xf32, #tpu.memory_space<hbm>>) dst(%arg9 : memref<128x128xf32, #tpu.memory_space<vmem>>)
    %barrier3A_254 = arith.constant 0 : index
    tpu.barrier barrier_id(%barrier3A_254)
    "tpu.region"() ({
      %run_scoped3A_255 = tpu.sem_alloc : memref<!tpu.dma_semaphore, #tpu.memory_space<semaphore_mem>>
      %dma_start3A_256 = arith.constant 0 : i32
      %dma_start3A_257 = tpu.memref_slice %arg5[%arg0, %multiple_of3A, %dma_start3A_256] : memref<2x10240x128xf32, #tpu.memory_space<hbm>> -> memref<1x640x128xf32, #tpu.memory_space<hbm>>
      %dma_start3A_258 = tpu.memref_squeeze %dma_start3A_257 : memref<1x640x128xf32, #tpu.memory_space<hbm>> -> memref<640x128xf32, #tpu.memory_space<hbm>>
      %dma_start3A_259 = arith.constant 0 : i32
      %dma_start3A_260 = tpu.memref_slice %arg13[%multiple_of3A, %dma_start3A_259] : memref<10240x128xf32, #tpu.memory_space<vmem_shared>> -> memref<640x128xf32, #tpu.memory_space<vmem_shared>>
      tpu.enqueue_dma source(%dma_start3A_260 : memref<640x128xf32, #tpu.memory_space<vmem_shared>>) target(%dma_start3A_258 : memref<640x128xf32, #tpu.memory_space<hbm>>) target_semaphore(%run_scoped3A_255 : memref<!tpu.dma_semaphore, #tpu.memory_space<semaphore_mem>>)
      %dma_wait3A_261 = arith.constant 0 : i32
      %dma_wait3A_262 = tpu.memref_slice %arg5[%arg0, %multiple_of3A, %dma_wait3A_261] : memref<2x10240x128xf32, #tpu.memory_space<hbm>> -> memref<1x640x128xf32, #tpu.memory_space<hbm>>
      %dma_wait3A_263 = tpu.memref_squeeze %dma_wait3A_262 : memref<1x640x128xf32, #tpu.memory_space<hbm>> -> memref<640x128xf32, #tpu.memory_space<hbm>>
      %dma_wait3A_264 = arith.constant 0 : i32
      %dma_wait3A_265 = tpu.memref_slice %arg13[%multiple_of3A, %dma_wait3A_264] : memref<10240x128xf32, #tpu.memory_space<vmem_shared>> -> memref<640x128xf32, #tpu.memory_space<vmem_shared>>
      tpu.wait_dma2 semaphore(%run_scoped3A_255 : memref<!tpu.dma_semaphore, #tpu.memory_space<semaphore_mem>>) src(%dma_wait3A_265 : memref<640x128xf32, #tpu.memory_space<vmem_shared>>) dst(%dma_wait3A_263 : memref<640x128xf32, #tpu.memory_space<hbm>>)
      tpu.yield
    }) : () -> ()
    %run_scoped3A = arith.constant 0 : i32
    "tpu.region"() ({
      %run_scoped3A_255 = tpu.sem_alloc : memref<!tpu.dma_semaphore, #tpu.memory_space<semaphore_mem>>
      %dma_start3A_256 = tpu.memref_slice %arg6[%arg0, %run_scoped3A, %multiple_of3A] : memref<2x1x10240xf32, #tpu.memory_space<hbm>> -> memref<1x1x640xf32, #tpu.memory_space<hbm>>
      %dma_start3A_257 = tpu.memref_squeeze %dma_start3A_256 : memref<1x1x640xf32, #tpu.memory_space<hbm>> -> memref<640xf32, #tpu.memory_space<hbm>>
      %dma_start3A_258 = tpu.memref_slice %arg14[%multiple_of3A] : memref<10240xf32, #tpu.memory_space<vmem_shared>> -> memref<640xf32, #tpu.memory_space<vmem_shared>>
      tpu.enqueue_dma source(%dma_start3A_258 : memref<640xf32, #tpu.memory_space<vmem_shared>>) target(%dma_start3A_257 : memref<640xf32, #tpu.memory_space<hbm>>) target_semaphore(%run_scoped3A_255 : memref<!tpu.dma_semaphore, #tpu.memory_space<semaphore_mem>>)
      %dma_wait3A_259 = tpu.memref_slice %arg6[%arg0, %run_scoped3A, %multiple_of3A] : memref<2x1x10240xf32, #tpu.memory_space<hbm>> -> memref<1x1x640xf32, #tpu.memory_space<hbm>>
      %dma_wait3A_260 = tpu.memref_squeeze %dma_wait3A_259 : memref<1x1x640xf32, #tpu.memory_space<hbm>> -> memref<640xf32, #tpu.memory_space<hbm>>
      %dma_wait3A_261 = tpu.memref_slice %arg14[%multiple_of3A] : memref<10240xf32, #tpu.memory_space<vmem_shared>> -> memref<640xf32, #tpu.memory_space<vmem_shared>>
      tpu.wait_dma2 semaphore(%run_scoped3A_255 : memref<!tpu.dma_semaphore, #tpu.memory_space<semaphore_mem>>) src(%dma_wait3A_261 : memref<640xf32, #tpu.memory_space<vmem_shared>>) dst(%dma_wait3A_260 : memref<640xf32, #tpu.memory_space<hbm>>)
      tpu.yield
    }) : () -> ()
    return
  }
}

#map = affine_map<(d0, d1) -> (0, 0)>
#map1 = affine_map<(d0, d1) -> (0, 0, 0, 0)>
#map2 = affine_map<(d0, d1) -> (0, 0, 0)>
module attributes {stable_mosaic.version = 14 : i64} {
  func.func @k(%arg0: i32, %arg1: i32, %arg2: memref<10000x128xf32, #tpu.memory_space<hbm>>, %arg3: memref<32x80x1x128xi32, #tpu.memory_space<hbm>>, %arg4: memref<32x80x1x128xi32, #tpu.memory_space<hbm>>, %arg5: memref<2x10240x128xf32, #tpu.memory_space<hbm>>, %arg6: memref<2x1x10240xf32, #tpu.memory_space<hbm>>, %arg7: memref<40x1x128xi32, #tpu.memory_space<vmem>>, %arg8: memref<40x1x128xi32, #tpu.memory_space<vmem>>, %arg9: memref<128x128xf32, #tpu.memory_space<vmem>>, %arg10: memref<128x128xf32, #tpu.memory_space<vmem>>, %arg11: memref<128xf32, #tpu.memory_space<vmem>>, %arg12: memref<640xf32, #tpu.memory_space<vmem>>, %arg13: memref<10240x128xf32, #tpu.memory_space<vmem_shared>>, %arg14: memref<10240xf32, #tpu.memory_space<vmem_shared>>, %arg15: memref<!tpu.dma_semaphore, #tpu.memory_space<semaphore_mem>>, %arg16: memref<!tpu.dma_semaphore, #tpu.memory_space<semaphore_mem>>, %arg17: memref<!tpu.dma_semaphore, #tpu.memory_space<semaphore_mem>>) attributes {dimension_semantics = [#tpu.dimension_semantics<core_parallel>, #tpu.dimension_semantics<subcore_parallel>], iteration_bounds = array<i64: 2, 16>, scalar_prefetch = 0 : i64, scratch_operands = 11 : i64, tpu.core_type = #tpu.core_type<sc_vector_subcore>, window_params = [{transform_indices = #map}, {transform_indices = #map1}, {transform_indices = #map1}, {transform_indices = #map2}, {transform_indices = #map2}]} {
    %mul3A = arith.constant 16 : i32
    %mul3A_0 = arith.muli %arg0, %mul3A : i32
    %add3A = arith.addi %mul3A_0, %arg1 : i32
    %mul3A_1 = arith.constant 640 : i32
    %mul3A_2 = arith.muli %arg1, %mul3A_1 : i32
    %multiple_of3A = tpu.assume_multiple %mul3A_2, 128 : i32
    %broadcast_in_dim3A = arith.constant 0.000000e+00 : f32
    %broadcast_in_dim3A_3 = vector.broadcast %broadcast_in_dim3A : f32 to vector<16xf32>
    %scan3A = arith.constant 0 : i32
    %scan3A_4 = arith.constant 0 : i32
    %scan3A_5 = arith.constant 128 : i32
    %scan3A_6 = arith.addi %scan3A_4, %scan3A_5 : i32
    %scan3A_7 = arith.constant 1 : i32
    scf.for %scan3A_255 = %scan3A_4 to %scan3A_6 step %scan3A_7  : i32 {
      %swap3A_256 = arith.index_cast %scan3A_255 : i32 to index
      %swap3A_257 = arith.constant 0 : index
      %swap3A_258 = tpu.vector_load %arg9[%swap3A_256, %swap3A_257] {strides = array<i32>} : memref<128x128xf32, #tpu.memory_space<vmem>>, vector<1x16xf32>,
      %swap3A_259 = vector.shape_cast %swap3A_258 : vector<1x16xf32> to vector<16xf32>
      %swap3A_260 = vector.shape_cast %broadcast_in_dim3A_3 : vector<16xf32> to vector<1x16xf32>
      tpu.vector_store %arg9[%swap3A_256, %swap3A_257], %swap3A_260 {strides = array<i32>} : memref<128x128xf32, #tpu.memory_space<vmem>>, vector<1x16xf32>,
      %swap3A_261 = arith.index_cast %scan3A_255 : i32 to index
      %swap3A_262 = arith.constant 16 : index
      %swap3A_263 = tpu.vector_load %arg9[%swap3A_261, %swap3A_262] {strides = array<i32>} : memref<128x128xf32, #tpu.memory_space<vmem>>, vector<1x16xf32>,
      %swap3A_264 = vector.shape_cast %swap3A_263 : vector<1x16xf32> to vector<16xf32>
      %swap3A_265 = vector.shape_cast %broadcast_in_dim3A_3 : vector<16xf32> to vector<1x16xf32>
      tpu.vector_store %arg9[%swap3A_261, %swap3A_262], %swap3A_265 {strides = array<i32>} : memref<128x128xf32, #tpu.memory_space<vmem>>, vector<1x16xf32>,
      %swap3A_266 = arith.index_cast %scan3A_255 : i32 to index
      %swap3A_267 = arith.constant 32 : index
      %swap3A_268 = tpu.vector_load %arg9[%swap3A_266, %swap3A_267] {strides = array<i32>} : memref<128x128xf32, #tpu.memory_space<vmem>>, vector<1x16xf32>,
      %swap3A_269 = vector.shape_cast %swap3A_268 : vector<1x16xf32> to vector<16xf32>
      %swap3A_270 = vector.shape_cast %broadcast_in_dim3A_3 : vector<16xf32> to vector<1x16xf32>
      tpu.vector_store %arg9[%swap3A_266, %swap3A_267], %swap3A_270 {strides = array<i32>} : memref<128x128xf32, #tpu.memory_space<vmem>>, vector<1x16xf32>,
      %swap3A_271 = arith.index_cast %scan3A_255 : i32 to index
      %swap3A_272 = arith.constant 48 : index
      %swap3A_273 = tpu.vector_load %arg9[%swap3A_271, %swap3A_272] {strides = array<i32>} : memref<128x128xf32, #tpu.memory_space<vmem>>, vector<1x16xf32>,
      %swap3A_274 = vector.shape_cast %swap3A_273 : vector<1x16xf32> to vector<16xf32>
      %swap3A_275 = vector.shape_cast %broadcast_in_dim3A_3 : vector<16xf32> to vector<1x16xf32>
      tpu.vector_store %arg9[%swap3A_271, %swap3A_272], %swap3A_275 {strides = array<i32>} : memref<128x128xf32, #tpu.memory_space<vmem>>, vector<1x16xf32>,
      %swap3A_276 = arith.index_cast %scan3A_255 : i32 to index
      %swap3A_277 = arith.constant 64 : index
      %swap3A_278 = tpu.vector_load %arg9[%swap3A_276, %swap3A_277] {strides = array<i32>} : memref<128x128xf32, #tpu.memory_space<vmem>>, vector<1x16xf32>,
      %swap3A_279 = vector.shape_cast %swap3A_278 : vector<1x16xf32> to vector<16xf32>
      %swap3A_280 = vector.shape_cast %broadcast_in_dim3A_3 : vector<16xf32> to vector<1x16xf32>
      tpu.vector_store %arg9[%swap3A_276, %swap3A_277], %swap3A_280 {strides = array<i32>} : memref<128x128xf32, #tpu.memory_space<vmem>>, vector<1x16xf32>,
      %swap3A_281 = arith.index_cast %scan3A_255 : i32 to index
      %swap3A_282 = arith.constant 80 : index
      %swap3A_283 = tpu.vector_load %arg9[%swap3A_281, %swap3A_282] {strides = array<i32>} : memref<128x128xf32, #tpu.memory_space<vmem>>, vector<1x16xf32>,
      %swap3A_284 = vector.shape_cast %swap3A_283 : vector<1x16xf32> to vector<16xf32>
      %swap3A_285 = vector.shape_cast %broadcast_in_dim3A_3 : vector<16xf32> to vector<1x16xf32>
      tpu.vector_store %arg9[%swap3A_281, %swap3A_282], %swap3A_285 {strides = array<i32>} : memref<128x128xf32, #tpu.memory_space<vmem>>, vector<1x16xf32>,
      %swap3A_286 = arith.index_cast %scan3A_255 : i32 to index
      %swap3A_287 = arith.constant 96 : index
      %swap3A_288 = tpu.vector_load %arg9[%swap3A_286, %swap3A_287] {strides = array<i32>} : memref<128x128xf32, #tpu.memory_space<vmem>>, vector<1x16xf32>,
      %swap3A_289 = vector.shape_cast %swap3A_288 : vector<1x16xf32> to vector<16xf32>
      %swap3A_290 = vector.shape_cast %broadcast_in_dim3A_3 : vector<16xf32> to vector<1x16xf32>
      tpu.vector_store %arg9[%swap3A_286, %swap3A_287], %swap3A_290 {strides = array<i32>} : memref<128x128xf32, #tpu.memory_space<vmem>>, vector<1x16xf32>,
      %swap3A_291 = arith.index_cast %scan3A_255 : i32 to index
      %swap3A_292 = arith.constant 112 : index
      %swap3A_293 = tpu.vector_load %arg9[%swap3A_291, %swap3A_292] {strides = array<i32>} : memref<128x128xf32, #tpu.memory_space<vmem>>, vector<1x16xf32>,
      %swap3A_294 = vector.shape_cast %swap3A_293 : vector<1x16xf32> to vector<16xf32>
      %swap3A_295 = vector.shape_cast %broadcast_in_dim3A_3 : vector<16xf32> to vector<1x16xf32>
      tpu.vector_store %arg9[%swap3A_291, %swap3A_292], %swap3A_295 {strides = array<i32>} : memref<128x128xf32, #tpu.memory_space<vmem>>, vector<1x16xf32>,
    }
    %scan3A_8 = arith.constant 128 : i32
    %swap3A = arith.constant 0 : index
    %swap3A_9 = tpu.vector_load %arg12[%swap3A] {strides = array<i32>} : memref<640xf32, #tpu.memory_space<vmem>>, vector<16xf32>,
    %swap3A_10 = vector.shape_cast %swap3A_9 : vector<16xf32> to vector<16xf32>
    %swap3A_11 = vector.shape_cast %broadcast_in_dim3A_3 : vector<16xf32> to vector<16xf32>
    tpu.vector_store %arg12[%swap3A], %swap3A_11 {strides = array<i32>} : memref<640xf32, #tpu.memory_space<vmem>>, vector<16xf32>,
    %swap3A_12 = arith.constant 16 : index
    %swap3A_13 = tpu.vector_load %arg12[%swap3A_12] {strides = array<i32>} : memref<640xf32, #tpu.memory_space<vmem>>, vector<16xf32>,
    %swap3A_14 = vector.shape_cast %swap3A_13 : vector<16xf32> to vector<16xf32>
    %swap3A_15 = vector.shape_cast %broadcast_in_dim3A_3 : vector<16xf32> to vector<16xf32>
    tpu.vector_store %arg12[%swap3A_12], %swap3A_15 {strides = array<i32>} : memref<640xf32, #tpu.memory_space<vmem>>, vector<16xf32>,
    %swap3A_16 = arith.constant 32 : index
    %swap3A_17 = tpu.vector_load %arg12[%swap3A_16] {strides = array<i32>} : memref<640xf32, #tpu.memory_space<vmem>>, vector<16xf32>,
    %swap3A_18 = vector.shape_cast %swap3A_17 : vector<16xf32> to vector<16xf32>
    %swap3A_19 = vector.shape_cast %broadcast_in_dim3A_3 : vector<16xf32> to vector<16xf32>
    tpu.vector_store %arg12[%swap3A_16], %swap3A_19 {strides = array<i32>} : memref<640xf32, #tpu.memory_space<vmem>>, vector<16xf32>,
    %swap3A_20 = arith.constant 48 : index
    %swap3A_21 = tpu.vector_load %arg12[%swap3A_20] {strides = array<i32>} : memref<640xf32, #tpu.memory_space<vmem>>, vector<16xf32>,
    %swap3A_22 = vector.shape_cast %swap3A_21 : vector<16xf32> to vector<16xf32>
    %swap3A_23 = vector.shape_cast %broadcast_in_dim3A_3 : vector<16xf32> to vector<16xf32>
    tpu.vector_store %arg12[%swap3A_20], %swap3A_23 {strides = array<i32>} : memref<640xf32, #tpu.memory_space<vmem>>, vector<16xf32>,
    %swap3A_24 = arith.constant 64 : index
    %swap3A_25 = tpu.vector_load %arg12[%swap3A_24] {strides = array<i32>} : memref<640xf32, #tpu.memory_space<vmem>>, vector<16xf32>,
    %swap3A_26 = vector.shape_cast %swap3A_25 : vector<16xf32> to vector<16xf32>
    %swap3A_27 = vector.shape_cast %broadcast_in_dim3A_3 : vector<16xf32> to vector<16xf32>
    tpu.vector_store %arg12[%swap3A_24], %swap3A_27 {strides = array<i32>} : memref<640xf32, #tpu.memory_space<vmem>>, vector<16xf32>,
    %swap3A_28 = arith.constant 80 : index
    %swap3A_29 = tpu.vector_load %arg12[%swap3A_28] {strides = array<i32>} : memref<640xf32, #tpu.memory_space<vmem>>, vector<16xf32>,
    %swap3A_30 = vector.shape_cast %swap3A_29 : vector<16xf32> to vector<16xf32>
    %swap3A_31 = vector.shape_cast %broadcast_in_dim3A_3 : vector<16xf32> to vector<16xf32>
    tpu.vector_store %arg12[%swap3A_28], %swap3A_31 {strides = array<i32>} : memref<640xf32, #tpu.memory_space<vmem>>, vector<16xf32>,
    %swap3A_32 = arith.constant 96 : index
    %swap3A_33 = tpu.vector_load %arg12[%swap3A_32] {strides = array<i32>} : memref<640xf32, #tpu.memory_space<vmem>>, vector<16xf32>,
    %swap3A_34 = vector.shape_cast %swap3A_33 : vector<16xf32> to vector<16xf32>
    %swap3A_35 = vector.shape_cast %broadcast_in_dim3A_3 : vector<16xf32> to vector<16xf32>
    tpu.vector_store %arg12[%swap3A_32], %swap3A_35 {strides = array<i32>} : memref<640xf32, #tpu.memory_space<vmem>>, vector<16xf32>,
    %swap3A_36 = arith.constant 112 : index
    %swap3A_37 = tpu.vector_load %arg12[%swap3A_36] {strides = array<i32>} : memref<640xf32, #tpu.memory_space<vmem>>, vector<16xf32>,
    %swap3A_38 = vector.shape_cast %swap3A_37 : vector<16xf32> to vector<16xf32>
    %swap3A_39 = vector.shape_cast %broadcast_in_dim3A_3 : vector<16xf32> to vector<16xf32>
    tpu.vector_store %arg12[%swap3A_36], %swap3A_39 {strides = array<i32>} : memref<640xf32, #tpu.memory_space<vmem>>, vector<16xf32>,
    %swap3A_40 = arith.constant 128 : index
    %swap3A_41 = tpu.vector_load %arg12[%swap3A_40] {strides = array<i32>} : memref<640xf32, #tpu.memory_space<vmem>>, vector<16xf32>,
    %swap3A_42 = vector.shape_cast %swap3A_41 : vector<16xf32> to vector<16xf32>
    %swap3A_43 = vector.shape_cast %broadcast_in_dim3A_3 : vector<16xf32> to vector<16xf32>
    tpu.vector_store %arg12[%swap3A_40], %swap3A_43 {strides = array<i32>} : memref<640xf32, #tpu.memory_space<vmem>>, vector<16xf32>,
    %swap3A_44 = arith.constant 144 : index
    %swap3A_45 = tpu.vector_load %arg12[%swap3A_44] {strides = array<i32>} : memref<640xf32, #tpu.memory_space<vmem>>, vector<16xf32>,
    %swap3A_46 = vector.shape_cast %swap3A_45 : vector<16xf32> to vector<16xf32>
    %swap3A_47 = vector.shape_cast %broadcast_in_dim3A_3 : vector<16xf32> to vector<16xf32>
    tpu.vector_store %arg12[%swap3A_44], %swap3A_47 {strides = array<i32>} : memref<640xf32, #tpu.memory_space<vmem>>, vector<16xf32>,
    %swap3A_48 = arith.constant 160 : index
    %swap3A_49 = tpu.vector_load %arg12[%swap3A_48] {strides = array<i32>} : memref<640xf32, #tpu.memory_space<vmem>>, vector<16xf32>,
    %swap3A_50 = vector.shape_cast %swap3A_49 : vector<16xf32> to vector<16xf32>
    %swap3A_51 = vector.shape_cast %broadcast_in_dim3A_3 : vector<16xf32> to vector<16xf32>
    tpu.vector_store %arg12[%swap3A_48], %swap3A_51 {strides = array<i32>} : memref<640xf32, #tpu.memory_space<vmem>>, vector<16xf32>,
    %swap3A_52 = arith.constant 176 : index
    %swap3A_53 = tpu.vector_load %arg12[%swap3A_52] {strides = array<i32>} : memref<640xf32, #tpu.memory_space<vmem>>, vector<16xf32>,
    %swap3A_54 = vector.shape_cast %swap3A_53 : vector<16xf32> to vector<16xf32>
    %swap3A_55 = vector.shape_cast %broadcast_in_dim3A_3 : vector<16xf32> to vector<16xf32>
    tpu.vector_store %arg12[%swap3A_52], %swap3A_55 {strides = array<i32>} : memref<640xf32, #tpu.memory_space<vmem>>, vector<16xf32>,
    %swap3A_56 = arith.constant 192 : index
    %swap3A_57 = tpu.vector_load %arg12[%swap3A_56] {strides = array<i32>} : memref<640xf32, #tpu.memory_space<vmem>>, vector<16xf32>,
    %swap3A_58 = vector.shape_cast %swap3A_57 : vector<16xf32> to vector<16xf32>
    %swap3A_59 = vector.shape_cast %broadcast_in_dim3A_3 : vector<16xf32> to vector<16xf32>
    tpu.vector_store %arg12[%swap3A_56], %swap3A_59 {strides = array<i32>} : memref<640xf32, #tpu.memory_space<vmem>>, vector<16xf32>,
    %swap3A_60 = arith.constant 208 : index
    %swap3A_61 = tpu.vector_load %arg12[%swap3A_60] {strides = array<i32>} : memref<640xf32, #tpu.memory_space<vmem>>, vector<16xf32>,
    %swap3A_62 = vector.shape_cast %swap3A_61 : vector<16xf32> to vector<16xf32>
    %swap3A_63 = vector.shape_cast %broadcast_in_dim3A_3 : vector<16xf32> to vector<16xf32>
    tpu.vector_store %arg12[%swap3A_60], %swap3A_63 {strides = array<i32>} : memref<640xf32, #tpu.memory_space<vmem>>, vector<16xf32>,
    %swap3A_64 = arith.constant 224 : index
    %swap3A_65 = tpu.vector_load %arg12[%swap3A_64] {strides = array<i32>} : memref<640xf32, #tpu.memory_space<vmem>>, vector<16xf32>,
    %swap3A_66 = vector.shape_cast %swap3A_65 : vector<16xf32> to vector<16xf32>
    %swap3A_67 = vector.shape_cast %broadcast_in_dim3A_3 : vector<16xf32> to vector<16xf32>
    tpu.vector_store %arg12[%swap3A_64], %swap3A_67 {strides = array<i32>} : memref<640xf32, #tpu.memory_space<vmem>>, vector<16xf32>,
    %swap3A_68 = arith.constant 240 : index
    %swap3A_69 = tpu.vector_load %arg12[%swap3A_68] {strides = array<i32>} : memref<640xf32, #tpu.memory_space<vmem>>, vector<16xf32>,
    %swap3A_70 = vector.shape_cast %swap3A_69 : vector<16xf32> to vector<16xf32>
    %swap3A_71 = vector.shape_cast %broadcast_in_dim3A_3 : vector<16xf32> to vector<16xf32>
    tpu.vector_store %arg12[%swap3A_68], %swap3A_71 {strides = array<i32>} : memref<640xf32, #tpu.memory_space<vmem>>, vector<16xf32>,
    %swap3A_72 = arith.constant 256 : index
    %swap3A_73 = tpu.vector_load %arg12[%swap3A_72] {strides = array<i32>} : memref<640xf32, #tpu.memory_space<vmem>>, vector<16xf32>,
    %swap3A_74 = vector.shape_cast %swap3A_73 : vector<16xf32> to vector<16xf32>
    %swap3A_75 = vector.shape_cast %broadcast_in_dim3A_3 : vector<16xf32> to vector<16xf32>
    tpu.vector_store %arg12[%swap3A_72], %swap3A_75 {strides = array<i32>} : memref<640xf32, #tpu.memory_space<vmem>>, vector<16xf32>,
    %swap3A_76 = arith.constant 272 : index
    %swap3A_77 = tpu.vector_load %arg12[%swap3A_76] {strides = array<i32>} : memref<640xf32, #tpu.memory_space<vmem>>, vector<16xf32>,
    %swap3A_78 = vector.shape_cast %swap3A_77 : vector<16xf32> to vector<16xf32>
    %swap3A_79 = vector.shape_cast %broadcast_in_dim3A_3 : vector<16xf32> to vector<16xf32>
    tpu.vector_store %arg12[%swap3A_76], %swap3A_79 {strides = array<i32>} : memref<640xf32, #tpu.memory_space<vmem>>, vector<16xf32>,
    %swap3A_80 = arith.constant 288 : index
    %swap3A_81 = tpu.vector_load %arg12[%swap3A_80] {strides = array<i32>} : memref<640xf32, #tpu.memory_space<vmem>>, vector<16xf32>,
    %swap3A_82 = vector.shape_cast %swap3A_81 : vector<16xf32> to vector<16xf32>
    %swap3A_83 = vector.shape_cast %broadcast_in_dim3A_3 : vector<16xf32> to vector<16xf32>
    tpu.vector_store %arg12[%swap3A_80], %swap3A_83 {strides = array<i32>} : memref<640xf32, #tpu.memory_space<vmem>>, vector<16xf32>,
    %swap3A_84 = arith.constant 304 : index
    %swap3A_85 = tpu.vector_load %arg12[%swap3A_84] {strides = array<i32>} : memref<640xf32, #tpu.memory_space<vmem>>, vector<16xf32>,
    %swap3A_86 = vector.shape_cast %swap3A_85 : vector<16xf32> to vector<16xf32>
    %swap3A_87 = vector.shape_cast %broadcast_in_dim3A_3 : vector<16xf32> to vector<16xf32>
    tpu.vector_store %arg12[%swap3A_84], %swap3A_87 {strides = array<i32>} : memref<640xf32, #tpu.memory_space<vmem>>, vector<16xf32>,
    %swap3A_88 = arith.constant 320 : index
    %swap3A_89 = tpu.vector_load %arg12[%swap3A_88] {strides = array<i32>} : memref<640xf32, #tpu.memory_space<vmem>>, vector<16xf32>,
    %swap3A_90 = vector.shape_cast %swap3A_89 : vector<16xf32> to vector<16xf32>
    %swap3A_91 = vector.shape_cast %broadcast_in_dim3A_3 : vector<16xf32> to vector<16xf32>
    tpu.vector_store %arg12[%swap3A_88], %swap3A_91 {strides = array<i32>} : memref<640xf32, #tpu.memory_space<vmem>>, vector<16xf32>,
    %swap3A_92 = arith.constant 336 : index
    %swap3A_93 = tpu.vector_load %arg12[%swap3A_92] {strides = array<i32>} : memref<640xf32, #tpu.memory_space<vmem>>, vector<16xf32>,
    %swap3A_94 = vector.shape_cast %swap3A_93 : vector<16xf32> to vector<16xf32>
    %swap3A_95 = vector.shape_cast %broadcast_in_dim3A_3 : vector<16xf32> to vector<16xf32>
    tpu.vector_store %arg12[%swap3A_92], %swap3A_95 {strides = array<i32>} : memref<640xf32, #tpu.memory_space<vmem>>, vector<16xf32>,
    %swap3A_96 = arith.constant 352 : index
    %swap3A_97 = tpu.vector_load %arg12[%swap3A_96] {strides = array<i32>} : memref<640xf32, #tpu.memory_space<vmem>>, vector<16xf32>,
    %swap3A_98 = vector.shape_cast %swap3A_97 : vector<16xf32> to vector<16xf32>
    %swap3A_99 = vector.shape_cast %broadcast_in_dim3A_3 : vector<16xf32> to vector<16xf32>
    tpu.vector_store %arg12[%swap3A_96], %swap3A_99 {strides = array<i32>} : memref<640xf32, #tpu.memory_space<vmem>>, vector<16xf32>,
    %swap3A_100 = arith.constant 368 : index
    %swap3A_101 = tpu.vector_load %arg12[%swap3A_100] {strides = array<i32>} : memref<640xf32, #tpu.memory_space<vmem>>, vector<16xf32>,
    %swap3A_102 = vector.shape_cast %swap3A_101 : vector<16xf32> to vector<16xf32>
    %swap3A_103 = vector.shape_cast %broadcast_in_dim3A_3 : vector<16xf32> to vector<16xf32>
    tpu.vector_store %arg12[%swap3A_100], %swap3A_103 {strides = array<i32>} : memref<640xf32, #tpu.memory_space<vmem>>, vector<16xf32>,
    %swap3A_104 = arith.constant 384 : index
    %swap3A_105 = tpu.vector_load %arg12[%swap3A_104] {strides = array<i32>} : memref<640xf32, #tpu.memory_space<vmem>>, vector<16xf32>,
    %swap3A_106 = vector.shape_cast %swap3A_105 : vector<16xf32> to vector<16xf32>
    %swap3A_107 = vector.shape_cast %broadcast_in_dim3A_3 : vector<16xf32> to vector<16xf32>
    tpu.vector_store %arg12[%swap3A_104], %swap3A_107 {strides = array<i32>} : memref<640xf32, #tpu.memory_space<vmem>>, vector<16xf32>,
    %swap3A_108 = arith.constant 400 : index
    %swap3A_109 = tpu.vector_load %arg12[%swap3A_108] {strides = array<i32>} : memref<640xf32, #tpu.memory_space<vmem>>, vector<16xf32>,
    %swap3A_110 = vector.shape_cast %swap3A_109 : vector<16xf32> to vector<16xf32>
    %swap3A_111 = vector.shape_cast %broadcast_in_dim3A_3 : vector<16xf32> to vector<16xf32>
    tpu.vector_store %arg12[%swap3A_108], %swap3A_111 {strides = array<i32>} : memref<640xf32, #tpu.memory_space<vmem>>, vector<16xf32>,
    %swap3A_112 = arith.constant 416 : index
    %swap3A_113 = tpu.vector_load %arg12[%swap3A_112] {strides = array<i32>} : memref<640xf32, #tpu.memory_space<vmem>>, vector<16xf32>,
    %swap3A_114 = vector.shape_cast %swap3A_113 : vector<16xf32> to vector<16xf32>
    %swap3A_115 = vector.shape_cast %broadcast_in_dim3A_3 : vector<16xf32> to vector<16xf32>
    tpu.vector_store %arg12[%swap3A_112], %swap3A_115 {strides = array<i32>} : memref<640xf32, #tpu.memory_space<vmem>>, vector<16xf32>,
    %swap3A_116 = arith.constant 432 : index
    %swap3A_117 = tpu.vector_load %arg12[%swap3A_116] {strides = array<i32>} : memref<640xf32, #tpu.memory_space<vmem>>, vector<16xf32>,
    %swap3A_118 = vector.shape_cast %swap3A_117 : vector<16xf32> to vector<16xf32>
    %swap3A_119 = vector.shape_cast %broadcast_in_dim3A_3 : vector<16xf32> to vector<16xf32>
    tpu.vector_store %arg12[%swap3A_116], %swap3A_119 {strides = array<i32>} : memref<640xf32, #tpu.memory_space<vmem>>, vector<16xf32>,
    %swap3A_120 = arith.constant 448 : index
    %swap3A_121 = tpu.vector_load %arg12[%swap3A_120] {strides = array<i32>} : memref<640xf32, #tpu.memory_space<vmem>>, vector<16xf32>,
    %swap3A_122 = vector.shape_cast %swap3A_121 : vector<16xf32> to vector<16xf32>
    %swap3A_123 = vector.shape_cast %broadcast_in_dim3A_3 : vector<16xf32> to vector<16xf32>
    tpu.vector_store %arg12[%swap3A_120], %swap3A_123 {strides = array<i32>} : memref<640xf32, #tpu.memory_space<vmem>>, vector<16xf32>,
    %swap3A_124 = arith.constant 464 : index
    %swap3A_125 = tpu.vector_load %arg12[%swap3A_124] {strides = array<i32>} : memref<640xf32, #tpu.memory_space<vmem>>, vector<16xf32>,
    %swap3A_126 = vector.shape_cast %swap3A_125 : vector<16xf32> to vector<16xf32>
    %swap3A_127 = vector.shape_cast %broadcast_in_dim3A_3 : vector<16xf32> to vector<16xf32>
    tpu.vector_store %arg12[%swap3A_124], %swap3A_127 {strides = array<i32>} : memref<640xf32, #tpu.memory_space<vmem>>, vector<16xf32>,
    %swap3A_128 = arith.constant 480 : index
    %swap3A_129 = tpu.vector_load %arg12[%swap3A_128] {strides = array<i32>} : memref<640xf32, #tpu.memory_space<vmem>>, vector<16xf32>,
    %swap3A_130 = vector.shape_cast %swap3A_129 : vector<16xf32> to vector<16xf32>
    %swap3A_131 = vector.shape_cast %broadcast_in_dim3A_3 : vector<16xf32> to vector<16xf32>
    tpu.vector_store %arg12[%swap3A_128], %swap3A_131 {strides = array<i32>} : memref<640xf32, #tpu.memory_space<vmem>>, vector<16xf32>,
    %swap3A_132 = arith.constant 496 : index
    %swap3A_133 = tpu.vector_load %arg12[%swap3A_132] {strides = array<i32>} : memref<640xf32, #tpu.memory_space<vmem>>, vector<16xf32>,
    %swap3A_134 = vector.shape_cast %swap3A_133 : vector<16xf32> to vector<16xf32>
    %swap3A_135 = vector.shape_cast %broadcast_in_dim3A_3 : vector<16xf32> to vector<16xf32>
    tpu.vector_store %arg12[%swap3A_132], %swap3A_135 {strides = array<i32>} : memref<640xf32, #tpu.memory_space<vmem>>, vector<16xf32>,
    %swap3A_136 = arith.constant 512 : index
    %swap3A_137 = tpu.vector_load %arg12[%swap3A_136] {strides = array<i32>} : memref<640xf32, #tpu.memory_space<vmem>>, vector<16xf32>,
    %swap3A_138 = vector.shape_cast %swap3A_137 : vector<16xf32> to vector<16xf32>
    %swap3A_139 = vector.shape_cast %broadcast_in_dim3A_3 : vector<16xf32> to vector<16xf32>
    tpu.vector_store %arg12[%swap3A_136], %swap3A_139 {strides = array<i32>} : memref<640xf32, #tpu.memory_space<vmem>>, vector<16xf32>,
    %swap3A_140 = arith.constant 528 : index
    %swap3A_141 = tpu.vector_load %arg12[%swap3A_140] {strides = array<i32>} : memref<640xf32, #tpu.memory_space<vmem>>, vector<16xf32>,
    %swap3A_142 = vector.shape_cast %swap3A_141 : vector<16xf32> to vector<16xf32>
    %swap3A_143 = vector.shape_cast %broadcast_in_dim3A_3 : vector<16xf32> to vector<16xf32>
    tpu.vector_store %arg12[%swap3A_140], %swap3A_143 {strides = array<i32>} : memref<640xf32, #tpu.memory_space<vmem>>, vector<16xf32>,
    %swap3A_144 = arith.constant 544 : index
    %swap3A_145 = tpu.vector_load %arg12[%swap3A_144] {strides = array<i32>} : memref<640xf32, #tpu.memory_space<vmem>>, vector<16xf32>,
    %swap3A_146 = vector.shape_cast %swap3A_145 : vector<16xf32> to vector<16xf32>
    %swap3A_147 = vector.shape_cast %broadcast_in_dim3A_3 : vector<16xf32> to vector<16xf32>
    tpu.vector_store %arg12[%swap3A_144], %swap3A_147 {strides = array<i32>} : memref<640xf32, #tpu.memory_space<vmem>>, vector<16xf32>,
    %swap3A_148 = arith.constant 560 : index
    %swap3A_149 = tpu.vector_load %arg12[%swap3A_148] {strides = array<i32>} : memref<640xf32, #tpu.memory_space<vmem>>, vector<16xf32>,
    %swap3A_150 = vector.shape_cast %swap3A_149 : vector<16xf32> to vector<16xf32>
    %swap3A_151 = vector.shape_cast %broadcast_in_dim3A_3 : vector<16xf32> to vector<16xf32>
    tpu.vector_store %arg12[%swap3A_148], %swap3A_151 {strides = array<i32>} : memref<640xf32, #tpu.memory_space<vmem>>, vector<16xf32>,
    %swap3A_152 = arith.constant 576 : index
    %swap3A_153 = tpu.vector_load %arg12[%swap3A_152] {strides = array<i32>} : memref<640xf32, #tpu.memory_space<vmem>>, vector<16xf32>,
    %swap3A_154 = vector.shape_cast %swap3A_153 : vector<16xf32> to vector<16xf32>
    %swap3A_155 = vector.shape_cast %broadcast_in_dim3A_3 : vector<16xf32> to vector<16xf32>
    tpu.vector_store %arg12[%swap3A_152], %swap3A_155 {strides = array<i32>} : memref<640xf32, #tpu.memory_space<vmem>>, vector<16xf32>,
    %swap3A_156 = arith.constant 592 : index
    %swap3A_157 = tpu.vector_load %arg12[%swap3A_156] {strides = array<i32>} : memref<640xf32, #tpu.memory_space<vmem>>, vector<16xf32>,
    %swap3A_158 = vector.shape_cast %swap3A_157 : vector<16xf32> to vector<16xf32>
    %swap3A_159 = vector.shape_cast %broadcast_in_dim3A_3 : vector<16xf32> to vector<16xf32>
    tpu.vector_store %arg12[%swap3A_156], %swap3A_159 {strides = array<i32>} : memref<640xf32, #tpu.memory_space<vmem>>, vector<16xf32>,
    %swap3A_160 = arith.constant 608 : index
    %swap3A_161 = tpu.vector_load %arg12[%swap3A_160] {strides = array<i32>} : memref<640xf32, #tpu.memory_space<vmem>>, vector<16xf32>,
    %swap3A_162 = vector.shape_cast %swap3A_161 : vector<16xf32> to vector<16xf32>
    %swap3A_163 = vector.shape_cast %broadcast_in_dim3A_3 : vector<16xf32> to vector<16xf32>
    tpu.vector_store %arg12[%swap3A_160], %swap3A_163 {strides = array<i32>} : memref<640xf32, #tpu.memory_space<vmem>>, vector<16xf32>,
    %swap3A_164 = arith.constant 624 : index
    %swap3A_165 = tpu.vector_load %arg12[%swap3A_164] {strides = array<i32>} : memref<640xf32, #tpu.memory_space<vmem>>, vector<16xf32>,
    %swap3A_166 = vector.shape_cast %swap3A_165 : vector<16xf32> to vector<16xf32>
    %swap3A_167 = vector.shape_cast %broadcast_in_dim3A_3 : vector<16xf32> to vector<16xf32>
    tpu.vector_store %arg12[%swap3A_164], %swap3A_167 {strides = array<i32>} : memref<640xf32, #tpu.memory_space<vmem>>, vector<16xf32>,
    %add3A_168 = arith.constant 0 : i32
    %add3A_169 = arith.addi %multiple_of3A, %add3A_168 : i32
    "tpu.region"() ({
      %run_scoped3A_255 = tpu.sem_alloc : memref<!tpu.dma_semaphore, #tpu.memory_space<semaphore_mem>>
      %dma_start3A_256 = arith.constant 0 : i32
      %dma_start3A_257 = tpu.memref_slice %arg13[%add3A_169, %dma_start3A_256] : memref<10240x128xf32, #tpu.memory_space<vmem_shared>> -> memref<128x128xf32, #tpu.memory_space<vmem_shared>>
      %dma_start3A_258 = arith.constant 0 : i32
      %dma_start3A_259 = tpu.memref_slice %arg13[%add3A_169, %dma_start3A_258] : memref<10240x128xf32, #tpu.memory_space<vmem_shared>> -> memref<128x128xf32, #tpu.memory_space<vmem_shared>>
      tpu.enqueue_dma source(%arg9 : memref<128x128xf32, #tpu.memory_space<vmem>>) target(%dma_start3A_259 : memref<128x128xf32, #tpu.memory_space<vmem_shared>>) target_semaphore(%run_scoped3A_255 : memref<!tpu.dma_semaphore, #tpu.memory_space<semaphore_mem>>)
      %dma_wait3A_260 = arith.constant 0 : i32
      %dma_wait3A_261 = tpu.memref_slice %arg13[%add3A_169, %dma_wait3A_260] : memref<10240x128xf32, #tpu.memory_space<vmem_shared>> -> memref<128x128xf32, #tpu.memory_space<vmem_shared>>
      %dma_wait3A_262 = arith.constant 0 : i32
      %dma_wait3A_263 = tpu.memref_slice %arg13[%add3A_169, %dma_wait3A_262] : memref<10240x128xf32, #tpu.memory_space<vmem_shared>> -> memref<128x128xf32, #tpu.memory_space<vmem_shared>>
      tpu.wait_dma2 semaphore(%run_scoped3A_255 : memref<!tpu.dma_semaphore, #tpu.memory_space<semaphore_mem>>) src(%arg9 : memref<128x128xf32, #tpu.memory_space<vmem>>) dst(%dma_wait3A_263 : memref<128x128xf32, #tpu.memory_space<vmem_shared>>)
      tpu.yield
    }) : () -> ()
    %add3A_170 = arith.constant 128 : i32
    %add3A_171 = arith.addi %multiple_of3A, %add3A_170 : i32
    "tpu.region"() ({
      %run_scoped3A_255 = tpu.sem_alloc : memref<!tpu.dma_semaphore, #tpu.memory_space<semaphore_mem>>
      %dma_start3A_256 = arith.constant 0 : i32
      %dma_start3A_257 = tpu.memref_slice %arg13[%add3A_171, %dma_start3A_256] : memref<10240x128xf32, #tpu.memory_space<vmem_shared>> -> memref<128x128xf32, #tpu.memory_space<vmem_shared>>
      %dma_start3A_258 = arith.constant 0 : i32
      %dma_start3A_259 = tpu.memref_slice %arg13[%add3A_171, %dma_start3A_258] : memref<10240x128xf32, #tpu.memory_space<vmem_shared>> -> memref<128x128xf32, #tpu.memory_space<vmem_shared>>
      tpu.enqueue_dma source(%arg9 : memref<128x128xf32, #tpu.memory_space<vmem>>) target(%dma_start3A_259 : memref<128x128xf32, #tpu.memory_space<vmem_shared>>) target_semaphore(%run_scoped3A_255 : memref<!tpu.dma_semaphore, #tpu.memory_space<semaphore_mem>>)
      %dma_wait3A_260 = arith.constant 0 : i32
      %dma_wait3A_261 = tpu.memref_slice %arg13[%add3A_171, %dma_wait3A_260] : memref<10240x128xf32, #tpu.memory_space<vmem_shared>> -> memref<128x128xf32, #tpu.memory_space<vmem_shared>>
      %dma_wait3A_262 = arith.constant 0 : i32
      %dma_wait3A_263 = tpu.memref_slice %arg13[%add3A_171, %dma_wait3A_262] : memref<10240x128xf32, #tpu.memory_space<vmem_shared>> -> memref<128x128xf32, #tpu.memory_space<vmem_shared>>
      tpu.wait_dma2 semaphore(%run_scoped3A_255 : memref<!tpu.dma_semaphore, #tpu.memory_space<semaphore_mem>>) src(%arg9 : memref<128x128xf32, #tpu.memory_space<vmem>>) dst(%dma_wait3A_263 : memref<128x128xf32, #tpu.memory_space<vmem_shared>>)
      tpu.yield
    }) : () -> ()
    %add3A_172 = arith.constant 256 : i32
    %add3A_173 = arith.addi %multiple_of3A, %add3A_172 : i32
    "tpu.region"() ({
      %run_scoped3A_255 = tpu.sem_alloc : memref<!tpu.dma_semaphore, #tpu.memory_space<semaphore_mem>>
      %dma_start3A_256 = arith.constant 0 : i32
      %dma_start3A_257 = tpu.memref_slice %arg13[%add3A_173, %dma_start3A_256] : memref<10240x128xf32, #tpu.memory_space<vmem_shared>> -> memref<128x128xf32, #tpu.memory_space<vmem_shared>>
      %dma_start3A_258 = arith.constant 0 : i32
      %dma_start3A_259 = tpu.memref_slice %arg13[%add3A_173, %dma_start3A_258] : memref<10240x128xf32, #tpu.memory_space<vmem_shared>> -> memref<128x128xf32, #tpu.memory_space<vmem_shared>>
      tpu.enqueue_dma source(%arg9 : memref<128x128xf32, #tpu.memory_space<vmem>>) target(%dma_start3A_259 : memref<128x128xf32, #tpu.memory_space<vmem_shared>>) target_semaphore(%run_scoped3A_255 : memref<!tpu.dma_semaphore, #tpu.memory_space<semaphore_mem>>)
      %dma_wait3A_260 = arith.constant 0 : i32
      %dma_wait3A_261 = tpu.memref_slice %arg13[%add3A_173, %dma_wait3A_260] : memref<10240x128xf32, #tpu.memory_space<vmem_shared>> -> memref<128x128xf32, #tpu.memory_space<vmem_shared>>
      %dma_wait3A_262 = arith.constant 0 : i32
      %dma_wait3A_263 = tpu.memref_slice %arg13[%add3A_173, %dma_wait3A_262] : memref<10240x128xf32, #tpu.memory_space<vmem_shared>> -> memref<128x128xf32, #tpu.memory_space<vmem_shared>>
      tpu.wait_dma2 semaphore(%run_scoped3A_255 : memref<!tpu.dma_semaphore, #tpu.memory_space<semaphore_mem>>) src(%arg9 : memref<128x128xf32, #tpu.memory_space<vmem>>) dst(%dma_wait3A_263 : memref<128x128xf32, #tpu.memory_space<vmem_shared>>)
      tpu.yield
    }) : () -> ()
    %add3A_174 = arith.constant 384 : i32
    %add3A_175 = arith.addi %multiple_of3A, %add3A_174 : i32
    "tpu.region"() ({
      %run_scoped3A_255 = tpu.sem_alloc : memref<!tpu.dma_semaphore, #tpu.memory_space<semaphore_mem>>
      %dma_start3A_256 = arith.constant 0 : i32
      %dma_start3A_257 = tpu.memref_slice %arg13[%add3A_175, %dma_start3A_256] : memref<10240x128xf32, #tpu.memory_space<vmem_shared>> -> memref<128x128xf32, #tpu.memory_space<vmem_shared>>
      %dma_start3A_258 = arith.constant 0 : i32
      %dma_start3A_259 = tpu.memref_slice %arg13[%add3A_175, %dma_start3A_258] : memref<10240x128xf32, #tpu.memory_space<vmem_shared>> -> memref<128x128xf32, #tpu.memory_space<vmem_shared>>
      tpu.enqueue_dma source(%arg9 : memref<128x128xf32, #tpu.memory_space<vmem>>) target(%dma_start3A_259 : memref<128x128xf32, #tpu.memory_space<vmem_shared>>) target_semaphore(%run_scoped3A_255 : memref<!tpu.dma_semaphore, #tpu.memory_space<semaphore_mem>>)
      %dma_wait3A_260 = arith.constant 0 : i32
      %dma_wait3A_261 = tpu.memref_slice %arg13[%add3A_175, %dma_wait3A_260] : memref<10240x128xf32, #tpu.memory_space<vmem_shared>> -> memref<128x128xf32, #tpu.memory_space<vmem_shared>>
      %dma_wait3A_262 = arith.constant 0 : i32
      %dma_wait3A_263 = tpu.memref_slice %arg13[%add3A_175, %dma_wait3A_262] : memref<10240x128xf32, #tpu.memory_space<vmem_shared>> -> memref<128x128xf32, #tpu.memory_space<vmem_shared>>
      tpu.wait_dma2 semaphore(%run_scoped3A_255 : memref<!tpu.dma_semaphore, #tpu.memory_space<semaphore_mem>>) src(%arg9 : memref<128x128xf32, #tpu.memory_space<vmem>>) dst(%dma_wait3A_263 : memref<128x128xf32, #tpu.memory_space<vmem_shared>>)
      tpu.yield
    }) : () -> ()
    %add3A_176 = arith.constant 512 : i32
    %add3A_177 = arith.addi %multiple_of3A, %add3A_176 : i32
    "tpu.region"() ({
      %run_scoped3A_255 = tpu.sem_alloc : memref<!tpu.dma_semaphore, #tpu.memory_space<semaphore_mem>>
      %dma_start3A_256 = arith.constant 0 : i32
      %dma_start3A_257 = tpu.memref_slice %arg13[%add3A_177, %dma_start3A_256] : memref<10240x128xf32, #tpu.memory_space<vmem_shared>> -> memref<128x128xf32, #tpu.memory_space<vmem_shared>>
      %dma_start3A_258 = arith.constant 0 : i32
      %dma_start3A_259 = tpu.memref_slice %arg13[%add3A_177, %dma_start3A_258] : memref<10240x128xf32, #tpu.memory_space<vmem_shared>> -> memref<128x128xf32, #tpu.memory_space<vmem_shared>>
      tpu.enqueue_dma source(%arg9 : memref<128x128xf32, #tpu.memory_space<vmem>>) target(%dma_start3A_259 : memref<128x128xf32, #tpu.memory_space<vmem_shared>>) target_semaphore(%run_scoped3A_255 : memref<!tpu.dma_semaphore, #tpu.memory_space<semaphore_mem>>)
      %dma_wait3A_260 = arith.constant 0 : i32
      %dma_wait3A_261 = tpu.memref_slice %arg13[%add3A_177, %dma_wait3A_260] : memref<10240x128xf32, #tpu.memory_space<vmem_shared>> -> memref<128x128xf32, #tpu.memory_space<vmem_shared>>
      %dma_wait3A_262 = arith.constant 0 : i32
      %dma_wait3A_263 = tpu.memref_slice %arg13[%add3A_177, %dma_wait3A_262] : memref<10240x128xf32, #tpu.memory_space<vmem_shared>> -> memref<128x128xf32, #tpu.memory_space<vmem_shared>>
      tpu.wait_dma2 semaphore(%run_scoped3A_255 : memref<!tpu.dma_semaphore, #tpu.memory_space<semaphore_mem>>) src(%arg9 : memref<128x128xf32, #tpu.memory_space<vmem>>) dst(%dma_wait3A_263 : memref<128x128xf32, #tpu.memory_space<vmem_shared>>)
      tpu.yield
    }) : () -> ()
    "tpu.region"() ({
      %run_scoped3A_255 = tpu.sem_alloc : memref<!tpu.dma_semaphore, #tpu.memory_space<semaphore_mem>>
      %dma_start3A_256 = tpu.memref_slice %arg14[%multiple_of3A] : memref<10240xf32, #tpu.memory_space<vmem_shared>> -> memref<640xf32, #tpu.memory_space<vmem_shared>>
      %dma_start3A_257 = tpu.memref_slice %arg14[%multiple_of3A] : memref<10240xf32, #tpu.memory_space<vmem_shared>> -> memref<640xf32, #tpu.memory_space<vmem_shared>>
      tpu.enqueue_dma source(%arg12 : memref<640xf32, #tpu.memory_space<vmem>>) target(%dma_start3A_257 : memref<640xf32, #tpu.memory_space<vmem_shared>>) target_semaphore(%run_scoped3A_255 : memref<!tpu.dma_semaphore, #tpu.memory_space<semaphore_mem>>)
      %dma_wait3A_258 = tpu.memref_slice %arg14[%multiple_of3A] : memref<10240xf32, #tpu.memory_space<vmem_shared>> -> memref<640xf32, #tpu.memory_space<vmem_shared>>
      %dma_wait3A_259 = tpu.memref_slice %arg14[%multiple_of3A] : memref<10240xf32, #tpu.memory_space<vmem_shared>> -> memref<640xf32, #tpu.memory_space<vmem_shared>>
      tpu.wait_dma2 semaphore(%run_scoped3A_255 : memref<!tpu.dma_semaphore, #tpu.memory_space<semaphore_mem>>) src(%arg12 : memref<640xf32, #tpu.memory_space<vmem>>) dst(%dma_wait3A_259 : memref<640xf32, #tpu.memory_space<vmem_shared>>)
      tpu.yield
    }) : () -> ()
    %broadcast_in_dim3A_178 = arith.constant 1.000000e+00 : f32
    %broadcast_in_dim3A_179 = vector.broadcast %broadcast_in_dim3A_178 : f32 to vector<16xf32>
    %swap3A_180 = arith.constant 0 : index
    %swap3A_181 = tpu.vector_load %arg11[%swap3A_180] {strides = array<i32>} : memref<128xf32, #tpu.memory_space<vmem>>, vector<16xf32>,
    %swap3A_182 = vector.shape_cast %swap3A_181 : vector<16xf32> to vector<16xf32>
    %swap3A_183 = vector.shape_cast %broadcast_in_dim3A_179 : vector<16xf32> to vector<16xf32>
    tpu.vector_store %arg11[%swap3A_180], %swap3A_183 {strides = array<i32>} : memref<128xf32, #tpu.memory_space<vmem>>, vector<16xf32>,
    %swap3A_184 = arith.constant 16 : index
    %swap3A_185 = tpu.vector_load %arg11[%swap3A_184] {strides = array<i32>} : memref<128xf32, #tpu.memory_space<vmem>>, vector<16xf32>,
    %swap3A_186 = vector.shape_cast %swap3A_185 : vector<16xf32> to vector<16xf32>
    %swap3A_187 = vector.shape_cast %broadcast_in_dim3A_179 : vector<16xf32> to vector<16xf32>
    tpu.vector_store %arg11[%swap3A_184], %swap3A_187 {strides = array<i32>} : memref<128xf32, #tpu.memory_space<vmem>>, vector<16xf32>,
    %swap3A_188 = arith.constant 32 : index
    %swap3A_189 = tpu.vector_load %arg11[%swap3A_188] {strides = array<i32>} : memref<128xf32, #tpu.memory_space<vmem>>, vector<16xf32>,
    %swap3A_190 = vector.shape_cast %swap3A_189 : vector<16xf32> to vector<16xf32>
    %swap3A_191 = vector.shape_cast %broadcast_in_dim3A_179 : vector<16xf32> to vector<16xf32>
    tpu.vector_store %arg11[%swap3A_188], %swap3A_191 {strides = array<i32>} : memref<128xf32, #tpu.memory_space<vmem>>, vector<16xf32>,
    %swap3A_192 = arith.constant 48 : index
    %swap3A_193 = tpu.vector_load %arg11[%swap3A_192] {strides = array<i32>} : memref<128xf32, #tpu.memory_space<vmem>>, vector<16xf32>,
    %swap3A_194 = vector.shape_cast %swap3A_193 : vector<16xf32> to vector<16xf32>
    %swap3A_195 = vector.shape_cast %broadcast_in_dim3A_179 : vector<16xf32> to vector<16xf32>
    tpu.vector_store %arg11[%swap3A_192], %swap3A_195 {strides = array<i32>} : memref<128xf32, #tpu.memory_space<vmem>>, vector<16xf32>,
    %swap3A_196 = arith.constant 64 : index
    %swap3A_197 = tpu.vector_load %arg11[%swap3A_196] {strides = array<i32>} : memref<128xf32, #tpu.memory_space<vmem>>, vector<16xf32>,
    %swap3A_198 = vector.shape_cast %swap3A_197 : vector<16xf32> to vector<16xf32>
    %swap3A_199 = vector.shape_cast %broadcast_in_dim3A_179 : vector<16xf32> to vector<16xf32>
    tpu.vector_store %arg11[%swap3A_196], %swap3A_199 {strides = array<i32>} : memref<128xf32, #tpu.memory_space<vmem>>, vector<16xf32>,
    %swap3A_200 = arith.constant 80 : index
    %swap3A_201 = tpu.vector_load %arg11[%swap3A_200] {strides = array<i32>} : memref<128xf32, #tpu.memory_space<vmem>>, vector<16xf32>,
    %swap3A_202 = vector.shape_cast %swap3A_201 : vector<16xf32> to vector<16xf32>
    %swap3A_203 = vector.shape_cast %broadcast_in_dim3A_179 : vector<16xf32> to vector<16xf32>
    tpu.vector_store %arg11[%swap3A_200], %swap3A_203 {strides = array<i32>} : memref<128xf32, #tpu.memory_space<vmem>>, vector<16xf32>,
    %swap3A_204 = arith.constant 96 : index
    %swap3A_205 = tpu.vector_load %arg11[%swap3A_204] {strides = array<i32>} : memref<128xf32, #tpu.memory_space<vmem>>, vector<16xf32>,
    %swap3A_206 = vector.shape_cast %swap3A_205 : vector<16xf32> to vector<16xf32>
    %swap3A_207 = vector.shape_cast %broadcast_in_dim3A_179 : vector<16xf32> to vector<16xf32>
    tpu.vector_store %arg11[%swap3A_204], %swap3A_207 {strides = array<i32>} : memref<128xf32, #tpu.memory_space<vmem>>, vector<16xf32>,
    %swap3A_208 = arith.constant 112 : index
    %swap3A_209 = tpu.vector_load %arg11[%swap3A_208] {strides = array<i32>} : memref<128xf32, #tpu.memory_space<vmem>>, vector<16xf32>,
    %swap3A_210 = vector.shape_cast %swap3A_209 : vector<16xf32> to vector<16xf32>
    %swap3A_211 = vector.shape_cast %broadcast_in_dim3A_179 : vector<16xf32> to vector<16xf32>
    tpu.vector_store %arg11[%swap3A_208], %swap3A_211 {strides = array<i32>} : memref<128xf32, #tpu.memory_space<vmem>>, vector<16xf32>,
    %barrier3A = arith.constant 0 : index
    tpu.barrier barrier_id(%barrier3A)
    "tpu.region"() ({
      %run_scoped3A_255 = tpu.sem_alloc : memref<!tpu.dma_semaphore, #tpu.memory_space<semaphore_mem>>
      %dma_start3A_256 = arith.constant 0 : i32
      %dma_start3A_257 = arith.constant 0 : i32
      %dma_start3A_258 = arith.constant 0 : i32
      %dma_start3A_259 = tpu.memref_slice %arg3[%add3A, %dma_start3A_256, %dma_start3A_257, %dma_start3A_258] : memref<32x80x1x128xi32, #tpu.memory_space<hbm>> -> memref<1x40x1x128xi32, #tpu.memory_space<hbm>>
      %dma_start3A_260 = tpu.memref_squeeze %dma_start3A_259 : memref<1x40x1x128xi32, #tpu.memory_space<hbm>> -> memref<40x1x128xi32, #tpu.memory_space<hbm>>
      %dma_start3A_261 = arith.constant 0 : i32
      %dma_start3A_262 = arith.constant 0 : i32
      %dma_start3A_263 = arith.constant 0 : i32
      %dma_start3A_264 = tpu.memref_slice %arg3[%add3A, %dma_start3A_261, %dma_start3A_262, %dma_start3A_263] : memref<32x80x1x128xi32, #tpu.memory_space<hbm>> -> memref<1x40x1x128xi32, #tpu.memory_space<hbm>>
      %dma_start3A_265 = tpu.memref_squeeze %dma_start3A_264 : memref<1x40x1x128xi32, #tpu.memory_space<hbm>> -> memref<40x1x128xi32, #tpu.memory_space<hbm>>
      tpu.enqueue_dma source(%dma_start3A_265 : memref<40x1x128xi32, #tpu.memory_space<hbm>>) target(%arg7 : memref<40x1x128xi32, #tpu.memory_space<vmem>>) target_semaphore(%run_scoped3A_255 : memref<!tpu.dma_semaphore, #tpu.memory_space<semaphore_mem>>)
      %dma_wait3A_266 = arith.constant 0 : i32
      %dma_wait3A_267 = arith.constant 0 : i32
      %dma_wait3A_268 = arith.constant 0 : i32
      %dma_wait3A_269 = tpu.memref_slice %arg3[%add3A, %dma_wait3A_266, %dma_wait3A_267, %dma_wait3A_268] : memref<32x80x1x128xi32, #tpu.memory_space<hbm>> -> memref<1x40x1x128xi32, #tpu.memory_space<hbm>>
      %dma_wait3A_270 = tpu.memref_squeeze %dma_wait3A_269 : memref<1x40x1x128xi32, #tpu.memory_space<hbm>> -> memref<40x1x128xi32, #tpu.memory_space<hbm>>
      %dma_wait3A_271 = arith.constant 0 : i32
      %dma_wait3A_272 = arith.constant 0 : i32
      %dma_wait3A_273 = arith.constant 0 : i32
      %dma_wait3A_274 = tpu.memref_slice %arg3[%add3A, %dma_wait3A_271, %dma_wait3A_272, %dma_wait3A_273] : memref<32x80x1x128xi32, #tpu.memory_space<hbm>> -> memref<1x40x1x128xi32, #tpu.memory_space<hbm>>
      %dma_wait3A_275 = tpu.memref_squeeze %dma_wait3A_274 : memref<1x40x1x128xi32, #tpu.memory_space<hbm>> -> memref<40x1x128xi32, #tpu.memory_space<hbm>>
      tpu.wait_dma2 semaphore(%run_scoped3A_255 : memref<!tpu.dma_semaphore, #tpu.memory_space<semaphore_mem>>) src(%dma_wait3A_275 : memref<40x1x128xi32, #tpu.memory_space<hbm>>) dst(%arg7 : memref<40x1x128xi32, #tpu.memory_space<vmem>>)
      tpu.yield
    }) : () -> ()
    "tpu.region"() ({
      %run_scoped3A_255 = tpu.sem_alloc : memref<!tpu.dma_semaphore, #tpu.memory_space<semaphore_mem>>
      %dma_start3A_256 = arith.constant 0 : i32
      %dma_start3A_257 = arith.constant 0 : i32
      %dma_start3A_258 = arith.constant 0 : i32
      %dma_start3A_259 = tpu.memref_slice %arg4[%add3A, %dma_start3A_256, %dma_start3A_257, %dma_start3A_258] : memref<32x80x1x128xi32, #tpu.memory_space<hbm>> -> memref<1x40x1x128xi32, #tpu.memory_space<hbm>>
      %dma_start3A_260 = tpu.memref_squeeze %dma_start3A_259 : memref<1x40x1x128xi32, #tpu.memory_space<hbm>> -> memref<40x1x128xi32, #tpu.memory_space<hbm>>
      %dma_start3A_261 = arith.constant 0 : i32
      %dma_start3A_262 = arith.constant 0 : i32
      %dma_start3A_263 = arith.constant 0 : i32
      %dma_start3A_264 = tpu.memref_slice %arg4[%add3A, %dma_start3A_261, %dma_start3A_262, %dma_start3A_263] : memref<32x80x1x128xi32, #tpu.memory_space<hbm>> -> memref<1x40x1x128xi32, #tpu.memory_space<hbm>>
      %dma_start3A_265 = tpu.memref_squeeze %dma_start3A_264 : memref<1x40x1x128xi32, #tpu.memory_space<hbm>> -> memref<40x1x128xi32, #tpu.memory_space<hbm>>
      tpu.enqueue_dma source(%dma_start3A_265 : memref<40x1x128xi32, #tpu.memory_space<hbm>>) target(%arg8 : memref<40x1x128xi32, #tpu.memory_space<vmem>>) target_semaphore(%run_scoped3A_255 : memref<!tpu.dma_semaphore, #tpu.memory_space<semaphore_mem>>)
      %dma_wait3A_266 = arith.constant 0 : i32
      %dma_wait3A_267 = arith.constant 0 : i32
      %dma_wait3A_268 = arith.constant 0 : i32
      %dma_wait3A_269 = tpu.memref_slice %arg4[%add3A, %dma_wait3A_266, %dma_wait3A_267, %dma_wait3A_268] : memref<32x80x1x128xi32, #tpu.memory_space<hbm>> -> memref<1x40x1x128xi32, #tpu.memory_space<hbm>>
      %dma_wait3A_270 = tpu.memref_squeeze %dma_wait3A_269 : memref<1x40x1x128xi32, #tpu.memory_space<hbm>> -> memref<40x1x128xi32, #tpu.memory_space<hbm>>
      %dma_wait3A_271 = arith.constant 0 : i32
      %dma_wait3A_272 = arith.constant 0 : i32
      %dma_wait3A_273 = arith.constant 0 : i32
      %dma_wait3A_274 = tpu.memref_slice %arg4[%add3A, %dma_wait3A_271, %dma_wait3A_272, %dma_wait3A_273] : memref<32x80x1x128xi32, #tpu.memory_space<hbm>> -> memref<1x40x1x128xi32, #tpu.memory_space<hbm>>
      %dma_wait3A_275 = tpu.memref_squeeze %dma_wait3A_274 : memref<1x40x1x128xi32, #tpu.memory_space<hbm>> -> memref<40x1x128xi32, #tpu.memory_space<hbm>>
      tpu.wait_dma2 semaphore(%run_scoped3A_255 : memref<!tpu.dma_semaphore, #tpu.memory_space<semaphore_mem>>) src(%dma_wait3A_275 : memref<40x1x128xi32, #tpu.memory_space<hbm>>) dst(%arg8 : memref<40x1x128xi32, #tpu.memory_space<vmem>>)
      tpu.yield
    }) : () -> ()
    %dma_start3A = arith.constant 0 : i32
    %dma_start3A_212 = arith.constant 0 : i32
    %dma_start3A_213 = arith.constant 0 : i32
    %dma_start3A_214 = tpu.memref_slice %arg7[%dma_start3A, %dma_start3A_212, %dma_start3A_213] : memref<40x1x128xi32, #tpu.memory_space<vmem>> -> memref<1x1x128xi32, #tpu.memory_space<vmem>>
    %dma_start3A_215 = tpu.memref_squeeze %dma_start3A_214 : memref<1x1x128xi32, #tpu.memory_space<vmem>> -> memref<128xi32, #tpu.memory_space<vmem>>
    %dma_start3A_216 = arith.constant 0 : i32
    %dma_start3A_217 = arith.constant 0 : i32
    %dma_start3A_218 = tpu.memref_slice %arg2[%dma_start3A_216, %dma_start3A_217] : memref<10000x128xf32, #tpu.memory_space<hbm>> -> memref<10000x128xf32, #tpu.memory_space<hbm>>
    tpu.enqueue_indirect_dma source(%dma_start3A_218 : memref<10000x128xf32, #tpu.memory_space<hbm>>) target(%arg9 : memref<128x128xf32, #tpu.memory_space<vmem>>) offsets(%dma_start3A_215 : memref<128xi32, #tpu.memory_space<vmem>>) semaphore(%arg15 : memref<!tpu.dma_semaphore, #tpu.memory_space<semaphore_mem>>)
    %scan3A_219 = arith.constant 0 : i32
    %scan3A_220 = arith.constant 0 : i32
    %scan3A_221 = arith.constant 20 : i32
    %scan3A_222 = arith.addi %scan3A_220, %scan3A_221 : i32
    %scan3A_223 = arith.constant 1 : i32
    scf.for %scan3A_255 = %scan3A_220 to %scan3A_222 step %scan3A_223  : i32 {
      %mul3A_256 = arith.constant 2 : i32
      %mul3A_257 = arith.muli %scan3A_255, %mul3A_256 : i32
      %add3A_258 = arith.constant 1 : i32
      %add3A_259 = arith.addi %mul3A_257, %add3A_258 : i32
      %dma_start3A_260 = arith.constant 0 : i32
      %dma_start3A_261 = arith.constant 0 : i32
      %dma_start3A_262 = tpu.memref_slice %arg7[%add3A_259, %dma_start3A_260, %dma_start3A_261] : memref<40x1x128xi32, #tpu.memory_space<vmem>> -> memref<1x1x128xi32, #tpu.memory_space<vmem>>
      %dma_start3A_263 = tpu.memref_squeeze %dma_start3A_262 : memref<1x1x128xi32, #tpu.memory_space<vmem>> -> memref<128xi32, #tpu.memory_space<vmem>>
      %dma_start3A_264 = arith.constant 0 : i32
      %dma_start3A_265 = arith.constant 0 : i32
      %dma_start3A_266 = tpu.memref_slice %arg2[%dma_start3A_264, %dma_start3A_265] : memref<10000x128xf32, #tpu.memory_space<hbm>> -> memref<10000x128xf32, #tpu.memory_space<hbm>>
      tpu.enqueue_indirect_dma source(%dma_start3A_266 : memref<10000x128xf32, #tpu.memory_space<hbm>>) target(%arg10 : memref<128x128xf32, #tpu.memory_space<vmem>>) offsets(%dma_start3A_263 : memref<128xi32, #tpu.memory_space<vmem>>) semaphore(%arg16 : memref<!tpu.dma_semaphore, #tpu.memory_space<semaphore_mem>>)
      %dma_wait3A_267 = arith.constant 0 : i32
      %dma_wait3A_268 = arith.constant 0 : i32
      %dma_wait3A_269 = tpu.memref_slice %arg7[%mul3A_257, %dma_wait3A_267, %dma_wait3A_268] : memref<40x1x128xi32, #tpu.memory_space<vmem>> -> memref<1x1x128xi32, #tpu.memory_space<vmem>>
      %dma_wait3A_270 = tpu.memref_squeeze %dma_wait3A_269 : memref<1x1x128xi32, #tpu.memory_space<vmem>> -> memref<128xi32, #tpu.memory_space<vmem>>
      %dma_wait3A_271 = arith.constant 0 : i32
      %dma_wait3A_272 = arith.constant 0 : i32
      %dma_wait3A_273 = tpu.memref_slice %arg2[%dma_wait3A_271, %dma_wait3A_272] : memref<10000x128xf32, #tpu.memory_space<hbm>> -> memref<10000x128xf32, #tpu.memory_space<hbm>>
      tpu.wait_indirect_dma semaphore(%arg15 : memref<!tpu.dma_semaphore, #tpu.memory_space<semaphore_mem>>) src(%dma_wait3A_273 : memref<10000x128xf32, #tpu.memory_space<hbm>>) dst(%arg9 : memref<128x128xf32, #tpu.memory_space<vmem>>)
      %dma_start3A_274 = arith.constant 0 : i32
      %dma_start3A_275 = arith.constant 0 : i32
      %dma_start3A_276 = tpu.memref_slice %arg8[%mul3A_257, %dma_start3A_274, %dma_start3A_275] : memref<40x1x128xi32, #tpu.memory_space<vmem>> -> memref<1x1x128xi32, #tpu.memory_space<vmem>>
      %dma_start3A_277 = tpu.memref_squeeze %dma_start3A_276 : memref<1x1x128xi32, #tpu.memory_space<vmem>> -> memref<128xi32, #tpu.memory_space<vmem>>
      %dma_start3A_278 = arith.constant 0 : i32
      %dma_start3A_279 = tpu.memref_slice %arg14[%dma_start3A_278] : memref<10240xf32, #tpu.memory_space<vmem_shared>> -> memref<10240xf32, #tpu.memory_space<vmem_shared>>
      tpu.enqueue_indirect_dma source(%arg11 : memref<128xf32, #tpu.memory_space<vmem>>) target(%dma_start3A_279 : memref<10240xf32, #tpu.memory_space<vmem_shared>>) offsets(%dma_start3A_277 : memref<128xi32, #tpu.memory_space<vmem>>) semaphore(%arg17 : memref<!tpu.dma_semaphore, #tpu.memory_space<semaphore_mem>>) {add = true}
      %run_scoped3A_280 = arith.constant 0 : i32
      "tpu.region"() ({
        %run_scoped3A_317 = tpu.sem_alloc : memref<!tpu.dma_semaphore, #tpu.memory_space<semaphore_mem>>
        %dma_start3A_318 = arith.constant 0 : i32
        %dma_start3A_319 = tpu.memref_slice %arg8[%mul3A_257, %run_scoped3A_280, %dma_start3A_318] : memref<40x1x128xi32, #tpu.memory_space<vmem>> -> memref<1x1x128xi32, #tpu.memory_space<vmem>>
        %dma_start3A_320 = tpu.memref_squeeze %dma_start3A_319 : memref<1x1x128xi32, #tpu.memory_space<vmem>> -> memref<128xi32, #tpu.memory_space<vmem>>
        %dma_start3A_321 = arith.constant 0 : i32
        %dma_start3A_322 = arith.constant 0 : i32
        %dma_start3A_323 = tpu.memref_slice %arg13[%dma_start3A_321, %dma_start3A_322] : memref<10240x128xf32, #tpu.memory_space<vmem_shared>> -> memref<10240x128xf32, #tpu.memory_space<vmem_shared>>
        tpu.enqueue_indirect_dma source(%arg9 : memref<128x128xf32, #tpu.memory_space<vmem>>) target(%dma_start3A_323 : memref<10240x128xf32, #tpu.memory_space<vmem_shared>>) offsets(%dma_start3A_320 : memref<128xi32, #tpu.memory_space<vmem>>) semaphore(%run_scoped3A_317 : memref<!tpu.dma_semaphore, #tpu.memory_space<semaphore_mem>>) {add = true}
        %dma_wait3A_324 = arith.constant 0 : i32
        %dma_wait3A_325 = tpu.memref_slice %arg8[%mul3A_257, %run_scoped3A_280, %dma_wait3A_324] : memref<40x1x128xi32, #tpu.memory_space<vmem>> -> memref<1x1x128xi32, #tpu.memory_space<vmem>>
        %dma_wait3A_326 = tpu.memref_squeeze %dma_wait3A_325 : memref<1x1x128xi32, #tpu.memory_space<vmem>> -> memref<128xi32, #tpu.memory_space<vmem>>
        %dma_wait3A_327 = arith.constant 0 : i32
        %dma_wait3A_328 = arith.constant 0 : i32
        %dma_wait3A_329 = tpu.memref_slice %arg13[%dma_wait3A_327, %dma_wait3A_328] : memref<10240x128xf32, #tpu.memory_space<vmem_shared>> -> memref<10240x128xf32, #tpu.memory_space<vmem_shared>>
        tpu.wait_indirect_dma semaphore(%run_scoped3A_317 : memref<!tpu.dma_semaphore, #tpu.memory_space<semaphore_mem>>) src(%arg9 : memref<128x128xf32, #tpu.memory_space<vmem>>) dst(%dma_wait3A_329 : memref<10240x128xf32, #tpu.memory_space<vmem_shared>>)
        tpu.yield
      }) : () -> ()
      %dma_wait3A_281 = arith.constant 0 : i32
      %dma_wait3A_282 = arith.constant 0 : i32
      %dma_wait3A_283 = tpu.memref_slice %arg8[%mul3A_257, %dma_wait3A_281, %dma_wait3A_282] : memref<40x1x128xi32, #tpu.memory_space<vmem>> -> memref<1x1x128xi32, #tpu.memory_space<vmem>>
      %dma_wait3A_284 = tpu.memref_squeeze %dma_wait3A_283 : memref<1x1x128xi32, #tpu.memory_space<vmem>> -> memref<128xi32, #tpu.memory_space<vmem>>
      %dma_wait3A_285 = arith.constant 0 : i32
      %dma_wait3A_286 = tpu.memref_slice %arg14[%dma_wait3A_285] : memref<10240xf32, #tpu.memory_space<vmem_shared>> -> memref<10240xf32, #tpu.memory_space<vmem_shared>>
      tpu.wait_indirect_dma semaphore(%arg17 : memref<!tpu.dma_semaphore, #tpu.memory_space<semaphore_mem>>) src(%arg11 : memref<128xf32, #tpu.memory_space<vmem>>) dst(%dma_wait3A_286 : memref<10240xf32, #tpu.memory_space<vmem_shared>>)
      %add3A_287 = arith.constant 1 : i32
      %add3A_288 = arith.addi %add3A_259, %add3A_287 : i32
      %min3A = arith.constant 39 : i32
      %min3A_289 = arith.minsi %add3A_288, %min3A : i32
      %dma_start3A_290 = arith.constant 0 : i32
      %dma_start3A_291 = arith.constant 0 : i32
      %dma_start3A_292 = tpu.memref_slice %arg7[%min3A_289, %dma_start3A_290, %dma_start3A_291] : memref<40x1x128xi32, #tpu.memory_space<vmem>> -> memref<1x1x128xi32, #tpu.memory_space<vmem>>
      %dma_start3A_293 = tpu.memref_squeeze %dma_start3A_292 : memref<1x1x128xi32, #tpu.memory_space<vmem>> -> memref<128xi32, #tpu.memory_space<vmem>>
      %dma_start3A_294 = arith.constant 0 : i32
      %dma_start3A_295 = arith.constant 0 : i32
      %dma_start3A_296 = tpu.memref_slice %arg2[%dma_start3A_294, %dma_start3A_295] : memref<10000x128xf32, #tpu.memory_space<hbm>> -> memref<10000x128xf32, #tpu.memory_space<hbm>>
      tpu.enqueue_indirect_dma source(%dma_start3A_296 : memref<10000x128xf32, #tpu.memory_space<hbm>>) target(%arg9 : memref<128x128xf32, #tpu.memory_space<vmem>>) offsets(%dma_start3A_293 : memref<128xi32, #tpu.memory_space<vmem>>) semaphore(%arg15 : memref<!tpu.dma_semaphore, #tpu.memory_space<semaphore_mem>>)
      %dma_wait3A_297 = arith.constant 0 : i32
      %dma_wait3A_298 = arith.constant 0 : i32
      %dma_wait3A_299 = tpu.memref_slice %arg7[%add3A_259, %dma_wait3A_297, %dma_wait3A_298] : memref<40x1x128xi32, #tpu.memory_space<vmem>> -> memref<1x1x128xi32, #tpu.memory_space<vmem>>
      %dma_wait3A_300 = tpu.memref_squeeze %dma_wait3A_299 : memref<1x1x128xi32, #tpu.memory_space<vmem>> -> memref<128xi32, #tpu.memory_space<vmem>>
      %dma_wait3A_301 = arith.constant 0 : i32
      %dma_wait3A_302 = arith.constant 0 : i32
      %dma_wait3A_303 = tpu.memref_slice %arg2[%dma_wait3A_301, %dma_wait3A_302] : memref<10000x128xf32, #tpu.memory_space<hbm>> -> memref<10000x128xf32, #tpu.memory_space<hbm>>
      tpu.wait_indirect_dma semaphore(%arg16 : memref<!tpu.dma_semaphore, #tpu.memory_space<semaphore_mem>>) src(%dma_wait3A_303 : memref<10000x128xf32, #tpu.memory_space<hbm>>) dst(%arg10 : memref<128x128xf32, #tpu.memory_space<vmem>>)
      %dma_start3A_304 = arith.constant 0 : i32
      %dma_start3A_305 = arith.constant 0 : i32
      %dma_start3A_306 = tpu.memref_slice %arg8[%add3A_259, %dma_start3A_304, %dma_start3A_305] : memref<40x1x128xi32, #tpu.memory_space<vmem>> -> memref<1x1x128xi32, #tpu.memory_space<vmem>>
      %dma_start3A_307 = tpu.memref_squeeze %dma_start3A_306 : memref<1x1x128xi32, #tpu.memory_space<vmem>> -> memref<128xi32, #tpu.memory_space<vmem>>
      %dma_start3A_308 = arith.constant 0 : i32
      %dma_start3A_309 = tpu.memref_slice %arg14[%dma_start3A_308] : memref<10240xf32, #tpu.memory_space<vmem_shared>> -> memref<10240xf32, #tpu.memory_space<vmem_shared>>
      tpu.enqueue_indirect_dma source(%arg11 : memref<128xf32, #tpu.memory_space<vmem>>) target(%dma_start3A_309 : memref<10240xf32, #tpu.memory_space<vmem_shared>>) offsets(%dma_start3A_307 : memref<128xi32, #tpu.memory_space<vmem>>) semaphore(%arg17 : memref<!tpu.dma_semaphore, #tpu.memory_space<semaphore_mem>>) {add = true}
      %run_scoped3A_310 = arith.constant 0 : i32
      "tpu.region"() ({
        %run_scoped3A_317 = tpu.sem_alloc : memref<!tpu.dma_semaphore, #tpu.memory_space<semaphore_mem>>
        %dma_start3A_318 = arith.constant 0 : i32
        %dma_start3A_319 = tpu.memref_slice %arg8[%add3A_259, %run_scoped3A_310, %dma_start3A_318] : memref<40x1x128xi32, #tpu.memory_space<vmem>> -> memref<1x1x128xi32, #tpu.memory_space<vmem>>
        %dma_start3A_320 = tpu.memref_squeeze %dma_start3A_319 : memref<1x1x128xi32, #tpu.memory_space<vmem>> -> memref<128xi32, #tpu.memory_space<vmem>>
        %dma_start3A_321 = arith.constant 0 : i32
        %dma_start3A_322 = arith.constant 0 : i32
        %dma_start3A_323 = tpu.memref_slice %arg13[%dma_start3A_321, %dma_start3A_322] : memref<10240x128xf32, #tpu.memory_space<vmem_shared>> -> memref<10240x128xf32, #tpu.memory_space<vmem_shared>>
        tpu.enqueue_indirect_dma source(%arg10 : memref<128x128xf32, #tpu.memory_space<vmem>>) target(%dma_start3A_323 : memref<10240x128xf32, #tpu.memory_space<vmem_shared>>) offsets(%dma_start3A_320 : memref<128xi32, #tpu.memory_space<vmem>>) semaphore(%run_scoped3A_317 : memref<!tpu.dma_semaphore, #tpu.memory_space<semaphore_mem>>) {add = true}
        %dma_wait3A_324 = arith.constant 0 : i32
        %dma_wait3A_325 = tpu.memref_slice %arg8[%add3A_259, %run_scoped3A_310, %dma_wait3A_324] : memref<40x1x128xi32, #tpu.memory_space<vmem>> -> memref<1x1x128xi32, #tpu.memory_space<vmem>>
        %dma_wait3A_326 = tpu.memref_squeeze %dma_wait3A_325 : memref<1x1x128xi32, #tpu.memory_space<vmem>> -> memref<128xi32, #tpu.memory_space<vmem>>
        %dma_wait3A_327 = arith.constant 0 : i32
        %dma_wait3A_328 = arith.constant 0 : i32
        %dma_wait3A_329 = tpu.memref_slice %arg13[%dma_wait3A_327, %dma_wait3A_328] : memref<10240x128xf32, #tpu.memory_space<vmem_shared>> -> memref<10240x128xf32, #tpu.memory_space<vmem_shared>>
        tpu.wait_indirect_dma semaphore(%run_scoped3A_317 : memref<!tpu.dma_semaphore, #tpu.memory_space<semaphore_mem>>) src(%arg10 : memref<128x128xf32, #tpu.memory_space<vmem>>) dst(%dma_wait3A_329 : memref<10240x128xf32, #tpu.memory_space<vmem_shared>>)
        tpu.yield
      }) : () -> ()
      %dma_wait3A_311 = arith.constant 0 : i32
      %dma_wait3A_312 = arith.constant 0 : i32
      %dma_wait3A_313 = tpu.memref_slice %arg8[%add3A_259, %dma_wait3A_311, %dma_wait3A_312] : memref<40x1x128xi32, #tpu.memory_space<vmem>> -> memref<1x1x128xi32, #tpu.memory_space<vmem>>
      %dma_wait3A_314 = tpu.memref_squeeze %dma_wait3A_313 : memref<1x1x128xi32, #tpu.memory_space<vmem>> -> memref<128xi32, #tpu.memory_space<vmem>>
      %dma_wait3A_315 = arith.constant 0 : i32
      %dma_wait3A_316 = tpu.memref_slice %arg14[%dma_wait3A_315] : memref<10240xf32, #tpu.memory_space<vmem_shared>> -> memref<10240xf32, #tpu.memory_space<vmem_shared>>
      tpu.wait_indirect_dma semaphore(%arg17 : memref<!tpu.dma_semaphore, #tpu.memory_space<semaphore_mem>>) src(%arg11 : memref<128xf32, #tpu.memory_space<vmem>>) dst(%dma_wait3A_316 : memref<10240xf32, #tpu.memory_space<vmem_shared>>)
    }
    %scan3A_224 = arith.constant 20 : i32
    %dma_wait3A = arith.constant 39 : i32
    %dma_wait3A_225 = arith.constant 0 : i32
    %dma_wait3A_226 = arith.constant 0 : i32
    %dma_wait3A_227 = tpu.memref_slice %arg7[%dma_wait3A, %dma_wait3A_225, %dma_wait3A_226] : memref<40x1x128xi32, #tpu.memory_space<vmem>> -> memref<1x1x128xi32, #tpu.memory_space<vmem>>
    %dma_wait3A_228 = tpu.memref_squeeze %dma_wait3A_227 : memref<1x1x128xi32, #tpu.memory_space<vmem>> -> memref<128xi32, #tpu.memory_space<vmem>>
    %dma_wait3A_229 = arith.constant 0 : i32
    %dma_wait3A_230 = arith.constant 0 : i32
    %dma_wait3A_231 = tpu.memref_slice %arg2[%dma_wait3A_229, %dma_wait3A_230] : memref<10000x128xf32, #tpu.memory_space<hbm>> -> memref<10000x128xf32, #tpu.memory_space<hbm>>
    tpu.wait_indirect_dma semaphore(%arg15 : memref<!tpu.dma_semaphore, #tpu.memory_space<semaphore_mem>>) src(%dma_wait3A_231 : memref<10000x128xf32, #tpu.memory_space<hbm>>) dst(%arg9 : memref<128x128xf32, #tpu.memory_space<vmem>>)
    "tpu.region"() ({
      %run_scoped3A_255 = tpu.sem_alloc : memref<!tpu.dma_semaphore, #tpu.memory_space<semaphore_mem>>
      %dma_start3A_256 = arith.constant 40 : i32
      %dma_start3A_257 = arith.constant 0 : i32
      %dma_start3A_258 = arith.constant 0 : i32
      %dma_start3A_259 = tpu.memref_slice %arg3[%add3A, %dma_start3A_256, %dma_start3A_257, %dma_start3A_258] : memref<32x80x1x128xi32, #tpu.memory_space<hbm>> -> memref<1x40x1x128xi32, #tpu.memory_space<hbm>>
      %dma_start3A_260 = tpu.memref_squeeze %dma_start3A_259 : memref<1x40x1x128xi32, #tpu.memory_space<hbm>> -> memref<40x1x128xi32, #tpu.memory_space<hbm>>
      %dma_start3A_261 = arith.constant 40 : i32
      %dma_start3A_262 = arith.constant 0 : i32
      %dma_start3A_263 = arith.constant 0 : i32
      %dma_start3A_264 = tpu.memref_slice %arg3[%add3A, %dma_start3A_261, %dma_start3A_262, %dma_start3A_263] : memref<32x80x1x128xi32, #tpu.memory_space<hbm>> -> memref<1x40x1x128xi32, #tpu.memory_space<hbm>>
      %dma_start3A_265 = tpu.memref_squeeze %dma_start3A_264 : memref<1x40x1x128xi32, #tpu.memory_space<hbm>> -> memref<40x1x128xi32, #tpu.memory_space<hbm>>
      tpu.enqueue_dma source(%dma_start3A_265 : memref<40x1x128xi32, #tpu.memory_space<hbm>>) target(%arg7 : memref<40x1x128xi32, #tpu.memory_space<vmem>>) target_semaphore(%run_scoped3A_255 : memref<!tpu.dma_semaphore, #tpu.memory_space<semaphore_mem>>)
      %dma_wait3A_266 = arith.constant 40 : i32
      %dma_wait3A_267 = arith.constant 0 : i32
      %dma_wait3A_268 = arith.constant 0 : i32
      %dma_wait3A_269 = tpu.memref_slice %arg3[%add3A, %dma_wait3A_266, %dma_wait3A_267, %dma_wait3A_268] : memref<32x80x1x128xi32, #tpu.memory_space<hbm>> -> memref<1x40x1x128xi32, #tpu.memory_space<hbm>>
      %dma_wait3A_270 = tpu.memref_squeeze %dma_wait3A_269 : memref<1x40x1x128xi32, #tpu.memory_space<hbm>> -> memref<40x1x128xi32, #tpu.memory_space<hbm>>
      %dma_wait3A_271 = arith.constant 40 : i32
      %dma_wait3A_272 = arith.constant 0 : i32
      %dma_wait3A_273 = arith.constant 0 : i32
      %dma_wait3A_274 = tpu.memref_slice %arg3[%add3A, %dma_wait3A_271, %dma_wait3A_272, %dma_wait3A_273] : memref<32x80x1x128xi32, #tpu.memory_space<hbm>> -> memref<1x40x1x128xi32, #tpu.memory_space<hbm>>
      %dma_wait3A_275 = tpu.memref_squeeze %dma_wait3A_274 : memref<1x40x1x128xi32, #tpu.memory_space<hbm>> -> memref<40x1x128xi32, #tpu.memory_space<hbm>>
      tpu.wait_dma2 semaphore(%run_scoped3A_255 : memref<!tpu.dma_semaphore, #tpu.memory_space<semaphore_mem>>) src(%dma_wait3A_275 : memref<40x1x128xi32, #tpu.memory_space<hbm>>) dst(%arg7 : memref<40x1x128xi32, #tpu.memory_space<vmem>>)
      tpu.yield
    }) : () -> ()
    "tpu.region"() ({
      %run_scoped3A_255 = tpu.sem_alloc : memref<!tpu.dma_semaphore, #tpu.memory_space<semaphore_mem>>
      %dma_start3A_256 = arith.constant 40 : i32
      %dma_start3A_257 = arith.constant 0 : i32
      %dma_start3A_258 = arith.constant 0 : i32
      %dma_start3A_259 = tpu.memref_slice %arg4[%add3A, %dma_start3A_256, %dma_start3A_257, %dma_start3A_258] : memref<32x80x1x128xi32, #tpu.memory_space<hbm>> -> memref<1x40x1x128xi32, #tpu.memory_space<hbm>>
      %dma_start3A_260 = tpu.memref_squeeze %dma_start3A_259 : memref<1x40x1x128xi32, #tpu.memory_space<hbm>> -> memref<40x1x128xi32, #tpu.memory_space<hbm>>
      %dma_start3A_261 = arith.constant 40 : i32
      %dma_start3A_262 = arith.constant 0 : i32
      %dma_start3A_263 = arith.constant 0 : i32
      %dma_start3A_264 = tpu.memref_slice %arg4[%add3A, %dma_start3A_261, %dma_start3A_262, %dma_start3A_263] : memref<32x80x1x128xi32, #tpu.memory_space<hbm>> -> memref<1x40x1x128xi32, #tpu.memory_space<hbm>>
      %dma_start3A_265 = tpu.memref_squeeze %dma_start3A_264 : memref<1x40x1x128xi32, #tpu.memory_space<hbm>> -> memref<40x1x128xi32, #tpu.memory_space<hbm>>
      tpu.enqueue_dma source(%dma_start3A_265 : memref<40x1x128xi32, #tpu.memory_space<hbm>>) target(%arg8 : memref<40x1x128xi32, #tpu.memory_space<vmem>>) target_semaphore(%run_scoped3A_255 : memref<!tpu.dma_semaphore, #tpu.memory_space<semaphore_mem>>)
      %dma_wait3A_266 = arith.constant 40 : i32
      %dma_wait3A_267 = arith.constant 0 : i32
      %dma_wait3A_268 = arith.constant 0 : i32
      %dma_wait3A_269 = tpu.memref_slice %arg4[%add3A, %dma_wait3A_266, %dma_wait3A_267, %dma_wait3A_268] : memref<32x80x1x128xi32, #tpu.memory_space<hbm>> -> memref<1x40x1x128xi32, #tpu.memory_space<hbm>>
      %dma_wait3A_270 = tpu.memref_squeeze %dma_wait3A_269 : memref<1x40x1x128xi32, #tpu.memory_space<hbm>> -> memref<40x1x128xi32, #tpu.memory_space<hbm>>
      %dma_wait3A_271 = arith.constant 40 : i32
      %dma_wait3A_272 = arith.constant 0 : i32
      %dma_wait3A_273 = arith.constant 0 : i32
      %dma_wait3A_274 = tpu.memref_slice %arg4[%add3A, %dma_wait3A_271, %dma_wait3A_272, %dma_wait3A_273] : memref<32x80x1x128xi32, #tpu.memory_space<hbm>> -> memref<1x40x1x128xi32, #tpu.memory_space<hbm>>
      %dma_wait3A_275 = tpu.memref_squeeze %dma_wait3A_274 : memref<1x40x1x128xi32, #tpu.memory_space<hbm>> -> memref<40x1x128xi32, #tpu.memory_space<hbm>>
      tpu.wait_dma2 semaphore(%run_scoped3A_255 : memref<!tpu.dma_semaphore, #tpu.memory_space<semaphore_mem>>) src(%dma_wait3A_275 : memref<40x1x128xi32, #tpu.memory_space<hbm>>) dst(%arg8 : memref<40x1x128xi32, #tpu.memory_space<vmem>>)
      tpu.yield
    }) : () -> ()
    %dma_start3A_232 = arith.constant 0 : i32
    %dma_start3A_233 = arith.constant 0 : i32
    %dma_start3A_234 = arith.constant 0 : i32
    %dma_start3A_235 = tpu.memref_slice %arg7[%dma_start3A_232, %dma_start3A_233, %dma_start3A_234] : memref<40x1x128xi32, #tpu.memory_space<vmem>> -> memref<1x1x128xi32, #tpu.memory_space<vmem>>
    %dma_start3A_236 = tpu.memref_squeeze %dma_start3A_235 : memref<1x1x128xi32, #tpu.memory_space<vmem>> -> memref<128xi32, #tpu.memory_space<vmem>>
    %dma_start3A_237 = arith.constant 0 : i32
    %dma_start3A_238 = arith.constant 0 : i32
    %dma_start3A_239 = tpu.memref_slice %arg2[%dma_start3A_237, %dma_start3A_238] : memref<10000x128xf32, #tpu.memory_space<hbm>> -> memref<10000x128xf32, #tpu.memory_space<hbm>>
    tpu.enqueue_indirect_dma source(%dma_start3A_239 : memref<10000x128xf32, #tpu.memory_space<hbm>>) target(%arg9 : memref<128x128xf32, #tpu.memory_space<vmem>>) offsets(%dma_start3A_236 : memref<128xi32, #tpu.memory_space<vmem>>) semaphore(%arg15 : memref<!tpu.dma_semaphore, #tpu.memory_space<semaphore_mem>>)
    %scan3A_240 = arith.constant 0 : i32
    %scan3A_241 = arith.constant 0 : i32
    %scan3A_242 = arith.constant 20 : i32
    %scan3A_243 = arith.addi %scan3A_241, %scan3A_242 : i32
    %scan3A_244 = arith.constant 1 : i32
    scf.for %scan3A_255 = %scan3A_241 to %scan3A_243 step %scan3A_244  : i32 {
      %mul3A_256 = arith.constant 2 : i32
      %mul3A_257 = arith.muli %scan3A_255, %mul3A_256 : i32
      %add3A_258 = arith.constant 1 : i32
      %add3A_259 = arith.addi %mul3A_257, %add3A_258 : i32
      %dma_start3A_260 = arith.constant 0 : i32
      %dma_start3A_261 = arith.constant 0 : i32
      %dma_start3A_262 = tpu.memref_slice %arg7[%add3A_259, %dma_start3A_260, %dma_start3A_261] : memref<40x1x128xi32, #tpu.memory_space<vmem>> -> memref<1x1x128xi32, #tpu.memory_space<vmem>>
      %dma_start3A_263 = tpu.memref_squeeze %dma_start3A_262 : memref<1x1x128xi32, #tpu.memory_space<vmem>> -> memref<128xi32, #tpu.memory_space<vmem>>
      %dma_start3A_264 = arith.constant 0 : i32
      %dma_start3A_265 = arith.constant 0 : i32
      %dma_start3A_266 = tpu.memref_slice %arg2[%dma_start3A_264, %dma_start3A_265] : memref<10000x128xf32, #tpu.memory_space<hbm>> -> memref<10000x128xf32, #tpu.memory_space<hbm>>
      tpu.enqueue_indirect_dma source(%dma_start3A_266 : memref<10000x128xf32, #tpu.memory_space<hbm>>) target(%arg10 : memref<128x128xf32, #tpu.memory_space<vmem>>) offsets(%dma_start3A_263 : memref<128xi32, #tpu.memory_space<vmem>>) semaphore(%arg16 : memref<!tpu.dma_semaphore, #tpu.memory_space<semaphore_mem>>)
      %dma_wait3A_267 = arith.constant 0 : i32
      %dma_wait3A_268 = arith.constant 0 : i32
      %dma_wait3A_269 = tpu.memref_slice %arg7[%mul3A_257, %dma_wait3A_267, %dma_wait3A_268] : memref<40x1x128xi32, #tpu.memory_space<vmem>> -> memref<1x1x128xi32, #tpu.memory_space<vmem>>
      %dma_wait3A_270 = tpu.memref_squeeze %dma_wait3A_269 : memref<1x1x128xi32, #tpu.memory_space<vmem>> -> memref<128xi32, #tpu.memory_space<vmem>>
      %dma_wait3A_271 = arith.constant 0 : i32
      %dma_wait3A_272 = arith.constant 0 : i32
      %dma_wait3A_273 = tpu.memref_slice %arg2[%dma_wait3A_271, %dma_wait3A_272] : memref<10000x128xf32, #tpu.memory_space<hbm>> -> memref<10000x128xf32, #tpu.memory_space<hbm>>
      tpu.wait_indirect_dma semaphore(%arg15 : memref<!tpu.dma_semaphore, #tpu.memory_space<semaphore_mem>>) src(%dma_wait3A_273 : memref<10000x128xf32, #tpu.memory_space<hbm>>) dst(%arg9 : memref<128x128xf32, #tpu.memory_space<vmem>>)
      %dma_start3A_274 = arith.constant 0 : i32
      %dma_start3A_275 = arith.constant 0 : i32
      %dma_start3A_276 = tpu.memref_slice %arg8[%mul3A_257, %dma_start3A_274, %dma_start3A_275] : memref<40x1x128xi32, #tpu.memory_space<vmem>> -> memref<1x1x128xi32, #tpu.memory_space<vmem>>
      %dma_start3A_277 = tpu.memref_squeeze %dma_start3A_276 : memref<1x1x128xi32, #tpu.memory_space<vmem>> -> memref<128xi32, #tpu.memory_space<vmem>>
      %dma_start3A_278 = arith.constant 0 : i32
      %dma_start3A_279 = tpu.memref_slice %arg14[%dma_start3A_278] : memref<10240xf32, #tpu.memory_space<vmem_shared>> -> memref<10240xf32, #tpu.memory_space<vmem_shared>>
      tpu.enqueue_indirect_dma source(%arg11 : memref<128xf32, #tpu.memory_space<vmem>>) target(%dma_start3A_279 : memref<10240xf32, #tpu.memory_space<vmem_shared>>) offsets(%dma_start3A_277 : memref<128xi32, #tpu.memory_space<vmem>>) semaphore(%arg17 : memref<!tpu.dma_semaphore, #tpu.memory_space<semaphore_mem>>) {add = true}
      %run_scoped3A_280 = arith.constant 0 : i32
      "tpu.region"() ({
        %run_scoped3A_317 = tpu.sem_alloc : memref<!tpu.dma_semaphore, #tpu.memory_space<semaphore_mem>>
        %dma_start3A_318 = arith.constant 0 : i32
        %dma_start3A_319 = tpu.memref_slice %arg8[%mul3A_257, %run_scoped3A_280, %dma_start3A_318] : memref<40x1x128xi32, #tpu.memory_space<vmem>> -> memref<1x1x128xi32, #tpu.memory_space<vmem>>
        %dma_start3A_320 = tpu.memref_squeeze %dma_start3A_319 : memref<1x1x128xi32, #tpu.memory_space<vmem>> -> memref<128xi32, #tpu.memory_space<vmem>>
        %dma_start3A_321 = arith.constant 0 : i32
        %dma_start3A_322 = arith.constant 0 : i32
        %dma_start3A_323 = tpu.memref_slice %arg13[%dma_start3A_321, %dma_start3A_322] : memref<10240x128xf32, #tpu.memory_space<vmem_shared>> -> memref<10240x128xf32, #tpu.memory_space<vmem_shared>>
        tpu.enqueue_indirect_dma source(%arg9 : memref<128x128xf32, #tpu.memory_space<vmem>>) target(%dma_start3A_323 : memref<10240x128xf32, #tpu.memory_space<vmem_shared>>) offsets(%dma_start3A_320 : memref<128xi32, #tpu.memory_space<vmem>>) semaphore(%run_scoped3A_317 : memref<!tpu.dma_semaphore, #tpu.memory_space<semaphore_mem>>) {add = true}
        %dma_wait3A_324 = arith.constant 0 : i32
        %dma_wait3A_325 = tpu.memref_slice %arg8[%mul3A_257, %run_scoped3A_280, %dma_wait3A_324] : memref<40x1x128xi32, #tpu.memory_space<vmem>> -> memref<1x1x128xi32, #tpu.memory_space<vmem>>
        %dma_wait3A_326 = tpu.memref_squeeze %dma_wait3A_325 : memref<1x1x128xi32, #tpu.memory_space<vmem>> -> memref<128xi32, #tpu.memory_space<vmem>>
        %dma_wait3A_327 = arith.constant 0 : i32
        %dma_wait3A_328 = arith.constant 0 : i32
        %dma_wait3A_329 = tpu.memref_slice %arg13[%dma_wait3A_327, %dma_wait3A_328] : memref<10240x128xf32, #tpu.memory_space<vmem_shared>> -> memref<10240x128xf32, #tpu.memory_space<vmem_shared>>
        tpu.wait_indirect_dma semaphore(%run_scoped3A_317 : memref<!tpu.dma_semaphore, #tpu.memory_space<semaphore_mem>>) src(%arg9 : memref<128x128xf32, #tpu.memory_space<vmem>>) dst(%dma_wait3A_329 : memref<10240x128xf32, #tpu.memory_space<vmem_shared>>)
        tpu.yield
      }) : () -> ()
      %dma_wait3A_281 = arith.constant 0 : i32
      %dma_wait3A_282 = arith.constant 0 : i32
      %dma_wait3A_283 = tpu.memref_slice %arg8[%mul3A_257, %dma_wait3A_281, %dma_wait3A_282] : memref<40x1x128xi32, #tpu.memory_space<vmem>> -> memref<1x1x128xi32, #tpu.memory_space<vmem>>
      %dma_wait3A_284 = tpu.memref_squeeze %dma_wait3A_283 : memref<1x1x128xi32, #tpu.memory_space<vmem>> -> memref<128xi32, #tpu.memory_space<vmem>>
      %dma_wait3A_285 = arith.constant 0 : i32
      %dma_wait3A_286 = tpu.memref_slice %arg14[%dma_wait3A_285] : memref<10240xf32, #tpu.memory_space<vmem_shared>> -> memref<10240xf32, #tpu.memory_space<vmem_shared>>
      tpu.wait_indirect_dma semaphore(%arg17 : memref<!tpu.dma_semaphore, #tpu.memory_space<semaphore_mem>>) src(%arg11 : memref<128xf32, #tpu.memory_space<vmem>>) dst(%dma_wait3A_286 : memref<10240xf32, #tpu.memory_space<vmem_shared>>)
      %add3A_287 = arith.constant 1 : i32
      %add3A_288 = arith.addi %add3A_259, %add3A_287 : i32
      %min3A = arith.constant 39 : i32
      %min3A_289 = arith.minsi %add3A_288, %min3A : i32
      %dma_start3A_290 = arith.constant 0 : i32
      %dma_start3A_291 = arith.constant 0 : i32
      %dma_start3A_292 = tpu.memref_slice %arg7[%min3A_289, %dma_start3A_290, %dma_start3A_291] : memref<40x1x128xi32, #tpu.memory_space<vmem>> -> memref<1x1x128xi32, #tpu.memory_space<vmem>>
      %dma_start3A_293 = tpu.memref_squeeze %dma_start3A_292 : memref<1x1x128xi32, #tpu.memory_space<vmem>> -> memref<128xi32, #tpu.memory_space<vmem>>
      %dma_start3A_294 = arith.constant 0 : i32
      %dma_start3A_295 = arith.constant 0 : i32
      %dma_start3A_296 = tpu.memref_slice %arg2[%dma_start3A_294, %dma_start3A_295] : memref<10000x128xf32, #tpu.memory_space<hbm>> -> memref<10000x128xf32, #tpu.memory_space<hbm>>
      tpu.enqueue_indirect_dma source(%dma_start3A_296 : memref<10000x128xf32, #tpu.memory_space<hbm>>) target(%arg9 : memref<128x128xf32, #tpu.memory_space<vmem>>) offsets(%dma_start3A_293 : memref<128xi32, #tpu.memory_space<vmem>>) semaphore(%arg15 : memref<!tpu.dma_semaphore, #tpu.memory_space<semaphore_mem>>)
      %dma_wait3A_297 = arith.constant 0 : i32
      %dma_wait3A_298 = arith.constant 0 : i32
      %dma_wait3A_299 = tpu.memref_slice %arg7[%add3A_259, %dma_wait3A_297, %dma_wait3A_298] : memref<40x1x128xi32, #tpu.memory_space<vmem>> -> memref<1x1x128xi32, #tpu.memory_space<vmem>>
      %dma_wait3A_300 = tpu.memref_squeeze %dma_wait3A_299 : memref<1x1x128xi32, #tpu.memory_space<vmem>> -> memref<128xi32, #tpu.memory_space<vmem>>
      %dma_wait3A_301 = arith.constant 0 : i32
      %dma_wait3A_302 = arith.constant 0 : i32
      %dma_wait3A_303 = tpu.memref_slice %arg2[%dma_wait3A_301, %dma_wait3A_302] : memref<10000x128xf32, #tpu.memory_space<hbm>> -> memref<10000x128xf32, #tpu.memory_space<hbm>>
      tpu.wait_indirect_dma semaphore(%arg16 : memref<!tpu.dma_semaphore, #tpu.memory_space<semaphore_mem>>) src(%dma_wait3A_303 : memref<10000x128xf32, #tpu.memory_space<hbm>>) dst(%arg10 : memref<128x128xf32, #tpu.memory_space<vmem>>)
      %dma_start3A_304 = arith.constant 0 : i32
      %dma_start3A_305 = arith.constant 0 : i32
      %dma_start3A_306 = tpu.memref_slice %arg8[%add3A_259, %dma_start3A_304, %dma_start3A_305] : memref<40x1x128xi32, #tpu.memory_space<vmem>> -> memref<1x1x128xi32, #tpu.memory_space<vmem>>
      %dma_start3A_307 = tpu.memref_squeeze %dma_start3A_306 : memref<1x1x128xi32, #tpu.memory_space<vmem>> -> memref<128xi32, #tpu.memory_space<vmem>>
      %dma_start3A_308 = arith.constant 0 : i32
      %dma_start3A_309 = tpu.memref_slice %arg14[%dma_start3A_308] : memref<10240xf32, #tpu.memory_space<vmem_shared>> -> memref<10240xf32, #tpu.memory_space<vmem_shared>>
      tpu.enqueue_indirect_dma source(%arg11 : memref<128xf32, #tpu.memory_space<vmem>>) target(%dma_start3A_309 : memref<10240xf32, #tpu.memory_space<vmem_shared>>) offsets(%dma_start3A_307 : memref<128xi32, #tpu.memory_space<vmem>>) semaphore(%arg17 : memref<!tpu.dma_semaphore, #tpu.memory_space<semaphore_mem>>) {add = true}
      %run_scoped3A_310 = arith.constant 0 : i32
      "tpu.region"() ({
        %run_scoped3A_317 = tpu.sem_alloc : memref<!tpu.dma_semaphore, #tpu.memory_space<semaphore_mem>>
        %dma_start3A_318 = arith.constant 0 : i32
        %dma_start3A_319 = tpu.memref_slice %arg8[%add3A_259, %run_scoped3A_310, %dma_start3A_318] : memref<40x1x128xi32, #tpu.memory_space<vmem>> -> memref<1x1x128xi32, #tpu.memory_space<vmem>>
        %dma_start3A_320 = tpu.memref_squeeze %dma_start3A_319 : memref<1x1x128xi32, #tpu.memory_space<vmem>> -> memref<128xi32, #tpu.memory_space<vmem>>
        %dma_start3A_321 = arith.constant 0 : i32
        %dma_start3A_322 = arith.constant 0 : i32
        %dma_start3A_323 = tpu.memref_slice %arg13[%dma_start3A_321, %dma_start3A_322] : memref<10240x128xf32, #tpu.memory_space<vmem_shared>> -> memref<10240x128xf32, #tpu.memory_space<vmem_shared>>
        tpu.enqueue_indirect_dma source(%arg10 : memref<128x128xf32, #tpu.memory_space<vmem>>) target(%dma_start3A_323 : memref<10240x128xf32, #tpu.memory_space<vmem_shared>>) offsets(%dma_start3A_320 : memref<128xi32, #tpu.memory_space<vmem>>) semaphore(%run_scoped3A_317 : memref<!tpu.dma_semaphore, #tpu.memory_space<semaphore_mem>>) {add = true}
        %dma_wait3A_324 = arith.constant 0 : i32
        %dma_wait3A_325 = tpu.memref_slice %arg8[%add3A_259, %run_scoped3A_310, %dma_wait3A_324] : memref<40x1x128xi32, #tpu.memory_space<vmem>> -> memref<1x1x128xi32, #tpu.memory_space<vmem>>
        %dma_wait3A_326 = tpu.memref_squeeze %dma_wait3A_325 : memref<1x1x128xi32, #tpu.memory_space<vmem>> -> memref<128xi32, #tpu.memory_space<vmem>>
        %dma_wait3A_327 = arith.constant 0 : i32
        %dma_wait3A_328 = arith.constant 0 : i32
        %dma_wait3A_329 = tpu.memref_slice %arg13[%dma_wait3A_327, %dma_wait3A_328] : memref<10240x128xf32, #tpu.memory_space<vmem_shared>> -> memref<10240x128xf32, #tpu.memory_space<vmem_shared>>
        tpu.wait_indirect_dma semaphore(%run_scoped3A_317 : memref<!tpu.dma_semaphore, #tpu.memory_space<semaphore_mem>>) src(%arg10 : memref<128x128xf32, #tpu.memory_space<vmem>>) dst(%dma_wait3A_329 : memref<10240x128xf32, #tpu.memory_space<vmem_shared>>)
        tpu.yield
      }) : () -> ()
      %dma_wait3A_311 = arith.constant 0 : i32
      %dma_wait3A_312 = arith.constant 0 : i32
      %dma_wait3A_313 = tpu.memref_slice %arg8[%add3A_259, %dma_wait3A_311, %dma_wait3A_312] : memref<40x1x128xi32, #tpu.memory_space<vmem>> -> memref<1x1x128xi32, #tpu.memory_space<vmem>>
      %dma_wait3A_314 = tpu.memref_squeeze %dma_wait3A_313 : memref<1x1x128xi32, #tpu.memory_space<vmem>> -> memref<128xi32, #tpu.memory_space<vmem>>
      %dma_wait3A_315 = arith.constant 0 : i32
      %dma_wait3A_316 = tpu.memref_slice %arg14[%dma_wait3A_315] : memref<10240xf32, #tpu.memory_space<vmem_shared>> -> memref<10240xf32, #tpu.memory_space<vmem_shared>>
      tpu.wait_indirect_dma semaphore(%arg17 : memref<!tpu.dma_semaphore, #tpu.memory_space<semaphore_mem>>) src(%arg11 : memref<128xf32, #tpu.memory_space<vmem>>) dst(%dma_wait3A_316 : memref<10240xf32, #tpu.memory_space<vmem_shared>>)
    }
    %scan3A_245 = arith.constant 20 : i32
    %dma_wait3A_246 = arith.constant 39 : i32
    %dma_wait3A_247 = arith.constant 0 : i32
    %dma_wait3A_248 = arith.constant 0 : i32
    %dma_wait3A_249 = tpu.memref_slice %arg7[%dma_wait3A_246, %dma_wait3A_247, %dma_wait3A_248] : memref<40x1x128xi32, #tpu.memory_space<vmem>> -> memref<1x1x128xi32, #tpu.memory_space<vmem>>
    %dma_wait3A_250 = tpu.memref_squeeze %dma_wait3A_249 : memref<1x1x128xi32, #tpu.memory_space<vmem>> -> memref<128xi32, #tpu.memory_space<vmem>>
    %dma_wait3A_251 = arith.constant 0 : i32
    %dma_wait3A_252 = arith.constant 0 : i32
    %dma_wait3A_253 = tpu.memref_slice %arg2[%dma_wait3A_251, %dma_wait3A_252] : memref<10000x128xf32, #tpu.memory_space<hbm>> -> memref<10000x128xf32, #tpu.memory_space<hbm>>
    tpu.wait_indirect_dma semaphore(%arg15 : memref<!tpu.dma_semaphore, #tpu.memory_space<semaphore_mem>>) src(%dma_wait3A_253 : memref<10000x128xf32, #tpu.memory_space<hbm>>) dst(%arg9 : memref<128x128xf32, #tpu.memory_space<vmem>>)
    %barrier3A_254 = arith.constant 0 : index
    tpu.barrier barrier_id(%barrier3A_254)
    "tpu.region"() ({
      %run_scoped3A_255 = tpu.sem_alloc : memref<!tpu.dma_semaphore, #tpu.memory_space<semaphore_mem>>
      %dma_start3A_256 = arith.constant 0 : i32
      %dma_start3A_257 = tpu.memref_slice %arg5[%arg0, %multiple_of3A, %dma_start3A_256] : memref<2x10240x128xf32, #tpu.memory_space<hbm>> -> memref<1x640x128xf32, #tpu.memory_space<hbm>>
      %dma_start3A_258 = tpu.memref_squeeze %dma_start3A_257 : memref<1x640x128xf32, #tpu.memory_space<hbm>> -> memref<640x128xf32, #tpu.memory_space<hbm>>
      %dma_start3A_259 = arith.constant 0 : i32
      %dma_start3A_260 = tpu.memref_slice %arg13[%multiple_of3A, %dma_start3A_259] : memref<10240x128xf32, #tpu.memory_space<vmem_shared>> -> memref<640x128xf32, #tpu.memory_space<vmem_shared>>
      tpu.enqueue_dma source(%dma_start3A_260 : memref<640x128xf32, #tpu.memory_space<vmem_shared>>) target(%dma_start3A_258 : memref<640x128xf32, #tpu.memory_space<hbm>>) target_semaphore(%run_scoped3A_255 : memref<!tpu.dma_semaphore, #tpu.memory_space<semaphore_mem>>)
      %dma_wait3A_261 = arith.constant 0 : i32
      %dma_wait3A_262 = tpu.memref_slice %arg5[%arg0, %multiple_of3A, %dma_wait3A_261] : memref<2x10240x128xf32, #tpu.memory_space<hbm>> -> memref<1x640x128xf32, #tpu.memory_space<hbm>>
      %dma_wait3A_263 = tpu.memref_squeeze %dma_wait3A_262 : memref<1x640x128xf32, #tpu.memory_space<hbm>> -> memref<640x128xf32, #tpu.memory_space<hbm>>
      %dma_wait3A_264 = arith.constant 0 : i32
      %dma_wait3A_265 = tpu.memref_slice %arg13[%multiple_of3A, %dma_wait3A_264] : memref<10240x128xf32, #tpu.memory_space<vmem_shared>> -> memref<640x128xf32, #tpu.memory_space<vmem_shared>>
      tpu.wait_dma2 semaphore(%run_scoped3A_255 : memref<!tpu.dma_semaphore, #tpu.memory_space<semaphore_mem>>) src(%dma_wait3A_265 : memref<640x128xf32, #tpu.memory_space<vmem_shared>>) dst(%dma_wait3A_263 : memref<640x128xf32, #tpu.memory_space<hbm>>)
      tpu.yield
    }) : () -> ()
    %run_scoped3A = arith.constant 0 : i32
    "tpu.region"() ({
      %run_scoped3A_255 = tpu.sem_alloc : memref<!tpu.dma_semaphore, #tpu.memory_space<semaphore_mem>>
      %dma_start3A_256 = tpu.memref_slice %arg6[%arg0, %run_scoped3A, %multiple_of3A] : memref<2x1x10240xf32, #tpu.memory_space<hbm>> -> memref<1x1x640xf32, #tpu.memory_space<hbm>>
      %dma_start3A_257 = tpu.memref_squeeze %dma_start3A_256 : memref<1x1x640xf32, #tpu.memory_space<hbm>> -> memref<640xf32, #tpu.memory_space<hbm>>
      %dma_start3A_258 = tpu.memref_slice %arg14[%multiple_of3A] : memref<10240xf32, #tpu.memory_space<vmem_shared>> -> memref<640xf32, #tpu.memory_space<vmem_shared>>
      tpu.enqueue_dma source(%dma_start3A_258 : memref<640xf32, #tpu.memory_space<vmem_shared>>) target(%dma_start3A_257 : memref<640xf32, #tpu.memory_space<hbm>>) target_semaphore(%run_scoped3A_255 : memref<!tpu.dma_semaphore, #tpu.memory_space<semaphore_mem>>)
      %dma_wait3A_259 = tpu.memref_slice %arg6[%arg0, %run_scoped3A, %multiple_of3A] : memref<2x1x10240xf32, #tpu.memory_space<hbm>> -> memref<1x1x640xf32, #tpu.memory_space<hbm>>
      %dma_wait3A_260 = tpu.memref_squeeze %dma_wait3A_259 : memref<1x1x640xf32, #tpu.memory_space<hbm>> -> memref<640xf32, #tpu.memory_space<hbm>>
      %dma_wait3A_261 = tpu.memref_slice %arg14[%multiple_of3A] : memref<10240xf32, #tpu.memory_space<vmem_shared>> -> memref<640xf32, #tpu.memory_space<vmem_shared>>
      tpu.wait_dma2 semaphore(%run_scoped3A_255 : memref<!tpu.dma_semaphore, #tpu.memory_space<semaphore_mem>>) src(%dma_wait3A_261 : memref<640xf32, #tpu.memory_space<vmem_shared>>) dst(%dma_wait3A_260 : memref<640xf32, #tpu.memory_space<hbm>>)
      tpu.yield
    }) : () -> ()
    return
  }
}

#map = affine_map<(d0, d1) -> (0, 0)>
#map1 = affine_map<(d0, d1) -> (0)>
module attributes {stable_mosaic.version = 14 : i64} {
  func.func @k(%arg0: i32, %arg1: i32, %arg2: memref<10000x128xf32, #tpu.memory_space<hbm>>, %arg3: memref<10000x128xf32, #tpu.memory_space<hbm>>, %arg4: memref<65536xi32, #tpu.memory_space<hbm>>, %arg5: memref<65536xi32, #tpu.memory_space<hbm>>, %arg6: memref<65536x128xf32, #tpu.memory_space<hbm>>, %arg7: memref<2048xi32, #tpu.memory_space<vmem>>, %arg8: memref<2048xi32, #tpu.memory_space<vmem>>, %arg9: memref<128x128xf32, #tpu.memory_space<vmem>>, %arg10: memref<128x128xf32, #tpu.memory_space<vmem>>, %arg11: memref<128x128xf32, #tpu.memory_space<vmem>>, %arg12: memref<128x128xf32, #tpu.memory_space<vmem>>, %arg13: memref<!tpu.dma_semaphore, #tpu.memory_space<semaphore_mem>>, %arg14: memref<!tpu.dma_semaphore, #tpu.memory_space<semaphore_mem>>, %arg15: memref<!tpu.dma_semaphore, #tpu.memory_space<semaphore_mem>>, %arg16: memref<!tpu.dma_semaphore, #tpu.memory_space<semaphore_mem>>) attributes {dimension_semantics = [#tpu.dimension_semantics<core_parallel>, #tpu.dimension_semantics<subcore_parallel>], iteration_bounds = array<i64: 2, 16>, scalar_prefetch = 0 : i64, scratch_operands = 10 : i64, tpu.core_type = #tpu.core_type<sc_vector_subcore>, window_params = [{transform_indices = #map}, {transform_indices = #map}, {transform_indices = #map1}, {transform_indices = #map1}, {transform_indices = #map}]} {
    %mul3A = arith.constant 16 : i32
    %mul3A_0 = arith.muli %arg0, %mul3A : i32
    %add3A = arith.addi %mul3A_0, %arg1 : i32
    %mul3A_1 = arith.constant 2048 : i32
    %mul3A_2 = arith.muli %add3A, %mul3A_1 : i32
    %multiple_of3A = tpu.assume_multiple %mul3A_2, 128 : i32
    "tpu.region"() ({
      %run_scoped3A = tpu.sem_alloc : memref<!tpu.dma_semaphore, #tpu.memory_space<semaphore_mem>>
      %dma_start3A_30 = tpu.memref_slice %arg4[%multiple_of3A] : memref<65536xi32, #tpu.memory_space<hbm>> -> memref<2048xi32, #tpu.memory_space<hbm>>
      %dma_start3A_31 = tpu.memref_slice %arg4[%multiple_of3A] : memref<65536xi32, #tpu.memory_space<hbm>> -> memref<2048xi32, #tpu.memory_space<hbm>>
      tpu.enqueue_dma source(%dma_start3A_31 : memref<2048xi32, #tpu.memory_space<hbm>>) target(%arg7 : memref<2048xi32, #tpu.memory_space<vmem>>) target_semaphore(%run_scoped3A : memref<!tpu.dma_semaphore, #tpu.memory_space<semaphore_mem>>)
      %dma_wait3A_32 = tpu.memref_slice %arg4[%multiple_of3A] : memref<65536xi32, #tpu.memory_space<hbm>> -> memref<2048xi32, #tpu.memory_space<hbm>>
      %dma_wait3A_33 = tpu.memref_slice %arg4[%multiple_of3A] : memref<65536xi32, #tpu.memory_space<hbm>> -> memref<2048xi32, #tpu.memory_space<hbm>>
      tpu.wait_dma2 semaphore(%run_scoped3A : memref<!tpu.dma_semaphore, #tpu.memory_space<semaphore_mem>>) src(%dma_wait3A_33 : memref<2048xi32, #tpu.memory_space<hbm>>) dst(%arg7 : memref<2048xi32, #tpu.memory_space<vmem>>)
      tpu.yield
    }) : () -> ()
    "tpu.region"() ({
      %run_scoped3A = tpu.sem_alloc : memref<!tpu.dma_semaphore, #tpu.memory_space<semaphore_mem>>
      %dma_start3A_30 = tpu.memref_slice %arg5[%multiple_of3A] : memref<65536xi32, #tpu.memory_space<hbm>> -> memref<2048xi32, #tpu.memory_space<hbm>>
      %dma_start3A_31 = tpu.memref_slice %arg5[%multiple_of3A] : memref<65536xi32, #tpu.memory_space<hbm>> -> memref<2048xi32, #tpu.memory_space<hbm>>
      tpu.enqueue_dma source(%dma_start3A_31 : memref<2048xi32, #tpu.memory_space<hbm>>) target(%arg8 : memref<2048xi32, #tpu.memory_space<vmem>>) target_semaphore(%run_scoped3A : memref<!tpu.dma_semaphore, #tpu.memory_space<semaphore_mem>>)
      %dma_wait3A_32 = tpu.memref_slice %arg5[%multiple_of3A] : memref<65536xi32, #tpu.memory_space<hbm>> -> memref<2048xi32, #tpu.memory_space<hbm>>
      %dma_wait3A_33 = tpu.memref_slice %arg5[%multiple_of3A] : memref<65536xi32, #tpu.memory_space<hbm>> -> memref<2048xi32, #tpu.memory_space<hbm>>
      tpu.wait_dma2 semaphore(%run_scoped3A : memref<!tpu.dma_semaphore, #tpu.memory_space<semaphore_mem>>) src(%dma_wait3A_33 : memref<2048xi32, #tpu.memory_space<hbm>>) dst(%arg8 : memref<2048xi32, #tpu.memory_space<vmem>>)
      tpu.yield
    }) : () -> ()
    %multiple_of3A_3 = arith.constant 0 : i32
    %multiple_of3A_4 = tpu.assume_multiple %multiple_of3A_3, 128 : i32
    %dma_start3A = tpu.memref_slice %arg7[%multiple_of3A_4] : memref<2048xi32, #tpu.memory_space<vmem>> -> memref<128xi32, #tpu.memory_space<vmem>>
    %dma_start3A_5 = arith.constant 0 : i32
    %dma_start3A_6 = arith.constant 0 : i32
    %dma_start3A_7 = tpu.memref_slice %arg2[%dma_start3A_5, %dma_start3A_6] : memref<10000x128xf32, #tpu.memory_space<hbm>> -> memref<10000x128xf32, #tpu.memory_space<hbm>>
    tpu.enqueue_indirect_dma source(%dma_start3A_7 : memref<10000x128xf32, #tpu.memory_space<hbm>>) target(%arg9 : memref<128x128xf32, #tpu.memory_space<vmem>>) offsets(%dma_start3A : memref<128xi32, #tpu.memory_space<vmem>>) semaphore(%arg13 : memref<!tpu.dma_semaphore, #tpu.memory_space<semaphore_mem>>)
    %multiple_of3A_8 = arith.constant 0 : i32
    %multiple_of3A_9 = tpu.assume_multiple %multiple_of3A_8, 128 : i32
    %dma_start3A_10 = tpu.memref_slice %arg8[%multiple_of3A_9] : memref<2048xi32, #tpu.memory_space<vmem>> -> memref<128xi32, #tpu.memory_space<vmem>>
    %dma_start3A_11 = arith.constant 0 : i32
    %dma_start3A_12 = arith.constant 0 : i32
    %dma_start3A_13 = tpu.memref_slice %arg3[%dma_start3A_11, %dma_start3A_12] : memref<10000x128xf32, #tpu.memory_space<hbm>> -> memref<10000x128xf32, #tpu.memory_space<hbm>>
    tpu.enqueue_indirect_dma source(%dma_start3A_13 : memref<10000x128xf32, #tpu.memory_space<hbm>>) target(%arg10 : memref<128x128xf32, #tpu.memory_space<vmem>>) offsets(%dma_start3A_10 : memref<128xi32, #tpu.memory_space<vmem>>) semaphore(%arg14 : memref<!tpu.dma_semaphore, #tpu.memory_space<semaphore_mem>>)
    %scan3A = arith.constant 0 : i32
    %scan3A_14 = arith.constant 0 : i32
    %scan3A_15 = arith.constant 8 : i32
    %scan3A_16 = arith.addi %scan3A_14, %scan3A_15 : i32
    %scan3A_17 = arith.constant 1 : i32
    scf.for %scan3A_30 = %scan3A_14 to %scan3A_16 step %scan3A_17  : i32 {
      %mul3A_31 = arith.constant 2 : i32
      %mul3A_32 = arith.muli %scan3A_30, %mul3A_31 : i32
      %add3A_33 = arith.constant 1 : i32
      %add3A_34 = arith.addi %mul3A_32, %add3A_33 : i32
      %mul3A_35 = arith.constant 128 : i32
      %mul3A_36 = arith.muli %add3A_34, %mul3A_35 : i32
      %multiple_of3A_37 = tpu.assume_multiple %mul3A_36, 128 : i32
      %dma_start3A_38 = tpu.memref_slice %arg7[%multiple_of3A_37] : memref<2048xi32, #tpu.memory_space<vmem>> -> memref<128xi32, #tpu.memory_space<vmem>>
      %dma_start3A_39 = arith.constant 0 : i32
      %dma_start3A_40 = arith.constant 0 : i32
      %dma_start3A_41 = tpu.memref_slice %arg2[%dma_start3A_39, %dma_start3A_40] : memref<10000x128xf32, #tpu.memory_space<hbm>> -> memref<10000x128xf32, #tpu.memory_space<hbm>>
      tpu.enqueue_indirect_dma source(%dma_start3A_41 : memref<10000x128xf32, #tpu.memory_space<hbm>>) target(%arg11 : memref<128x128xf32, #tpu.memory_space<vmem>>) offsets(%dma_start3A_38 : memref<128xi32, #tpu.memory_space<vmem>>) semaphore(%arg15 : memref<!tpu.dma_semaphore, #tpu.memory_space<semaphore_mem>>)
      %mul3A_42 = arith.constant 128 : i32
      %mul3A_43 = arith.muli %add3A_34, %mul3A_42 : i32
      %multiple_of3A_44 = tpu.assume_multiple %mul3A_43, 128 : i32
      %dma_start3A_45 = tpu.memref_slice %arg8[%multiple_of3A_44] : memref<2048xi32, #tpu.memory_space<vmem>> -> memref<128xi32, #tpu.memory_space<vmem>>
      %dma_start3A_46 = arith.constant 0 : i32
      %dma_start3A_47 = arith.constant 0 : i32
      %dma_start3A_48 = tpu.memref_slice %arg3[%dma_start3A_46, %dma_start3A_47] : memref<10000x128xf32, #tpu.memory_space<hbm>> -> memref<10000x128xf32, #tpu.memory_space<hbm>>
      tpu.enqueue_indirect_dma source(%dma_start3A_48 : memref<10000x128xf32, #tpu.memory_space<hbm>>) target(%arg12 : memref<128x128xf32, #tpu.memory_space<vmem>>) offsets(%dma_start3A_45 : memref<128xi32, #tpu.memory_space<vmem>>) semaphore(%arg16 : memref<!tpu.dma_semaphore, #tpu.memory_space<semaphore_mem>>)
      %mul3A_49 = arith.constant 128 : i32
      %mul3A_50 = arith.muli %mul3A_32, %mul3A_49 : i32
      %multiple_of3A_51 = tpu.assume_multiple %mul3A_50, 128 : i32
      %dma_wait3A_52 = tpu.memref_slice %arg7[%multiple_of3A_51] : memref<2048xi32, #tpu.memory_space<vmem>> -> memref<128xi32, #tpu.memory_space<vmem>>
      %dma_wait3A_53 = arith.constant 0 : i32
      %dma_wait3A_54 = arith.constant 0 : i32
      %dma_wait3A_55 = tpu.memref_slice %arg2[%dma_wait3A_53, %dma_wait3A_54] : memref<10000x128xf32, #tpu.memory_space<hbm>> -> memref<10000x128xf32, #tpu.memory_space<hbm>>
      tpu.wait_indirect_dma semaphore(%arg13 : memref<!tpu.dma_semaphore, #tpu.memory_space<semaphore_mem>>) src(%dma_wait3A_55 : memref<10000x128xf32, #tpu.memory_space<hbm>>) dst(%arg9 : memref<128x128xf32, #tpu.memory_space<vmem>>)
      %mul3A_56 = arith.constant 128 : i32
      %mul3A_57 = arith.muli %mul3A_32, %mul3A_56 : i32
      %multiple_of3A_58 = tpu.assume_multiple %mul3A_57, 128 : i32
      %dma_wait3A_59 = tpu.memref_slice %arg8[%multiple_of3A_58] : memref<2048xi32, #tpu.memory_space<vmem>> -> memref<128xi32, #tpu.memory_space<vmem>>
      %dma_wait3A_60 = arith.constant 0 : i32
      %dma_wait3A_61 = arith.constant 0 : i32
      %dma_wait3A_62 = tpu.memref_slice %arg3[%dma_wait3A_60, %dma_wait3A_61] : memref<10000x128xf32, #tpu.memory_space<hbm>> -> memref<10000x128xf32, #tpu.memory_space<hbm>>
      tpu.wait_indirect_dma semaphore(%arg14 : memref<!tpu.dma_semaphore, #tpu.memory_space<semaphore_mem>>) src(%dma_wait3A_62 : memref<10000x128xf32, #tpu.memory_space<hbm>>) dst(%arg10 : memref<128x128xf32, #tpu.memory_space<vmem>>)
      %scan3A_63 = arith.constant 0 : i32
      %scan3A_64 = arith.constant 0 : i32
      %scan3A_65 = arith.constant 128 : i32
      %scan3A_66 = arith.addi %scan3A_64, %scan3A_65 : i32
      %scan3A_67 = arith.constant 1 : i32
      scf.for %scan3A_114 = %scan3A_64 to %scan3A_66 step %scan3A_67  : i32 {
        %get3A = arith.index_cast %scan3A_114 : i32 to index
        %get3A_115 = arith.constant 0 : index
        %get3A_116 = tpu.vector_load %arg9[%get3A, %get3A_115] {strides = array<i32>} : memref<128x128xf32, #tpu.memory_space<vmem>>, vector<1x16xf32>,
        %get3A_117 = vector.shape_cast %get3A_116 : vector<1x16xf32> to vector<16xf32>
        %get3A_118 = arith.index_cast %scan3A_114 : i32 to index
        %get3A_119 = arith.constant 0 : index
        %get3A_120 = tpu.vector_load %arg10[%get3A_118, %get3A_119] {strides = array<i32>} : memref<128x128xf32, #tpu.memory_space<vmem>>, vector<1x16xf32>,
        %get3A_121 = vector.shape_cast %get3A_120 : vector<1x16xf32> to vector<16xf32>
        %add3A_122 = arith.addf %get3A_117, %get3A_121 : vector<16xf32>
        %swap3A = arith.index_cast %scan3A_114 : i32 to index
        %swap3A_123 = arith.constant 0 : index
        %swap3A_124 = tpu.vector_load %arg9[%swap3A, %swap3A_123] {strides = array<i32>} : memref<128x128xf32, #tpu.memory_space<vmem>>, vector<1x16xf32>,
        %swap3A_125 = vector.shape_cast %swap3A_124 : vector<1x16xf32> to vector<16xf32>
        %swap3A_126 = vector.shape_cast %add3A_122 : vector<16xf32> to vector<1x16xf32>
        tpu.vector_store %arg9[%swap3A, %swap3A_123], %swap3A_126 {strides = array<i32>} : memref<128x128xf32, #tpu.memory_space<vmem>>, vector<1x16xf32>,
        %get3A_127 = arith.index_cast %scan3A_114 : i32 to index
        %get3A_128 = arith.constant 16 : index
        %get3A_129 = tpu.vector_load %arg9[%get3A_127, %get3A_128] {strides = array<i32>} : memref<128x128xf32, #tpu.memory_space<vmem>>, vector<1x16xf32>,
        %get3A_130 = vector.shape_cast %get3A_129 : vector<1x16xf32> to vector<16xf32>
        %get3A_131 = arith.index_cast %scan3A_114 : i32 to index
        %get3A_132 = arith.constant 16 : index
        %get3A_133 = tpu.vector_load %arg10[%get3A_131, %get3A_132] {strides = array<i32>} : memref<128x128xf32, #tpu.memory_space<vmem>>, vector<1x16xf32>,
        %get3A_134 = vector.shape_cast %get3A_133 : vector<1x16xf32> to vector<16xf32>
        %add3A_135 = arith.addf %get3A_130, %get3A_134 : vector<16xf32>
        %swap3A_136 = arith.index_cast %scan3A_114 : i32 to index
        %swap3A_137 = arith.constant 16 : index
        %swap3A_138 = tpu.vector_load %arg9[%swap3A_136, %swap3A_137] {strides = array<i32>} : memref<128x128xf32, #tpu.memory_space<vmem>>, vector<1x16xf32>,
        %swap3A_139 = vector.shape_cast %swap3A_138 : vector<1x16xf32> to vector<16xf32>
        %swap3A_140 = vector.shape_cast %add3A_135 : vector<16xf32> to vector<1x16xf32>
        tpu.vector_store %arg9[%swap3A_136, %swap3A_137], %swap3A_140 {strides = array<i32>} : memref<128x128xf32, #tpu.memory_space<vmem>>, vector<1x16xf32>,
        %get3A_141 = arith.index_cast %scan3A_114 : i32 to index
        %get3A_142 = arith.constant 32 : index
        %get3A_143 = tpu.vector_load %arg9[%get3A_141, %get3A_142] {strides = array<i32>} : memref<128x128xf32, #tpu.memory_space<vmem>>, vector<1x16xf32>,
        %get3A_144 = vector.shape_cast %get3A_143 : vector<1x16xf32> to vector<16xf32>
        %get3A_145 = arith.index_cast %scan3A_114 : i32 to index
        %get3A_146 = arith.constant 32 : index
        %get3A_147 = tpu.vector_load %arg10[%get3A_145, %get3A_146] {strides = array<i32>} : memref<128x128xf32, #tpu.memory_space<vmem>>, vector<1x16xf32>,
        %get3A_148 = vector.shape_cast %get3A_147 : vector<1x16xf32> to vector<16xf32>
        %add3A_149 = arith.addf %get3A_144, %get3A_148 : vector<16xf32>
        %swap3A_150 = arith.index_cast %scan3A_114 : i32 to index
        %swap3A_151 = arith.constant 32 : index
        %swap3A_152 = tpu.vector_load %arg9[%swap3A_150, %swap3A_151] {strides = array<i32>} : memref<128x128xf32, #tpu.memory_space<vmem>>, vector<1x16xf32>,
        %swap3A_153 = vector.shape_cast %swap3A_152 : vector<1x16xf32> to vector<16xf32>
        %swap3A_154 = vector.shape_cast %add3A_149 : vector<16xf32> to vector<1x16xf32>
        tpu.vector_store %arg9[%swap3A_150, %swap3A_151], %swap3A_154 {strides = array<i32>} : memref<128x128xf32, #tpu.memory_space<vmem>>, vector<1x16xf32>,
        %get3A_155 = arith.index_cast %scan3A_114 : i32 to index
        %get3A_156 = arith.constant 48 : index
        %get3A_157 = tpu.vector_load %arg9[%get3A_155, %get3A_156] {strides = array<i32>} : memref<128x128xf32, #tpu.memory_space<vmem>>, vector<1x16xf32>,
        %get3A_158 = vector.shape_cast %get3A_157 : vector<1x16xf32> to vector<16xf32>
        %get3A_159 = arith.index_cast %scan3A_114 : i32 to index
        %get3A_160 = arith.constant 48 : index
        %get3A_161 = tpu.vector_load %arg10[%get3A_159, %get3A_160] {strides = array<i32>} : memref<128x128xf32, #tpu.memory_space<vmem>>, vector<1x16xf32>,
        %get3A_162 = vector.shape_cast %get3A_161 : vector<1x16xf32> to vector<16xf32>
        %add3A_163 = arith.addf %get3A_158, %get3A_162 : vector<16xf32>
        %swap3A_164 = arith.index_cast %scan3A_114 : i32 to index
        %swap3A_165 = arith.constant 48 : index
        %swap3A_166 = tpu.vector_load %arg9[%swap3A_164, %swap3A_165] {strides = array<i32>} : memref<128x128xf32, #tpu.memory_space<vmem>>, vector<1x16xf32>,
        %swap3A_167 = vector.shape_cast %swap3A_166 : vector<1x16xf32> to vector<16xf32>
        %swap3A_168 = vector.shape_cast %add3A_163 : vector<16xf32> to vector<1x16xf32>
        tpu.vector_store %arg9[%swap3A_164, %swap3A_165], %swap3A_168 {strides = array<i32>} : memref<128x128xf32, #tpu.memory_space<vmem>>, vector<1x16xf32>,
        %get3A_169 = arith.index_cast %scan3A_114 : i32 to index
        %get3A_170 = arith.constant 64 : index
        %get3A_171 = tpu.vector_load %arg9[%get3A_169, %get3A_170] {strides = array<i32>} : memref<128x128xf32, #tpu.memory_space<vmem>>, vector<1x16xf32>,
        %get3A_172 = vector.shape_cast %get3A_171 : vector<1x16xf32> to vector<16xf32>
        %get3A_173 = arith.index_cast %scan3A_114 : i32 to index
        %get3A_174 = arith.constant 64 : index
        %get3A_175 = tpu.vector_load %arg10[%get3A_173, %get3A_174] {strides = array<i32>} : memref<128x128xf32, #tpu.memory_space<vmem>>, vector<1x16xf32>,
        %get3A_176 = vector.shape_cast %get3A_175 : vector<1x16xf32> to vector<16xf32>
        %add3A_177 = arith.addf %get3A_172, %get3A_176 : vector<16xf32>
        %swap3A_178 = arith.index_cast %scan3A_114 : i32 to index
        %swap3A_179 = arith.constant 64 : index
        %swap3A_180 = tpu.vector_load %arg9[%swap3A_178, %swap3A_179] {strides = array<i32>} : memref<128x128xf32, #tpu.memory_space<vmem>>, vector<1x16xf32>,
        %swap3A_181 = vector.shape_cast %swap3A_180 : vector<1x16xf32> to vector<16xf32>
        %swap3A_182 = vector.shape_cast %add3A_177 : vector<16xf32> to vector<1x16xf32>
        tpu.vector_store %arg9[%swap3A_178, %swap3A_179], %swap3A_182 {strides = array<i32>} : memref<128x128xf32, #tpu.memory_space<vmem>>, vector<1x16xf32>,
        %get3A_183 = arith.index_cast %scan3A_114 : i32 to index
        %get3A_184 = arith.constant 80 : index
        %get3A_185 = tpu.vector_load %arg9[%get3A_183, %get3A_184] {strides = array<i32>} : memref<128x128xf32, #tpu.memory_space<vmem>>, vector<1x16xf32>,
        %get3A_186 = vector.shape_cast %get3A_185 : vector<1x16xf32> to vector<16xf32>
        %get3A_187 = arith.index_cast %scan3A_114 : i32 to index
        %get3A_188 = arith.constant 80 : index
        %get3A_189 = tpu.vector_load %arg10[%get3A_187, %get3A_188] {strides = array<i32>} : memref<128x128xf32, #tpu.memory_space<vmem>>, vector<1x16xf32>,
        %get3A_190 = vector.shape_cast %get3A_189 : vector<1x16xf32> to vector<16xf32>
        %add3A_191 = arith.addf %get3A_186, %get3A_190 : vector<16xf32>
        %swap3A_192 = arith.index_cast %scan3A_114 : i32 to index
        %swap3A_193 = arith.constant 80 : index
        %swap3A_194 = tpu.vector_load %arg9[%swap3A_192, %swap3A_193] {strides = array<i32>} : memref<128x128xf32, #tpu.memory_space<vmem>>, vector<1x16xf32>,
        %swap3A_195 = vector.shape_cast %swap3A_194 : vector<1x16xf32> to vector<16xf32>
        %swap3A_196 = vector.shape_cast %add3A_191 : vector<16xf32> to vector<1x16xf32>
        tpu.vector_store %arg9[%swap3A_192, %swap3A_193], %swap3A_196 {strides = array<i32>} : memref<128x128xf32, #tpu.memory_space<vmem>>, vector<1x16xf32>,
        %get3A_197 = arith.index_cast %scan3A_114 : i32 to index
        %get3A_198 = arith.constant 96 : index
        %get3A_199 = tpu.vector_load %arg9[%get3A_197, %get3A_198] {strides = array<i32>} : memref<128x128xf32, #tpu.memory_space<vmem>>, vector<1x16xf32>,
        %get3A_200 = vector.shape_cast %get3A_199 : vector<1x16xf32> to vector<16xf32>
        %get3A_201 = arith.index_cast %scan3A_114 : i32 to index
        %get3A_202 = arith.constant 96 : index
        %get3A_203 = tpu.vector_load %arg10[%get3A_201, %get3A_202] {strides = array<i32>} : memref<128x128xf32, #tpu.memory_space<vmem>>, vector<1x16xf32>,
        %get3A_204 = vector.shape_cast %get3A_203 : vector<1x16xf32> to vector<16xf32>
        %add3A_205 = arith.addf %get3A_200, %get3A_204 : vector<16xf32>
        %swap3A_206 = arith.index_cast %scan3A_114 : i32 to index
        %swap3A_207 = arith.constant 96 : index
        %swap3A_208 = tpu.vector_load %arg9[%swap3A_206, %swap3A_207] {strides = array<i32>} : memref<128x128xf32, #tpu.memory_space<vmem>>, vector<1x16xf32>,
        %swap3A_209 = vector.shape_cast %swap3A_208 : vector<1x16xf32> to vector<16xf32>
        %swap3A_210 = vector.shape_cast %add3A_205 : vector<16xf32> to vector<1x16xf32>
        tpu.vector_store %arg9[%swap3A_206, %swap3A_207], %swap3A_210 {strides = array<i32>} : memref<128x128xf32, #tpu.memory_space<vmem>>, vector<1x16xf32>,
        %get3A_211 = arith.index_cast %scan3A_114 : i32 to index
        %get3A_212 = arith.constant 112 : index
        %get3A_213 = tpu.vector_load %arg9[%get3A_211, %get3A_212] {strides = array<i32>} : memref<128x128xf32, #tpu.memory_space<vmem>>, vector<1x16xf32>,
        %get3A_214 = vector.shape_cast %get3A_213 : vector<1x16xf32> to vector<16xf32>
        %get3A_215 = arith.index_cast %scan3A_114 : i32 to index
        %get3A_216 = arith.constant 112 : index
        %get3A_217 = tpu.vector_load %arg10[%get3A_215, %get3A_216] {strides = array<i32>} : memref<128x128xf32, #tpu.memory_space<vmem>>, vector<1x16xf32>,
        %get3A_218 = vector.shape_cast %get3A_217 : vector<1x16xf32> to vector<16xf32>
        %add3A_219 = arith.addf %get3A_214, %get3A_218 : vector<16xf32>
        %swap3A_220 = arith.index_cast %scan3A_114 : i32 to index
        %swap3A_221 = arith.constant 112 : index
        %swap3A_222 = tpu.vector_load %arg9[%swap3A_220, %swap3A_221] {strides = array<i32>} : memref<128x128xf32, #tpu.memory_space<vmem>>, vector<1x16xf32>,
        %swap3A_223 = vector.shape_cast %swap3A_222 : vector<1x16xf32> to vector<16xf32>
        %swap3A_224 = vector.shape_cast %add3A_219 : vector<16xf32> to vector<1x16xf32>
        tpu.vector_store %arg9[%swap3A_220, %swap3A_221], %swap3A_224 {strides = array<i32>} : memref<128x128xf32, #tpu.memory_space<vmem>>, vector<1x16xf32>,
      }
      %scan3A_68 = arith.constant 128 : i32
      %mul3A_69 = arith.constant 128 : i32
      %mul3A_70 = arith.muli %mul3A_32, %mul3A_69 : i32
      %add3A_71 = arith.addi %multiple_of3A, %mul3A_70 : i32
      %multiple_of3A_72 = tpu.assume_multiple %add3A_71, 8 : i32
      "tpu.region"() ({
        %run_scoped3A = tpu.sem_alloc : memref<!tpu.dma_semaphore, #tpu.memory_space<semaphore_mem>>
        %dma_start3A_114 = arith.constant 0 : i32
        %dma_start3A_115 = tpu.memref_slice %arg6[%multiple_of3A_72, %dma_start3A_114] : memref<65536x128xf32, #tpu.memory_space<hbm>> -> memref<128x128xf32, #tpu.memory_space<hbm>>
        %dma_start3A_116 = arith.constant 0 : i32
        %dma_start3A_117 = tpu.memref_slice %arg6[%multiple_of3A_72, %dma_start3A_116] : memref<65536x128xf32, #tpu.memory_space<hbm>> -> memref<128x128xf32, #tpu.memory_space<hbm>>
        tpu.enqueue_dma source(%arg9 : memref<128x128xf32, #tpu.memory_space<vmem>>) target(%dma_start3A_117 : memref<128x128xf32, #tpu.memory_space<hbm>>) target_semaphore(%run_scoped3A : memref<!tpu.dma_semaphore, #tpu.memory_space<semaphore_mem>>)
        %dma_wait3A_118 = arith.constant 0 : i32
        %dma_wait3A_119 = tpu.memref_slice %arg6[%multiple_of3A_72, %dma_wait3A_118] : memref<65536x128xf32, #tpu.memory_space<hbm>> -> memref<128x128xf32, #tpu.memory_space<hbm>>
        %dma_wait3A_120 = arith.constant 0 : i32
        %dma_wait3A_121 = tpu.memref_slice %arg6[%multiple_of3A_72, %dma_wait3A_120] : memref<65536x128xf32, #tpu.memory_space<hbm>> -> memref<128x128xf32, #tpu.memory_space<hbm>>
        tpu.wait_dma2 semaphore(%run_scoped3A : memref<!tpu.dma_semaphore, #tpu.memory_space<semaphore_mem>>) src(%arg9 : memref<128x128xf32, #tpu.memory_space<vmem>>) dst(%dma_wait3A_121 : memref<128x128xf32, #tpu.memory_space<hbm>>)
        tpu.yield
      }) : () -> ()
      %add3A_73 = arith.constant 1 : i32
      %add3A_74 = arith.addi %add3A_34, %add3A_73 : i32
      %min3A = arith.constant 15 : i32
      %min3A_75 = arith.minsi %add3A_74, %min3A : i32
      %mul3A_76 = arith.constant 128 : i32
      %mul3A_77 = arith.muli %min3A_75, %mul3A_76 : i32
      %multiple_of3A_78 = tpu.assume_multiple %mul3A_77, 128 : i32
      %dma_start3A_79 = tpu.memref_slice %arg7[%multiple_of3A_78] : memref<2048xi32, #tpu.memory_space<vmem>> -> memref<128xi32, #tpu.memory_space<vmem>>
      %dma_start3A_80 = arith.constant 0 : i32
      %dma_start3A_81 = arith.constant 0 : i32
      %dma_start3A_82 = tpu.memref_slice %arg2[%dma_start3A_80, %dma_start3A_81] : memref<10000x128xf32, #tpu.memory_space<hbm>> -> memref<10000x128xf32, #tpu.memory_space<hbm>>
      tpu.enqueue_indirect_dma source(%dma_start3A_82 : memref<10000x128xf32, #tpu.memory_space<hbm>>) target(%arg9 : memref<128x128xf32, #tpu.memory_space<vmem>>) offsets(%dma_start3A_79 : memref<128xi32, #tpu.memory_space<vmem>>) semaphore(%arg13 : memref<!tpu.dma_semaphore, #tpu.memory_space<semaphore_mem>>)
      %mul3A_83 = arith.constant 128 : i32
      %mul3A_84 = arith.muli %min3A_75, %mul3A_83 : i32
      %multiple_of3A_85 = tpu.assume_multiple %mul3A_84, 128 : i32
      %dma_start3A_86 = tpu.memref_slice %arg8[%multiple_of3A_85] : memref<2048xi32, #tpu.memory_space<vmem>> -> memref<128xi32, #tpu.memory_space<vmem>>
      %dma_start3A_87 = arith.constant 0 : i32
      %dma_start3A_88 = arith.constant 0 : i32
      %dma_start3A_89 = tpu.memref_slice %arg3[%dma_start3A_87, %dma_start3A_88] : memref<10000x128xf32, #tpu.memory_space<hbm>> -> memref<10000x128xf32, #tpu.memory_space<hbm>>
      tpu.enqueue_indirect_dma source(%dma_start3A_89 : memref<10000x128xf32, #tpu.memory_space<hbm>>) target(%arg10 : memref<128x128xf32, #tpu.memory_space<vmem>>) offsets(%dma_start3A_86 : memref<128xi32, #tpu.memory_space<vmem>>) semaphore(%arg14 : memref<!tpu.dma_semaphore, #tpu.memory_space<semaphore_mem>>)
      %mul3A_90 = arith.constant 128 : i32
      %mul3A_91 = arith.muli %add3A_34, %mul3A_90 : i32
      %multiple_of3A_92 = tpu.assume_multiple %mul3A_91, 128 : i32
      %dma_wait3A_93 = tpu.memref_slice %arg7[%multiple_of3A_92] : memref<2048xi32, #tpu.memory_space<vmem>> -> memref<128xi32, #tpu.memory_space<vmem>>
      %dma_wait3A_94 = arith.constant 0 : i32
      %dma_wait3A_95 = arith.constant 0 : i32
      %dma_wait3A_96 = tpu.memref_slice %arg2[%dma_wait3A_94, %dma_wait3A_95] : memref<10000x128xf32, #tpu.memory_space<hbm>> -> memref<10000x128xf32, #tpu.memory_space<hbm>>
      tpu.wait_indirect_dma semaphore(%arg15 : memref<!tpu.dma_semaphore, #tpu.memory_space<semaphore_mem>>) src(%dma_wait3A_96 : memref<10000x128xf32, #tpu.memory_space<hbm>>) dst(%arg11 : memref<128x128xf32, #tpu.memory_space<vmem>>)
      %mul3A_97 = arith.constant 128 : i32
      %mul3A_98 = arith.muli %add3A_34, %mul3A_97 : i32
      %multiple_of3A_99 = tpu.assume_multiple %mul3A_98, 128 : i32
      %dma_wait3A_100 = tpu.memref_slice %arg8[%multiple_of3A_99] : memref<2048xi32, #tpu.memory_space<vmem>> -> memref<128xi32, #tpu.memory_space<vmem>>
      %dma_wait3A_101 = arith.constant 0 : i32
      %dma_wait3A_102 = arith.constant 0 : i32
      %dma_wait3A_103 = tpu.memref_slice %arg3[%dma_wait3A_101, %dma_wait3A_102] : memref<10000x128xf32, #tpu.memory_space<hbm>> -> memref<10000x128xf32, #tpu.memory_space<hbm>>
      tpu.wait_indirect_dma semaphore(%arg16 : memref<!tpu.dma_semaphore, #tpu.memory_space<semaphore_mem>>) src(%dma_wait3A_103 : memref<10000x128xf32, #tpu.memory_space<hbm>>) dst(%arg12 : memref<128x128xf32, #tpu.memory_space<vmem>>)
      %scan3A_104 = arith.constant 0 : i32
      %scan3A_105 = arith.constant 0 : i32
      %scan3A_106 = arith.constant 128 : i32
      %scan3A_107 = arith.addi %scan3A_105, %scan3A_106 : i32
      %scan3A_108 = arith.constant 1 : i32
      scf.for %scan3A_114 = %scan3A_105 to %scan3A_107 step %scan3A_108  : i32 {
        %get3A = arith.index_cast %scan3A_114 : i32 to index
        %get3A_115 = arith.constant 0 : index
        %get3A_116 = tpu.vector_load %arg11[%get3A, %get3A_115] {strides = array<i32>} : memref<128x128xf32, #tpu.memory_space<vmem>>, vector<1x16xf32>,
        %get3A_117 = vector.shape_cast %get3A_116 : vector<1x16xf32> to vector<16xf32>
        %get3A_118 = arith.index_cast %scan3A_114 : i32 to index
        %get3A_119 = arith.constant 0 : index
        %get3A_120 = tpu.vector_load %arg12[%get3A_118, %get3A_119] {strides = array<i32>} : memref<128x128xf32, #tpu.memory_space<vmem>>, vector<1x16xf32>,
        %get3A_121 = vector.shape_cast %get3A_120 : vector<1x16xf32> to vector<16xf32>
        %add3A_122 = arith.addf %get3A_117, %get3A_121 : vector<16xf32>
        %swap3A = arith.index_cast %scan3A_114 : i32 to index
        %swap3A_123 = arith.constant 0 : index
        %swap3A_124 = tpu.vector_load %arg11[%swap3A, %swap3A_123] {strides = array<i32>} : memref<128x128xf32, #tpu.memory_space<vmem>>, vector<1x16xf32>,
        %swap3A_125 = vector.shape_cast %swap3A_124 : vector<1x16xf32> to vector<16xf32>
        %swap3A_126 = vector.shape_cast %add3A_122 : vector<16xf32> to vector<1x16xf32>
        tpu.vector_store %arg11[%swap3A, %swap3A_123], %swap3A_126 {strides = array<i32>} : memref<128x128xf32, #tpu.memory_space<vmem>>, vector<1x16xf32>,
        %get3A_127 = arith.index_cast %scan3A_114 : i32 to index
        %get3A_128 = arith.constant 16 : index
        %get3A_129 = tpu.vector_load %arg11[%get3A_127, %get3A_128] {strides = array<i32>} : memref<128x128xf32, #tpu.memory_space<vmem>>, vector<1x16xf32>,
        %get3A_130 = vector.shape_cast %get3A_129 : vector<1x16xf32> to vector<16xf32>
        %get3A_131 = arith.index_cast %scan3A_114 : i32 to index
        %get3A_132 = arith.constant 16 : index
        %get3A_133 = tpu.vector_load %arg12[%get3A_131, %get3A_132] {strides = array<i32>} : memref<128x128xf32, #tpu.memory_space<vmem>>, vector<1x16xf32>,
        %get3A_134 = vector.shape_cast %get3A_133 : vector<1x16xf32> to vector<16xf32>
        %add3A_135 = arith.addf %get3A_130, %get3A_134 : vector<16xf32>
        %swap3A_136 = arith.index_cast %scan3A_114 : i32 to index
        %swap3A_137 = arith.constant 16 : index
        %swap3A_138 = tpu.vector_load %arg11[%swap3A_136, %swap3A_137] {strides = array<i32>} : memref<128x128xf32, #tpu.memory_space<vmem>>, vector<1x16xf32>,
        %swap3A_139 = vector.shape_cast %swap3A_138 : vector<1x16xf32> to vector<16xf32>
        %swap3A_140 = vector.shape_cast %add3A_135 : vector<16xf32> to vector<1x16xf32>
        tpu.vector_store %arg11[%swap3A_136, %swap3A_137], %swap3A_140 {strides = array<i32>} : memref<128x128xf32, #tpu.memory_space<vmem>>, vector<1x16xf32>,
        %get3A_141 = arith.index_cast %scan3A_114 : i32 to index
        %get3A_142 = arith.constant 32 : index
        %get3A_143 = tpu.vector_load %arg11[%get3A_141, %get3A_142] {strides = array<i32>} : memref<128x128xf32, #tpu.memory_space<vmem>>, vector<1x16xf32>,
        %get3A_144 = vector.shape_cast %get3A_143 : vector<1x16xf32> to vector<16xf32>
        %get3A_145 = arith.index_cast %scan3A_114 : i32 to index
        %get3A_146 = arith.constant 32 : index
        %get3A_147 = tpu.vector_load %arg12[%get3A_145, %get3A_146] {strides = array<i32>} : memref<128x128xf32, #tpu.memory_space<vmem>>, vector<1x16xf32>,
        %get3A_148 = vector.shape_cast %get3A_147 : vector<1x16xf32> to vector<16xf32>
        %add3A_149 = arith.addf %get3A_144, %get3A_148 : vector<16xf32>
        %swap3A_150 = arith.index_cast %scan3A_114 : i32 to index
        %swap3A_151 = arith.constant 32 : index
        %swap3A_152 = tpu.vector_load %arg11[%swap3A_150, %swap3A_151] {strides = array<i32>} : memref<128x128xf32, #tpu.memory_space<vmem>>, vector<1x16xf32>,
        %swap3A_153 = vector.shape_cast %swap3A_152 : vector<1x16xf32> to vector<16xf32>
        %swap3A_154 = vector.shape_cast %add3A_149 : vector<16xf32> to vector<1x16xf32>
        tpu.vector_store %arg11[%swap3A_150, %swap3A_151], %swap3A_154 {strides = array<i32>} : memref<128x128xf32, #tpu.memory_space<vmem>>, vector<1x16xf32>,
        %get3A_155 = arith.index_cast %scan3A_114 : i32 to index
        %get3A_156 = arith.constant 48 : index
        %get3A_157 = tpu.vector_load %arg11[%get3A_155, %get3A_156] {strides = array<i32>} : memref<128x128xf32, #tpu.memory_space<vmem>>, vector<1x16xf32>,
        %get3A_158 = vector.shape_cast %get3A_157 : vector<1x16xf32> to vector<16xf32>
        %get3A_159 = arith.index_cast %scan3A_114 : i32 to index
        %get3A_160 = arith.constant 48 : index
        %get3A_161 = tpu.vector_load %arg12[%get3A_159, %get3A_160] {strides = array<i32>} : memref<128x128xf32, #tpu.memory_space<vmem>>, vector<1x16xf32>,
        %get3A_162 = vector.shape_cast %get3A_161 : vector<1x16xf32> to vector<16xf32>
        %add3A_163 = arith.addf %get3A_158, %get3A_162 : vector<16xf32>
        %swap3A_164 = arith.index_cast %scan3A_114 : i32 to index
        %swap3A_165 = arith.constant 48 : index
        %swap3A_166 = tpu.vector_load %arg11[%swap3A_164, %swap3A_165] {strides = array<i32>} : memref<128x128xf32, #tpu.memory_space<vmem>>, vector<1x16xf32>,
        %swap3A_167 = vector.shape_cast %swap3A_166 : vector<1x16xf32> to vector<16xf32>
        %swap3A_168 = vector.shape_cast %add3A_163 : vector<16xf32> to vector<1x16xf32>
        tpu.vector_store %arg11[%swap3A_164, %swap3A_165], %swap3A_168 {strides = array<i32>} : memref<128x128xf32, #tpu.memory_space<vmem>>, vector<1x16xf32>,
        %get3A_169 = arith.index_cast %scan3A_114 : i32 to index
        %get3A_170 = arith.constant 64 : index
        %get3A_171 = tpu.vector_load %arg11[%get3A_169, %get3A_170] {strides = array<i32>} : memref<128x128xf32, #tpu.memory_space<vmem>>, vector<1x16xf32>,
        %get3A_172 = vector.shape_cast %get3A_171 : vector<1x16xf32> to vector<16xf32>
        %get3A_173 = arith.index_cast %scan3A_114 : i32 to index
        %get3A_174 = arith.constant 64 : index
        %get3A_175 = tpu.vector_load %arg12[%get3A_173, %get3A_174] {strides = array<i32>} : memref<128x128xf32, #tpu.memory_space<vmem>>, vector<1x16xf32>,
        %get3A_176 = vector.shape_cast %get3A_175 : vector<1x16xf32> to vector<16xf32>
        %add3A_177 = arith.addf %get3A_172, %get3A_176 : vector<16xf32>
        %swap3A_178 = arith.index_cast %scan3A_114 : i32 to index
        %swap3A_179 = arith.constant 64 : index
        %swap3A_180 = tpu.vector_load %arg11[%swap3A_178, %swap3A_179] {strides = array<i32>} : memref<128x128xf32, #tpu.memory_space<vmem>>, vector<1x16xf32>,
        %swap3A_181 = vector.shape_cast %swap3A_180 : vector<1x16xf32> to vector<16xf32>
        %swap3A_182 = vector.shape_cast %add3A_177 : vector<16xf32> to vector<1x16xf32>
        tpu.vector_store %arg11[%swap3A_178, %swap3A_179], %swap3A_182 {strides = array<i32>} : memref<128x128xf32, #tpu.memory_space<vmem>>, vector<1x16xf32>,
        %get3A_183 = arith.index_cast %scan3A_114 : i32 to index
        %get3A_184 = arith.constant 80 : index
        %get3A_185 = tpu.vector_load %arg11[%get3A_183, %get3A_184] {strides = array<i32>} : memref<128x128xf32, #tpu.memory_space<vmem>>, vector<1x16xf32>,
        %get3A_186 = vector.shape_cast %get3A_185 : vector<1x16xf32> to vector<16xf32>
        %get3A_187 = arith.index_cast %scan3A_114 : i32 to index
        %get3A_188 = arith.constant 80 : index
        %get3A_189 = tpu.vector_load %arg12[%get3A_187, %get3A_188] {strides = array<i32>} : memref<128x128xf32, #tpu.memory_space<vmem>>, vector<1x16xf32>,
        %get3A_190 = vector.shape_cast %get3A_189 : vector<1x16xf32> to vector<16xf32>
        %add3A_191 = arith.addf %get3A_186, %get3A_190 : vector<16xf32>
        %swap3A_192 = arith.index_cast %scan3A_114 : i32 to index
        %swap3A_193 = arith.constant 80 : index
        %swap3A_194 = tpu.vector_load %arg11[%swap3A_192, %swap3A_193] {strides = array<i32>} : memref<128x128xf32, #tpu.memory_space<vmem>>, vector<1x16xf32>,
        %swap3A_195 = vector.shape_cast %swap3A_194 : vector<1x16xf32> to vector<16xf32>
        %swap3A_196 = vector.shape_cast %add3A_191 : vector<16xf32> to vector<1x16xf32>
        tpu.vector_store %arg11[%swap3A_192, %swap3A_193], %swap3A_196 {strides = array<i32>} : memref<128x128xf32, #tpu.memory_space<vmem>>, vector<1x16xf32>,
        %get3A_197 = arith.index_cast %scan3A_114 : i32 to index
        %get3A_198 = arith.constant 96 : index
        %get3A_199 = tpu.vector_load %arg11[%get3A_197, %get3A_198] {strides = array<i32>} : memref<128x128xf32, #tpu.memory_space<vmem>>, vector<1x16xf32>,
        %get3A_200 = vector.shape_cast %get3A_199 : vector<1x16xf32> to vector<16xf32>
        %get3A_201 = arith.index_cast %scan3A_114 : i32 to index
        %get3A_202 = arith.constant 96 : index
        %get3A_203 = tpu.vector_load %arg12[%get3A_201, %get3A_202] {strides = array<i32>} : memref<128x128xf32, #tpu.memory_space<vmem>>, vector<1x16xf32>,
        %get3A_204 = vector.shape_cast %get3A_203 : vector<1x16xf32> to vector<16xf32>
        %add3A_205 = arith.addf %get3A_200, %get3A_204 : vector<16xf32>
        %swap3A_206 = arith.index_cast %scan3A_114 : i32 to index
        %swap3A_207 = arith.constant 96 : index
        %swap3A_208 = tpu.vector_load %arg11[%swap3A_206, %swap3A_207] {strides = array<i32>} : memref<128x128xf32, #tpu.memory_space<vmem>>, vector<1x16xf32>,
        %swap3A_209 = vector.shape_cast %swap3A_208 : vector<1x16xf32> to vector<16xf32>
        %swap3A_210 = vector.shape_cast %add3A_205 : vector<16xf32> to vector<1x16xf32>
        tpu.vector_store %arg11[%swap3A_206, %swap3A_207], %swap3A_210 {strides = array<i32>} : memref<128x128xf32, #tpu.memory_space<vmem>>, vector<1x16xf32>,
        %get3A_211 = arith.index_cast %scan3A_114 : i32 to index
        %get3A_212 = arith.constant 112 : index
        %get3A_213 = tpu.vector_load %arg11[%get3A_211, %get3A_212] {strides = array<i32>} : memref<128x128xf32, #tpu.memory_space<vmem>>, vector<1x16xf32>,
        %get3A_214 = vector.shape_cast %get3A_213 : vector<1x16xf32> to vector<16xf32>
        %get3A_215 = arith.index_cast %scan3A_114 : i32 to index
        %get3A_216 = arith.constant 112 : index
        %get3A_217 = tpu.vector_load %arg12[%get3A_215, %get3A_216] {strides = array<i32>} : memref<128x128xf32, #tpu.memory_space<vmem>>, vector<1x16xf32>,
        %get3A_218 = vector.shape_cast %get3A_217 : vector<1x16xf32> to vector<16xf32>
        %add3A_219 = arith.addf %get3A_214, %get3A_218 : vector<16xf32>
        %swap3A_220 = arith.index_cast %scan3A_114 : i32 to index
        %swap3A_221 = arith.constant 112 : index
        %swap3A_222 = tpu.vector_load %arg11[%swap3A_220, %swap3A_221] {strides = array<i32>} : memref<128x128xf32, #tpu.memory_space<vmem>>, vector<1x16xf32>,
        %swap3A_223 = vector.shape_cast %swap3A_222 : vector<1x16xf32> to vector<16xf32>
        %swap3A_224 = vector.shape_cast %add3A_219 : vector<16xf32> to vector<1x16xf32>
        tpu.vector_store %arg11[%swap3A_220, %swap3A_221], %swap3A_224 {strides = array<i32>} : memref<128x128xf32, #tpu.memory_space<vmem>>, vector<1x16xf32>,
      }
      %scan3A_109 = arith.constant 128 : i32
      %mul3A_110 = arith.constant 128 : i32
      %mul3A_111 = arith.muli %add3A_34, %mul3A_110 : i32
      %add3A_112 = arith.addi %multiple_of3A, %mul3A_111 : i32
      %multiple_of3A_113 = tpu.assume_multiple %add3A_112, 8 : i32
      "tpu.region"() ({
        %run_scoped3A = tpu.sem_alloc : memref<!tpu.dma_semaphore, #tpu.memory_space<semaphore_mem>>
        %dma_start3A_114 = arith.constant 0 : i32
        %dma_start3A_115 = tpu.memref_slice %arg6[%multiple_of3A_113, %dma_start3A_114] : memref<65536x128xf32, #tpu.memory_space<hbm>> -> memref<128x128xf32, #tpu.memory_space<hbm>>
        %dma_start3A_116 = arith.constant 0 : i32
        %dma_start3A_117 = tpu.memref_slice %arg6[%multiple_of3A_113, %dma_start3A_116] : memref<65536x128xf32, #tpu.memory_space<hbm>> -> memref<128x128xf32, #tpu.memory_space<hbm>>
        tpu.enqueue_dma source(%arg11 : memref<128x128xf32, #tpu.memory_space<vmem>>) target(%dma_start3A_117 : memref<128x128xf32, #tpu.memory_space<hbm>>) target_semaphore(%run_scoped3A : memref<!tpu.dma_semaphore, #tpu.memory_space<semaphore_mem>>)
        %dma_wait3A_118 = arith.constant 0 : i32
        %dma_wait3A_119 = tpu.memref_slice %arg6[%multiple_of3A_113, %dma_wait3A_118] : memref<65536x128xf32, #tpu.memory_space<hbm>> -> memref<128x128xf32, #tpu.memory_space<hbm>>
        %dma_wait3A_120 = arith.constant 0 : i32
        %dma_wait3A_121 = tpu.memref_slice %arg6[%multiple_of3A_113, %dma_wait3A_120] : memref<65536x128xf32, #tpu.memory_space<hbm>> -> memref<128x128xf32, #tpu.memory_space<hbm>>
        tpu.wait_dma2 semaphore(%run_scoped3A : memref<!tpu.dma_semaphore, #tpu.memory_space<semaphore_mem>>) src(%arg11 : memref<128x128xf32, #tpu.memory_space<vmem>>) dst(%dma_wait3A_121 : memref<128x128xf32, #tpu.memory_space<hbm>>)
        tpu.yield
      }) : () -> ()
    }
    %scan3A_18 = arith.constant 8 : i32
    %multiple_of3A_19 = arith.constant 1920 : i32
    %multiple_of3A_20 = tpu.assume_multiple %multiple_of3A_19, 128 : i32
    %dma_wait3A = tpu.memref_slice %arg7[%multiple_of3A_20] : memref<2048xi32, #tpu.memory_space<vmem>> -> memref<128xi32, #tpu.memory_space<vmem>>
    %dma_wait3A_21 = arith.constant 0 : i32
    %dma_wait3A_22 = arith.constant 0 : i32
    %dma_wait3A_23 = tpu.memref_slice %arg2[%dma_wait3A_21, %dma_wait3A_22] : memref<10000x128xf32, #tpu.memory_space<hbm>> -> memref<10000x128xf32, #tpu.memory_space<hbm>>
    tpu.wait_indirect_dma semaphore(%arg13 : memref<!tpu.dma_semaphore, #tpu.memory_space<semaphore_mem>>) src(%dma_wait3A_23 : memref<10000x128xf32, #tpu.memory_space<hbm>>) dst(%arg9 : memref<128x128xf32, #tpu.memory_space<vmem>>)
    %multiple_of3A_24 = arith.constant 1920 : i32
    %multiple_of3A_25 = tpu.assume_multiple %multiple_of3A_24, 128 : i32
    %dma_wait3A_26 = tpu.memref_slice %arg8[%multiple_of3A_25] : memref<2048xi32, #tpu.memory_space<vmem>> -> memref<128xi32, #tpu.memory_space<vmem>>
    %dma_wait3A_27 = arith.constant 0 : i32
    %dma_wait3A_28 = arith.constant 0 : i32
    %dma_wait3A_29 = tpu.memref_slice %arg3[%dma_wait3A_27, %dma_wait3A_28] : memref<10000x128xf32, #tpu.memory_space<hbm>> -> memref<10000x128xf32, #tpu.memory_space<hbm>>
    tpu.wait_indirect_dma semaphore(%arg14 : memref<!tpu.dma_semaphore, #tpu.memory_space<semaphore_mem>>) src(%dma_wait3A_29 : memref<10000x128xf32, #tpu.memory_space<hbm>>) dst(%arg10 : memref<128x128xf32, #tpu.memory_space<vmem>>)
    return
  }
}

#map = affine_map<(d0, d1) -> (0, 0)>
#map1 = affine_map<(d0, d1) -> (0)>
module attributes {stable_mosaic.version = 14 : i64} {
  func.func @k(%arg0: i32, %arg1: i32, %arg2: memref<10000x128xf32, #tpu.memory_space<hbm>>, %arg3: memref<10000x128xf32, #tpu.memory_space<hbm>>, %arg4: memref<65536xi32, #tpu.memory_space<hbm>>, %arg5: memref<65536xi32, #tpu.memory_space<hbm>>, %arg6: memref<65536x128xf32, #tpu.memory_space<hbm>>, %arg7: memref<2048xi32, #tpu.memory_space<vmem>>, %arg8: memref<2048xi32, #tpu.memory_space<vmem>>, %arg9: memref<128x128xf32, #tpu.memory_space<vmem>>, %arg10: memref<128x128xf32, #tpu.memory_space<vmem>>, %arg11: memref<128x128xf32, #tpu.memory_space<vmem>>, %arg12: memref<128x128xf32, #tpu.memory_space<vmem>>, %arg13: memref<!tpu.dma_semaphore, #tpu.memory_space<semaphore_mem>>, %arg14: memref<!tpu.dma_semaphore, #tpu.memory_space<semaphore_mem>>, %arg15: memref<!tpu.dma_semaphore, #tpu.memory_space<semaphore_mem>>, %arg16: memref<!tpu.dma_semaphore, #tpu.memory_space<semaphore_mem>>) attributes {dimension_semantics = [#tpu.dimension_semantics<core_parallel>, #tpu.dimension_semantics<subcore_parallel>], iteration_bounds = array<i64: 2, 16>, scalar_prefetch = 0 : i64, scratch_operands = 10 : i64, tpu.core_type = #tpu.core_type<sc_vector_subcore>, window_params = [{transform_indices = #map}, {transform_indices = #map}, {transform_indices = #map1}, {transform_indices = #map1}, {transform_indices = #map}]} {
    %mul3A = arith.constant 16 : i32
    %mul3A_0 = arith.muli %arg0, %mul3A : i32
    %add3A = arith.addi %mul3A_0, %arg1 : i32
    %mul3A_1 = arith.constant 2048 : i32
    %mul3A_2 = arith.muli %add3A, %mul3A_1 : i32
    %multiple_of3A = tpu.assume_multiple %mul3A_2, 128 : i32
    "tpu.region"() ({
      %run_scoped3A = tpu.sem_alloc : memref<!tpu.dma_semaphore, #tpu.memory_space<semaphore_mem>>
      %dma_start3A_30 = tpu.memref_slice %arg4[%multiple_of3A] : memref<65536xi32, #tpu.memory_space<hbm>> -> memref<2048xi32, #tpu.memory_space<hbm>>
      %dma_start3A_31 = tpu.memref_slice %arg4[%multiple_of3A] : memref<65536xi32, #tpu.memory_space<hbm>> -> memref<2048xi32, #tpu.memory_space<hbm>>
      tpu.enqueue_dma source(%dma_start3A_31 : memref<2048xi32, #tpu.memory_space<hbm>>) target(%arg7 : memref<2048xi32, #tpu.memory_space<vmem>>) target_semaphore(%run_scoped3A : memref<!tpu.dma_semaphore, #tpu.memory_space<semaphore_mem>>)
      %dma_wait3A_32 = tpu.memref_slice %arg4[%multiple_of3A] : memref<65536xi32, #tpu.memory_space<hbm>> -> memref<2048xi32, #tpu.memory_space<hbm>>
      %dma_wait3A_33 = tpu.memref_slice %arg4[%multiple_of3A] : memref<65536xi32, #tpu.memory_space<hbm>> -> memref<2048xi32, #tpu.memory_space<hbm>>
      tpu.wait_dma2 semaphore(%run_scoped3A : memref<!tpu.dma_semaphore, #tpu.memory_space<semaphore_mem>>) src(%dma_wait3A_33 : memref<2048xi32, #tpu.memory_space<hbm>>) dst(%arg7 : memref<2048xi32, #tpu.memory_space<vmem>>)
      tpu.yield
    }) : () -> ()
    "tpu.region"() ({
      %run_scoped3A = tpu.sem_alloc : memref<!tpu.dma_semaphore, #tpu.memory_space<semaphore_mem>>
      %dma_start3A_30 = tpu.memref_slice %arg5[%multiple_of3A] : memref<65536xi32, #tpu.memory_space<hbm>> -> memref<2048xi32, #tpu.memory_space<hbm>>
      %dma_start3A_31 = tpu.memref_slice %arg5[%multiple_of3A] : memref<65536xi32, #tpu.memory_space<hbm>> -> memref<2048xi32, #tpu.memory_space<hbm>>
      tpu.enqueue_dma source(%dma_start3A_31 : memref<2048xi32, #tpu.memory_space<hbm>>) target(%arg8 : memref<2048xi32, #tpu.memory_space<vmem>>) target_semaphore(%run_scoped3A : memref<!tpu.dma_semaphore, #tpu.memory_space<semaphore_mem>>)
      %dma_wait3A_32 = tpu.memref_slice %arg5[%multiple_of3A] : memref<65536xi32, #tpu.memory_space<hbm>> -> memref<2048xi32, #tpu.memory_space<hbm>>
      %dma_wait3A_33 = tpu.memref_slice %arg5[%multiple_of3A] : memref<65536xi32, #tpu.memory_space<hbm>> -> memref<2048xi32, #tpu.memory_space<hbm>>
      tpu.wait_dma2 semaphore(%run_scoped3A : memref<!tpu.dma_semaphore, #tpu.memory_space<semaphore_mem>>) src(%dma_wait3A_33 : memref<2048xi32, #tpu.memory_space<hbm>>) dst(%arg8 : memref<2048xi32, #tpu.memory_space<vmem>>)
      tpu.yield
    }) : () -> ()
    %multiple_of3A_3 = arith.constant 0 : i32
    %multiple_of3A_4 = tpu.assume_multiple %multiple_of3A_3, 128 : i32
    %dma_start3A = tpu.memref_slice %arg7[%multiple_of3A_4] : memref<2048xi32, #tpu.memory_space<vmem>> -> memref<128xi32, #tpu.memory_space<vmem>>
    %dma_start3A_5 = arith.constant 0 : i32
    %dma_start3A_6 = arith.constant 0 : i32
    %dma_start3A_7 = tpu.memref_slice %arg2[%dma_start3A_5, %dma_start3A_6] : memref<10000x128xf32, #tpu.memory_space<hbm>> -> memref<10000x128xf32, #tpu.memory_space<hbm>>
    tpu.enqueue_indirect_dma source(%dma_start3A_7 : memref<10000x128xf32, #tpu.memory_space<hbm>>) target(%arg9 : memref<128x128xf32, #tpu.memory_space<vmem>>) offsets(%dma_start3A : memref<128xi32, #tpu.memory_space<vmem>>) semaphore(%arg13 : memref<!tpu.dma_semaphore, #tpu.memory_space<semaphore_mem>>)
    %multiple_of3A_8 = arith.constant 0 : i32
    %multiple_of3A_9 = tpu.assume_multiple %multiple_of3A_8, 128 : i32
    %dma_start3A_10 = tpu.memref_slice %arg8[%multiple_of3A_9] : memref<2048xi32, #tpu.memory_space<vmem>> -> memref<128xi32, #tpu.memory_space<vmem>>
    %dma_start3A_11 = arith.constant 0 : i32
    %dma_start3A_12 = arith.constant 0 : i32
    %dma_start3A_13 = tpu.memref_slice %arg3[%dma_start3A_11, %dma_start3A_12] : memref<10000x128xf32, #tpu.memory_space<hbm>> -> memref<10000x128xf32, #tpu.memory_space<hbm>>
    tpu.enqueue_indirect_dma source(%dma_start3A_13 : memref<10000x128xf32, #tpu.memory_space<hbm>>) target(%arg10 : memref<128x128xf32, #tpu.memory_space<vmem>>) offsets(%dma_start3A_10 : memref<128xi32, #tpu.memory_space<vmem>>) semaphore(%arg14 : memref<!tpu.dma_semaphore, #tpu.memory_space<semaphore_mem>>)
    %scan3A = arith.constant 0 : i32
    %scan3A_14 = arith.constant 0 : i32
    %scan3A_15 = arith.constant 8 : i32
    %scan3A_16 = arith.addi %scan3A_14, %scan3A_15 : i32
    %scan3A_17 = arith.constant 1 : i32
    scf.for %scan3A_30 = %scan3A_14 to %scan3A_16 step %scan3A_17  : i32 {
      %mul3A_31 = arith.constant 2 : i32
      %mul3A_32 = arith.muli %scan3A_30, %mul3A_31 : i32
      %add3A_33 = arith.constant 1 : i32
      %add3A_34 = arith.addi %mul3A_32, %add3A_33 : i32
      %mul3A_35 = arith.constant 128 : i32
      %mul3A_36 = arith.muli %add3A_34, %mul3A_35 : i32
      %multiple_of3A_37 = tpu.assume_multiple %mul3A_36, 128 : i32
      %dma_start3A_38 = tpu.memref_slice %arg7[%multiple_of3A_37] : memref<2048xi32, #tpu.memory_space<vmem>> -> memref<128xi32, #tpu.memory_space<vmem>>
      %dma_start3A_39 = arith.constant 0 : i32
      %dma_start3A_40 = arith.constant 0 : i32
      %dma_start3A_41 = tpu.memref_slice %arg2[%dma_start3A_39, %dma_start3A_40] : memref<10000x128xf32, #tpu.memory_space<hbm>> -> memref<10000x128xf32, #tpu.memory_space<hbm>>
      tpu.enqueue_indirect_dma source(%dma_start3A_41 : memref<10000x128xf32, #tpu.memory_space<hbm>>) target(%arg11 : memref<128x128xf32, #tpu.memory_space<vmem>>) offsets(%dma_start3A_38 : memref<128xi32, #tpu.memory_space<vmem>>) semaphore(%arg15 : memref<!tpu.dma_semaphore, #tpu.memory_space<semaphore_mem>>)
      %mul3A_42 = arith.constant 128 : i32
      %mul3A_43 = arith.muli %add3A_34, %mul3A_42 : i32
      %multiple_of3A_44 = tpu.assume_multiple %mul3A_43, 128 : i32
      %dma_start3A_45 = tpu.memref_slice %arg8[%multiple_of3A_44] : memref<2048xi32, #tpu.memory_space<vmem>> -> memref<128xi32, #tpu.memory_space<vmem>>
      %dma_start3A_46 = arith.constant 0 : i32
      %dma_start3A_47 = arith.constant 0 : i32
      %dma_start3A_48 = tpu.memref_slice %arg3[%dma_start3A_46, %dma_start3A_47] : memref<10000x128xf32, #tpu.memory_space<hbm>> -> memref<10000x128xf32, #tpu.memory_space<hbm>>
      tpu.enqueue_indirect_dma source(%dma_start3A_48 : memref<10000x128xf32, #tpu.memory_space<hbm>>) target(%arg12 : memref<128x128xf32, #tpu.memory_space<vmem>>) offsets(%dma_start3A_45 : memref<128xi32, #tpu.memory_space<vmem>>) semaphore(%arg16 : memref<!tpu.dma_semaphore, #tpu.memory_space<semaphore_mem>>)
      %mul3A_49 = arith.constant 128 : i32
      %mul3A_50 = arith.muli %mul3A_32, %mul3A_49 : i32
      %multiple_of3A_51 = tpu.assume_multiple %mul3A_50, 128 : i32
      %dma_wait3A_52 = tpu.memref_slice %arg7[%multiple_of3A_51] : memref<2048xi32, #tpu.memory_space<vmem>> -> memref<128xi32, #tpu.memory_space<vmem>>
      %dma_wait3A_53 = arith.constant 0 : i32
      %dma_wait3A_54 = arith.constant 0 : i32
      %dma_wait3A_55 = tpu.memref_slice %arg2[%dma_wait3A_53, %dma_wait3A_54] : memref<10000x128xf32, #tpu.memory_space<hbm>> -> memref<10000x128xf32, #tpu.memory_space<hbm>>
      tpu.wait_indirect_dma semaphore(%arg13 : memref<!tpu.dma_semaphore, #tpu.memory_space<semaphore_mem>>) src(%dma_wait3A_55 : memref<10000x128xf32, #tpu.memory_space<hbm>>) dst(%arg9 : memref<128x128xf32, #tpu.memory_space<vmem>>)
      %mul3A_56 = arith.constant 128 : i32
      %mul3A_57 = arith.muli %mul3A_32, %mul3A_56 : i32
      %multiple_of3A_58 = tpu.assume_multiple %mul3A_57, 128 : i32
      %dma_wait3A_59 = tpu.memref_slice %arg8[%multiple_of3A_58] : memref<2048xi32, #tpu.memory_space<vmem>> -> memref<128xi32, #tpu.memory_space<vmem>>
      %dma_wait3A_60 = arith.constant 0 : i32
      %dma_wait3A_61 = arith.constant 0 : i32
      %dma_wait3A_62 = tpu.memref_slice %arg3[%dma_wait3A_60, %dma_wait3A_61] : memref<10000x128xf32, #tpu.memory_space<hbm>> -> memref<10000x128xf32, #tpu.memory_space<hbm>>
      tpu.wait_indirect_dma semaphore(%arg14 : memref<!tpu.dma_semaphore, #tpu.memory_space<semaphore_mem>>) src(%dma_wait3A_62 : memref<10000x128xf32, #tpu.memory_space<hbm>>) dst(%arg10 : memref<128x128xf32, #tpu.memory_space<vmem>>)
      %scan3A_63 = arith.constant 0 : i32
      %scan3A_64 = arith.constant 0 : i32
      %scan3A_65 = arith.constant 128 : i32
      %scan3A_66 = arith.addi %scan3A_64, %scan3A_65 : i32
      %scan3A_67 = arith.constant 1 : i32
      scf.for %scan3A_114 = %scan3A_64 to %scan3A_66 step %scan3A_67  : i32 {
        %get3A = arith.index_cast %scan3A_114 : i32 to index
        %get3A_115 = arith.constant 0 : index
        %get3A_116 = tpu.vector_load %arg9[%get3A, %get3A_115] {strides = array<i32>} : memref<128x128xf32, #tpu.memory_space<vmem>>, vector<1x16xf32>,
        %get3A_117 = vector.shape_cast %get3A_116 : vector<1x16xf32> to vector<16xf32>
        %get3A_118 = arith.index_cast %scan3A_114 : i32 to index
        %get3A_119 = arith.constant 0 : index
        %get3A_120 = tpu.vector_load %arg10[%get3A_118, %get3A_119] {strides = array<i32>} : memref<128x128xf32, #tpu.memory_space<vmem>>, vector<1x16xf32>,
        %get3A_121 = vector.shape_cast %get3A_120 : vector<1x16xf32> to vector<16xf32>
        %add3A_122 = arith.addf %get3A_117, %get3A_121 : vector<16xf32>
        %swap3A = arith.index_cast %scan3A_114 : i32 to index
        %swap3A_123 = arith.constant 0 : index
        %swap3A_124 = tpu.vector_load %arg9[%swap3A, %swap3A_123] {strides = array<i32>} : memref<128x128xf32, #tpu.memory_space<vmem>>, vector<1x16xf32>,
        %swap3A_125 = vector.shape_cast %swap3A_124 : vector<1x16xf32> to vector<16xf32>
        %swap3A_126 = vector.shape_cast %add3A_122 : vector<16xf32> to vector<1x16xf32>
        tpu.vector_store %arg9[%swap3A, %swap3A_123], %swap3A_126 {strides = array<i32>} : memref<128x128xf32, #tpu.memory_space<vmem>>, vector<1x16xf32>,
        %get3A_127 = arith.index_cast %scan3A_114 : i32 to index
        %get3A_128 = arith.constant 16 : index
        %get3A_129 = tpu.vector_load %arg9[%get3A_127, %get3A_128] {strides = array<i32>} : memref<128x128xf32, #tpu.memory_space<vmem>>, vector<1x16xf32>,
        %get3A_130 = vector.shape_cast %get3A_129 : vector<1x16xf32> to vector<16xf32>
        %get3A_131 = arith.index_cast %scan3A_114 : i32 to index
        %get3A_132 = arith.constant 16 : index
        %get3A_133 = tpu.vector_load %arg10[%get3A_131, %get3A_132] {strides = array<i32>} : memref<128x128xf32, #tpu.memory_space<vmem>>, vector<1x16xf32>,
        %get3A_134 = vector.shape_cast %get3A_133 : vector<1x16xf32> to vector<16xf32>
        %add3A_135 = arith.addf %get3A_130, %get3A_134 : vector<16xf32>
        %swap3A_136 = arith.index_cast %scan3A_114 : i32 to index
        %swap3A_137 = arith.constant 16 : index
        %swap3A_138 = tpu.vector_load %arg9[%swap3A_136, %swap3A_137] {strides = array<i32>} : memref<128x128xf32, #tpu.memory_space<vmem>>, vector<1x16xf32>,
        %swap3A_139 = vector.shape_cast %swap3A_138 : vector<1x16xf32> to vector<16xf32>
        %swap3A_140 = vector.shape_cast %add3A_135 : vector<16xf32> to vector<1x16xf32>
        tpu.vector_store %arg9[%swap3A_136, %swap3A_137], %swap3A_140 {strides = array<i32>} : memref<128x128xf32, #tpu.memory_space<vmem>>, vector<1x16xf32>,
        %get3A_141 = arith.index_cast %scan3A_114 : i32 to index
        %get3A_142 = arith.constant 32 : index
        %get3A_143 = tpu.vector_load %arg9[%get3A_141, %get3A_142] {strides = array<i32>} : memref<128x128xf32, #tpu.memory_space<vmem>>, vector<1x16xf32>,
        %get3A_144 = vector.shape_cast %get3A_143 : vector<1x16xf32> to vector<16xf32>
        %get3A_145 = arith.index_cast %scan3A_114 : i32 to index
        %get3A_146 = arith.constant 32 : index
        %get3A_147 = tpu.vector_load %arg10[%get3A_145, %get3A_146] {strides = array<i32>} : memref<128x128xf32, #tpu.memory_space<vmem>>, vector<1x16xf32>,
        %get3A_148 = vector.shape_cast %get3A_147 : vector<1x16xf32> to vector<16xf32>
        %add3A_149 = arith.addf %get3A_144, %get3A_148 : vector<16xf32>
        %swap3A_150 = arith.index_cast %scan3A_114 : i32 to index
        %swap3A_151 = arith.constant 32 : index
        %swap3A_152 = tpu.vector_load %arg9[%swap3A_150, %swap3A_151] {strides = array<i32>} : memref<128x128xf32, #tpu.memory_space<vmem>>, vector<1x16xf32>,
        %swap3A_153 = vector.shape_cast %swap3A_152 : vector<1x16xf32> to vector<16xf32>
        %swap3A_154 = vector.shape_cast %add3A_149 : vector<16xf32> to vector<1x16xf32>
        tpu.vector_store %arg9[%swap3A_150, %swap3A_151], %swap3A_154 {strides = array<i32>} : memref<128x128xf32, #tpu.memory_space<vmem>>, vector<1x16xf32>,
        %get3A_155 = arith.index_cast %scan3A_114 : i32 to index
        %get3A_156 = arith.constant 48 : index
        %get3A_157 = tpu.vector_load %arg9[%get3A_155, %get3A_156] {strides = array<i32>} : memref<128x128xf32, #tpu.memory_space<vmem>>, vector<1x16xf32>,
        %get3A_158 = vector.shape_cast %get3A_157 : vector<1x16xf32> to vector<16xf32>
        %get3A_159 = arith.index_cast %scan3A_114 : i32 to index
        %get3A_160 = arith.constant 48 : index
        %get3A_161 = tpu.vector_load %arg10[%get3A_159, %get3A_160] {strides = array<i32>} : memref<128x128xf32, #tpu.memory_space<vmem>>, vector<1x16xf32>,
        %get3A_162 = vector.shape_cast %get3A_161 : vector<1x16xf32> to vector<16xf32>
        %add3A_163 = arith.addf %get3A_158, %get3A_162 : vector<16xf32>
        %swap3A_164 = arith.index_cast %scan3A_114 : i32 to index
        %swap3A_165 = arith.constant 48 : index
        %swap3A_166 = tpu.vector_load %arg9[%swap3A_164, %swap3A_165] {strides = array<i32>} : memref<128x128xf32, #tpu.memory_space<vmem>>, vector<1x16xf32>,
        %swap3A_167 = vector.shape_cast %swap3A_166 : vector<1x16xf32> to vector<16xf32>
        %swap3A_168 = vector.shape_cast %add3A_163 : vector<16xf32> to vector<1x16xf32>
        tpu.vector_store %arg9[%swap3A_164, %swap3A_165], %swap3A_168 {strides = array<i32>} : memref<128x128xf32, #tpu.memory_space<vmem>>, vector<1x16xf32>,
        %get3A_169 = arith.index_cast %scan3A_114 : i32 to index
        %get3A_170 = arith.constant 64 : index
        %get3A_171 = tpu.vector_load %arg9[%get3A_169, %get3A_170] {strides = array<i32>} : memref<128x128xf32, #tpu.memory_space<vmem>>, vector<1x16xf32>,
        %get3A_172 = vector.shape_cast %get3A_171 : vector<1x16xf32> to vector<16xf32>
        %get3A_173 = arith.index_cast %scan3A_114 : i32 to index
        %get3A_174 = arith.constant 64 : index
        %get3A_175 = tpu.vector_load %arg10[%get3A_173, %get3A_174] {strides = array<i32>} : memref<128x128xf32, #tpu.memory_space<vmem>>, vector<1x16xf32>,
        %get3A_176 = vector.shape_cast %get3A_175 : vector<1x16xf32> to vector<16xf32>
        %add3A_177 = arith.addf %get3A_172, %get3A_176 : vector<16xf32>
        %swap3A_178 = arith.index_cast %scan3A_114 : i32 to index
        %swap3A_179 = arith.constant 64 : index
        %swap3A_180 = tpu.vector_load %arg9[%swap3A_178, %swap3A_179] {strides = array<i32>} : memref<128x128xf32, #tpu.memory_space<vmem>>, vector<1x16xf32>,
        %swap3A_181 = vector.shape_cast %swap3A_180 : vector<1x16xf32> to vector<16xf32>
        %swap3A_182 = vector.shape_cast %add3A_177 : vector<16xf32> to vector<1x16xf32>
        tpu.vector_store %arg9[%swap3A_178, %swap3A_179], %swap3A_182 {strides = array<i32>} : memref<128x128xf32, #tpu.memory_space<vmem>>, vector<1x16xf32>,
        %get3A_183 = arith.index_cast %scan3A_114 : i32 to index
        %get3A_184 = arith.constant 80 : index
        %get3A_185 = tpu.vector_load %arg9[%get3A_183, %get3A_184] {strides = array<i32>} : memref<128x128xf32, #tpu.memory_space<vmem>>, vector<1x16xf32>,
        %get3A_186 = vector.shape_cast %get3A_185 : vector<1x16xf32> to vector<16xf32>
        %get3A_187 = arith.index_cast %scan3A_114 : i32 to index
        %get3A_188 = arith.constant 80 : index
        %get3A_189 = tpu.vector_load %arg10[%get3A_187, %get3A_188] {strides = array<i32>} : memref<128x128xf32, #tpu.memory_space<vmem>>, vector<1x16xf32>,
        %get3A_190 = vector.shape_cast %get3A_189 : vector<1x16xf32> to vector<16xf32>
        %add3A_191 = arith.addf %get3A_186, %get3A_190 : vector<16xf32>
        %swap3A_192 = arith.index_cast %scan3A_114 : i32 to index
        %swap3A_193 = arith.constant 80 : index
        %swap3A_194 = tpu.vector_load %arg9[%swap3A_192, %swap3A_193] {strides = array<i32>} : memref<128x128xf32, #tpu.memory_space<vmem>>, vector<1x16xf32>,
        %swap3A_195 = vector.shape_cast %swap3A_194 : vector<1x16xf32> to vector<16xf32>
        %swap3A_196 = vector.shape_cast %add3A_191 : vector<16xf32> to vector<1x16xf32>
        tpu.vector_store %arg9[%swap3A_192, %swap3A_193], %swap3A_196 {strides = array<i32>} : memref<128x128xf32, #tpu.memory_space<vmem>>, vector<1x16xf32>,
        %get3A_197 = arith.index_cast %scan3A_114 : i32 to index
        %get3A_198 = arith.constant 96 : index
        %get3A_199 = tpu.vector_load %arg9[%get3A_197, %get3A_198] {strides = array<i32>} : memref<128x128xf32, #tpu.memory_space<vmem>>, vector<1x16xf32>,
        %get3A_200 = vector.shape_cast %get3A_199 : vector<1x16xf32> to vector<16xf32>
        %get3A_201 = arith.index_cast %scan3A_114 : i32 to index
        %get3A_202 = arith.constant 96 : index
        %get3A_203 = tpu.vector_load %arg10[%get3A_201, %get3A_202] {strides = array<i32>} : memref<128x128xf32, #tpu.memory_space<vmem>>, vector<1x16xf32>,
        %get3A_204 = vector.shape_cast %get3A_203 : vector<1x16xf32> to vector<16xf32>
        %add3A_205 = arith.addf %get3A_200, %get3A_204 : vector<16xf32>
        %swap3A_206 = arith.index_cast %scan3A_114 : i32 to index
        %swap3A_207 = arith.constant 96 : index
        %swap3A_208 = tpu.vector_load %arg9[%swap3A_206, %swap3A_207] {strides = array<i32>} : memref<128x128xf32, #tpu.memory_space<vmem>>, vector<1x16xf32>,
        %swap3A_209 = vector.shape_cast %swap3A_208 : vector<1x16xf32> to vector<16xf32>
        %swap3A_210 = vector.shape_cast %add3A_205 : vector<16xf32> to vector<1x16xf32>
        tpu.vector_store %arg9[%swap3A_206, %swap3A_207], %swap3A_210 {strides = array<i32>} : memref<128x128xf32, #tpu.memory_space<vmem>>, vector<1x16xf32>,
        %get3A_211 = arith.index_cast %scan3A_114 : i32 to index
        %get3A_212 = arith.constant 112 : index
        %get3A_213 = tpu.vector_load %arg9[%get3A_211, %get3A_212] {strides = array<i32>} : memref<128x128xf32, #tpu.memory_space<vmem>>, vector<1x16xf32>,
        %get3A_214 = vector.shape_cast %get3A_213 : vector<1x16xf32> to vector<16xf32>
        %get3A_215 = arith.index_cast %scan3A_114 : i32 to index
        %get3A_216 = arith.constant 112 : index
        %get3A_217 = tpu.vector_load %arg10[%get3A_215, %get3A_216] {strides = array<i32>} : memref<128x128xf32, #tpu.memory_space<vmem>>, vector<1x16xf32>,
        %get3A_218 = vector.shape_cast %get3A_217 : vector<1x16xf32> to vector<16xf32>
        %add3A_219 = arith.addf %get3A_214, %get3A_218 : vector<16xf32>
        %swap3A_220 = arith.index_cast %scan3A_114 : i32 to index
        %swap3A_221 = arith.constant 112 : index
        %swap3A_222 = tpu.vector_load %arg9[%swap3A_220, %swap3A_221] {strides = array<i32>} : memref<128x128xf32, #tpu.memory_space<vmem>>, vector<1x16xf32>,
        %swap3A_223 = vector.shape_cast %swap3A_222 : vector<1x16xf32> to vector<16xf32>
        %swap3A_224 = vector.shape_cast %add3A_219 : vector<16xf32> to vector<1x16xf32>
        tpu.vector_store %arg9[%swap3A_220, %swap3A_221], %swap3A_224 {strides = array<i32>} : memref<128x128xf32, #tpu.memory_space<vmem>>, vector<1x16xf32>,
      }
      %scan3A_68 = arith.constant 128 : i32
      %mul3A_69 = arith.constant 128 : i32
      %mul3A_70 = arith.muli %mul3A_32, %mul3A_69 : i32
      %add3A_71 = arith.addi %multiple_of3A, %mul3A_70 : i32
      %multiple_of3A_72 = tpu.assume_multiple %add3A_71, 8 : i32
      "tpu.region"() ({
        %run_scoped3A = tpu.sem_alloc : memref<!tpu.dma_semaphore, #tpu.memory_space<semaphore_mem>>
        %dma_start3A_114 = arith.constant 0 : i32
        %dma_start3A_115 = tpu.memref_slice %arg6[%multiple_of3A_72, %dma_start3A_114] : memref<65536x128xf32, #tpu.memory_space<hbm>> -> memref<128x128xf32, #tpu.memory_space<hbm>>
        %dma_start3A_116 = arith.constant 0 : i32
        %dma_start3A_117 = tpu.memref_slice %arg6[%multiple_of3A_72, %dma_start3A_116] : memref<65536x128xf32, #tpu.memory_space<hbm>> -> memref<128x128xf32, #tpu.memory_space<hbm>>
        tpu.enqueue_dma source(%arg9 : memref<128x128xf32, #tpu.memory_space<vmem>>) target(%dma_start3A_117 : memref<128x128xf32, #tpu.memory_space<hbm>>) target_semaphore(%run_scoped3A : memref<!tpu.dma_semaphore, #tpu.memory_space<semaphore_mem>>)
        %dma_wait3A_118 = arith.constant 0 : i32
        %dma_wait3A_119 = tpu.memref_slice %arg6[%multiple_of3A_72, %dma_wait3A_118] : memref<65536x128xf32, #tpu.memory_space<hbm>> -> memref<128x128xf32, #tpu.memory_space<hbm>>
        %dma_wait3A_120 = arith.constant 0 : i32
        %dma_wait3A_121 = tpu.memref_slice %arg6[%multiple_of3A_72, %dma_wait3A_120] : memref<65536x128xf32, #tpu.memory_space<hbm>> -> memref<128x128xf32, #tpu.memory_space<hbm>>
        tpu.wait_dma2 semaphore(%run_scoped3A : memref<!tpu.dma_semaphore, #tpu.memory_space<semaphore_mem>>) src(%arg9 : memref<128x128xf32, #tpu.memory_space<vmem>>) dst(%dma_wait3A_121 : memref<128x128xf32, #tpu.memory_space<hbm>>)
        tpu.yield
      }) : () -> ()
      %add3A_73 = arith.constant 1 : i32
      %add3A_74 = arith.addi %add3A_34, %add3A_73 : i32
      %min3A = arith.constant 15 : i32
      %min3A_75 = arith.minsi %add3A_74, %min3A : i32
      %mul3A_76 = arith.constant 128 : i32
      %mul3A_77 = arith.muli %min3A_75, %mul3A_76 : i32
      %multiple_of3A_78 = tpu.assume_multiple %mul3A_77, 128 : i32
      %dma_start3A_79 = tpu.memref_slice %arg7[%multiple_of3A_78] : memref<2048xi32, #tpu.memory_space<vmem>> -> memref<128xi32, #tpu.memory_space<vmem>>
      %dma_start3A_80 = arith.constant 0 : i32
      %dma_start3A_81 = arith.constant 0 : i32
      %dma_start3A_82 = tpu.memref_slice %arg2[%dma_start3A_80, %dma_start3A_81] : memref<10000x128xf32, #tpu.memory_space<hbm>> -> memref<10000x128xf32, #tpu.memory_space<hbm>>
      tpu.enqueue_indirect_dma source(%dma_start3A_82 : memref<10000x128xf32, #tpu.memory_space<hbm>>) target(%arg9 : memref<128x128xf32, #tpu.memory_space<vmem>>) offsets(%dma_start3A_79 : memref<128xi32, #tpu.memory_space<vmem>>) semaphore(%arg13 : memref<!tpu.dma_semaphore, #tpu.memory_space<semaphore_mem>>)
      %mul3A_83 = arith.constant 128 : i32
      %mul3A_84 = arith.muli %min3A_75, %mul3A_83 : i32
      %multiple_of3A_85 = tpu.assume_multiple %mul3A_84, 128 : i32
      %dma_start3A_86 = tpu.memref_slice %arg8[%multiple_of3A_85] : memref<2048xi32, #tpu.memory_space<vmem>> -> memref<128xi32, #tpu.memory_space<vmem>>
      %dma_start3A_87 = arith.constant 0 : i32
      %dma_start3A_88 = arith.constant 0 : i32
      %dma_start3A_89 = tpu.memref_slice %arg3[%dma_start3A_87, %dma_start3A_88] : memref<10000x128xf32, #tpu.memory_space<hbm>> -> memref<10000x128xf32, #tpu.memory_space<hbm>>
      tpu.enqueue_indirect_dma source(%dma_start3A_89 : memref<10000x128xf32, #tpu.memory_space<hbm>>) target(%arg10 : memref<128x128xf32, #tpu.memory_space<vmem>>) offsets(%dma_start3A_86 : memref<128xi32, #tpu.memory_space<vmem>>) semaphore(%arg14 : memref<!tpu.dma_semaphore, #tpu.memory_space<semaphore_mem>>)
      %mul3A_90 = arith.constant 128 : i32
      %mul3A_91 = arith.muli %add3A_34, %mul3A_90 : i32
      %multiple_of3A_92 = tpu.assume_multiple %mul3A_91, 128 : i32
      %dma_wait3A_93 = tpu.memref_slice %arg7[%multiple_of3A_92] : memref<2048xi32, #tpu.memory_space<vmem>> -> memref<128xi32, #tpu.memory_space<vmem>>
      %dma_wait3A_94 = arith.constant 0 : i32
      %dma_wait3A_95 = arith.constant 0 : i32
      %dma_wait3A_96 = tpu.memref_slice %arg2[%dma_wait3A_94, %dma_wait3A_95] : memref<10000x128xf32, #tpu.memory_space<hbm>> -> memref<10000x128xf32, #tpu.memory_space<hbm>>
      tpu.wait_indirect_dma semaphore(%arg15 : memref<!tpu.dma_semaphore, #tpu.memory_space<semaphore_mem>>) src(%dma_wait3A_96 : memref<10000x128xf32, #tpu.memory_space<hbm>>) dst(%arg11 : memref<128x128xf32, #tpu.memory_space<vmem>>)
      %mul3A_97 = arith.constant 128 : i32
      %mul3A_98 = arith.muli %add3A_34, %mul3A_97 : i32
      %multiple_of3A_99 = tpu.assume_multiple %mul3A_98, 128 : i32
      %dma_wait3A_100 = tpu.memref_slice %arg8[%multiple_of3A_99] : memref<2048xi32, #tpu.memory_space<vmem>> -> memref<128xi32, #tpu.memory_space<vmem>>
      %dma_wait3A_101 = arith.constant 0 : i32
      %dma_wait3A_102 = arith.constant 0 : i32
      %dma_wait3A_103 = tpu.memref_slice %arg3[%dma_wait3A_101, %dma_wait3A_102] : memref<10000x128xf32, #tpu.memory_space<hbm>> -> memref<10000x128xf32, #tpu.memory_space<hbm>>
      tpu.wait_indirect_dma semaphore(%arg16 : memref<!tpu.dma_semaphore, #tpu.memory_space<semaphore_mem>>) src(%dma_wait3A_103 : memref<10000x128xf32, #tpu.memory_space<hbm>>) dst(%arg12 : memref<128x128xf32, #tpu.memory_space<vmem>>)
      %scan3A_104 = arith.constant 0 : i32
      %scan3A_105 = arith.constant 0 : i32
      %scan3A_106 = arith.constant 128 : i32
      %scan3A_107 = arith.addi %scan3A_105, %scan3A_106 : i32
      %scan3A_108 = arith.constant 1 : i32
      scf.for %scan3A_114 = %scan3A_105 to %scan3A_107 step %scan3A_108  : i32 {
        %get3A = arith.index_cast %scan3A_114 : i32 to index
        %get3A_115 = arith.constant 0 : index
        %get3A_116 = tpu.vector_load %arg11[%get3A, %get3A_115] {strides = array<i32>} : memref<128x128xf32, #tpu.memory_space<vmem>>, vector<1x16xf32>,
        %get3A_117 = vector.shape_cast %get3A_116 : vector<1x16xf32> to vector<16xf32>
        %get3A_118 = arith.index_cast %scan3A_114 : i32 to index
        %get3A_119 = arith.constant 0 : index
        %get3A_120 = tpu.vector_load %arg12[%get3A_118, %get3A_119] {strides = array<i32>} : memref<128x128xf32, #tpu.memory_space<vmem>>, vector<1x16xf32>,
        %get3A_121 = vector.shape_cast %get3A_120 : vector<1x16xf32> to vector<16xf32>
        %add3A_122 = arith.addf %get3A_117, %get3A_121 : vector<16xf32>
        %swap3A = arith.index_cast %scan3A_114 : i32 to index
        %swap3A_123 = arith.constant 0 : index
        %swap3A_124 = tpu.vector_load %arg11[%swap3A, %swap3A_123] {strides = array<i32>} : memref<128x128xf32, #tpu.memory_space<vmem>>, vector<1x16xf32>,
        %swap3A_125 = vector.shape_cast %swap3A_124 : vector<1x16xf32> to vector<16xf32>
        %swap3A_126 = vector.shape_cast %add3A_122 : vector<16xf32> to vector<1x16xf32>
        tpu.vector_store %arg11[%swap3A, %swap3A_123], %swap3A_126 {strides = array<i32>} : memref<128x128xf32, #tpu.memory_space<vmem>>, vector<1x16xf32>,
        %get3A_127 = arith.index_cast %scan3A_114 : i32 to index
        %get3A_128 = arith.constant 16 : index
        %get3A_129 = tpu.vector_load %arg11[%get3A_127, %get3A_128] {strides = array<i32>} : memref<128x128xf32, #tpu.memory_space<vmem>>, vector<1x16xf32>,
        %get3A_130 = vector.shape_cast %get3A_129 : vector<1x16xf32> to vector<16xf32>
        %get3A_131 = arith.index_cast %scan3A_114 : i32 to index
        %get3A_132 = arith.constant 16 : index
        %get3A_133 = tpu.vector_load %arg12[%get3A_131, %get3A_132] {strides = array<i32>} : memref<128x128xf32, #tpu.memory_space<vmem>>, vector<1x16xf32>,
        %get3A_134 = vector.shape_cast %get3A_133 : vector<1x16xf32> to vector<16xf32>
        %add3A_135 = arith.addf %get3A_130, %get3A_134 : vector<16xf32>
        %swap3A_136 = arith.index_cast %scan3A_114 : i32 to index
        %swap3A_137 = arith.constant 16 : index
        %swap3A_138 = tpu.vector_load %arg11[%swap3A_136, %swap3A_137] {strides = array<i32>} : memref<128x128xf32, #tpu.memory_space<vmem>>, vector<1x16xf32>,
        %swap3A_139 = vector.shape_cast %swap3A_138 : vector<1x16xf32> to vector<16xf32>
        %swap3A_140 = vector.shape_cast %add3A_135 : vector<16xf32> to vector<1x16xf32>
        tpu.vector_store %arg11[%swap3A_136, %swap3A_137], %swap3A_140 {strides = array<i32>} : memref<128x128xf32, #tpu.memory_space<vmem>>, vector<1x16xf32>,
        %get3A_141 = arith.index_cast %scan3A_114 : i32 to index
        %get3A_142 = arith.constant 32 : index
        %get3A_143 = tpu.vector_load %arg11[%get3A_141, %get3A_142] {strides = array<i32>} : memref<128x128xf32, #tpu.memory_space<vmem>>, vector<1x16xf32>,
        %get3A_144 = vector.shape_cast %get3A_143 : vector<1x16xf32> to vector<16xf32>
        %get3A_145 = arith.index_cast %scan3A_114 : i32 to index
        %get3A_146 = arith.constant 32 : index
        %get3A_147 = tpu.vector_load %arg12[%get3A_145, %get3A_146] {strides = array<i32>} : memref<128x128xf32, #tpu.memory_space<vmem>>, vector<1x16xf32>,
        %get3A_148 = vector.shape_cast %get3A_147 : vector<1x16xf32> to vector<16xf32>
        %add3A_149 = arith.addf %get3A_144, %get3A_148 : vector<16xf32>
        %swap3A_150 = arith.index_cast %scan3A_114 : i32 to index
        %swap3A_151 = arith.constant 32 : index
        %swap3A_152 = tpu.vector_load %arg11[%swap3A_150, %swap3A_151] {strides = array<i32>} : memref<128x128xf32, #tpu.memory_space<vmem>>, vector<1x16xf32>,
        %swap3A_153 = vector.shape_cast %swap3A_152 : vector<1x16xf32> to vector<16xf32>
        %swap3A_154 = vector.shape_cast %add3A_149 : vector<16xf32> to vector<1x16xf32>
        tpu.vector_store %arg11[%swap3A_150, %swap3A_151], %swap3A_154 {strides = array<i32>} : memref<128x128xf32, #tpu.memory_space<vmem>>, vector<1x16xf32>,
        %get3A_155 = arith.index_cast %scan3A_114 : i32 to index
        %get3A_156 = arith.constant 48 : index
        %get3A_157 = tpu.vector_load %arg11[%get3A_155, %get3A_156] {strides = array<i32>} : memref<128x128xf32, #tpu.memory_space<vmem>>, vector<1x16xf32>,
        %get3A_158 = vector.shape_cast %get3A_157 : vector<1x16xf32> to vector<16xf32>
        %get3A_159 = arith.index_cast %scan3A_114 : i32 to index
        %get3A_160 = arith.constant 48 : index
        %get3A_161 = tpu.vector_load %arg12[%get3A_159, %get3A_160] {strides = array<i32>} : memref<128x128xf32, #tpu.memory_space<vmem>>, vector<1x16xf32>,
        %get3A_162 = vector.shape_cast %get3A_161 : vector<1x16xf32> to vector<16xf32>
        %add3A_163 = arith.addf %get3A_158, %get3A_162 : vector<16xf32>
        %swap3A_164 = arith.index_cast %scan3A_114 : i32 to index
        %swap3A_165 = arith.constant 48 : index
        %swap3A_166 = tpu.vector_load %arg11[%swap3A_164, %swap3A_165] {strides = array<i32>} : memref<128x128xf32, #tpu.memory_space<vmem>>, vector<1x16xf32>,
        %swap3A_167 = vector.shape_cast %swap3A_166 : vector<1x16xf32> to vector<16xf32>
        %swap3A_168 = vector.shape_cast %add3A_163 : vector<16xf32> to vector<1x16xf32>
        tpu.vector_store %arg11[%swap3A_164, %swap3A_165], %swap3A_168 {strides = array<i32>} : memref<128x128xf32, #tpu.memory_space<vmem>>, vector<1x16xf32>,
        %get3A_169 = arith.index_cast %scan3A_114 : i32 to index
        %get3A_170 = arith.constant 64 : index
        %get3A_171 = tpu.vector_load %arg11[%get3A_169, %get3A_170] {strides = array<i32>} : memref<128x128xf32, #tpu.memory_space<vmem>>, vector<1x16xf32>,
        %get3A_172 = vector.shape_cast %get3A_171 : vector<1x16xf32> to vector<16xf32>
        %get3A_173 = arith.index_cast %scan3A_114 : i32 to index
        %get3A_174 = arith.constant 64 : index
        %get3A_175 = tpu.vector_load %arg12[%get3A_173, %get3A_174] {strides = array<i32>} : memref<128x128xf32, #tpu.memory_space<vmem>>, vector<1x16xf32>,
        %get3A_176 = vector.shape_cast %get3A_175 : vector<1x16xf32> to vector<16xf32>
        %add3A_177 = arith.addf %get3A_172, %get3A_176 : vector<16xf32>
        %swap3A_178 = arith.index_cast %scan3A_114 : i32 to index
        %swap3A_179 = arith.constant 64 : index
        %swap3A_180 = tpu.vector_load %arg11[%swap3A_178, %swap3A_179] {strides = array<i32>} : memref<128x128xf32, #tpu.memory_space<vmem>>, vector<1x16xf32>,
        %swap3A_181 = vector.shape_cast %swap3A_180 : vector<1x16xf32> to vector<16xf32>
        %swap3A_182 = vector.shape_cast %add3A_177 : vector<16xf32> to vector<1x16xf32>
        tpu.vector_store %arg11[%swap3A_178, %swap3A_179], %swap3A_182 {strides = array<i32>} : memref<128x128xf32, #tpu.memory_space<vmem>>, vector<1x16xf32>,
        %get3A_183 = arith.index_cast %scan3A_114 : i32 to index
        %get3A_184 = arith.constant 80 : index
        %get3A_185 = tpu.vector_load %arg11[%get3A_183, %get3A_184] {strides = array<i32>} : memref<128x128xf32, #tpu.memory_space<vmem>>, vector<1x16xf32>,
        %get3A_186 = vector.shape_cast %get3A_185 : vector<1x16xf32> to vector<16xf32>
        %get3A_187 = arith.index_cast %scan3A_114 : i32 to index
        %get3A_188 = arith.constant 80 : index
        %get3A_189 = tpu.vector_load %arg12[%get3A_187, %get3A_188] {strides = array<i32>} : memref<128x128xf32, #tpu.memory_space<vmem>>, vector<1x16xf32>,
        %get3A_190 = vector.shape_cast %get3A_189 : vector<1x16xf32> to vector<16xf32>
        %add3A_191 = arith.addf %get3A_186, %get3A_190 : vector<16xf32>
        %swap3A_192 = arith.index_cast %scan3A_114 : i32 to index
        %swap3A_193 = arith.constant 80 : index
        %swap3A_194 = tpu.vector_load %arg11[%swap3A_192, %swap3A_193] {strides = array<i32>} : memref<128x128xf32, #tpu.memory_space<vmem>>, vector<1x16xf32>,
        %swap3A_195 = vector.shape_cast %swap3A_194 : vector<1x16xf32> to vector<16xf32>
        %swap3A_196 = vector.shape_cast %add3A_191 : vector<16xf32> to vector<1x16xf32>
        tpu.vector_store %arg11[%swap3A_192, %swap3A_193], %swap3A_196 {strides = array<i32>} : memref<128x128xf32, #tpu.memory_space<vmem>>, vector<1x16xf32>,
        %get3A_197 = arith.index_cast %scan3A_114 : i32 to index
        %get3A_198 = arith.constant 96 : index
        %get3A_199 = tpu.vector_load %arg11[%get3A_197, %get3A_198] {strides = array<i32>} : memref<128x128xf32, #tpu.memory_space<vmem>>, vector<1x16xf32>,
        %get3A_200 = vector.shape_cast %get3A_199 : vector<1x16xf32> to vector<16xf32>
        %get3A_201 = arith.index_cast %scan3A_114 : i32 to index
        %get3A_202 = arith.constant 96 : index
        %get3A_203 = tpu.vector_load %arg12[%get3A_201, %get3A_202] {strides = array<i32>} : memref<128x128xf32, #tpu.memory_space<vmem>>, vector<1x16xf32>,
        %get3A_204 = vector.shape_cast %get3A_203 : vector<1x16xf32> to vector<16xf32>
        %add3A_205 = arith.addf %get3A_200, %get3A_204 : vector<16xf32>
        %swap3A_206 = arith.index_cast %scan3A_114 : i32 to index
        %swap3A_207 = arith.constant 96 : index
        %swap3A_208 = tpu.vector_load %arg11[%swap3A_206, %swap3A_207] {strides = array<i32>} : memref<128x128xf32, #tpu.memory_space<vmem>>, vector<1x16xf32>,
        %swap3A_209 = vector.shape_cast %swap3A_208 : vector<1x16xf32> to vector<16xf32>
        %swap3A_210 = vector.shape_cast %add3A_205 : vector<16xf32> to vector<1x16xf32>
        tpu.vector_store %arg11[%swap3A_206, %swap3A_207], %swap3A_210 {strides = array<i32>} : memref<128x128xf32, #tpu.memory_space<vmem>>, vector<1x16xf32>,
        %get3A_211 = arith.index_cast %scan3A_114 : i32 to index
        %get3A_212 = arith.constant 112 : index
        %get3A_213 = tpu.vector_load %arg11[%get3A_211, %get3A_212] {strides = array<i32>} : memref<128x128xf32, #tpu.memory_space<vmem>>, vector<1x16xf32>,
        %get3A_214 = vector.shape_cast %get3A_213 : vector<1x16xf32> to vector<16xf32>
        %get3A_215 = arith.index_cast %scan3A_114 : i32 to index
        %get3A_216 = arith.constant 112 : index
        %get3A_217 = tpu.vector_load %arg12[%get3A_215, %get3A_216] {strides = array<i32>} : memref<128x128xf32, #tpu.memory_space<vmem>>, vector<1x16xf32>,
        %get3A_218 = vector.shape_cast %get3A_217 : vector<1x16xf32> to vector<16xf32>
        %add3A_219 = arith.addf %get3A_214, %get3A_218 : vector<16xf32>
        %swap3A_220 = arith.index_cast %scan3A_114 : i32 to index
        %swap3A_221 = arith.constant 112 : index
        %swap3A_222 = tpu.vector_load %arg11[%swap3A_220, %swap3A_221] {strides = array<i32>} : memref<128x128xf32, #tpu.memory_space<vmem>>, vector<1x16xf32>,
        %swap3A_223 = vector.shape_cast %swap3A_222 : vector<1x16xf32> to vector<16xf32>
        %swap3A_224 = vector.shape_cast %add3A_219 : vector<16xf32> to vector<1x16xf32>
        tpu.vector_store %arg11[%swap3A_220, %swap3A_221], %swap3A_224 {strides = array<i32>} : memref<128x128xf32, #tpu.memory_space<vmem>>, vector<1x16xf32>,
      }
      %scan3A_109 = arith.constant 128 : i32
      %mul3A_110 = arith.constant 128 : i32
      %mul3A_111 = arith.muli %add3A_34, %mul3A_110 : i32
      %add3A_112 = arith.addi %multiple_of3A, %mul3A_111 : i32
      %multiple_of3A_113 = tpu.assume_multiple %add3A_112, 8 : i32
      "tpu.region"() ({
        %run_scoped3A = tpu.sem_alloc : memref<!tpu.dma_semaphore, #tpu.memory_space<semaphore_mem>>
        %dma_start3A_114 = arith.constant 0 : i32
        %dma_start3A_115 = tpu.memref_slice %arg6[%multiple_of3A_113, %dma_start3A_114] : memref<65536x128xf32, #tpu.memory_space<hbm>> -> memref<128x128xf32, #tpu.memory_space<hbm>>
        %dma_start3A_116 = arith.constant 0 : i32
        %dma_start3A_117 = tpu.memref_slice %arg6[%multiple_of3A_113, %dma_start3A_116] : memref<65536x128xf32, #tpu.memory_space<hbm>> -> memref<128x128xf32, #tpu.memory_space<hbm>>
        tpu.enqueue_dma source(%arg11 : memref<128x128xf32, #tpu.memory_space<vmem>>) target(%dma_start3A_117 : memref<128x128xf32, #tpu.memory_space<hbm>>) target_semaphore(%run_scoped3A : memref<!tpu.dma_semaphore, #tpu.memory_space<semaphore_mem>>)
        %dma_wait3A_118 = arith.constant 0 : i32
        %dma_wait3A_119 = tpu.memref_slice %arg6[%multiple_of3A_113, %dma_wait3A_118] : memref<65536x128xf32, #tpu.memory_space<hbm>> -> memref<128x128xf32, #tpu.memory_space<hbm>>
        %dma_wait3A_120 = arith.constant 0 : i32
        %dma_wait3A_121 = tpu.memref_slice %arg6[%multiple_of3A_113, %dma_wait3A_120] : memref<65536x128xf32, #tpu.memory_space<hbm>> -> memref<128x128xf32, #tpu.memory_space<hbm>>
        tpu.wait_dma2 semaphore(%run_scoped3A : memref<!tpu.dma_semaphore, #tpu.memory_space<semaphore_mem>>) src(%arg11 : memref<128x128xf32, #tpu.memory_space<vmem>>) dst(%dma_wait3A_121 : memref<128x128xf32, #tpu.memory_space<hbm>>)
        tpu.yield
      }) : () -> ()
    }
    %scan3A_18 = arith.constant 8 : i32
    %multiple_of3A_19 = arith.constant 1920 : i32
    %multiple_of3A_20 = tpu.assume_multiple %multiple_of3A_19, 128 : i32
    %dma_wait3A = tpu.memref_slice %arg7[%multiple_of3A_20] : memref<2048xi32, #tpu.memory_space<vmem>> -> memref<128xi32, #tpu.memory_space<vmem>>
    %dma_wait3A_21 = arith.constant 0 : i32
    %dma_wait3A_22 = arith.constant 0 : i32
    %dma_wait3A_23 = tpu.memref_slice %arg2[%dma_wait3A_21, %dma_wait3A_22] : memref<10000x128xf32, #tpu.memory_space<hbm>> -> memref<10000x128xf32, #tpu.memory_space<hbm>>
    tpu.wait_indirect_dma semaphore(%arg13 : memref<!tpu.dma_semaphore, #tpu.memory_space<semaphore_mem>>) src(%dma_wait3A_23 : memref<10000x128xf32, #tpu.memory_space<hbm>>) dst(%arg9 : memref<128x128xf32, #tpu.memory_space<vmem>>)
    %multiple_of3A_24 = arith.constant 1920 : i32
    %multiple_of3A_25 = tpu.assume_multiple %multiple_of3A_24, 128 : i32
    %dma_wait3A_26 = tpu.memref_slice %arg8[%multiple_of3A_25] : memref<2048xi32, #tpu.memory_space<vmem>> -> memref<128xi32, #tpu.memory_space<vmem>>
    %dma_wait3A_27 = arith.constant 0 : i32
    %dma_wait3A_28 = arith.constant 0 : i32
    %dma_wait3A_29 = tpu.memref_slice %arg3[%dma_wait3A_27, %dma_wait3A_28] : memref<10000x128xf32, #tpu.memory_space<hbm>> -> memref<10000x128xf32, #tpu.memory_space<hbm>>
    tpu.wait_indirect_dma semaphore(%arg14 : memref<!tpu.dma_semaphore, #tpu.memory_space<semaphore_mem>>) src(%dma_wait3A_29 : memref<10000x128xf32, #tpu.memory_space<hbm>>) dst(%arg10 : memref<128x128xf32, #tpu.memory_space<vmem>>)
    return
  }
}

module attributes {stable_mosaic.version = 14 : i64} {
  func.func @body(%arg0: i32, %arg1: memref<2000x128xf32, #tpu.memory_space<vmem>>, %arg2: memref<2x2000x128xf32, #tpu.memory_space<vmem>>, %arg3: memref<2000x2xf32, #tpu.memory_space<vmem>>, %arg4: memref<128x128xf32, #tpu.memory_space<vmem>>, %arg5: memref<128x128xf32, #tpu.memory_space<vmem>>, %arg6: memref<1x128xf32, #tpu.memory_space<vmem>>, %arg7: memref<2000x128xf32, #tpu.memory_space<vmem>>) attributes {dimension_semantics = [#tpu.dimension_semantics<arbitrary>], iteration_bounds = array<i64: 5>, scalar_prefetch = 0 : i64, scratch_operands = 0 : i64, tpu.core_type = #tpu.core_type<tc>, window_params = [{transform_indices = @transform_0, window_bounds = array<i64: 2000, 128>}, {transform_indices = @transform_1, window_bounds = array<i64: 2, 2000, 128>}, {transform_indices = @transform_2, window_bounds = array<i64: 2000, 2>}, {pipeline_mode = #tpu.pipeline_mode<synchronous>, transform_indices = @transform_3, window_bounds = array<i64: 128, 128>}, {pipeline_mode = #tpu.pipeline_mode<synchronous>, transform_indices = @transform_4, window_bounds = array<i64: 128, 128>}, {pipeline_mode = #tpu.pipeline_mode<synchronous>, transform_indices = @transform_5, window_bounds = array<i64: 1, 128>}, {transform_indices = @transform_6, window_bounds = array<i64: 2000, 128>}]} {
    %get3A = arith.constant 0 : index
    %get3A_0 = arith.constant 0 : index
    %get3A_1 = arith.constant 0 : index
    %get3A_2 = vector.load %arg2[%get3A, %get3A_0, %get3A_1] : memref<2x2000x128xf32, #tpu.memory_space<vmem>>, vector<1x2000x128xf32>
    %get3A_3 = vector.shape_cast %get3A_2 : vector<1x2000x128xf32> to vector<2000x128xf32>
    %get3A_4 = arith.constant 1 : index
    %get3A_5 = arith.constant 0 : index
    %get3A_6 = arith.constant 0 : index
    %get3A_7 = vector.load %arg2[%get3A_4, %get3A_5, %get3A_6] : memref<2x2000x128xf32, #tpu.memory_space<vmem>>, vector<1x2000x128xf32>
    %get3A_8 = vector.shape_cast %get3A_7 : vector<1x2000x128xf32> to vector<2000x128xf32>
    %add3A = arith.addf %get3A_3, %get3A_8 : vector<2000x128xf32>
    %get3A_9 = arith.constant 0 : index
    %get3A_10 = arith.constant 0 : index
    %get3A_11 = vector.load %arg3[%get3A_9, %get3A_10] : memref<2000x2xf32, #tpu.memory_space<vmem>>, vector<2000x2xf32>
    %reduce_sum3A = arith.constant dense<0.000000e+00> : vector<2000xf32>
    %reduce_sum3A_12 = vector.multi_reduction <add>, %get3A_11, %reduce_sum3A [1] : vector<2000x2xf32> to vector<2000xf32>
    %broadcast_in_dim3A = vector.shape_cast %reduce_sum3A_12 : vector<2000xf32> to vector<2000x1xf32>
    %max3A = arith.constant 1.000000e+00 : f32
    %max3A_13 = vector.broadcast %max3A : f32 to vector<2000x1xf32>
    %max3A_14 = arith.maximumf %broadcast_in_dim3A, %max3A_13 : vector<2000x1xf32>
    %div3A = vector.broadcast %max3A_14 : vector<2000x1xf32> to vector<2000x128xf32>
    %div3A_15 = arith.divf %add3A, %div3A : vector<2000x128xf32>
    %get3A_16 = arith.constant 0 : index
    %get3A_17 = arith.constant 0 : index
    %get3A_18 = vector.load %arg1[%get3A_16, %get3A_17] : memref<2000x128xf32, #tpu.memory_space<vmem>>, vector<2000x128xf32>
    %get3A_19 = arith.constant 0 : index
    %get3A_20 = arith.constant 0 : index
    %get3A_21 = vector.load %arg4[%get3A_19, %get3A_20] : memref<128x128xf32, #tpu.memory_space<vmem>>, vector<128x128xf32>
    %dot_general3A = arith.constant dense<0.000000e+00> : vector<2000x128xf32>
    %dot_general3A_22 = tpu.matmul %get3A_18, %get3A_21, %dot_general3A {dimension_numbers = #tpu.dot_dimension_numbers<[1], [0], [0], [1], [0, 0, 1, 1], [], []>, transpose_lhs_hint = false} : vector<2000x128xf32>, vector<128x128xf32>, vector<2000x128xf32> -> vector<2000x128xf32>
    %get3A_23 = arith.constant 0 : index
    %get3A_24 = arith.constant 0 : index
    %get3A_25 = vector.load %arg5[%get3A_23, %get3A_24] : memref<128x128xf32, #tpu.memory_space<vmem>>, vector<128x128xf32>
    %dot_general3A_26 = arith.constant dense<0.000000e+00> : vector<2000x128xf32>
    %dot_general3A_27 = tpu.matmul %div3A_15, %get3A_25, %dot_general3A_26 {dimension_numbers = #tpu.dot_dimension_numbers<[1], [0], [0], [1], [0, 0, 1, 1], [], []>, transpose_lhs_hint = false} : vector<2000x128xf32>, vector<128x128xf32>, vector<2000x128xf32> -> vector<2000x128xf32>
    %add3A_28 = arith.addf %dot_general3A_22, %dot_general3A_27 : vector<2000x128xf32>
    %get3A_29 = arith.constant 0 : index
    %get3A_30 = arith.constant 0 : index
    %get3A_31 = vector.load %arg6[%get3A_29, %get3A_30] : memref<1x128xf32, #tpu.memory_space<vmem>>, vector<1x128xf32>
    %add3A_32 = vector.broadcast %get3A_31 : vector<1x128xf32> to vector<2000x128xf32>
    %add3A_33 = arith.addf %add3A_28, %add3A_32 : vector<2000x128xf32>
    %max3A_34 = arith.constant 0.000000e+00 : f32
    %max3A_35 = vector.broadcast %max3A_34 : f32 to vector<2000x128xf32>
    %max3A_36 = arith.maximumf %add3A_33, %max3A_35 : vector<2000x128xf32>
    %swap3A = arith.constant 0 : index
    %swap3A_37 = arith.constant 0 : index
    %swap3A_38 = vector.load %arg7[%swap3A, %swap3A_37] : memref<2000x128xf32, #tpu.memory_space<vmem>>, vector<2000x128xf32>
    tpu.vector_store %arg7[%swap3A, %swap3A_37], %max3A_36 {strides = array<i32>} : memref<2000x128xf32, #tpu.memory_space<vmem>>, vector<2000x128xf32>,
    return
  }
  func.func @transform_0(%arg0: i32) -> (i32, i32) {
    %c0_i32 = arith.constant 0 : i32
    %c0_i32_0 = arith.constant 0 : i32
    return %arg0, %c0_i32 : i32, i32
  }
  func.func @transform_1(%arg0: i32) -> (i32, i32, i32) {
    %c0_i32 = arith.constant 0 : i32
    %c0_i32_0 = arith.constant 0 : i32
    %c0_i32_1 = arith.constant 0 : i32
    return %c0_i32, %arg0, %c0_i32_0 : i32, i32, i32
  }
  func.func @transform_2(%arg0: i32) -> (i32, i32) {
    %c0_i32 = arith.constant 0 : i32
    %c0_i32_0 = arith.constant 0 : i32
    return %arg0, %c0_i32 : i32, i32
  }
  func.func @transform_3(%arg0: i32) -> (i32, i32) {
    %c0_i32 = arith.constant 0 : i32
    %c0_i32_0 = arith.constant 0 : i32
    %c0_i32_1 = arith.constant 0 : i32
    return %c0_i32, %c0_i32_0 : i32, i32
  }
  func.func @transform_4(%arg0: i32) -> (i32, i32) {
    %c0_i32 = arith.constant 0 : i32
    %c0_i32_0 = arith.constant 0 : i32
    %c0_i32_1 = arith.constant 0 : i32
    return %c0_i32, %c0_i32_0 : i32, i32
  }
  func.func @transform_5(%arg0: i32) -> (i32, i32) {
    %c0_i32 = arith.constant 0 : i32
    %c0_i32_0 = arith.constant 0 : i32
    %c0_i32_1 = arith.constant 0 : i32
    return %c0_i32, %c0_i32_0 : i32, i32
  }
  func.func @transform_6(%arg0: i32) -> (i32, i32) {
    %c0_i32 = arith.constant 0 : i32
    %c0_i32_0 = arith.constant 0 : i32
    return %arg0, %c0_i32 : i32, i32
  }
}

module attributes {stable_mosaic.version = 14 : i64} {
  func.func @body(%arg0: i32, %arg1: memref<2000x128xf32, #tpu.memory_space<vmem>>, %arg2: memref<2x2000x128xf32, #tpu.memory_space<vmem>>, %arg3: memref<2000x2xf32, #tpu.memory_space<vmem>>, %arg4: memref<128x128xf32, #tpu.memory_space<vmem>>, %arg5: memref<128x128xf32, #tpu.memory_space<vmem>>, %arg6: memref<1x128xf32, #tpu.memory_space<vmem>>, %arg7: memref<128x128xf32, #tpu.memory_space<vmem>>, %arg8: memref<128x128xf32, #tpu.memory_space<vmem>>, %arg9: memref<2000x128xf32, #tpu.memory_space<vmem>>, %arg10: memref<2000x128xf32, #tpu.memory_space<vmem>>) attributes {dimension_semantics = [#tpu.dimension_semantics<arbitrary>], iteration_bounds = array<i64: 5>, scalar_prefetch = 0 : i64, scratch_operands = 0 : i64, tpu.core_type = #tpu.core_type<tc>, window_params = [{transform_indices = @transform_0, window_bounds = array<i64: 2000, 128>}, {transform_indices = @transform_1, window_bounds = array<i64: 2, 2000, 128>}, {transform_indices = @transform_2, window_bounds = array<i64: 2000, 2>}, {pipeline_mode = #tpu.pipeline_mode<synchronous>, transform_indices = @transform_3, window_bounds = array<i64: 128, 128>}, {pipeline_mode = #tpu.pipeline_mode<synchronous>, transform_indices = @transform_4, window_bounds = array<i64: 128, 128>}, {pipeline_mode = #tpu.pipeline_mode<synchronous>, transform_indices = @transform_5, window_bounds = array<i64: 1, 128>}, {pipeline_mode = #tpu.pipeline_mode<synchronous>, transform_indices = @transform_6, window_bounds = array<i64: 128, 128>}, {pipeline_mode = #tpu.pipeline_mode<synchronous>, transform_indices = @transform_7, window_bounds = array<i64: 128, 128>}, {transform_indices = @transform_8, window_bounds = array<i64: 2000, 128>}, {transform_indices = @transform_9, window_bounds = array<i64: 2000, 128>}]} {
    %get3A = arith.constant 0 : index
    %get3A_0 = arith.constant 0 : index
    %get3A_1 = arith.constant 0 : index
    %get3A_2 = vector.load %arg2[%get3A, %get3A_0, %get3A_1] : memref<2x2000x128xf32, #tpu.memory_space<vmem>>, vector<1x2000x128xf32>
    %get3A_3 = vector.shape_cast %get3A_2 : vector<1x2000x128xf32> to vector<2000x128xf32>
    %get3A_4 = arith.constant 1 : index
    %get3A_5 = arith.constant 0 : index
    %get3A_6 = arith.constant 0 : index
    %get3A_7 = vector.load %arg2[%get3A_4, %get3A_5, %get3A_6] : memref<2x2000x128xf32, #tpu.memory_space<vmem>>, vector<1x2000x128xf32>
    %get3A_8 = vector.shape_cast %get3A_7 : vector<1x2000x128xf32> to vector<2000x128xf32>
    %add3A = arith.addf %get3A_3, %get3A_8 : vector<2000x128xf32>
    %get3A_9 = arith.constant 0 : index
    %get3A_10 = arith.constant 0 : index
    %get3A_11 = vector.load %arg3[%get3A_9, %get3A_10] : memref<2000x2xf32, #tpu.memory_space<vmem>>, vector<2000x2xf32>
    %reduce_sum3A = arith.constant dense<0.000000e+00> : vector<2000xf32>
    %reduce_sum3A_12 = vector.multi_reduction <add>, %get3A_11, %reduce_sum3A [1] : vector<2000x2xf32> to vector<2000xf32>
    %broadcast_in_dim3A = vector.shape_cast %reduce_sum3A_12 : vector<2000xf32> to vector<2000x1xf32>
    %max3A = arith.constant 1.000000e+00 : f32
    %max3A_13 = vector.broadcast %max3A : f32 to vector<2000x1xf32>
    %max3A_14 = arith.maximumf %broadcast_in_dim3A, %max3A_13 : vector<2000x1xf32>
    %div3A = vector.broadcast %max3A_14 : vector<2000x1xf32> to vector<2000x128xf32>
    %div3A_15 = arith.divf %add3A, %div3A : vector<2000x128xf32>
    %get3A_16 = arith.constant 0 : index
    %get3A_17 = arith.constant 0 : index
    %get3A_18 = vector.load %arg1[%get3A_16, %get3A_17] : memref<2000x128xf32, #tpu.memory_space<vmem>>, vector<2000x128xf32>
    %get3A_19 = arith.constant 0 : index
    %get3A_20 = arith.constant 0 : index
    %get3A_21 = vector.load %arg4[%get3A_19, %get3A_20] : memref<128x128xf32, #tpu.memory_space<vmem>>, vector<128x128xf32>
    %dot_general3A = arith.constant dense<0.000000e+00> : vector<2000x128xf32>
    %dot_general3A_22 = tpu.matmul %get3A_18, %get3A_21, %dot_general3A {dimension_numbers = #tpu.dot_dimension_numbers<[1], [0], [0], [1], [0, 0, 1, 1], [], []>, transpose_lhs_hint = false} : vector<2000x128xf32>, vector<128x128xf32>, vector<2000x128xf32> -> vector<2000x128xf32>
    %get3A_23 = arith.constant 0 : index
    %get3A_24 = arith.constant 0 : index
    %get3A_25 = vector.load %arg5[%get3A_23, %get3A_24] : memref<128x128xf32, #tpu.memory_space<vmem>>, vector<128x128xf32>
    %dot_general3A_26 = arith.constant dense<0.000000e+00> : vector<2000x128xf32>
    %dot_general3A_27 = tpu.matmul %div3A_15, %get3A_25, %dot_general3A_26 {dimension_numbers = #tpu.dot_dimension_numbers<[1], [0], [0], [1], [0, 0, 1, 1], [], []>, transpose_lhs_hint = false} : vector<2000x128xf32>, vector<128x128xf32>, vector<2000x128xf32> -> vector<2000x128xf32>
    %add3A_28 = arith.addf %dot_general3A_22, %dot_general3A_27 : vector<2000x128xf32>
    %get3A_29 = arith.constant 0 : index
    %get3A_30 = arith.constant 0 : index
    %get3A_31 = vector.load %arg6[%get3A_29, %get3A_30] : memref<1x128xf32, #tpu.memory_space<vmem>>, vector<1x128xf32>
    %add3A_32 = vector.broadcast %get3A_31 : vector<1x128xf32> to vector<2000x128xf32>
    %add3A_33 = arith.addf %add3A_28, %add3A_32 : vector<2000x128xf32>
    %get3A_34 = arith.constant 0 : index
    %get3A_35 = arith.constant 0 : index
    %get3A_36 = vector.load %arg7[%get3A_34, %get3A_35] : memref<128x128xf32, #tpu.memory_space<vmem>>, vector<128x128xf32>
    %dot_general3A_37 = arith.constant dense<0.000000e+00> : vector<2000x128xf32>
    %dot_general3A_38 = tpu.matmul %add3A_33, %get3A_36, %dot_general3A_37 {dimension_numbers = #tpu.dot_dimension_numbers<[1], [0], [0], [1], [0, 0, 1, 1], [], []>, transpose_lhs_hint = false} : vector<2000x128xf32>, vector<128x128xf32>, vector<2000x128xf32> -> vector<2000x128xf32>
    %swap3A = arith.constant 0 : index
    %swap3A_39 = arith.constant 0 : index
    %swap3A_40 = vector.load %arg9[%swap3A, %swap3A_39] : memref<2000x128xf32, #tpu.memory_space<vmem>>, vector<2000x128xf32>
    tpu.vector_store %arg9[%swap3A, %swap3A_39], %dot_general3A_38 {strides = array<i32>} : memref<2000x128xf32, #tpu.memory_space<vmem>>, vector<2000x128xf32>,
    %get3A_41 = arith.constant 0 : index
    %get3A_42 = arith.constant 0 : index
    %get3A_43 = vector.load %arg8[%get3A_41, %get3A_42] : memref<128x128xf32, #tpu.memory_space<vmem>>, vector<128x128xf32>
    %dot_general3A_44 = arith.constant dense<0.000000e+00> : vector<2000x128xf32>
    %dot_general3A_45 = tpu.matmul %add3A_33, %get3A_43, %dot_general3A_44 {dimension_numbers = #tpu.dot_dimension_numbers<[1], [0], [0], [1], [0, 0, 1, 1], [], []>, transpose_lhs_hint = false} : vector<2000x128xf32>, vector<128x128xf32>, vector<2000x128xf32> -> vector<2000x128xf32>
    %swap3A_46 = arith.constant 0 : index
    %swap3A_47 = arith.constant 0 : index
    %swap3A_48 = vector.load %arg10[%swap3A_46, %swap3A_47] : memref<2000x128xf32, #tpu.memory_space<vmem>>, vector<2000x128xf32>
    tpu.vector_store %arg10[%swap3A_46, %swap3A_47], %dot_general3A_45 {strides = array<i32>} : memref<2000x128xf32, #tpu.memory_space<vmem>>, vector<2000x128xf32>,
    return
  }
  func.func @transform_0(%arg0: i32) -> (i32, i32) {
    %c0_i32 = arith.constant 0 : i32
    %c0_i32_0 = arith.constant 0 : i32
    return %arg0, %c0_i32 : i32, i32
  }
  func.func @transform_1(%arg0: i32) -> (i32, i32, i32) {
    %c0_i32 = arith.constant 0 : i32
    %c0_i32_0 = arith.constant 0 : i32
    %c0_i32_1 = arith.constant 0 : i32
    return %c0_i32, %arg0, %c0_i32_0 : i32, i32, i32
  }
  func.func @transform_2(%arg0: i32) -> (i32, i32) {
    %c0_i32 = arith.constant 0 : i32
    %c0_i32_0 = arith.constant 0 : i32
    return %arg0, %c0_i32 : i32, i32
  }
  func.func @transform_3(%arg0: i32) -> (i32, i32) {
    %c0_i32 = arith.constant 0 : i32
    %c0_i32_0 = arith.constant 0 : i32
    %c0_i32_1 = arith.constant 0 : i32
    return %c0_i32, %c0_i32_0 : i32, i32
  }
  func.func @transform_4(%arg0: i32) -> (i32, i32) {
    %c0_i32 = arith.constant 0 : i32
    %c0_i32_0 = arith.constant 0 : i32
    %c0_i32_1 = arith.constant 0 : i32
    return %c0_i32, %c0_i32_0 : i32, i32
  }
  func.func @transform_5(%arg0: i32) -> (i32, i32) {
    %c0_i32 = arith.constant 0 : i32
    %c0_i32_0 = arith.constant 0 : i32
    %c0_i32_1 = arith.constant 0 : i32
    return %c0_i32, %c0_i32_0 : i32, i32
  }
  func.func @transform_6(%arg0: i32) -> (i32, i32) {
    %c0_i32 = arith.constant 0 : i32
    %c0_i32_0 = arith.constant 0 : i32
    %c0_i32_1 = arith.constant 0 : i32
    return %c0_i32, %c0_i32_0 : i32, i32
  }
  func.func @transform_7(%arg0: i32) -> (i32, i32) {
    %c0_i32 = arith.constant 0 : i32
    %c0_i32_0 = arith.constant 0 : i32
    %c0_i32_1 = arith.constant 0 : i32
    return %c0_i32, %c0_i32_0 : i32, i32
  }
  func.func @transform_8(%arg0: i32) -> (i32, i32) {
    %c0_i32 = arith.constant 0 : i32
    %c0_i32_0 = arith.constant 0 : i32
    return %arg0, %c0_i32 : i32, i32
  }
  func.func @transform_9(%arg0: i32) -> (i32, i32) {
    %c0_i32 = arith.constant 0 : i32
    %c0_i32_0 = arith.constant 0 : i32
    return %arg0, %c0_i32 : i32, i32
  }
}

module attributes {stable_mosaic.version = 14 : i64} {
  func.func @body(%arg0: i32, %arg1: memref<4096x128xf32, #tpu.memory_space<vmem>>, %arg2: memref<1x128xf32, #tpu.memory_space<vmem>>, %arg3: memref<128x128xf32, #tpu.memory_space<vmem>>, %arg4: memref<1x128xf32, #tpu.memory_space<vmem>>, %arg5: memref<1x128xf32, #tpu.memory_space<vmem>>, %arg6: memref<1x1xf32, #tpu.memory_space<vmem>>, %arg7: memref<4096x1xf32, #tpu.memory_space<vmem>>) attributes {dimension_semantics = [#tpu.dimension_semantics<arbitrary>], iteration_bounds = array<i64: 16>, scalar_prefetch = 0 : i64, scratch_operands = 0 : i64, tpu.core_type = #tpu.core_type<tc>, window_params = [{transform_indices = @transform_0, window_bounds = array<i64: 4096, 128>}, {pipeline_mode = #tpu.pipeline_mode<synchronous>, transform_indices = @transform_1, window_bounds = array<i64: 1, 128>}, {pipeline_mode = #tpu.pipeline_mode<synchronous>, transform_indices = @transform_2, window_bounds = array<i64: 128, 128>}, {pipeline_mode = #tpu.pipeline_mode<synchronous>, transform_indices = @transform_3, window_bounds = array<i64: 1, 128>}, {pipeline_mode = #tpu.pipeline_mode<synchronous>, transform_indices = @transform_4, window_bounds = array<i64: 1, 128>}, {pipeline_mode = #tpu.pipeline_mode<synchronous>, transform_indices = @transform_5, window_bounds = array<i64: 1, 1>}, {transform_indices = @transform_6, window_bounds = array<i64: 4096, 1>}]} {
    %get3A = arith.constant 0 : index
    %get3A_0 = arith.constant 0 : index
    %get3A_1 = vector.load %arg1[%get3A, %get3A_0] : memref<4096x128xf32, #tpu.memory_space<vmem>>, vector<4096x128xf32>
    %get3A_2 = arith.constant 0 : index
    %get3A_3 = arith.constant 0 : index
    %get3A_4 = vector.load %arg2[%get3A_2, %get3A_3] : memref<1x128xf32, #tpu.memory_space<vmem>>, vector<1x128xf32>
    %add3A = vector.broadcast %get3A_4 : vector<1x128xf32> to vector<4096x128xf32>
    %add3A_5 = arith.addf %get3A_1, %add3A : vector<4096x128xf32>
    %max3A = arith.constant 0.000000e+00 : f32
    %max3A_6 = vector.broadcast %max3A : f32 to vector<4096x128xf32>
    %max3A_7 = arith.maximumf %add3A_5, %max3A_6 : vector<4096x128xf32>
    %get3A_8 = arith.constant 0 : index
    %get3A_9 = arith.constant 0 : index
    %get3A_10 = vector.load %arg3[%get3A_8, %get3A_9] : memref<128x128xf32, #tpu.memory_space<vmem>>, vector<128x128xf32>
    %dot_general3A = arith.constant dense<0.000000e+00> : vector<4096x128xf32>
    %dot_general3A_11 = tpu.matmul %max3A_7, %get3A_10, %dot_general3A {dimension_numbers = #tpu.dot_dimension_numbers<[1], [0], [0], [1], [0, 0, 1, 1], [], []>, transpose_lhs_hint = false} : vector<4096x128xf32>, vector<128x128xf32>, vector<4096x128xf32> -> vector<4096x128xf32>
    %get3A_12 = arith.constant 0 : index
    %get3A_13 = arith.constant 0 : index
    %get3A_14 = vector.load %arg4[%get3A_12, %get3A_13] : memref<1x128xf32, #tpu.memory_space<vmem>>, vector<1x128xf32>
    %add3A_15 = vector.broadcast %get3A_14 : vector<1x128xf32> to vector<4096x128xf32>
    %add3A_16 = arith.addf %dot_general3A_11, %add3A_15 : vector<4096x128xf32>
    %max3A_17 = arith.constant 0.000000e+00 : f32
    %max3A_18 = vector.broadcast %max3A_17 : f32 to vector<4096x128xf32>
    %max3A_19 = arith.maximumf %add3A_16, %max3A_18 : vector<4096x128xf32>
    %get3A_20 = arith.constant 0 : index
    %get3A_21 = arith.constant 0 : index
    %get3A_22 = vector.load %arg5[%get3A_20, %get3A_21] : memref<1x128xf32, #tpu.memory_space<vmem>>, vector<1x128xf32>
    %mul3A = vector.broadcast %get3A_22 : vector<1x128xf32> to vector<4096x128xf32>
    %mul3A_23 = arith.mulf %max3A_19, %mul3A : vector<4096x128xf32>
    %reduce_sum3A = arith.constant dense<0.000000e+00> : vector<4096xf32>
    %reduce_sum3A_24 = vector.multi_reduction <add>, %mul3A_23, %reduce_sum3A [1] : vector<4096x128xf32> to vector<4096xf32>
    %broadcast_in_dim3A = vector.shape_cast %reduce_sum3A_24 : vector<4096xf32> to vector<4096x1xf32>
    %get3A_25 = arith.constant 0 : index
    %get3A_26 = arith.constant 0 : index
    %get3A_27 = vector.load %arg6[%get3A_25, %get3A_26] : memref<1x1xf32, #tpu.memory_space<vmem>>, vector<1x1xf32>
    %add3A_28 = vector.broadcast %get3A_27 : vector<1x1xf32> to vector<4096x1xf32>
    %add3A_29 = arith.addf %broadcast_in_dim3A, %add3A_28 : vector<4096x1xf32>
    %swap3A = arith.constant 0 : index
    %swap3A_30 = arith.constant 0 : index
    %swap3A_31 = vector.load %arg7[%swap3A, %swap3A_30] : memref<4096x1xf32, #tpu.memory_space<vmem>>, vector<4096x1xf32>
    tpu.vector_store %arg7[%swap3A, %swap3A_30], %add3A_29 {strides = array<i32>} : memref<4096x1xf32, #tpu.memory_space<vmem>>, vector<4096x1xf32>,
    return
  }
  func.func @transform_0(%arg0: i32) -> (i32, i32) {
    %c0_i32 = arith.constant 0 : i32
    %c0_i32_0 = arith.constant 0 : i32
    return %arg0, %c0_i32 : i32, i32
  }
  func.func @transform_1(%arg0: i32) -> (i32, i32) {
    %c0_i32 = arith.constant 0 : i32
    %c0_i32_0 = arith.constant 0 : i32
    %c0_i32_1 = arith.constant 0 : i32
    return %c0_i32, %c0_i32_0 : i32, i32
  }
  func.func @transform_2(%arg0: i32) -> (i32, i32) {
    %c0_i32 = arith.constant 0 : i32
    %c0_i32_0 = arith.constant 0 : i32
    %c0_i32_1 = arith.constant 0 : i32
    return %c0_i32, %c0_i32_0 : i32, i32
  }
  func.func @transform_3(%arg0: i32) -> (i32, i32) {
    %c0_i32 = arith.constant 0 : i32
    %c0_i32_0 = arith.constant 0 : i32
    %c0_i32_1 = arith.constant 0 : i32
    return %c0_i32, %c0_i32_0 : i32, i32
  }
  func.func @transform_4(%arg0: i32) -> (i32, i32) {
    %c0_i32 = arith.constant 0 : i32
    %c0_i32_0 = arith.constant 0 : i32
    %c0_i32_1 = arith.constant 0 : i32
    return %c0_i32, %c0_i32_0 : i32, i32
  }
  func.func @transform_5(%arg0: i32) -> (i32, i32) {
    %c0_i32 = arith.constant 0 : i32
    %c0_i32_0 = arith.constant 0 : i32
    %c0_i32_1 = arith.constant 0 : i32
    return %c0_i32, %c0_i32_0 : i32, i32
  }
  func.func @transform_6(%arg0: i32) -> (i32, i32) {
    %c0_i32 = arith.constant 0 : i32
    %c0_i32_0 = arith.constant 0 : i32
    return %arg0, %c0_i32 : i32, i32
  }
}

</mosaic_0001>

<sc_bundles>
// kernel: kernel.10.cloned.1.call-start
scs
__scs_entry_jumppad:
0x0: {  	(pc) =	sbr.rel $0x88, $3  }
0x1: {  	(tag) =	ssettag $0x0;
	lr =	simm.s32 $0x1  }
0x2: {  	[smem:$0x3F8E] =	sst lr;
	_ =	strace $0xD0000000  }
0x3: {  	_ = 	snop  }
0x4: {  	_ = 	snop  }
0x5: {  	_ = 	snop  }
0x6: {  	_ = 	snop  }
0x7: {  	_ = 	snop  }
__scs_overlays_trampoline_lowered:
0x8: {  	[smem:$0x3F9D] =	sst s0  }
0x9: {  	[smem:$0x3F9E] =	sst s1  }
0xa: {  	[smem:$0x3F9F] =	sst s2  }
0xb: {  	[smem:$0x3FA0] =	sst s3  }
0xc: {  	[smem:$0x3FA1] =	sst s4  }
0xd: {  	[smem:$0x3FA2] =	sst s5  }
0xe: {  	[smem:$0x3FA3] =	sst s6  }
0xf: {  	[smem:$0x3FA4] =	sst s7  }
0x10: {  	[smem:$0x3FA5] =	sst s8  }
0x11: {  	[smem:$0x3FA6] =	sst s9;
	s0 =	simm.s32 @!p0 $0x0  }
0x12: {  	s1 =	sld [smem:$0x3F8C];
	s0 =	simm.s32 @p0 $0x1  }
0x13: {  	[smem:$0x3FA7] =	sst s0;
	s0 =	simm.s32 @!p1 $0x0  }
0x14: {  	s2 =	sld [smem:$0x3F8B];
	s0 =	simm.s32 @p1 $0x1  }
0x15: {  	[smem:$0x3FA8] =	sst s0;
	s0 =	simm.s32 @!p2 $0x0  }
0x16: {  	s3 =	sld [smem:$0x3FDB];
	s0 =	simm.s32 @p2 $0x1  }
0x17: {  	s4 =	simm.s32 $0x1BF5;
	[smem:$0x3FAA] =	sst s0  }
0x18: {  	s0 =	sld [smem:$0x3F8D];
	_ =	swait.ge [sflag:s4], $0x0  }
0x19: {  	s7 =	sld [smem:$0x3F8E]  }
0x1a: {  	s8 =	sadd.s32 $0xFFFFE003, lr  }
0x1b: {  	s9 =	sadd.s32 $0xFFFFFEF7, lr;
	s5 =	simm.s32 $0xFFFFFFFF;
	p2 =	slt.u32 s8, $0xFFFFF086  }
0x1c: {  	p1 =	slt.u32 s9, $0xF7A;
	s5 =	simm.s32 @!p2 $0x0  }
0x1d: {  	s5 =	simm.s32 @p1 $0x1;
	p0 =	seq.s32 s7, s2  }
0x1e: {  	s7 =	smul.u32 @!p0 $0xF7A, s2;
	p2 =	seq.s32 @!p0 s5, $0x0  }
0x1f: {  	s9 =	smul.u32 $0xF7A, s1;
	s8 =	simm.s32 @!p0 $0x1BF5;
	p2 =	por !p2, p0  }
0x20: {  	[sflag:s8] =	ssyncset.s32 @!p0 $0xFFFFF086;
	s6 =	sadd.s32 @!p0 s3, s7;
	s7 =	simm.s32 @!p0 $0x108  }
0x21: {  	s3 =	sadd.s32 s3, s9;
	s6 =	sadd.s32 @!p0 $0x88, s6;
	s7 =	simm.s32 @p2 $0x1082  }
0x22: {  	[simem:s7], [sflag:s8] =	dma.local @!p0 [hbm:s6], $0xF7A  }
0x23: {  	s9 =	sor.u32 $0xD0000000, s2;
	s6 =	simm.s32 $0x108;
	_ =	swait.ge @!p0 [sflag:s8], $0x0  }
0x24: {  	s3 =	sadd.s32 $0x88, s3;
	s6 =	simm.s32 @!p1 $0x1082;
	[sflag:s4] =	ssyncset.s32 $0xFFFFF086  }
0x25: {  	[simem:s6], [sflag:s4] =	dma.local [hbm:s3], $0xF7A  }
0x26: {  	[smem:$0x3F8E] =	sst s1;
	(tag) =	ssettag s2;
	_ =	strace s9  }
0x27: {  	s1 =	sld [smem:$0x3F9E]  }
0x28: {  	s2 =	sld [smem:$0x3F9F]  }
0x29: {  	s4 =	sld [smem:$0x3FA1]  }
0x2a: {  	p0 =	seq.s32 s5, $0x0;
	s5 =	sld [smem:$0x3FA2]  }
0x2b: {  	s6 =	sld [smem:$0x3FA3]  }
0x2c: {  	s7 =	sld [smem:$0x3FA4]  }
0x2d: {  	s3 =	simm.s32 $0x108;
	s8 =	sld [smem:$0x3FA5]  }
0x2e: {  	s3 =	simm.s32 @!p0 $0x1082;
	s9 =	sld [smem:$0x3FA6]  }
0x2f: {  	lr =	sadd.s32 s0, s3;
	s0 =	sld [smem:$0x3F9D]  }
0x30: {  	s3 =	sld [smem:$0x3FA0]  }
0x31: {  	[smem:$0x3FA9] =	sst s10  }
0x32: {  	s10 =	sld [smem:$0x3FA7];
	_ =	sdelay $0x3  }
0x33: {  	p0 =	seq.s32 s10, $0x1;
	s10 =	sld [smem:$0x3FA9];
	_ =	sdelay $0x3  }
0x34: {  	[smem:$0x3FA9] =	sst s10  }
0x35: {  	s10 =	sld [smem:$0x3FA8];
	_ =	sdelay $0x3  }
0x36: {  	p1 =	seq.s32 s10, $0x1;
	s10 =	sld [smem:$0x3FA9];
	_ =	sdelay $0x3  }
0x37: {  	[smem:$0x3FA9] =	sst s10  }
0x38: {  	s10 =	sld [smem:$0x3FAA]  }
0x39: {  	_ = 	snop;
	(pc) =	sbr.ind lr, $3  }
0x3a: {  	_ = 	snop  }
0x3b: {  	_ = 	snop  }
0x3c: {  	p2 =	seq.s32 s10, $0x1;
	s10 =	sld [smem:$0x3FA9]  }
0x3d: {  	_ =	shalt  }
0x3e: {  	_ =	shalt  }
0x3f: {  	_ =	shalt  }
0x40: {  	_ =	shalt  }
0x41: {  	_ =	shalt  }
0x42: {  	_ =	shalt  }
0x43: {  	_ =	shalt  }
0x44: {  	_ =	shalt  }
0x45: {  	_ =	shalt  }
0x46: {  	_ =	shalt  }
0x47: {  	_ =	shalt  }
0x48: {  	_ =	shalt  }
0x49: {  	_ =	shalt  }
0x4a: {  	_ =	shalt  }
0x4b: {  	_ =	shalt  }
0x4c: {  	_ =	shalt  }
0x4d: {  	_ =	shalt  }
0x4e: {  	_ =	shalt  }
0x4f: {  	_ =	shalt  }
0x50: {  	_ =	shalt  }
0x51: {  	_ =	shalt  }
0x52: {  	_ =	shalt  }
0x53: {  	_ =	shalt  }
0x54: {  	_ =	shalt  }
0x55: {  	_ =	shalt  }
0x56: {  	_ =	shalt  }
0x57: {  	_ =	shalt  }
0x58: {  	_ =	shalt  }
0x59: {  	_ =	shalt  }
0x5a: {  	_ =	shalt  }
0x5b: {  	_ =	shalt  }
0x5c: {  	_ =	shalt  }
0x5d: {  	_ =	shalt  }
0x5e: {  	_ =	shalt  }
0x5f: {  	_ =	shalt  }
0x60: {  	_ =	shalt  }
0x61: {  	_ =	shalt  }
0x62: {  	_ =	shalt  }
0x63: {  	_ =	shalt  }
0x64: {  	_ =	shalt  }
0x65: {  	_ =	shalt  }
0x66: {  	_ =	shalt  }
0x67: {  	_ =	shalt  }
0x68: {  	_ =	shalt  }
0x69: {  	_ =	shalt  }
0x6a: {  	_ =	shalt  }
0x6b: {  	_ =	shalt  }
0x6c: {  	_ =	shalt  }
0x6d: {  	_ =	shalt  }
0x6e: {  	_ =	shalt  }
0x6f: {  	_ =	shalt  }
0x70: {  	_ =	shalt  }
0x71: {  	_ =	shalt  }
0x72: {  	_ =	shalt  }
0x73: {  	_ =	shalt  }
0x74: {  	_ =	shalt  }
0x75: {  	_ =	shalt  }
0x76: {  	_ =	shalt  }
0x77: {  	_ =	shalt  }
0x78: {  	_ =	shalt  }
0x79: {  	_ =	shalt  }
0x7a: {  	_ =	shalt  }
0x7b: {  	_ =	shalt  }
0x7c: {  	_ =	shalt  }
0x7d: {  	_ =	shalt  }
0x7e: {  	_ =	shalt  }
0x7f: {  	_ =	shalt  }
0x80: {  	_ =	shalt  }
0x81: {  	_ =	shalt  }
0x82: {  	_ =	shalt  }
0x83: {  	_ =	shalt  }
0x84: {  	_ =	shalt  }
0x85: {  	_ =	shalt  }
0x86: {  	_ =	shalt  }
0x87: {  	_ =	shalt  }
.Lfunc_end0:
.L_simem_size_0:
called_computation_lowered:
.L_overlay_start_0:
0x88: {  	s2 =	sld [smem:$0x3FD9]  }
0x89: {  	s3 =	sld [smem:$0x3FFE];
	_ =	sdelay $0x1  }
0x8a: {  	s1 =	srdreg.scid  }
0x8b: {  	s0 =	sand.u32 $0x1, s1  }
0x8c: {  	s14 =	sshll.u32 s0, $0xA;
	s2 =	sadd.s32 s3, s2  }
0x8d: {  	s2 =	sadd.s32 s2, s14  }
0x8e: {  	[smem:$0x3FB5] =	sst s2  }
0x8f: {  	_ = 	snop  }
0x90: {  	s2 =	sld [smem:$0x3FD0];
	_ =	sdelay $0x2  }
0x91: {  	s4 =	simm.s32 $0xB;
	s5 =	simm.s32 $0x10;
	s15 =	sld [smem:$0x3FC9]  }
0x92: {  	[smem:s5], [sflag:s4] =	dma.local [hbm:s2], $0x1  }
0x93: {  	_ =	swait.eq [sflag:s4], $0x1  }
0x94: {  	[sflag:s4] =	ssyncset.done $0x0  }
0x95: {  	[sflag:s4] =	ssyncadd.s32 $0xFFFFFFFF  }
0x96: {  	s16 =	sld [smem:$0x11];
	(tm) =	ssettm $0x1  }
0x97: {  	s17 =	sld [smem:$0x3FFB];
	_ =	sdelay $0x3  }
0x98: {  	_ =	strace s17  }
0x99: {  	s4 =	sld [smem:$0x3FFC];
	_ =	sdelay $0x3  }
0x9a: {  	_ =	strace s4  }
0x9b: {  	s4 =	sld [smem:$0x3FFD];
	_ =	sdelay $0x3  }
0x9c: {  	_ =	strace s4  }
0x9d: {  	_ =	strace $0x8FFFFFFF  }
0x9e: {  	s18 =	sld [smem:$0x3FDB];
	_ =	sdelay $0x1  }
0x9f: {  	s19 =	simm.s32 $_scs_section_size  }
0xa0: {  	s6 =	simm.s32 $_size__tile_overlayer_lowered;
	s7 =	simm.s32 $_tile_overlayer_lowered  }
0xa1: {  	s22 =	simm.s32 $0x1BFF;
	s21 =	sshll.u32 s7, $0x1;
	s4 =	sadd.s32 s19, s18  }
0xa2: {  	s8 =	simm.s32 $0x0;
	s20 =	sshll.u32 s6, $0x1;
	s6 =	sadd.s32 s21, s4  }
0xa3: {  	[timem:s8], [sflag:s22] =	dma.local [hbm:s6], s20  }
0xa4: {  	_ =	swait.ge [sflag:s22], s20  }
0xa5: {  	s5 =	ssub.s32 $0x0, s20;
	[sflag:s22] =	ssyncset.done $0x0  }
0xa6: {  	[sflag:s22] =	ssyncadd.s32 s5;
	_ =	sdelay $0x1  }
0xa7: {  	s23 =	simm.s32 $0x1B8B  }
0xa8: {  	_ =	swait.ge [sflag:s23], $0x1  }
0xa9: {  	[sflag:s23] =	ssyncset.done $0x0  }
0xaa: {  	s25 =	simm.s32 $0x1B8E;
	s24 =	sld [smem:$0x3FFE];
	[sflag:s23] =	ssyncadd.s32 $0xFFFFFFFF  }
0xab: {  	s26 =	simm.s32 $execute0_lowered;
	[smem:$0x3FD2] =	sst s25  }
0xac: {  	s6 =	sshll.u32 s26, $0x1;
	_ =	strace $0x80000046;
	[dreg:$0x1] =	wrdreg $0xFFFFFFFF  }
0xad: {  	s28 =	simm.s32 $_size_execute0_lowered;
	s4 =	sadd.s32 s4, s6;
	[dreg:$0x0] =	wrdreg $0x0  }
0xae: {  	s6 =	sshll.u32 s28, $0x1;
	[dreg:$0x2] =	wrdreg s4  }
0xaf: {  	[dreg:$0x3] =	wrdreg s6  }
0xb0: {  	[dreg:$0x4] =	wrdreg $0xC0  }
0xb1: {  	_ =	task [dreg:s8], $0x5FFFF  }
0xb2: {  	[dreg:$0x1] =	wrdreg $0xFFFFFFFF  }
0xb3: {  	[dreg:$0x0] =	wrdreg $0x60  }
0xb4: {  	[dreg:$0x2] =	wrdreg s15  }
0xb5: {  	[dreg:$0x3] =	wrdreg s24  }
0xb6: {  	[dreg:$0x4] =	wrdreg s16  }
0xb7: {  	[dreg:$0x5] =	wrdreg $0xAB000  }
0xb8: {  	[dreg:$0x6] =	wrdreg $0x1EB000  }
0xb9: {  	[dreg:$0x7] =	wrdreg $0x9  }
0xba: {  	_ =	task.clear_ibuf [dreg:s8], $0x8FFFF;
	_ =	strace $0x90000046  }
0xbb: {  	s29 =	simm.s32 $0x9;
	_ =	strace $0x80000048  }
0xbc: {  	_ =	swait.ge [sflag:s29], $0x1  }
0xbd: {  	[sflag:s29] =	ssyncadd.s32 $0xFFFFFFFF  }
0xbe: {  	_ =	strace $0x90000048  }
0xbf: {  	_ =	sfence  }
0xc0: {  	s30 =	sld [smem:$0x0];
	_ =	sdelay $0x2  }
0xc1: {  	s31 =	sshll.u32 s1, $0xD;
	s1 =	sshrl.u32 s1, $0x2  }
0xc2: {  	s3 =	sand.u32 $0x4000, s31;
	s1 =	sadd.s32 s1, s30  }
0xc3: {  	s0 =	sor.u32 s3, s0;
	s1 =	sshll.u32 s1, $0x11  }
0xc4: {  	s0 =	sor.u32 s1, s0  }
0xc5: {  	s0 =	sadd.s32 $0x8F2B, s0  }
0xc6: {  	[sflag:s0] =	ssyncadd.remote.s32 $0x1  }
0xc7: {  	_ =	sfence.sel $0xFFFF  }
0xc8: {  	[dreg:$0x0] =	wrdreg $0xFFFFFFFF;
	(pc) =	sbr.abs _section_cstart, $3  }
0xc9: {  	[dreg:$0x1] =	wrdreg $0xFFFFFFFF  }
0xca: {  	_ =	task.clear_ibuf [dreg:s8], $0x2FFFF;
	_ =	strace $0x9FFFFFFF  }
0xcb: {  	(tm) =	ssettm $0x7FFFFFFF  }
tec
execute0_lowered:
.L_overlay_start_1:
0x0: {  	(tag) =	ssettag $0x1  }
0x1: {  	s1 =	rddreg [dreg:$0x0]  }
0x2: {  	s0 =	rddreg [dreg:$0x1]  }
0x3: {  	s4 =	rddreg [dreg:$0x2]  }
0x4: {  	s2 =	rddreg [dreg:$0x3]  }
0x5: {  	s3 =	rddreg [dreg:$0x4];
	s5 =	srdreg.scid  }
0x6: {  	s10 =	stileid.u32;
	s20 =	simm.s32 $0x4;
	s28 =	simm.s32 $0x3  }
0x7: {  	s29 =	simm.s32 $0x2;
	s30 =	simm.s32 $0x1380;
	s7 =	smul.u32 $0x14000, s10  }
0x8: {  	s31 =	simm.s32 $0x2700;
	s11 =	sand.u32 $0x1, s5;
	s8 =	smul.u32 $0x50000, s10  }
0x9: {  	s5 =	simm.s32 $0x0;
	s14 =	sadd.s32 $0x3400, s0;
	s16 =	smul.u32 $0x280, s10  }
0xa: {  	s15 =	sadd.s32 $0xD400, s0;
	s6 =	smul.u32 $0x140000, s11;
	[smem:$0x7FF] =	sst s5  }
0xb: {  	s21 =	ssub.s32 $0x2, s11;
	s9 =	sshll.u32 s11, $0x4;
	s17 =	smul.u32 $0x2800, s11  }
0xc: {  	_ =	strace $0x80000047;
	s22 =	sshrl.u32 s21, $0x1;
	s9 =	sor.u32 s10, s9  }
0xd: {  	s8 =	sshrl.u32 s8, $0x2;
	s11 =	sadd.s32 s16, s3;
	s6 =	sadd.s32 s7, s6  }
0xe: {  	s18 =	ssub.s32 s21, s22;
	s12 =	smul.u32 $0x2800, s9;
	s17 =	sadd.s32 s16, s17  }
0xf: {  	s22 =	simm.s32 $0x1400;
	s6 =	sshrl.u32 s6, $0x3;
	s26 =	sshrl.u32 s17, $0x3  }
0x10: {  	s18 =	smax.u32 s18, $0x1;
	s0 =	sadd.s32 s6, s0;
	s6 =	sadd.s32 s8, s2  }
0x11: {  	s13 =	sshrl.u32 s12, $0x3;
	s17 =	sadd.s32 s4, s26;
	s26 =	simm.s32 $0xA800  }
0x12: {  	s23 =	sadd.s32 $0x4000, s6;
	s24 =	sadd.s32 $0x8000, s6;
	s25 =	sadd.s32 $0xC000, s6  }
0x13: {  	s10 =	sadd.s32 $0x10000, s6;
	s12 =	sadd.s32 s14, s13;
	[dreg:$0x6] =	wrdreg s23  }
0x14: {  	s19 =	sadd.s32 $0x280, s13;
	s13 =	sadd.s32 s15, s13;
	[dreg:$0x7] =	wrdreg s24  }
0x15: {  	s16 =	sadd.s32 $0x2B400, s0;
	s0 =	simm.s32 $0x2780;
	[dreg:$0x8] =	wrdreg s25  }
0x16: {  	s14 =	sadd.s32 s14, s19;
	s15 =	sadd.s32 s15, s19;
	s19 =	simm.s32 $0x2800  }
0x17: {  	v0 =	vimm.f32 $0.0e+00;
	v1 =	vimm.f32 $1.000000000e+00;
	s23 =	simm.s32 $0x80;
	s24 =	simm.s32 $0x6800;
	s25 =	simm.s32 $0x1  }
.LBB2_1:
0x18: {  	s21 =	simm.s32 $0x0;
	s4 =	simm.s32 $0x200  }
.LBB2_2:
0x19: {  	p0 =	sne.s32 s4, $0xFE00;
	[tilespmem:s21+$0x2870] =	vst v0  }
0x1a: {  	[tilespmem:s21+$0x2800] =	vst v0  }
0x1b: {  	[tilespmem:s21+$0x2810] =	vst v0  }
.Ltmp0:
0x1c: {  	[tilespmem:s21+$0x2820] =	vst v0;
	(pc) =	sbr.rel @p0 .LBB2_2-.Ltmp0, $4  }
0x1d: {  	[tilespmem:s21+$0x2830] =	vst v0  }
0x1e: {  	[tilespmem:s21+$0x2840] =	vst v0  }
0x1f: {  	[tilespmem:s21+$0x2850] =	vst v0  }
0x20: {  	[tilespmem:s21+$0x2860] =	vst v0;
	s21 =	sshra.s32 s4, $0x2;
	s4 =	sadd.s32 $0x200, s4  }
0x21: {  	[tilespmem:s21+$0x2870] =	vst v0  }
0x22: {  	[tilespmem:s21+$0x2800] =	vst v0  }
0x23: {  	[tilespmem:s21+$0x2810] =	vst v0  }
0x24: {  	[tilespmem:s21+$0x2820] =	vst v0  }
0x25: {  	[tilespmem:s21+$0x2830] =	vst v0  }
0x26: {  	[tilespmem:s21+$0x2840] =	vst v0  }
0x27: {  	[tilespmem:s21+$0x2850] =	vst v0  }
0x28: {  	[tilespmem:s21+$0x2860] =	vst v0  }
0x29: {  	[tilespmem:$0xA880] =	vst v0  }
0x2a: {  	[tilespmem:$0xA890] =	vst v0  }
0x2b: {  	[tilespmem:$0xA8A0] =	vst v0  }
0x2c: {  	[tilespmem:$0xA8B0] =	vst v0  }
0x2d: {  	[tilespmem:$0xA8C0] =	vst v0  }
0x2e: {  	[tilespmem:$0xA8D0] =	vst v0  }
0x2f: {  	[tilespmem:$0xA8E0] =	vst v0  }
0x30: {  	[tilespmem:$0xA8F0] =	vst v0  }
0x31: {  	[tilespmem:$0xA900] =	vst v0  }
0x32: {  	[tilespmem:$0xA910] =	vst v0  }
0x33: {  	[tilespmem:$0xA920] =	vst v0  }
0x34: {  	[tilespmem:$0xA930] =	vst v0  }
0x35: {  	[tilespmem:$0xA940] =	vst v0  }
0x36: {  	[tilespmem:$0xA950] =	vst v0  }
0x37: {  	[tilespmem:$0xA960] =	vst v0  }
0x38: {  	[tilespmem:$0xA970] =	vst v0  }
0x39: {  	[tilespmem:$0xA980] =	vst v0  }
0x3a: {  	[tilespmem:$0xA990] =	vst v0  }
0x3b: {  	[tilespmem:$0xA9A0] =	vst v0  }
0x3c: {  	[tilespmem:$0xA9B0] =	vst v0  }
0x3d: {  	[tilespmem:$0xA9C0] =	vst v0  }
0x3e: {  	[tilespmem:$0xA9D0] =	vst v0  }
0x3f: {  	[tilespmem:$0xA9E0] =	vst v0  }
0x40: {  	[tilespmem:$0xA9F0] =	vst v0  }
0x41: {  	[tilespmem:$0xAA00] =	vst v0  }
0x42: {  	[tilespmem:$0xAA10] =	vst v0  }
0x43: {  	[tilespmem:$0xAA20] =	vst v0  }
0x44: {  	[tilespmem:$0xAA30] =	vst v0  }
0x45: {  	[tilespmem:$0xAA40] =	vst v0  }
0x46: {  	[tilespmem:$0xAA50] =	vst v0  }
0x47: {  	[tilespmem:$0xAA60] =	vst v0  }
0x48: {  	[tilespmem:$0xAA70] =	vst v0  }
0x49: {  	[tilespmem:$0xAA80] =	vst v0  }
0x4a: {  	[tilespmem:$0xAA90] =	vst v0  }
0x4b: {  	[tilespmem:$0xAAA0] =	vst v0  }
0x4c: {  	[tilespmem:$0xAAB0] =	vst v0  }
0x4d: {  	[tilespmem:$0xAAC0] =	vst v0  }
0x4e: {  	[tilespmem:$0xAAD0] =	vst v0  }
0x4f: {  	[tilespmem:$0xAAE0] =	vst v0  }
0x50: {  	[tilespmem:$0xAAF0] =	vst v0  }
0x51: {  	[spmem:s6] =	stream.linear.scatter [tilespmem:s19], [sflag:$0x4], $0x4000, $0x38;
	[tilespmem:$0x1ED80] =	vst v63  }
0x52: {  	_ =	swait.ge [sflag:s20], $0x4000  }
0x53: {  	[sflag:s20] =	ssyncset.done $0x0  }
0x54: {  	s4 =	rddreg [dreg:$0x6];
	[sflag:s20] =	ssyncadd.s32 $0xFFFFC000  }
0x55: {  	[spmem:s4] =	stream.linear.scatter [tilespmem:s19], [sflag:$0x4], $0x4000, $0x38;
	[tilespmem:$0x1ED80] =	vst v63  }
0x56: {  	_ =	swait.ge [sflag:s20], $0x4000  }
0x57: {  	[sflag:s20] =	ssyncset.done $0x0  }
0x58: {  	s7 =	rddreg [dreg:$0x7];
	[sflag:s20] =	ssyncadd.s32 $0xFFFFC000  }
0x59: {  	[spmem:s7] =	stream.linear.scatter [tilespmem:s19], [sflag:$0x4], $0x4000, $0x38;
	[tilespmem:$0x1ED80] =	vst v63  }
0x5a: {  	_ =	swait.ge [sflag:s20], $0x4000  }
0x5b: {  	[sflag:s20] =	ssyncset.done $0x0  }
0x5c: {  	s8 =	rddreg [dreg:$0x8];
	[sflag:s20] =	ssyncadd.s32 $0xFFFFC000  }
0x5d: {  	[spmem:s8] =	stream.linear.scatter [tilespmem:s19], [sflag:$0x4], $0x4000, $0x38;
	[tilespmem:$0x1ED80] =	vst v63  }
0x5e: {  	_ =	swait.ge [sflag:s20], $0x4000  }
0x5f: {  	[sflag:s20] =	ssyncset.done $0x0  }
0x60: {  	[sflag:s20] =	ssyncadd.s32 $0xFFFFC000  }
0x61: {  	[spmem:s10] =	stream.linear.scatter [tilespmem:s19], [sflag:$0x4], $0x4000, $0x38;
	[tilespmem:$0x1ED80] =	vst v63  }
0x62: {  	_ =	swait.ge [sflag:s20], $0x4000  }
0x63: {  	[sflag:s20] =	ssyncset.done $0x0  }
0x64: {  	s9 =	simm.s32 $0xA880;
	[sflag:s20] =	ssyncadd.s32 $0xFFFFC000  }
0x65: {  	[spmem:s11] =	stream.linear.scatter [tilespmem:s9], [sflag:$0x4], $0x280, $0x38;
	[tilespmem:$0x1ED80] =	vst v63  }
0x66: {  	_ =	swait.ge [sflag:s20], $0x280  }
0x67: {  	[sflag:s20] =	ssyncset.done $0x0  }
0x68: {  	[sflag:s20] =	ssyncadd.s32 $0xFFFFFD80  }
0x69: {  	[tilespmem:$0xA800] =	vst v1  }
0x6a: {  	[tilespmem:$0xA810] =	vst v1  }
0x6b: {  	[tilespmem:$0xA820] =	vst v1  }
0x6c: {  	[tilespmem:$0xA830] =	vst v1  }
0x6d: {  	[tilespmem:$0xA840] =	vst v1  }
0x6e: {  	[tilespmem:$0xA850] =	vst v1  }
0x6f: {  	[tilespmem:$0xA860] =	vst v1  }
0x70: {  	[tilespmem:$0xA870] =	vst v1  }
0x71: {  	s21 =	simm.s32 $0x0;
	[bflag:$0x0] =	sbarrier.arrive $0xFFFF  }
0x72: {  	[tilespmem:s21], [sflag:$0x4] =	stream.linear.gather [hbm4b:s12+s21], $0x1400, $0x38;
	[tilespmem:$0x1ED80] =	vst v63  }
0x73: {  	_ =	swait.ge [sflag:s20], $0x1400  }
0x74: {  	[sflag:s20] =	ssyncset.done $0x0  }
0x75: {  	[sflag:s20] =	ssyncadd.s32 $0xFFFFEC00  }
0x76: {  	[tilespmem:s22], [sflag:$0x4] =	stream.linear.gather [hbm4b:s13+s21], $0x1400, $0x38;
	[tilespmem:$0x1ED80] =	vst v63  }
0x77: {  	_ =	swait.ge [sflag:s20], $0x1400  }
0x78: {  	[sflag:s20] =	ssyncset.done $0x0  }
0x79: {  	[sflag:s20] =	ssyncadd.s32 $0xFFFFEC00  }
0x7a: {  	[tilespmem:s19], [sflag:$0x1] =	stream.indirect.gather [hbm4b:s1+s23], $0x80, s21, s23, $0xb8;
	[tilespmem:$0x1ED80] =	vst v63  }
0x7b: {  	s7 =	simm.s32 $0x80  }
0x7c: {  	[tilespmem:s24], [sflag:$0x2] =	stream.indirect.gather [hbm4b:s1+s23], $0x80, s7, s23, $0xb8;
	[tilespmem:$0x1ED80] =	vst v63  }
0x7d: {  	_ =	swait.ge [sflag:s25], $0x4000  }
0x7e: {  	[sflag:s25] =	ssyncset.done $0x0  }
0x7f: {  	s8 =	simm.s32 $0x1400;
	[sflag:s25] =	ssyncadd.s32 $0xFFFFC000  }
0x80: {  	[spmem:s3] =	stream.indirect.scatter.add.f32 [tilespmem:s26], [sflag:$0x3], $0x1, s8, s23, $0xb8;
	[tilespmem:$0x1ED80] =	vst v63  }
0x81: {  	_ = 	snop  }
0x82: {  	[spmem:s2] =	stream.indirect.scatter.add.f32 [tilespmem:s19], [sflag:$0x4], $0x80, s8, s23, $0xb8;
	[tilespmem:$0x1ED80] =	vst v63  }
0x83: {  	_ =	swait.ge [sflag:s20], $0x4000  }
0x84: {  	[sflag:s20] =	ssyncset.done $0x0  }
0x85: {  	[sflag:s20] =	ssyncadd.s32 $0xFFFFC000  }
0x86: {  	_ =	swait.ge [sflag:s28], $0x80  }
0x87: {  	[sflag:s28] =	ssyncset.done $0x0  }
0x88: {  	s9 =	simm.s32 $0x100;
	[sflag:s28] =	ssyncadd.s32 $0xFFFFFF80  }
0x89: {  	[tilespmem:s19], [sflag:$0x1] =	stream.indirect.gather [hbm4b:s1+s23], $0x80, s9, s23, $0xb8;
	[tilespmem:$0x1ED80] =	vst v63  }
0x8a: {  	_ =	swait.ge [sflag:s29], $0x4000  }
0x8b: {  	[sflag:s29] =	ssyncset.done $0x0  }
0x8c: {  	s21 =	simm.s32 $0x1480;
	[sflag:s29] =	ssyncadd.s32 $0xFFFFC000  }
0x8d: {  	[spmem:s3] =	stream.indirect.scatter.add.f32 [tilespmem:s26], [sflag:$0x3], $0x1, s21, s23, $0xb8;
	[tilespmem:$0x1ED80] =	vst v63  }
0x8e: {  	_ = 	snop  }
0x8f: {  	[spmem:s2] =	stream.indirect.scatter.add.f32 [tilespmem:s24], [sflag:$0x4], $0x80, s21, s23, $0xb8;
	[tilespmem:$0x1ED80] =	vst v63  }
0x90: {  	_ =	swait.ge [sflag:s20], $0x4000  }
0x91: {  	[sflag:s20] =	ssyncset.done $0x0  }
0x92: {  	[sflag:s20] =	ssyncadd.s32 $0xFFFFC000  }
0x93: {  	_ =	swait.ge [sflag:s28], $0x80  }
0x94: {  	s4 =	simm.s32 $0x800;
	s21 =	simm.s32 $0x100;
	[sflag:s28] =	ssyncset.done $0x0  }
.LBB2_4:
0x95: {  	s7 =	sadd.s32 $0x80, s21  }
0x96: {  	[sflag:s28] =	ssyncadd.s32 $0xFFFFFF80;
	s8 =	smov.u32 s4;
	s9 =	sadd.s32 $0x400, s4  }
0x97: {  	[tilespmem:s24], [sflag:$0x2] =	stream.indirect.gather [hbm4b:s1+s23], $0x80, s7, s23, $0xb8;
	[tilespmem:$0x1ED80] =	vst v63  }
0x98: {  	p0 =	sne.s32 s4, $0x4800;
	_ =	swait.ge [sflag:s25], $0x4000  }
0x99: {  	[sflag:s25] =	ssyncset.done $0x0  }
0x9a: {  	s4 =	sadd.s32 $0x1400, s21;
	[sflag:s25] =	ssyncadd.s32 $0xFFFFC000  }
0x9b: {  	[spmem:s3] =	stream.indirect.scatter.add.f32 [tilespmem:s26], [sflag:$0x3], $0x1, s4, s23, $0xb8;
	[tilespmem:$0x1ED80] =	vst v63  }
0x9c: {  	_ = 	snop  }
0x9d: {  	[spmem:s2] =	stream.indirect.scatter.add.f32 [tilespmem:s19], [sflag:$0x4], $0x80, s4, s23, $0xb8;
	[tilespmem:$0x1ED80] =	vst v63  }
0x9e: {  	_ =	swait.ge [sflag:s20], $0x4000  }
0x9f: {  	[sflag:s20] =	ssyncset.done $0x0  }
0xa0: {  	[sflag:s20] =	ssyncadd.s32 $0xFFFFC000  }
0xa1: {  	_ =	swait.ge [sflag:s28], $0x80  }
0xa2: {  	[sflag:s28] =	ssyncset.done $0x0  }
0xa3: {  	s4 =	sadd.s32 $0x100, s21;
	[sflag:s28] =	ssyncadd.s32 $0xFFFFFF80  }
0xa4: {  	[tilespmem:s19], [sflag:$0x1] =	stream.indirect.gather [hbm4b:s1+s23], $0x80, s4, s23, $0xb8;
	[tilespmem:$0x1ED80] =	vst v63  }
0xa5: {  	_ =	swait.ge [sflag:s29], $0x4000  }
0xa6: {  	[sflag:s29] =	ssyncset.done $0x0  }
0xa7: {  	s4 =	sadd.s32 $0x1480, s21;
	[sflag:s29] =	ssyncadd.s32 $0xFFFFC000  }
0xa8: {  	[spmem:s3] =	stream.indirect.scatter.add.f32 [tilespmem:s26], [sflag:$0x3], $0x1, s4, s23, $0xb8;
	[tilespmem:$0x1ED80] =	vst v63  }
0xa9: {  	_ = 	snop  }
0xaa: {  	[spmem:s2] =	stream.indirect.scatter.add.f32 [tilespmem:s24], [sflag:$0x4], $0x80, s4, s23, $0xb8;
	[tilespmem:$0x1ED80] =	vst v63  }
.Ltmp1:
0xab: {  	_ =	swait.ge [sflag:s20], $0x4000;
	(pc) =	sbr.rel @p0 .LBB2_4-.Ltmp1, $4  }
0xac: {  	[sflag:s20] =	ssyncset.done $0x0  }
0xad: {  	[sflag:s20] =	ssyncadd.s32 $0xFFFFC000  }
0xae: {  	_ =	swait.ge [sflag:s28], $0x80  }
0xaf: {  	s21 =	sshra.s32 s8, $0x2;
	s4 =	smov.u32 s9;
	[sflag:s28] =	ssyncset.done $0x0  }
0xb0: {  	s4 =	sadd.s32 $0x80, s21;
	[sflag:s28] =	ssyncadd.s32 $0xFFFFFF80  }
0xb1: {  	[tilespmem:s24], [sflag:$0x2] =	stream.indirect.gather [hbm4b:s1+s23], $0x80, s4, s23, $0xb8;
	[tilespmem:$0x1ED80] =	vst v63  }
0xb2: {  	_ =	swait.ge [sflag:s25], $0x4000  }
0xb3: {  	[sflag:s25] =	ssyncset.done $0x0  }
0xb4: {  	s7 =	sadd.s32 $0x1400, s21;
	[sflag:s25] =	ssyncadd.s32 $0xFFFFC000  }
0xb5: {  	[spmem:s3] =	stream.indirect.scatter.add.f32 [tilespmem:s26], [sflag:$0x3], $0x1, s7, s23, $0xb8;
	[tilespmem:$0x1ED80] =	vst v63  }
0xb6: {  	_ = 	snop  }
0xb7: {  	[spmem:s2] =	stream.indirect.scatter.add.f32 [tilespmem:s19], [sflag:$0x4], $0x80, s7, s23, $0xb8;
	[tilespmem:$0x1ED80] =	vst v63  }
0xb8: {  	_ =	swait.ge [sflag:s20], $0x4000  }
0xb9: {  	[sflag:s20] =	ssyncset.done $0x0  }
0xba: {  	[sflag:s20] =	ssyncadd.s32 $0xFFFFC000  }
0xbb: {  	_ =	swait.ge [sflag:s28], $0x80  }
0xbc: {  	[sflag:s28] =	ssyncset.done $0x0  }
0xbd: {  	s8 =	sadd.s32 $0x100, s21;
	[sflag:s28] =	ssyncadd.s32 $0xFFFFFF80  }
0xbe: {  	[tilespmem:s19], [sflag:$0x1] =	stream.indirect.gather [hbm4b:s1+s23], $0x80, s8, s23, $0xb8;
	[tilespmem:$0x1ED80] =	vst v63  }
0xbf: {  	_ =	swait.ge [sflag:s29], $0x4000  }
0xc0: {  	[sflag:s29] =	ssyncset.done $0x0  }
0xc1: {  	s9 =	sadd.s32 $0x1480, s21;
	[sflag:s29] =	ssyncadd.s32 $0xFFFFC000  }
0xc2: {  	[spmem:s3] =	stream.indirect.scatter.add.f32 [tilespmem:s26], [sflag:$0x3], $0x1, s9, s23, $0xb8;
	[tilespmem:$0x1ED80] =	vst v63  }
0xc3: {  	_ = 	snop  }
0xc4: {  	[spmem:s2] =	stream.indirect.scatter.add.f32 [tilespmem:s24], [sflag:$0x4], $0x80, s9, s23, $0xb8;
	[tilespmem:$0x1ED80] =	vst v63  }
0xc5: {  	_ =	swait.ge [sflag:s20], $0x4000  }
0xc6: {  	[sflag:s20] =	ssyncset.done $0x0  }
0xc7: {  	[sflag:s20] =	ssyncadd.s32 $0xFFFFC000  }
0xc8: {  	_ =	swait.ge [sflag:s28], $0x80  }
0xc9: {  	[sflag:s28] =	ssyncset.done $0x0  }
0xca: {  	[sflag:s28] =	ssyncadd.s32 $0xFFFFFF80  }
0xcb: {  	[tilespmem:s24], [sflag:$0x2] =	stream.indirect.gather [hbm4b:s1+s23], $0x80, s30, s23, $0xb8;
	[tilespmem:$0x1ED80] =	vst v63  }
0xcc: {  	_ =	swait.ge [sflag:s25], $0x4000  }
0xcd: {  	[sflag:s25] =	ssyncset.done $0x0  }
0xce: {  	[sflag:s25] =	ssyncadd.s32 $0xFFFFC000  }
0xcf: {  	[spmem:s3] =	stream.indirect.scatter.add.f32 [tilespmem:s26], [sflag:$0x3], $0x1, s31, s23, $0xb8;
	[tilespmem:$0x1ED80] =	vst v63  }
0xd0: {  	_ = 	snop  }
0xd1: {  	[spmem:s2] =	stream.indirect.scatter.add.f32 [tilespmem:s19], [sflag:$0x4], $0x80, s31, s23, $0xb8;
	[tilespmem:$0x1ED80] =	vst v63  }
0xd2: {  	_ =	swait.ge [sflag:s20], $0x4000  }
0xd3: {  	[sflag:s20] =	ssyncset.done $0x0  }
0xd4: {  	[sflag:s20] =	ssyncadd.s32 $0xFFFFC000  }
0xd5: {  	_ =	swait.ge [sflag:s28], $0x80  }
0xd6: {  	[sflag:s28] =	ssyncset.done $0x0  }
0xd7: {  	[sflag:s28] =	ssyncadd.s32 $0xFFFFFF80  }
0xd8: {  	[tilespmem:s19], [sflag:$0x1] =	stream.indirect.gather [hbm4b:s1+s23], $0x80, s30, s23, $0xb8;
	[tilespmem:$0x1ED80] =	vst v63  }
0xd9: {  	_ =	swait.ge [sflag:s29], $0x4000  }
0xda: {  	[sflag:s29] =	ssyncset.done $0x0  }
0xdb: {  	[sflag:s29] =	ssyncadd.s32 $0xFFFFC000  }
0xdc: {  	[spmem:s3] =	stream.indirect.scatter.add.f32 [tilespmem:s26], [sflag:$0x3], $0x1, s0, s23, $0xb8;
	[tilespmem:$0x1ED80] =	vst v63  }
0xdd: {  	_ = 	snop  }
0xde: {  	[spmem:s2] =	stream.indirect.scatter.add.f32 [tilespmem:s24], [sflag:$0x4], $0x80, s0, s23, $0xb8;
	[tilespmem:$0x1ED80] =	vst v63  }
0xdf: {  	_ =	swait.ge [sflag:s20], $0x4000  }
0xe0: {  	[sflag:s20] =	ssyncset.done $0x0  }
0xe1: {  	[sflag:s20] =	ssyncadd.s32 $0xFFFFC000  }
0xe2: {  	_ =	swait.ge [sflag:s28], $0x80  }
0xe3: {  	[sflag:s28] =	ssyncset.done $0x0  }
0xe4: {  	[sflag:s28] =	ssyncadd.s32 $0xFFFFFF80  }
0xe5: {  	_ =	swait.ge [sflag:s25], $0x4000  }
0xe6: {  	[sflag:s25] =	ssyncset.done $0x0  }
0xe7: {  	s21 =	simm.s32 $0x0;
	[sflag:s25] =	ssyncadd.s32 $0xFFFFC000  }
0xe8: {  	[tilespmem:s21], [sflag:$0x4] =	stream.linear.gather [hbm4b:s14+s21], $0x1400, $0x38;
	[tilespmem:$0x1ED80] =	vst v63  }
0xe9: {  	_ =	swait.ge [sflag:s20], $0x1400  }
0xea: {  	[sflag:s20] =	ssyncset.done $0x0  }
0xeb: {  	[sflag:s20] =	ssyncadd.s32 $0xFFFFEC00  }
0xec: {  	[tilespmem:s22], [sflag:$0x4] =	stream.linear.gather [hbm4b:s15+s21], $0x1400, $0x38;
	[tilespmem:$0x1ED80] =	vst v63  }
0xed: {  	_ =	swait.ge [sflag:s20], $0x1400  }
0xee: {  	[sflag:s20] =	ssyncset.done $0x0  }
0xef: {  	[sflag:s20] =	ssyncadd.s32 $0xFFFFEC00  }
0xf0: {  	[tilespmem:s19], [sflag:$0x1] =	stream.indirect.gather [hbm4b:s1+s23], $0x80, s21, s23, $0xb8;
	[tilespmem:$0x1ED80] =	vst v63  }
0xf1: {  	s7 =	simm.s32 $0x80  }
0xf2: {  	[tilespmem:s24], [sflag:$0x2] =	stream.indirect.gather [hbm4b:s1+s23], $0x80, s7, s23, $0xb8;
	[tilespmem:$0x1ED80] =	vst v63  }
0xf3: {  	_ =	swait.ge [sflag:s25], $0x4000  }
0xf4: {  	[sflag:s25] =	ssyncset.done $0x0  }
0xf5: {  	s8 =	simm.s32 $0x1400;
	[sflag:s25] =	ssyncadd.s32 $0xFFFFC000  }
0xf6: {  	[spmem:s3] =	stream.indirect.scatter.add.f32 [tilespmem:s26], [sflag:$0x3], $0x1, s8, s23, $0xb8;
	[tilespmem:$0x1ED80] =	vst v63  }
0xf7: {  	_ = 	snop  }
0xf8: {  	[spmem:s2] =	stream.indirect.scatter.add.f32 [tilespmem:s19], [sflag:$0x4], $0x80, s8, s23, $0xb8;
	[tilespmem:$0x1ED80] =	vst v63  }
0xf9: {  	_ =	swait.ge [sflag:s20], $0x4000  }
0xfa: {  	[sflag:s20] =	ssyncset.done $0x0  }
0xfb: {  	[sflag:s20] =	ssyncadd.s32 $0xFFFFC000  }
0xfc: {  	_ =	swait.ge [sflag:s28], $0x80  }
0xfd: {  	[sflag:s28] =	ssyncset.done $0x0  }
0xfe: {  	s9 =	simm.s32 $0x100;
	[sflag:s28] =	ssyncadd.s32 $0xFFFFFF80  }
0xff: {  	[tilespmem:s19], [sflag:$0x1] =	stream.indirect.gather [hbm4b:s1+s23], $0x80, s9, s23, $0xb8;
	[tilespmem:$0x1ED80] =	vst v63  }
0x100: {  	_ =	swait.ge [sflag:s29], $0x4000  }
0x101: {  	[sflag:s29] =	ssyncset.done $0x0  }
0x102: {  	s21 =	simm.s32 $0x1480;
	[sflag:s29] =	ssyncadd.s32 $0xFFFFC000  }
0x103: {  	[spmem:s3] =	stream.indirect.scatter.add.f32 [tilespmem:s26], [sflag:$0x3], $0x1, s21, s23, $0xb8;
	[tilespmem:$0x1ED80] =	vst v63  }
0x104: {  	_ = 	snop  }
0x105: {  	[spmem:s2] =	stream.indirect.scatter.add.f32 [tilespmem:s24], [sflag:$0x4], $0x80, s21, s23, $0xb8;
	[tilespmem:$0x1ED80] =	vst v63  }
0x106: {  	_ =	swait.ge [sflag:s20], $0x4000  }
0x107: {  	[sflag:s20] =	ssyncset.done $0x0  }
0x108: {  	[sflag:s20] =	ssyncadd.s32 $0xFFFFC000  }
0x109: {  	_ =	swait.ge [sflag:s28], $0x80  }
0x10a: {  	s4 =	simm.s32 $0x800;
	s21 =	simm.s32 $0x100;
	[sflag:s28] =	ssyncset.done $0x0  }
.LBB2_6:
0x10b: {  	s7 =	sadd.s32 $0x80, s21  }
0x10c: {  	[sflag:s28] =	ssyncadd.s32 $0xFFFFFF80;
	s8 =	smov.u32 s4;
	s9 =	sadd.s32 $0x400, s4  }
0x10d: {  	[tilespmem:s24], [sflag:$0x2] =	stream.indirect.gather [hbm4b:s1+s23], $0x80, s7, s23, $0xb8;
	[tilespmem:$0x1ED80] =	vst v63  }
0x10e: {  	p0 =	sne.s32 s4, $0x4800;
	_ =	swait.ge [sflag:s25], $0x4000  }
0x10f: {  	[sflag:s25] =	ssyncset.done $0x0  }
0x110: {  	s4 =	sadd.s32 $0x1400, s21;
	[sflag:s25] =	ssyncadd.s32 $0xFFFFC000  }
0x111: {  	[spmem:s3] =	stream.indirect.scatter.add.f32 [tilespmem:s26], [sflag:$0x3], $0x1, s4, s23, $0xb8;
	[tilespmem:$0x1ED80] =	vst v63  }
0x112: {  	_ = 	snop  }
0x113: {  	[spmem:s2] =	stream.indirect.scatter.add.f32 [tilespmem:s19], [sflag:$0x4], $0x80, s4, s23, $0xb8;
	[tilespmem:$0x1ED80] =	vst v63  }
0x114: {  	_ =	swait.ge [sflag:s20], $0x4000  }
0x115: {  	[sflag:s20] =	ssyncset.done $0x0  }
0x116: {  	[sflag:s20] =	ssyncadd.s32 $0xFFFFC000  }
0x117: {  	_ =	swait.ge [sflag:s28], $0x80  }
0x118: {  	[sflag:s28] =	ssyncset.done $0x0  }
0x119: {  	s4 =	sadd.s32 $0x100, s21;
	[sflag:s28] =	ssyncadd.s32 $0xFFFFFF80  }
0x11a: {  	[tilespmem:s19], [sflag:$0x1] =	stream.indirect.gather [hbm4b:s1+s23], $0x80, s4, s23, $0xb8;
	[tilespmem:$0x1ED80] =	vst v63  }
0x11b: {  	_ =	swait.ge [sflag:s29], $0x4000  }
0x11c: {  	[sflag:s29] =	ssyncset.done $0x0  }
0x11d: {  	s4 =	sadd.s32 $0x1480, s21;
	[sflag:s29] =	ssyncadd.s32 $0xFFFFC000  }
0x11e: {  	[spmem:s3] =	stream.indirect.scatter.add.f32 [tilespmem:s26], [sflag:$0x3], $0x1, s4, s23, $0xb8;
	[tilespmem:$0x1ED80] =	vst v63  }
0x11f: {  	_ = 	snop  }
0x120: {  	[spmem:s2] =	stream.indirect.scatter.add.f32 [tilespmem:s24], [sflag:$0x4], $0x80, s4, s23, $0xb8;
	[tilespmem:$0x1ED80] =	vst v63  }
.Ltmp2:
0x121: {  	_ =	swait.ge [sflag:s20], $0x4000;
	(pc) =	sbr.rel @p0 .LBB2_6-.Ltmp2, $4  }
0x122: {  	[sflag:s20] =	ssyncset.done $0x0  }
0x123: {  	[sflag:s20] =	ssyncadd.s32 $0xFFFFC000  }
0x124: {  	_ =	swait.ge [sflag:s28], $0x80  }
0x125: {  	s21 =	sshra.s32 s8, $0x2;
	s4 =	smov.u32 s9;
	[sflag:s28] =	ssyncset.done $0x0  }
0x126: {  	s4 =	sadd.s32 $0x80, s21;
	[sflag:s28] =	ssyncadd.s32 $0xFFFFFF80  }
0x127: {  	[tilespmem:s24], [sflag:$0x2] =	stream.indirect.gather [hbm4b:s1+s23], $0x80, s4, s23, $0xb8;
	[tilespmem:$0x1ED80] =	vst v63  }
0x128: {  	_ =	swait.ge [sflag:s25], $0x4000  }
0x129: {  	[sflag:s25] =	ssyncset.done $0x0  }
0x12a: {  	s9 =	sadd.s32 $0x1400, s21;
	[sflag:s25] =	ssyncadd.s32 $0xFFFFC000  }
0x12b: {  	[spmem:s3] =	stream.indirect.scatter.add.f32 [tilespmem:s26], [sflag:$0x3], $0x1, s9, s23, $0xb8;
	[tilespmem:$0x1ED80] =	vst v63  }
0x12c: {  	_ = 	snop  }
0x12d: {  	[spmem:s2] =	stream.indirect.scatter.add.f32 [tilespmem:s19], [sflag:$0x4], $0x80, s9, s23, $0xb8;
	[tilespmem:$0x1ED80] =	vst v63  }
0x12e: {  	_ =	swait.ge [sflag:s20], $0x4000  }
0x12f: {  	[sflag:s20] =	ssyncset.done $0x0  }
0x130: {  	[sflag:s20] =	ssyncadd.s32 $0xFFFFC000  }
0x131: {  	_ =	swait.ge [sflag:s28], $0x80  }
0x132: {  	[sflag:s28] =	ssyncset.done $0x0  }
0x133: {  	s7 =	sadd.s32 $0x100, s21;
	[sflag:s28] =	ssyncadd.s32 $0xFFFFFF80  }
0x134: {  	[tilespmem:s19], [sflag:$0x1] =	stream.indirect.gather [hbm4b:s1+s23], $0x80, s7, s23, $0xb8;
	[tilespmem:$0x1ED80] =	vst v63  }
0x135: {  	_ =	swait.ge [sflag:s29], $0x4000  }
0x136: {  	[sflag:s29] =	ssyncset.done $0x0  }
0x137: {  	s8 =	sadd.s32 $0x1480, s21;
	[sflag:s29] =	ssyncadd.s32 $0xFFFFC000  }
0x138: {  	[spmem:s3] =	stream.indirect.scatter.add.f32 [tilespmem:s26], [sflag:$0x3], $0x1, s8, s23, $0xb8;
	[tilespmem:$0x1ED80] =	vst v63  }
0x139: {  	_ = 	snop  }
0x13a: {  	[spmem:s2] =	stream.indirect.scatter.add.f32 [tilespmem:s24], [sflag:$0x4], $0x80, s8, s23, $0xb8;
	[tilespmem:$0x1ED80] =	vst v63  }
0x13b: {  	_ =	swait.ge [sflag:s20], $0x4000  }
0x13c: {  	[sflag:s20] =	ssyncset.done $0x0  }
0x13d: {  	[sflag:s20] =	ssyncadd.s32 $0xFFFFC000  }
0x13e: {  	_ =	swait.ge [sflag:s28], $0x80  }
0x13f: {  	[sflag:s28] =	ssyncset.done $0x0  }
0x140: {  	[sflag:s28] =	ssyncadd.s32 $0xFFFFFF80  }
0x141: {  	[tilespmem:s24], [sflag:$0x2] =	stream.indirect.gather [hbm4b:s1+s23], $0x80, s30, s23, $0xb8;
	[tilespmem:$0x1ED80] =	vst v63  }
0x142: {  	_ =	swait.ge [sflag:s25], $0x4000  }
0x143: {  	[sflag:s25] =	ssyncset.done $0x0  }
0x144: {  	[sflag:s25] =	ssyncadd.s32 $0xFFFFC000  }
0x145: {  	[spmem:s3] =	stream.indirect.scatter.add.f32 [tilespmem:s26], [sflag:$0x3], $0x1, s31, s23, $0xb8;
	[tilespmem:$0x1ED80] =	vst v63  }
0x146: {  	_ = 	snop  }
0x147: {  	[spmem:s2] =	stream.indirect.scatter.add.f32 [tilespmem:s19], [sflag:$0x4], $0x80, s31, s23, $0xb8;
	[tilespmem:$0x1ED80] =	vst v63  }
0x148: {  	_ =	swait.ge [sflag:s20], $0x4000  }
0x149: {  	[sflag:s20] =	ssyncset.done $0x0  }
0x14a: {  	[sflag:s20] =	ssyncadd.s32 $0xFFFFC000  }
0x14b: {  	_ =	swait.ge [sflag:s28], $0x80  }
0x14c: {  	[sflag:s28] =	ssyncset.done $0x0  }
0x14d: {  	[sflag:s28] =	ssyncadd.s32 $0xFFFFFF80  }
0x14e: {  	[tilespmem:s19], [sflag:$0x1] =	stream.indirect.gather [hbm4b:s1+s23], $0x80, s30, s23, $0xb8;
	[tilespmem:$0x1ED80] =	vst v63  }
0x14f: {  	_ =	swait.ge [sflag:s29], $0x4000  }
0x150: {  	[sflag:s29] =	ssyncset.done $0x0  }
0x151: {  	[sflag:s29] =	ssyncadd.s32 $0xFFFFC000  }
0x152: {  	[spmem:s3] =	stream.indirect.scatter.add.f32 [tilespmem:s26], [sflag:$0x3], $0x1, s0, s23, $0xb8;
	[tilespmem:$0x1ED80] =	vst v63  }
0x153: {  	_ = 	snop  }
0x154: {  	[spmem:s2] =	stream.indirect.scatter.add.f32 [tilespmem:s24], [sflag:$0x4], $0x80, s0, s23, $0xb8;
	[tilespmem:$0x1ED80] =	vst v63  }
0x155: {  	_ =	swait.ge [sflag:s20], $0x4000  }
0x156: {  	[sflag:s20] =	ssyncset.done $0x0  }
0x157: {  	[sflag:s20] =	ssyncadd.s32 $0xFFFFC000  }
0x158: {  	_ =	swait.ge [sflag:s28], $0x80  }
0x159: {  	[sflag:s28] =	ssyncset.done $0x0  }
0x15a: {  	[sflag:s28] =	ssyncadd.s32 $0xFFFFFF80  }
0x15b: {  	_ =	swait.ge [sflag:s25], $0x4000  }
0x15c: {  	s9 =	stileid.u32;
	[sflag:s25] =	ssyncset.done $0x0  }
0x15d: {  	s4 =	sshll.u32 s9, $0x6;
	[sflag:s25] =	ssyncadd.s32 $0xFFFFC000  }
0x15e: {  	s4 =	sor.u32 $0x1C04, s4;
	s7 =	sshrl.u32 s6, $0x3;
	[bflag:$0x0] =	sbarrier.arrive $0xFFFF  }
0x15f: {  	[hbm:s16], [sflag:s4] =	dma.local [spmem:s7], $0x2800  }
0x160: {  	s5 =	sadd.s32 $0x1, s5;
	_ =	swait.ge [sflag:s20], $0x2800  }
0x161: {  	p0 =	sne.s32 s5, s18;
	[sflag:s20] =	ssyncset.done $0x0  }
.Ltmp3:
0x162: {  	s21 =	sshrl.u32 s11, $0x3;
	[sflag:s20] =	ssyncadd.s32 $0xFFFFD800;
	(pc) =	sbr.rel @p0 .LBB2_1-.Ltmp3, $4  }
0x163: {  	[hbm:s17], [sflag:s4] =	dma.local [spmem:s21], $0x50  }
0x164: {  	_ =	swait.ge [sflag:s20], $0x50  }
0x165: {  	[sflag:s20] =	ssyncset.done $0x0  }
0x166: {  	[sflag:s20] =	ssyncadd.s32 $0xFFFFFFB0  }
0x167: {  	_ =	sfence.sel $0x180000  }
0x168: {  	[bflag:$0x0] =	sbarrier.arrive $0xFFFF  }
0x169: {  	_ =	strace $0x90000047  }
0x16a: {  	s0 =	stileid.u32;
	[bflag:$0x2] =	sbarrier.arrive $0xFFFF  }
0x16b: {  	p0 =	sne.s32 s0, $0x0;
	s0 =	rddreg [dreg:$0x5]  }
0x16c: {  	s0 =	sadd.s32 @!p0 $0x100000, s0  }
0x16d: {  	[sflag:s0] =	ssyncadd.tile.s32 @!p0 $0x1;
	_ =	shalt  }
.Lfunc_end2:
_tile_overlayer_lowered:
.L_overlay_start_2:
0x16e: {  	(tag) =	ssettag $0x2  }
0x16f: {  	s0 =	rddreg [dreg:$0x0];
	s2 =	stileid.u32  }
0x170: {  	s1 =	rddreg [dreg:$0x1];
	p0 =	sne.s32 s2, $0x0  }
0x171: {  	s3 =	rddreg [dreg:$0x2];
	[bflag:$0x3] =	sbarrier.arrive $0xFFFF;
	s2 =	simm.s32 @!p0 $0x1C04  }
0x172: {  	[timem:s3], [sflag:s2] =	dma.local @!p0 [hbm:s0], s1  }
0x173: {  	s0 =	simm.s32 @!p0 $0x4  }
0x174: {  	_ =	swait.ge @!p0 [sflag:s0], s1  }
0x175: {  	s1 =	ssub.s32 @!p0 $0x0, s1;
	[sflag:s0] =	ssyncset.done @!p0 $0x0  }
0x176: {  	[sflag:s0] =	ssyncadd.s32 @!p0 s1  }
0x177: {  	[bflag:$0x3] =	sbarrier.arrive $0xFFFF  }
0x178: {  	_ =	shalt  }

// kernel: kernel.13.cloned.1.call-start
scs
__scs_entry_jumppad:
0x0: {  	(pc) =	sbr.rel $0x88, $3  }
0x1: {  	(tag) =	ssettag $0x0;
	lr =	simm.s32 $0x1  }
0x2: {  	[smem:$0x3F8E] =	sst lr;
	_ =	strace $0xD0000000  }
0x3: {  	_ = 	snop  }
0x4: {  	_ = 	snop  }
0x5: {  	_ = 	snop  }
0x6: {  	_ = 	snop  }
0x7: {  	_ = 	snop  }
__scs_overlays_trampoline_lowered:
0x8: {  	[smem:$0x3F9D] =	sst s0  }
0x9: {  	[smem:$0x3F9E] =	sst s1  }
0xa: {  	[smem:$0x3F9F] =	sst s2  }
0xb: {  	[smem:$0x3FA0] =	sst s3  }
0xc: {  	[smem:$0x3FA1] =	sst s4  }
0xd: {  	[smem:$0x3FA2] =	sst s5  }
0xe: {  	[smem:$0x3FA3] =	sst s6  }
0xf: {  	[smem:$0x3FA4] =	sst s7  }
0x10: {  	[smem:$0x3FA5] =	sst s8  }
0x11: {  	[smem:$0x3FA6] =	sst s9;
	s0 =	simm.s32 @!p0 $0x0  }
0x12: {  	s1 =	sld [smem:$0x3F8C];
	s0 =	simm.s32 @p0 $0x1  }
0x13: {  	[smem:$0x3FA7] =	sst s0;
	s0 =	simm.s32 @!p1 $0x0  }
0x14: {  	s2 =	sld [smem:$0x3F8B];
	s0 =	simm.s32 @p1 $0x1  }
0x15: {  	[smem:$0x3FA8] =	sst s0;
	s0 =	simm.s32 @!p2 $0x0  }
0x16: {  	s3 =	sld [smem:$0x3FDB];
	s0 =	simm.s32 @p2 $0x1  }
0x17: {  	s4 =	simm.s32 $0x1BF5;
	[smem:$0x3FAA] =	sst s0  }
0x18: {  	s0 =	sld [smem:$0x3F8D];
	_ =	swait.ge [sflag:s4], $0x0  }
0x19: {  	s7 =	sld [smem:$0x3F8E]  }
0x1a: {  	s8 =	sadd.s32 $0xFFFFE003, lr  }
0x1b: {  	s9 =	sadd.s32 $0xFFFFFEF7, lr;
	s5 =	simm.s32 $0xFFFFFFFF;
	p2 =	slt.u32 s8, $0xFFFFF086  }
0x1c: {  	p1 =	slt.u32 s9, $0xF7A;
	s5 =	simm.s32 @!p2 $0x0  }
0x1d: {  	s5 =	simm.s32 @p1 $0x1;
	p0 =	seq.s32 s7, s2  }
0x1e: {  	s7 =	smul.u32 @!p0 $0xF7A, s2;
	p2 =	seq.s32 @!p0 s5, $0x0  }
0x1f: {  	s9 =	smul.u32 $0xF7A, s1;
	s8 =	simm.s32 @!p0 $0x1BF5;
	p2 =	por !p2, p0  }
0x20: {  	[sflag:s8] =	ssyncset.s32 @!p0 $0xFFFFF086;
	s6 =	sadd.s32 @!p0 s3, s7;
	s7 =	simm.s32 @!p0 $0x108  }
0x21: {  	s3 =	sadd.s32 s3, s9;
	s6 =	sadd.s32 @!p0 $0x88, s6;
	s7 =	simm.s32 @p2 $0x1082  }
0x22: {  	[simem:s7], [sflag:s8] =	dma.local @!p0 [hbm:s6], $0xF7A  }
0x23: {  	s9 =	sor.u32 $0xD0000000, s2;
	s6 =	simm.s32 $0x108;
	_ =	swait.ge @!p0 [sflag:s8], $0x0  }
0x24: {  	s3 =	sadd.s32 $0x88, s3;
	s6 =	simm.s32 @!p1 $0x1082;
	[sflag:s4] =	ssyncset.s32 $0xFFFFF086  }
0x25: {  	[simem:s6], [sflag:s4] =	dma.local [hbm:s3], $0xF7A  }
0x26: {  	[smem:$0x3F8E] =	sst s1;
	(tag) =	ssettag s2;
	_ =	strace s9  }
0x27: {  	s1 =	sld [smem:$0x3F9E]  }
0x28: {  	s2 =	sld [smem:$0x3F9F]  }
0x29: {  	s4 =	sld [smem:$0x3FA1]  }
0x2a: {  	p0 =	seq.s32 s5, $0x0;
	s5 =	sld [smem:$0x3FA2]  }
0x2b: {  	s6 =	sld [smem:$0x3FA3]  }
0x2c: {  	s7 =	sld [smem:$0x3FA4]  }
0x2d: {  	s3 =	simm.s32 $0x108;
	s8 =	sld [smem:$0x3FA5]  }
0x2e: {  	s3 =	simm.s32 @!p0 $0x1082;
	s9 =	sld [smem:$0x3FA6]  }
0x2f: {  	lr =	sadd.s32 s0, s3;
	s0 =	sld [smem:$0x3F9D]  }
0x30: {  	s3 =	sld [smem:$0x3FA0]  }
0x31: {  	[smem:$0x3FA9] =	sst s10  }
0x32: {  	s10 =	sld [smem:$0x3FA7];
	_ =	sdelay $0x3  }
0x33: {  	p0 =	seq.s32 s10, $0x1;
	s10 =	sld [smem:$0x3FA9];
	_ =	sdelay $0x3  }
0x34: {  	[smem:$0x3FA9] =	sst s10  }
0x35: {  	s10 =	sld [smem:$0x3FA8];
	_ =	sdelay $0x3  }
0x36: {  	p1 =	seq.s32 s10, $0x1;
	s10 =	sld [smem:$0x3FA9];
	_ =	sdelay $0x3  }
0x37: {  	[smem:$0x3FA9] =	sst s10  }
0x38: {  	s10 =	sld [smem:$0x3FAA]  }
0x39: {  	_ = 	snop;
	(pc) =	sbr.ind lr, $3  }
0x3a: {  	_ = 	snop  }
0x3b: {  	_ = 	snop  }
0x3c: {  	p2 =	seq.s32 s10, $0x1;
	s10 =	sld [smem:$0x3FA9]  }
0x3d: {  	_ =	shalt  }
0x3e: {  	_ =	shalt  }
0x3f: {  	_ =	shalt  }
0x40: {  	_ =	shalt  }
0x41: {  	_ =	shalt  }
0x42: {  	_ =	shalt  }
0x43: {  	_ =	shalt  }
0x44: {  	_ =	shalt  }
0x45: {  	_ =	shalt  }
0x46: {  	_ =	shalt  }
0x47: {  	_ =	shalt  }
0x48: {  	_ =	shalt  }
0x49: {  	_ =	shalt  }
0x4a: {  	_ =	shalt  }
0x4b: {  	_ =	shalt  }
0x4c: {  	_ =	shalt  }
0x4d: {  	_ =	shalt  }
0x4e: {  	_ =	shalt  }
0x4f: {  	_ =	shalt  }
0x50: {  	_ =	shalt  }
0x51: {  	_ =	shalt  }
0x52: {  	_ =	shalt  }
0x53: {  	_ =	shalt  }
0x54: {  	_ =	shalt  }
0x55: {  	_ =	shalt  }
0x56: {  	_ =	shalt  }
0x57: {  	_ =	shalt  }
0x58: {  	_ =	shalt  }
0x59: {  	_ =	shalt  }
0x5a: {  	_ =	shalt  }
0x5b: {  	_ =	shalt  }
0x5c: {  	_ =	shalt  }
0x5d: {  	_ =	shalt  }
0x5e: {  	_ =	shalt  }
0x5f: {  	_ =	shalt  }
0x60: {  	_ =	shalt  }
0x61: {  	_ =	shalt  }
0x62: {  	_ =	shalt  }
0x63: {  	_ =	shalt  }
0x64: {  	_ =	shalt  }
0x65: {  	_ =	shalt  }
0x66: {  	_ =	shalt  }
0x67: {  	_ =	shalt  }
0x68: {  	_ =	shalt  }
0x69: {  	_ =	shalt  }
0x6a: {  	_ =	shalt  }
0x6b: {  	_ =	shalt  }
0x6c: {  	_ =	shalt  }
0x6d: {  	_ =	shalt  }
0x6e: {  	_ =	shalt  }
0x6f: {  	_ =	shalt  }
0x70: {  	_ =	shalt  }
0x71: {  	_ =	shalt  }
0x72: {  	_ =	shalt  }
0x73: {  	_ =	shalt  }
0x74: {  	_ =	shalt  }
0x75: {  	_ =	shalt  }
0x76: {  	_ =	shalt  }
0x77: {  	_ =	shalt  }
0x78: {  	_ =	shalt  }
0x79: {  	_ =	shalt  }
0x7a: {  	_ =	shalt  }
0x7b: {  	_ =	shalt  }
0x7c: {  	_ =	shalt  }
0x7d: {  	_ =	shalt  }
0x7e: {  	_ =	shalt  }
0x7f: {  	_ =	shalt  }
0x80: {  	_ =	shalt  }
0x81: {  	_ =	shalt  }
0x82: {  	_ =	shalt  }
0x83: {  	_ =	shalt  }
0x84: {  	_ =	shalt  }
0x85: {  	_ =	shalt  }
0x86: {  	_ =	shalt  }
0x87: {  	_ =	shalt  }
.Lfunc_end0:
.L_simem_size_0:
called_computation.1_lowered:
.L_overlay_start_0:
0x88: {  	s2 =	sld [smem:$0x3FD9]  }
0x89: {  	s3 =	sld [smem:$0x3FFE];
	_ =	sdelay $0x1  }
0x8a: {  	s1 =	srdreg.scid  }
0x8b: {  	s0 =	sand.u32 $0x1, s1  }
0x8c: {  	s14 =	sshll.u32 s0, $0xA;
	s2 =	sadd.s32 s3, s2  }
0x8d: {  	s2 =	sadd.s32 s2, s14  }
0x8e: {  	[smem:$0x3FB5] =	sst s2  }
0x8f: {  	_ = 	snop  }
0x90: {  	s2 =	sld [smem:$0x3FD0];
	_ =	sdelay $0x2  }
0x91: {  	s15 =	simm.s32 $0xB;
	s4 =	simm.s32 $0x10  }
0x92: {  	[smem:s4], [sflag:s15] =	dma.local [hbm:s2], $0x1  }
0x93: {  	_ =	swait.eq [sflag:s15], $0x1  }
0x94: {  	[sflag:s15] =	ssyncset.done $0x0  }
0x95: {  	[sflag:s15] =	ssyncadd.s32 $0xFFFFFFFF  }
0x96: {  	s16 =	sld [smem:$0x11];
	(tm) =	ssettm $0x1  }
0x97: {  	s17 =	sld [smem:$0x3FFB];
	_ =	sdelay $0x3  }
0x98: {  	_ =	strace s17  }
0x99: {  	s3 =	sld [smem:$0x3FFC];
	_ =	sdelay $0x3  }
0x9a: {  	_ =	strace s3  }
0x9b: {  	s3 =	sld [smem:$0x3FFD];
	_ =	sdelay $0x3  }
0x9c: {  	_ =	strace s3  }
0x9d: {  	_ =	strace $0x8FFFFFFF  }
0x9e: {  	s18 =	sld [smem:$0x3FDB];
	_ =	sdelay $0x1  }
0x9f: {  	s19 =	simm.s32 $_scs_section_size  }
0xa0: {  	s5 =	simm.s32 $_size__tile_overlayer_lowered;
	s6 =	simm.s32 $_tile_overlayer_lowered  }
0xa1: {  	s22 =	simm.s32 $0x1BFF;
	s21 =	sshll.u32 s6, $0x1;
	s3 =	sadd.s32 s19, s18  }
0xa2: {  	s7 =	simm.s32 $0x0;
	s20 =	sshll.u32 s5, $0x1;
	s5 =	sadd.s32 s21, s3  }
0xa3: {  	[timem:s7], [sflag:s22] =	dma.local [hbm:s5], s20  }
0xa4: {  	_ =	swait.ge [sflag:s22], s20  }
0xa5: {  	s4 =	ssub.s32 $0x0, s20;
	[sflag:s22] =	ssyncset.done $0x0  }
0xa6: {  	[sflag:s22] =	ssyncadd.s32 s4;
	_ =	sdelay $0x1  }
0xa7: {  	s23 =	simm.s32 $0x1B8B  }
0xa8: {  	_ =	swait.ge [sflag:s23], $0x1  }
0xa9: {  	[sflag:s23] =	ssyncset.done $0x0  }
0xaa: {  	s25 =	simm.s32 $0x1B8E;
	s24 =	sld [smem:$0x3FFE];
	[sflag:s23] =	ssyncadd.s32 $0xFFFFFFFF  }
0xab: {  	s26 =	simm.s32 $execute0_lowered;
	[smem:$0x3FD2] =	sst s25  }
0xac: {  	s5 =	sshll.u32 s26, $0x1;
	_ =	strace $0x80000049;
	[dreg:$0x1] =	wrdreg $0xFFFFFFFF  }
0xad: {  	s28 =	simm.s32 $_size_execute0_lowered;
	s3 =	sadd.s32 s3, s5;
	[dreg:$0x0] =	wrdreg $0x0  }
0xae: {  	s5 =	sshll.u32 s28, $0x1;
	[dreg:$0x2] =	wrdreg s3  }
0xaf: {  	[dreg:$0x3] =	wrdreg s5  }
0xb0: {  	[dreg:$0x4] =	wrdreg $0xC0  }
0xb1: {  	_ =	task [dreg:s7], $0x5FFFF  }
0xb2: {  	[dreg:$0x1] =	wrdreg $0xFFFFFFFF  }
0xb3: {  	[dreg:$0x0] =	wrdreg $0x60  }
0xb4: {  	[dreg:$0x2] =	wrdreg s24  }
0xb5: {  	[dreg:$0x3] =	wrdreg s16  }
0xb6: {  	[dreg:$0x4] =	wrdreg $0xAB000  }
0xb7: {  	[dreg:$0x5] =	wrdreg $0x1EB000  }
0xb8: {  	[dreg:$0x6] =	wrdreg $0x9  }
0xb9: {  	_ =	task.clear_ibuf [dreg:s7], $0x7FFFF;
	_ =	strace $0x90000049  }
0xba: {  	s29 =	simm.s32 $0x9;
	_ =	strace $0x8000004B  }
0xbb: {  	_ =	swait.ge [sflag:s29], $0x1  }
0xbc: {  	[sflag:s29] =	ssyncadd.s32 $0xFFFFFFFF  }
0xbd: {  	_ =	strace $0x9000004B  }
0xbe: {  	_ =	sfence  }
0xbf: {  	s30 =	sld [smem:$0x0];
	_ =	sdelay $0x2  }
0xc0: {  	s31 =	sshll.u32 s1, $0xD;
	s1 =	sshrl.u32 s1, $0x2  }
0xc1: {  	s3 =	sand.u32 $0x4000, s31;
	s1 =	sadd.s32 s1, s30  }
0xc2: {  	s0 =	sor.u32 s3, s0;
	s1 =	sshll.u32 s1, $0x11  }
0xc3: {  	s0 =	sor.u32 s1, s0  }
0xc4: {  	s0 =	sadd.s32 $0x8F2B, s0  }
0xc5: {  	[sflag:s0] =	ssyncadd.remote.s32 $0x1  }
0xc6: {  	_ =	sfence.sel $0xFFFF  }
0xc7: {  	[dreg:$0x0] =	wrdreg $0xFFFFFFFF;
	(pc) =	sbr.abs _section_cstart, $3  }
0xc8: {  	[dreg:$0x1] =	wrdreg $0xFFFFFFFF  }
0xc9: {  	_ =	task.clear_ibuf [dreg:s7], $0x2FFFF;
	_ =	strace $0x9FFFFFFF  }
0xca: {  	(tm) =	ssettm $0x7FFFFFFF  }
0xcb: {  	_ =	shalt  }
tec
execute0_lowered:
.L_overlay_start_1:
0x0: {  	(tag) =	ssettag $0x1  }
0x1: {  	s0 =	rddreg [dreg:$0x0]  }
0x2: {  	s3 =	rddreg [dreg:$0x1]  }
0x3: {  	s1 =	rddreg [dreg:$0x2]  }
0x4: {  	s2 =	rddreg [dreg:$0x3]  }
0x5: {  	s4 =	srdreg.scid;
	s10 =	stileid.u32  }
0x6: {  	s20 =	simm.s32 $0x4;
	s28 =	simm.s32 $0x3;
	s29 =	simm.s32 $0x2  }
0x7: {  	s30 =	simm.s32 $0x1380;
	s31 =	simm.s32 $0x2700;
	s7 =	smul.u32 $0x14000, s10  }
0x8: {  	s11 =	sand.u32 $0x1, s4;
	s4 =	simm.s32 $0x0;
	s8 =	smul.u32 $0x50000, s10  }
0x9: {  	s5 =	sadd.s32 $0x2B400, s0;
	s14 =	sadd.s32 $0x17400, s0;
	s16 =	smul.u32 $0x280, s10  }
0xa: {  	s15 =	sadd.s32 $0x21400, s0;
	s6 =	smul.u32 $0x140000, s11;
	[smem:$0x7FF] =	sst s4  }
0xb: {  	s21 =	ssub.s32 $0x2, s11;
	s9 =	sshll.u32 s11, $0x4;
	s17 =	smul.u32 $0x2800, s11  }
0xc: {  	_ =	strace $0x8000004A;
	s22 =	sshrl.u32 s21, $0x1;
	s9 =	sor.u32 s10, s9  }
0xd: {  	s8 =	sshrl.u32 s8, $0x2;
	s11 =	sadd.s32 s16, s2;
	s6 =	sadd.s32 s7, s6  }
0xe: {  	s18 =	ssub.s32 s21, s22;
	s12 =	smul.u32 $0x2800, s9;
	s17 =	sadd.s32 s16, s17  }
0xf: {  	s22 =	simm.s32 $0x1400;
	s6 =	sshrl.u32 s6, $0x3;
	s26 =	sshrl.u32 s17, $0x3  }
0x10: {  	s18 =	smax.u32 s18, $0x1;
	s0 =	sadd.s32 s6, s0;
	s6 =	sadd.s32 s8, s1  }
0x11: {  	s13 =	sshrl.u32 s12, $0x3;
	s17 =	sadd.s32 s3, s26;
	s26 =	simm.s32 $0xA800  }
0x12: {  	s23 =	sadd.s32 $0x4000, s6;
	s24 =	sadd.s32 $0x8000, s6;
	s25 =	sadd.s32 $0xC000, s6  }
0x13: {  	s10 =	sadd.s32 $0x10000, s6;
	s12 =	sadd.s32 s14, s13;
	[dreg:$0x5] =	wrdreg s23  }
0x14: {  	s19 =	sadd.s32 $0x280, s13;
	s13 =	sadd.s32 s15, s13;
	[dreg:$0x6] =	wrdreg s24  }
0x15: {  	s16 =	sadd.s32 $0x52600, s0;
	s0 =	simm.s32 $0x2780;
	[dreg:$0x7] =	wrdreg s25  }
0x16: {  	s14 =	sadd.s32 s14, s19;
	s15 =	sadd.s32 s15, s19;
	s19 =	simm.s32 $0x2800  }
0x17: {  	v0 =	vimm.f32 $0.0e+00;
	v1 =	vimm.f32 $1.000000000e+00;
	s23 =	simm.s32 $0x80;
	s24 =	simm.s32 $0x6800;
	s25 =	simm.s32 $0x1  }
.LBB2_1:
0x18: {  	s21 =	simm.s32 $0x0;
	s3 =	simm.s32 $0x200  }
.LBB2_2:
0x19: {  	p0 =	sne.s32 s3, $0xFE00;
	[tilespmem:s21+$0x2870] =	vst v0  }
0x1a: {  	[tilespmem:s21+$0x2800] =	vst v0  }
0x1b: {  	[tilespmem:s21+$0x2810] =	vst v0  }
.Ltmp0:
0x1c: {  	[tilespmem:s21+$0x2820] =	vst v0;
	(pc) =	sbr.rel @p0 .LBB2_2-.Ltmp0, $4  }
0x1d: {  	[tilespmem:s21+$0x2830] =	vst v0  }
0x1e: {  	[tilespmem:s21+$0x2840] =	vst v0  }
0x1f: {  	[tilespmem:s21+$0x2850] =	vst v0  }
0x20: {  	[tilespmem:s21+$0x2860] =	vst v0;
	s21 =	sshra.s32 s3, $0x2;
	s3 =	sadd.s32 $0x200, s3  }
0x21: {  	[tilespmem:s21+$0x2870] =	vst v0  }
0x22: {  	[tilespmem:s21+$0x2800] =	vst v0  }
0x23: {  	[tilespmem:s21+$0x2810] =	vst v0  }
0x24: {  	[tilespmem:s21+$0x2820] =	vst v0  }
0x25: {  	[tilespmem:s21+$0x2830] =	vst v0  }
0x26: {  	[tilespmem:s21+$0x2840] =	vst v0  }
0x27: {  	[tilespmem:s21+$0x2850] =	vst v0  }
0x28: {  	[tilespmem:s21+$0x2860] =	vst v0  }
0x29: {  	[tilespmem:$0xA880] =	vst v0  }
0x2a: {  	[tilespmem:$0xA890] =	vst v0  }
0x2b: {  	[tilespmem:$0xA8A0] =	vst v0  }
0x2c: {  	[tilespmem:$0xA8B0] =	vst v0  }
0x2d: {  	[tilespmem:$0xA8C0] =	vst v0  }
0x2e: {  	[tilespmem:$0xA8D0] =	vst v0  }
0x2f: {  	[tilespmem:$0xA8E0] =	vst v0  }
0x30: {  	[tilespmem:$0xA8F0] =	vst v0  }
0x31: {  	[tilespmem:$0xA900] =	vst v0  }
0x32: {  	[tilespmem:$0xA910] =	vst v0  }
0x33: {  	[tilespmem:$0xA920] =	vst v0  }
0x34: {  	[tilespmem:$0xA930] =	vst v0  }
0x35: {  	[tilespmem:$0xA940] =	vst v0  }
0x36: {  	[tilespmem:$0xA950] =	vst v0  }
0x37: {  	[tilespmem:$0xA960] =	vst v0  }
0x38: {  	[tilespmem:$0xA970] =	vst v0  }
0x39: {  	[tilespmem:$0xA980] =	vst v0  }
0x3a: {  	[tilespmem:$0xA990] =	vst v0  }
0x3b: {  	[tilespmem:$0xA9A0] =	vst v0  }
0x3c: {  	[tilespmem:$0xA9B0] =	vst v0  }
0x3d: {  	[tilespmem:$0xA9C0] =	vst v0  }
0x3e: {  	[tilespmem:$0xA9D0] =	vst v0  }
0x3f: {  	[tilespmem:$0xA9E0] =	vst v0  }
0x40: {  	[tilespmem:$0xA9F0] =	vst v0  }
0x41: {  	[tilespmem:$0xAA00] =	vst v0  }
0x42: {  	[tilespmem:$0xAA10] =	vst v0  }
0x43: {  	[tilespmem:$0xAA20] =	vst v0  }
0x44: {  	[tilespmem:$0xAA30] =	vst v0  }
0x45: {  	[tilespmem:$0xAA40] =	vst v0  }
0x46: {  	[tilespmem:$0xAA50] =	vst v0  }
0x47: {  	[tilespmem:$0xAA60] =	vst v0  }
0x48: {  	[tilespmem:$0xAA70] =	vst v0  }
0x49: {  	[tilespmem:$0xAA80] =	vst v0  }
0x4a: {  	[tilespmem:$0xAA90] =	vst v0  }
0x4b: {  	[tilespmem:$0xAAA0] =	vst v0  }
0x4c: {  	[tilespmem:$0xAAB0] =	vst v0  }
0x4d: {  	[tilespmem:$0xAAC0] =	vst v0  }
0x4e: {  	[tilespmem:$0xAAD0] =	vst v0  }
0x4f: {  	[tilespmem:$0xAAE0] =	vst v0  }
0x50: {  	[tilespmem:$0xAAF0] =	vst v0  }
0x51: {  	[spmem:s6] =	stream.linear.scatter [tilespmem:s19], [sflag:$0x4], $0x4000, $0x38;
	[tilespmem:$0x1ED80] =	vst v63  }
0x52: {  	_ =	swait.ge [sflag:s20], $0x4000  }
0x53: {  	[sflag:s20] =	ssyncset.done $0x0  }
0x54: {  	s3 =	rddreg [dreg:$0x5];
	[sflag:s20] =	ssyncadd.s32 $0xFFFFC000  }
0x55: {  	[spmem:s3] =	stream.linear.scatter [tilespmem:s19], [sflag:$0x4], $0x4000, $0x38;
	[tilespmem:$0x1ED80] =	vst v63  }
0x56: {  	_ =	swait.ge [sflag:s20], $0x4000  }
0x57: {  	[sflag:s20] =	ssyncset.done $0x0  }
0x58: {  	s7 =	rddreg [dreg:$0x6];
	[sflag:s20] =	ssyncadd.s32 $0xFFFFC000  }
0x59: {  	[spmem:s7] =	stream.linear.scatter [tilespmem:s19], [sflag:$0x4], $0x4000, $0x38;
	[tilespmem:$0x1ED80] =	vst v63  }
0x5a: {  	_ =	swait.ge [sflag:s20], $0x4000  }
0x5b: {  	[sflag:s20] =	ssyncset.done $0x0  }
0x5c: {  	s8 =	rddreg [dreg:$0x7];
	[sflag:s20] =	ssyncadd.s32 $0xFFFFC000  }
0x5d: {  	[spmem:s8] =	stream.linear.scatter [tilespmem:s19], [sflag:$0x4], $0x4000, $0x38;
	[tilespmem:$0x1ED80] =	vst v63  }
0x5e: {  	_ =	swait.ge [sflag:s20], $0x4000  }
0x5f: {  	[sflag:s20] =	ssyncset.done $0x0  }
0x60: {  	[sflag:s20] =	ssyncadd.s32 $0xFFFFC000  }
0x61: {  	[spmem:s10] =	stream.linear.scatter [tilespmem:s19], [sflag:$0x4], $0x4000, $0x38;
	[tilespmem:$0x1ED80] =	vst v63  }
0x62: {  	_ =	swait.ge [sflag:s20], $0x4000  }
0x63: {  	[sflag:s20] =	ssyncset.done $0x0  }
0x64: {  	s9 =	simm.s32 $0xA880;
	[sflag:s20] =	ssyncadd.s32 $0xFFFFC000  }
0x65: {  	[spmem:s11] =	stream.linear.scatter [tilespmem:s9], [sflag:$0x4], $0x280, $0x38;
	[tilespmem:$0x1ED80] =	vst v63  }
0x66: {  	_ =	swait.ge [sflag:s20], $0x280  }
0x67: {  	[sflag:s20] =	ssyncset.done $0x0  }
0x68: {  	[sflag:s20] =	ssyncadd.s32 $0xFFFFFD80  }
0x69: {  	[tilespmem:$0xA800] =	vst v1  }
0x6a: {  	[tilespmem:$0xA810] =	vst v1  }
0x6b: {  	[tilespmem:$0xA820] =	vst v1  }
0x6c: {  	[tilespmem:$0xA830] =	vst v1  }
0x6d: {  	[tilespmem:$0xA840] =	vst v1  }
0x6e: {  	[tilespmem:$0xA850] =	vst v1  }
0x6f: {  	[tilespmem:$0xA860] =	vst v1  }
0x70: {  	[tilespmem:$0xA870] =	vst v1  }
0x71: {  	s21 =	simm.s32 $0x0;
	[bflag:$0x0] =	sbarrier.arrive $0xFFFF  }
0x72: {  	[tilespmem:s21], [sflag:$0x4] =	stream.linear.gather [hbm4b:s12+s21], $0x1400, $0x38;
	[tilespmem:$0x1ED80] =	vst v63  }
0x73: {  	_ =	swait.ge [sflag:s20], $0x1400  }
0x74: {  	[sflag:s20] =	ssyncset.done $0x0  }
0x75: {  	[sflag:s20] =	ssyncadd.s32 $0xFFFFEC00  }
0x76: {  	[tilespmem:s22], [sflag:$0x4] =	stream.linear.gather [hbm4b:s13+s21], $0x1400, $0x38;
	[tilespmem:$0x1ED80] =	vst v63  }
0x77: {  	_ =	swait.ge [sflag:s20], $0x1400  }
0x78: {  	[sflag:s20] =	ssyncset.done $0x0  }
0x79: {  	[sflag:s20] =	ssyncadd.s32 $0xFFFFEC00  }
0x7a: {  	[tilespmem:s19], [sflag:$0x1] =	stream.indirect.gather [hbm4b:s5+s23], $0x80, s21, s23, $0xb8;
	[tilespmem:$0x1ED80] =	vst v63  }
0x7b: {  	s7 =	simm.s32 $0x80  }
0x7c: {  	[tilespmem:s24], [sflag:$0x2] =	stream.indirect.gather [hbm4b:s5+s23], $0x80, s7, s23, $0xb8;
	[tilespmem:$0x1ED80] =	vst v63  }
0x7d: {  	_ =	swait.ge [sflag:s25], $0x4000  }
0x7e: {  	[sflag:s25] =	ssyncset.done $0x0  }
0x7f: {  	s8 =	simm.s32 $0x1400;
	[sflag:s25] =	ssyncadd.s32 $0xFFFFC000  }
0x80: {  	[spmem:s2] =	stream.indirect.scatter.add.f32 [tilespmem:s26], [sflag:$0x3], $0x1, s8, s23, $0xb8;
	[tilespmem:$0x1ED80] =	vst v63  }
0x81: {  	_ = 	snop  }
0x82: {  	[spmem:s1] =	stream.indirect.scatter.add.f32 [tilespmem:s19], [sflag:$0x4], $0x80, s8, s23, $0xb8;
	[tilespmem:$0x1ED80] =	vst v63  }
0x83: {  	_ =	swait.ge [sflag:s20], $0x4000  }
0x84: {  	[sflag:s20] =	ssyncset.done $0x0  }
0x85: {  	[sflag:s20] =	ssyncadd.s32 $0xFFFFC000  }
0x86: {  	_ =	swait.ge [sflag:s28], $0x80  }
0x87: {  	[sflag:s28] =	ssyncset.done $0x0  }
0x88: {  	s9 =	simm.s32 $0x100;
	[sflag:s28] =	ssyncadd.s32 $0xFFFFFF80  }
0x89: {  	[tilespmem:s19], [sflag:$0x1] =	stream.indirect.gather [hbm4b:s5+s23], $0x80, s9, s23, $0xb8;
	[tilespmem:$0x1ED80] =	vst v63  }
0x8a: {  	_ =	swait.ge [sflag:s29], $0x4000  }
0x8b: {  	[sflag:s29] =	ssyncset.done $0x0  }
0x8c: {  	s21 =	simm.s32 $0x1480;
	[sflag:s29] =	ssyncadd.s32 $0xFFFFC000  }
0x8d: {  	[spmem:s2] =	stream.indirect.scatter.add.f32 [tilespmem:s26], [sflag:$0x3], $0x1, s21, s23, $0xb8;
	[tilespmem:$0x1ED80] =	vst v63  }
0x8e: {  	_ = 	snop  }
0x8f: {  	[spmem:s1] =	stream.indirect.scatter.add.f32 [tilespmem:s24], [sflag:$0x4], $0x80, s21, s23, $0xb8;
	[tilespmem:$0x1ED80] =	vst v63  }
0x90: {  	_ =	swait.ge [sflag:s20], $0x4000  }
0x91: {  	[sflag:s20] =	ssyncset.done $0x0  }
0x92: {  	[sflag:s20] =	ssyncadd.s32 $0xFFFFC000  }
0x93: {  	_ =	swait.ge [sflag:s28], $0x80  }
0x94: {  	s3 =	simm.s32 $0x800;
	s21 =	simm.s32 $0x100;
	[sflag:s28] =	ssyncset.done $0x0  }
.LBB2_4:
0x95: {  	s7 =	sadd.s32 $0x80, s21  }
0x96: {  	[sflag:s28] =	ssyncadd.s32 $0xFFFFFF80;
	s8 =	smov.u32 s3;
	s9 =	sadd.s32 $0x400, s3  }
0x97: {  	[tilespmem:s24], [sflag:$0x2] =	stream.indirect.gather [hbm4b:s5+s23], $0x80, s7, s23, $0xb8;
	[tilespmem:$0x1ED80] =	vst v63  }
0x98: {  	p0 =	sne.s32 s3, $0x4800;
	_ =	swait.ge [sflag:s25], $0x4000  }
0x99: {  	[sflag:s25] =	ssyncset.done $0x0  }
0x9a: {  	s3 =	sadd.s32 $0x1400, s21;
	[sflag:s25] =	ssyncadd.s32 $0xFFFFC000  }
0x9b: {  	[spmem:s2] =	stream.indirect.scatter.add.f32 [tilespmem:s26], [sflag:$0x3], $0x1, s3, s23, $0xb8;
	[tilespmem:$0x1ED80] =	vst v63  }
0x9c: {  	_ = 	snop  }
0x9d: {  	[spmem:s1] =	stream.indirect.scatter.add.f32 [tilespmem:s19], [sflag:$0x4], $0x80, s3, s23, $0xb8;
	[tilespmem:$0x1ED80] =	vst v63  }
0x9e: {  	_ =	swait.ge [sflag:s20], $0x4000  }
0x9f: {  	[sflag:s20] =	ssyncset.done $0x0  }
0xa0: {  	[sflag:s20] =	ssyncadd.s32 $0xFFFFC000  }
0xa1: {  	_ =	swait.ge [sflag:s28], $0x80  }
0xa2: {  	[sflag:s28] =	ssyncset.done $0x0  }
0xa3: {  	s3 =	sadd.s32 $0x100, s21;
	[sflag:s28] =	ssyncadd.s32 $0xFFFFFF80  }
0xa4: {  	[tilespmem:s19], [sflag:$0x1] =	stream.indirect.gather [hbm4b:s5+s23], $0x80, s3, s23, $0xb8;
	[tilespmem:$0x1ED80] =	vst v63  }
0xa5: {  	_ =	swait.ge [sflag:s29], $0x4000  }
0xa6: {  	[sflag:s29] =	ssyncset.done $0x0  }
0xa7: {  	s3 =	sadd.s32 $0x1480, s21;
	[sflag:s29] =	ssyncadd.s32 $0xFFFFC000  }
0xa8: {  	[spmem:s2] =	stream.indirect.scatter.add.f32 [tilespmem:s26], [sflag:$0x3], $0x1, s3, s23, $0xb8;
	[tilespmem:$0x1ED80] =	vst v63  }
0xa9: {  	_ = 	snop  }
0xaa: {  	[spmem:s1] =	stream.indirect.scatter.add.f32 [tilespmem:s24], [sflag:$0x4], $0x80, s3, s23, $0xb8;
	[tilespmem:$0x1ED80] =	vst v63  }
.Ltmp1:
0xab: {  	_ =	swait.ge [sflag:s20], $0x4000;
	(pc) =	sbr.rel @p0 .LBB2_4-.Ltmp1, $4  }
0xac: {  	[sflag:s20] =	ssyncset.done $0x0  }
0xad: {  	[sflag:s20] =	ssyncadd.s32 $0xFFFFC000  }
0xae: {  	_ =	swait.ge [sflag:s28], $0x80  }
0xaf: {  	s21 =	sshra.s32 s8, $0x2;
	s3 =	smov.u32 s9;
	[sflag:s28] =	ssyncset.done $0x0  }
0xb0: {  	s3 =	sadd.s32 $0x80, s21;
	[sflag:s28] =	ssyncadd.s32 $0xFFFFFF80  }
0xb1: {  	[tilespmem:s24], [sflag:$0x2] =	stream.indirect.gather [hbm4b:s5+s23], $0x80, s3, s23, $0xb8;
	[tilespmem:$0x1ED80] =	vst v63  }
0xb2: {  	_ =	swait.ge [sflag:s25], $0x4000  }
0xb3: {  	[sflag:s25] =	ssyncset.done $0x0  }
0xb4: {  	s7 =	sadd.s32 $0x1400, s21;
	[sflag:s25] =	ssyncadd.s32 $0xFFFFC000  }
0xb5: {  	[spmem:s2] =	stream.indirect.scatter.add.f32 [tilespmem:s26], [sflag:$0x3], $0x1, s7, s23, $0xb8;
	[tilespmem:$0x1ED80] =	vst v63  }
0xb6: {  	_ = 	snop  }
0xb7: {  	[spmem:s1] =	stream.indirect.scatter.add.f32 [tilespmem:s19], [sflag:$0x4], $0x80, s7, s23, $0xb8;
	[tilespmem:$0x1ED80] =	vst v63  }
0xb8: {  	_ =	swait.ge [sflag:s20], $0x4000  }
0xb9: {  	[sflag:s20] =	ssyncset.done $0x0  }
0xba: {  	[sflag:s20] =	ssyncadd.s32 $0xFFFFC000  }
0xbb: {  	_ =	swait.ge [sflag:s28], $0x80  }
0xbc: {  	[sflag:s28] =	ssyncset.done $0x0  }
0xbd: {  	s8 =	sadd.s32 $0x100, s21;
	[sflag:s28] =	ssyncadd.s32 $0xFFFFFF80  }
0xbe: {  	[tilespmem:s19], [sflag:$0x1] =	stream.indirect.gather [hbm4b:s5+s23], $0x80, s8, s23, $0xb8;
	[tilespmem:$0x1ED80] =	vst v63  }
0xbf: {  	_ =	swait.ge [sflag:s29], $0x4000  }
0xc0: {  	[sflag:s29] =	ssyncset.done $0x0  }
0xc1: {  	s9 =	sadd.s32 $0x1480, s21;
	[sflag:s29] =	ssyncadd.s32 $0xFFFFC000  }
0xc2: {  	[spmem:s2] =	stream.indirect.scatter.add.f32 [tilespmem:s26], [sflag:$0x3], $0x1, s9, s23, $0xb8;
	[tilespmem:$0x1ED80] =	vst v63  }
0xc3: {  	_ = 	snop  }
0xc4: {  	[spmem:s1] =	stream.indirect.scatter.add.f32 [tilespmem:s24], [sflag:$0x4], $0x80, s9, s23, $0xb8;
	[tilespmem:$0x1ED80] =	vst v63  }
0xc5: {  	_ =	swait.ge [sflag:s20], $0x4000  }
0xc6: {  	[sflag:s20] =	ssyncset.done $0x0  }
0xc7: {  	[sflag:s20] =	ssyncadd.s32 $0xFFFFC000  }
0xc8: {  	_ =	swait.ge [sflag:s28], $0x80  }
0xc9: {  	[sflag:s28] =	ssyncset.done $0x0  }
0xca: {  	[sflag:s28] =	ssyncadd.s32 $0xFFFFFF80  }
0xcb: {  	[tilespmem:s24], [sflag:$0x2] =	stream.indirect.gather [hbm4b:s5+s23], $0x80, s30, s23, $0xb8;
	[tilespmem:$0x1ED80] =	vst v63  }
0xcc: {  	_ =	swait.ge [sflag:s25], $0x4000  }
0xcd: {  	[sflag:s25] =	ssyncset.done $0x0  }
0xce: {  	[sflag:s25] =	ssyncadd.s32 $0xFFFFC000  }
0xcf: {  	[spmem:s2] =	stream.indirect.scatter.add.f32 [tilespmem:s26], [sflag:$0x3], $0x1, s31, s23, $0xb8;
	[tilespmem:$0x1ED80] =	vst v63  }
0xd0: {  	_ = 	snop  }
0xd1: {  	[spmem:s1] =	stream.indirect.scatter.add.f32 [tilespmem:s19], [sflag:$0x4], $0x80, s31, s23, $0xb8;
	[tilespmem:$0x1ED80] =	vst v63  }
0xd2: {  	_ =	swait.ge [sflag:s20], $0x4000  }
0xd3: {  	[sflag:s20] =	ssyncset.done $0x0  }
0xd4: {  	[sflag:s20] =	ssyncadd.s32 $0xFFFFC000  }
0xd5: {  	_ =	swait.ge [sflag:s28], $0x80  }
0xd6: {  	[sflag:s28] =	ssyncset.done $0x0  }
0xd7: {  	[sflag:s28] =	ssyncadd.s32 $0xFFFFFF80  }
0xd8: {  	[tilespmem:s19], [sflag:$0x1] =	stream.indirect.gather [hbm4b:s5+s23], $0x80, s30, s23, $0xb8;
	[tilespmem:$0x1ED80] =	vst v63  }
0xd9: {  	_ =	swait.ge [sflag:s29], $0x4000  }
0xda: {  	[sflag:s29] =	ssyncset.done $0x0  }
0xdb: {  	[sflag:s29] =	ssyncadd.s32 $0xFFFFC000  }
0xdc: {  	[spmem:s2] =	stream.indirect.scatter.add.f32 [tilespmem:s26], [sflag:$0x3], $0x1, s0, s23, $0xb8;
	[tilespmem:$0x1ED80] =	vst v63  }
0xdd: {  	_ = 	snop  }
0xde: {  	[spmem:s1] =	stream.indirect.scatter.add.f32 [tilespmem:s24], [sflag:$0x4], $0x80, s0, s23, $0xb8;
	[tilespmem:$0x1ED80] =	vst v63  }
0xdf: {  	_ =	swait.ge [sflag:s20], $0x4000  }
0xe0: {  	[sflag:s20] =	ssyncset.done $0x0  }
0xe1: {  	[sflag:s20] =	ssyncadd.s32 $0xFFFFC000  }
0xe2: {  	_ =	swait.ge [sflag:s28], $0x80  }
0xe3: {  	[sflag:s28] =	ssyncset.done $0x0  }
0xe4: {  	[sflag:s28] =	ssyncadd.s32 $0xFFFFFF80  }
0xe5: {  	_ =	swait.ge [sflag:s25], $0x4000  }
0xe6: {  	[sflag:s25] =	ssyncset.done $0x0  }
0xe7: {  	s21 =	simm.s32 $0x0;
	[sflag:s25] =	ssyncadd.s32 $0xFFFFC000  }
0xe8: {  	[tilespmem:s21], [sflag:$0x4] =	stream.linear.gather [hbm4b:s14+s21], $0x1400, $0x38;
	[tilespmem:$0x1ED80] =	vst v63  }
0xe9: {  	_ =	swait.ge [sflag:s20], $0x1400  }
0xea: {  	[sflag:s20] =	ssyncset.done $0x0  }
0xeb: {  	[sflag:s20] =	ssyncadd.s32 $0xFFFFEC00  }
0xec: {  	[tilespmem:s22], [sflag:$0x4] =	stream.linear.gather [hbm4b:s15+s21], $0x1400, $0x38;
	[tilespmem:$0x1ED80] =	vst v63  }
0xed: {  	_ =	swait.ge [sflag:s20], $0x1400  }
0xee: {  	[sflag:s20] =	ssyncset.done $0x0  }
0xef: {  	[sflag:s20] =	ssyncadd.s32 $0xFFFFEC00  }
0xf0: {  	[tilespmem:s19], [sflag:$0x1] =	stream.indirect.gather [hbm4b:s5+s23], $0x80, s21, s23, $0xb8;
	[tilespmem:$0x1ED80] =	vst v63  }
0xf1: {  	s7 =	simm.s32 $0x80  }
0xf2: {  	[tilespmem:s24], [sflag:$0x2] =	stream.indirect.gather [hbm4b:s5+s23], $0x80, s7, s23, $0xb8;
	[tilespmem:$0x1ED80] =	vst v63  }
0xf3: {  	_ =	swait.ge [sflag:s25], $0x4000  }
0xf4: {  	[sflag:s25] =	ssyncset.done $0x0  }
0xf5: {  	s8 =	simm.s32 $0x1400;
	[sflag:s25] =	ssyncadd.s32 $0xFFFFC000  }
0xf6: {  	[spmem:s2] =	stream.indirect.scatter.add.f32 [tilespmem:s26], [sflag:$0x3], $0x1, s8, s23, $0xb8;
	[tilespmem:$0x1ED80] =	vst v63  }
0xf7: {  	_ = 	snop  }
0xf8: {  	[spmem:s1] =	stream.indirect.scatter.add.f32 [tilespmem:s19], [sflag:$0x4], $0x80, s8, s23, $0xb8;
	[tilespmem:$0x1ED80] =	vst v63  }
0xf9: {  	_ =	swait.ge [sflag:s20], $0x4000  }
0xfa: {  	[sflag:s20] =	ssyncset.done $0x0  }
0xfb: {  	[sflag:s20] =	ssyncadd.s32 $0xFFFFC000  }
0xfc: {  	_ =	swait.ge [sflag:s28], $0x80  }
0xfd: {  	[sflag:s28] =	ssyncset.done $0x0  }
0xfe: {  	s9 =	simm.s32 $0x100;
	[sflag:s28] =	ssyncadd.s32 $0xFFFFFF80  }
0xff: {  	[tilespmem:s19], [sflag:$0x1] =	stream.indirect.gather [hbm4b:s5+s23], $0x80, s9, s23, $0xb8;
	[tilespmem:$0x1ED80] =	vst v63  }
0x100: {  	_ =	swait.ge [sflag:s29], $0x4000  }
0x101: {  	[sflag:s29] =	ssyncset.done $0x0  }
0x102: {  	s21 =	simm.s32 $0x1480;
	[sflag:s29] =	ssyncadd.s32 $0xFFFFC000  }
0x103: {  	[spmem:s2] =	stream.indirect.scatter.add.f32 [tilespmem:s26], [sflag:$0x3], $0x1, s21, s23, $0xb8;
	[tilespmem:$0x1ED80] =	vst v63  }
0x104: {  	_ = 	snop  }
0x105: {  	[spmem:s1] =	stream.indirect.scatter.add.f32 [tilespmem:s24], [sflag:$0x4], $0x80, s21, s23, $0xb8;
	[tilespmem:$0x1ED80] =	vst v63  }
0x106: {  	_ =	swait.ge [sflag:s20], $0x4000  }
0x107: {  	[sflag:s20] =	ssyncset.done $0x0  }
0x108: {  	[sflag:s20] =	ssyncadd.s32 $0xFFFFC000  }
0x109: {  	_ =	swait.ge [sflag:s28], $0x80  }
0x10a: {  	s3 =	simm.s32 $0x800;
	s21 =	simm.s32 $0x100;
	[sflag:s28] =	ssyncset.done $0x0  }
.LBB2_6:
0x10b: {  	s7 =	sadd.s32 $0x80, s21  }
0x10c: {  	[sflag:s28] =	ssyncadd.s32 $0xFFFFFF80;
	s8 =	smov.u32 s3;
	s9 =	sadd.s32 $0x400, s3  }
0x10d: {  	[tilespmem:s24], [sflag:$0x2] =	stream.indirect.gather [hbm4b:s5+s23], $0x80, s7, s23, $0xb8;
	[tilespmem:$0x1ED80] =	vst v63  }
0x10e: {  	p0 =	sne.s32 s3, $0x4800;
	_ =	swait.ge [sflag:s25], $0x4000  }
0x10f: {  	[sflag:s25] =	ssyncset.done $0x0  }
0x110: {  	s3 =	sadd.s32 $0x1400, s21;
	[sflag:s25] =	ssyncadd.s32 $0xFFFFC000  }
0x111: {  	[spmem:s2] =	stream.indirect.scatter.add.f32 [tilespmem:s26], [sflag:$0x3], $0x1, s3, s23, $0xb8;
	[tilespmem:$0x1ED80] =	vst v63  }
0x112: {  	_ = 	snop  }
0x113: {  	[spmem:s1] =	stream.indirect.scatter.add.f32 [tilespmem:s19], [sflag:$0x4], $0x80, s3, s23, $0xb8;
	[tilespmem:$0x1ED80] =	vst v63  }
0x114: {  	_ =	swait.ge [sflag:s20], $0x4000  }
0x115: {  	[sflag:s20] =	ssyncset.done $0x0  }
0x116: {  	[sflag:s20] =	ssyncadd.s32 $0xFFFFC000  }
0x117: {  	_ =	swait.ge [sflag:s28], $0x80  }
0x118: {  	[sflag:s28] =	ssyncset.done $0x0  }
0x119: {  	s3 =	sadd.s32 $0x100, s21;
	[sflag:s28] =	ssyncadd.s32 $0xFFFFFF80  }
0x11a: {  	[tilespmem:s19], [sflag:$0x1] =	stream.indirect.gather [hbm4b:s5+s23], $0x80, s3, s23, $0xb8;
	[tilespmem:$0x1ED80] =	vst v63  }
0x11b: {  	_ =	swait.ge [sflag:s29], $0x4000  }
0x11c: {  	[sflag:s29] =	ssyncset.done $0x0  }
0x11d: {  	s3 =	sadd.s32 $0x1480, s21;
	[sflag:s29] =	ssyncadd.s32 $0xFFFFC000  }
0x11e: {  	[spmem:s2] =	stream.indirect.scatter.add.f32 [tilespmem:s26], [sflag:$0x3], $0x1, s3, s23, $0xb8;
	[tilespmem:$0x1ED80] =	vst v63  }
0x11f: {  	_ = 	snop  }
0x120: {  	[spmem:s1] =	stream.indirect.scatter.add.f32 [tilespmem:s24], [sflag:$0x4], $0x80, s3, s23, $0xb8;
	[tilespmem:$0x1ED80] =	vst v63  }
.Ltmp2:
0x121: {  	_ =	swait.ge [sflag:s20], $0x4000;
	(pc) =	sbr.rel @p0 .LBB2_6-.Ltmp2, $4  }
0x122: {  	[sflag:s20] =	ssyncset.done $0x0  }
0x123: {  	[sflag:s20] =	ssyncadd.s32 $0xFFFFC000  }
0x124: {  	_ =	swait.ge [sflag:s28], $0x80  }
0x125: {  	s21 =	sshra.s32 s8, $0x2;
	s3 =	smov.u32 s9;
	[sflag:s28] =	ssyncset.done $0x0  }
0x126: {  	s3 =	sadd.s32 $0x80, s21;
	[sflag:s28] =	ssyncadd.s32 $0xFFFFFF80  }
0x127: {  	[tilespmem:s24], [sflag:$0x2] =	stream.indirect.gather [hbm4b:s5+s23], $0x80, s3, s23, $0xb8;
	[tilespmem:$0x1ED80] =	vst v63  }
0x128: {  	_ =	swait.ge [sflag:s25], $0x4000  }
0x129: {  	[sflag:s25] =	ssyncset.done $0x0  }
0x12a: {  	s9 =	sadd.s32 $0x1400, s21;
	[sflag:s25] =	ssyncadd.s32 $0xFFFFC000  }
0x12b: {  	[spmem:s2] =	stream.indirect.scatter.add.f32 [tilespmem:s26], [sflag:$0x3], $0x1, s9, s23, $0xb8;
	[tilespmem:$0x1ED80] =	vst v63  }
0x12c: {  	_ = 	snop  }
0x12d: {  	[spmem:s1] =	stream.indirect.scatter.add.f32 [tilespmem:s19], [sflag:$0x4], $0x80, s9, s23, $0xb8;
	[tilespmem:$0x1ED80] =	vst v63  }
0x12e: {  	_ =	swait.ge [sflag:s20], $0x4000  }
0x12f: {  	[sflag:s20] =	ssyncset.done $0x0  }
0x130: {  	[sflag:s20] =	ssyncadd.s32 $0xFFFFC000  }
0x131: {  	_ =	swait.ge [sflag:s28], $0x80  }
0x132: {  	[sflag:s28] =	ssyncset.done $0x0  }
0x133: {  	s7 =	sadd.s32 $0x100, s21;
	[sflag:s28] =	ssyncadd.s32 $0xFFFFFF80  }
0x134: {  	[tilespmem:s19], [sflag:$0x1] =	stream.indirect.gather [hbm4b:s5+s23], $0x80, s7, s23, $0xb8;
	[tilespmem:$0x1ED80] =	vst v63  }
0x135: {  	_ =	swait.ge [sflag:s29], $0x4000  }
0x136: {  	[sflag:s29] =	ssyncset.done $0x0  }
0x137: {  	s8 =	sadd.s32 $0x1480, s21;
	[sflag:s29] =	ssyncadd.s32 $0xFFFFC000  }
0x138: {  	[spmem:s2] =	stream.indirect.scatter.add.f32 [tilespmem:s26], [sflag:$0x3], $0x1, s8, s23, $0xb8;
	[tilespmem:$0x1ED80] =	vst v63  }
0x139: {  	_ = 	snop  }
0x13a: {  	[spmem:s1] =	stream.indirect.scatter.add.f32 [tilespmem:s24], [sflag:$0x4], $0x80, s8, s23, $0xb8;
	[tilespmem:$0x1ED80] =	vst v63  }
0x13b: {  	_ =	swait.ge [sflag:s20], $0x4000  }
0x13c: {  	[sflag:s20] =	ssyncset.done $0x0  }
0x13d: {  	[sflag:s20] =	ssyncadd.s32 $0xFFFFC000  }
0x13e: {  	_ =	swait.ge [sflag:s28], $0x80  }
0x13f: {  	[sflag:s28] =	ssyncset.done $0x0  }
0x140: {  	[sflag:s28] =	ssyncadd.s32 $0xFFFFFF80  }
0x141: {  	[tilespmem:s24], [sflag:$0x2] =	stream.indirect.gather [hbm4b:s5+s23], $0x80, s30, s23, $0xb8;
	[tilespmem:$0x1ED80] =	vst v63  }
0x142: {  	_ =	swait.ge [sflag:s25], $0x4000  }
0x143: {  	[sflag:s25] =	ssyncset.done $0x0  }
0x144: {  	[sflag:s25] =	ssyncadd.s32 $0xFFFFC000  }
0x145: {  	[spmem:s2] =	stream.indirect.scatter.add.f32 [tilespmem:s26], [sflag:$0x3], $0x1, s31, s23, $0xb8;
	[tilespmem:$0x1ED80] =	vst v63  }
0x146: {  	_ = 	snop  }
0x147: {  	[spmem:s1] =	stream.indirect.scatter.add.f32 [tilespmem:s19], [sflag:$0x4], $0x80, s31, s23, $0xb8;
	[tilespmem:$0x1ED80] =	vst v63  }
0x148: {  	_ =	swait.ge [sflag:s20], $0x4000  }
0x149: {  	[sflag:s20] =	ssyncset.done $0x0  }
0x14a: {  	[sflag:s20] =	ssyncadd.s32 $0xFFFFC000  }
0x14b: {  	_ =	swait.ge [sflag:s28], $0x80  }
0x14c: {  	[sflag:s28] =	ssyncset.done $0x0  }
0x14d: {  	[sflag:s28] =	ssyncadd.s32 $0xFFFFFF80  }
0x14e: {  	[tilespmem:s19], [sflag:$0x1] =	stream.indirect.gather [hbm4b:s5+s23], $0x80, s30, s23, $0xb8;
	[tilespmem:$0x1ED80] =	vst v63  }
0x14f: {  	_ =	swait.ge [sflag:s29], $0x4000  }
0x150: {  	[sflag:s29] =	ssyncset.done $0x0  }
0x151: {  	[sflag:s29] =	ssyncadd.s32 $0xFFFFC000  }
0x152: {  	[spmem:s2] =	stream.indirect.scatter.add.f32 [tilespmem:s26], [sflag:$0x3], $0x1, s0, s23, $0xb8;
	[tilespmem:$0x1ED80] =	vst v63  }
0x153: {  	_ = 	snop  }
0x154: {  	[spmem:s1] =	stream.indirect.scatter.add.f32 [tilespmem:s24], [sflag:$0x4], $0x80, s0, s23, $0xb8;
	[tilespmem:$0x1ED80] =	vst v63  }
0x155: {  	_ =	swait.ge [sflag:s20], $0x4000  }
0x156: {  	[sflag:s20] =	ssyncset.done $0x0  }
0x157: {  	[sflag:s20] =	ssyncadd.s32 $0xFFFFC000  }
0x158: {  	_ =	swait.ge [sflag:s28], $0x80  }
0x159: {  	[sflag:s28] =	ssyncset.done $0x0  }
0x15a: {  	[sflag:s28] =	ssyncadd.s32 $0xFFFFFF80  }
0x15b: {  	_ =	swait.ge [sflag:s25], $0x4000  }
0x15c: {  	s9 =	stileid.u32;
	[sflag:s25] =	ssyncset.done $0x0  }
0x15d: {  	s3 =	sshll.u32 s9, $0x6;
	[sflag:s25] =	ssyncadd.s32 $0xFFFFC000  }
0x15e: {  	s3 =	sor.u32 $0x1C04, s3;
	s7 =	sshrl.u32 s6, $0x3;
	[bflag:$0x0] =	sbarrier.arrive $0xFFFF  }
0x15f: {  	[hbm:s16], [sflag:s3] =	dma.local [spmem:s7], $0x2800  }
0x160: {  	s4 =	sadd.s32 $0x1, s4;
	_ =	swait.ge [sflag:s20], $0x2800  }
0x161: {  	p0 =	sne.s32 s4, s18;
	[sflag:s20] =	ssyncset.done $0x0  }
.Ltmp3:
0x162: {  	s21 =	sshrl.u32 s11, $0x3;
	[sflag:s20] =	ssyncadd.s32 $0xFFFFD800;
	(pc) =	sbr.rel @p0 .LBB2_1-.Ltmp3, $4  }
0x163: {  	[hbm:s17], [sflag:s3] =	dma.local [spmem:s21], $0x50  }
0x164: {  	_ =	swait.ge [sflag:s20], $0x50  }
0x165: {  	[sflag:s20] =	ssyncset.done $0x0  }
0x166: {  	[sflag:s20] =	ssyncadd.s32 $0xFFFFFFB0  }
0x167: {  	_ =	sfence.sel $0x180000  }
0x168: {  	[bflag:$0x0] =	sbarrier.arrive $0xFFFF  }
0x169: {  	_ =	strace $0x9000004A  }
0x16a: {  	s0 =	stileid.u32;
	[bflag:$0x2] =	sbarrier.arrive $0xFFFF  }
0x16b: {  	p0 =	sne.s32 s0, $0x0;
	s0 =	rddreg [dreg:$0x4]  }
0x16c: {  	s0 =	sadd.s32 @!p0 $0x100000, s0  }
0x16d: {  	[sflag:s0] =	ssyncadd.tile.s32 @!p0 $0x1;
	_ =	shalt  }
.Lfunc_end2:
_tile_overlayer_lowered:
.L_overlay_start_2:
0x16e: {  	(tag) =	ssettag $0x2  }
0x16f: {  	s0 =	rddreg [dreg:$0x0];
	s2 =	stileid.u32  }
0x170: {  	s1 =	rddreg [dreg:$0x1];
	p0 =	sne.s32 s2, $0x0  }
0x171: {  	s3 =	rddreg [dreg:$0x2];
	[bflag:$0x3] =	sbarrier.arrive $0xFFFF;
	s2 =	simm.s32 @!p0 $0x1C04  }
0x172: {  	[timem:s3], [sflag:s2] =	dma.local @!p0 [hbm:s0], s1  }
0x173: {  	s0 =	simm.s32 @!p0 $0x4  }
0x174: {  	_ =	swait.ge @!p0 [sflag:s0], s1  }
0x175: {  	s1 =	ssub.s32 @!p0 $0x0, s1;
	[sflag:s0] =	ssyncset.done @!p0 $0x0  }
0x176: {  	[sflag:s0] =	ssyncadd.s32 @!p0 s1  }
0x177: {  	[bflag:$0x3] =	sbarrier.arrive $0xFFFF  }
0x178: {  	_ =	shalt  }

// kernel: kernel.16.cloned.1.call-start
scs
__scs_entry_jumppad:
0x0: {  	(pc) =	sbr.rel $0x88, $3  }
0x1: {  	(tag) =	ssettag $0x0;
	lr =	simm.s32 $0x1  }
0x2: {  	[smem:$0x3F8E] =	sst lr;
	_ =	strace $0xD0000000  }
0x3: {  	_ = 	snop  }
0x4: {  	_ = 	snop  }
0x5: {  	_ = 	snop  }
0x6: {  	_ = 	snop  }
0x7: {  	_ = 	snop  }
__scs_overlays_trampoline_lowered:
0x8: {  	[smem:$0x3F9D] =	sst s0  }
0x9: {  	[smem:$0x3F9E] =	sst s1  }
0xa: {  	[smem:$0x3F9F] =	sst s2  }
0xb: {  	[smem:$0x3FA0] =	sst s3  }
0xc: {  	[smem:$0x3FA1] =	sst s4  }
0xd: {  	[smem:$0x3FA2] =	sst s5  }
0xe: {  	[smem:$0x3FA3] =	sst s6  }
0xf: {  	[smem:$0x3FA4] =	sst s7  }
0x10: {  	[smem:$0x3FA5] =	sst s8  }
0x11: {  	[smem:$0x3FA6] =	sst s9;
	s0 =	simm.s32 @!p0 $0x0  }
0x12: {  	s1 =	sld [smem:$0x3F8C];
	s0 =	simm.s32 @p0 $0x1  }
0x13: {  	[smem:$0x3FA7] =	sst s0;
	s0 =	simm.s32 @!p1 $0x0  }
0x14: {  	s2 =	sld [smem:$0x3F8B];
	s0 =	simm.s32 @p1 $0x1  }
0x15: {  	[smem:$0x3FA8] =	sst s0;
	s0 =	simm.s32 @!p2 $0x0  }
0x16: {  	s3 =	sld [smem:$0x3FDB];
	s0 =	simm.s32 @p2 $0x1  }
0x17: {  	s4 =	simm.s32 $0x1BF5;
	[smem:$0x3FAA] =	sst s0  }
0x18: {  	s0 =	sld [smem:$0x3F8D];
	_ =	swait.ge [sflag:s4], $0x0  }
0x19: {  	s7 =	sld [smem:$0x3F8E]  }
0x1a: {  	s8 =	sadd.s32 $0xFFFFE003, lr  }
0x1b: {  	s9 =	sadd.s32 $0xFFFFFEF7, lr;
	s5 =	simm.s32 $0xFFFFFFFF;
	p2 =	slt.u32 s8, $0xFFFFF086  }
0x1c: {  	p1 =	slt.u32 s9, $0xF7A;
	s5 =	simm.s32 @!p2 $0x0  }
0x1d: {  	s5 =	simm.s32 @p1 $0x1;
	p0 =	seq.s32 s7, s2  }
0x1e: {  	s7 =	smul.u32 @!p0 $0xF7A, s2;
	p2 =	seq.s32 @!p0 s5, $0x0  }
0x1f: {  	s9 =	smul.u32 $0xF7A, s1;
	s8 =	simm.s32 @!p0 $0x1BF5;
	p2 =	por !p2, p0  }
0x20: {  	[sflag:s8] =	ssyncset.s32 @!p0 $0xFFFFF086;
	s6 =	sadd.s32 @!p0 s3, s7;
	s7 =	simm.s32 @!p0 $0x108  }
0x21: {  	s3 =	sadd.s32 s3, s9;
	s6 =	sadd.s32 @!p0 $0x88, s6;
	s7 =	simm.s32 @p2 $0x1082  }
0x22: {  	[simem:s7], [sflag:s8] =	dma.local @!p0 [hbm:s6], $0xF7A  }
0x23: {  	s9 =	sor.u32 $0xD0000000, s2;
	s6 =	simm.s32 $0x108;
	_ =	swait.ge @!p0 [sflag:s8], $0x0  }
0x24: {  	s3 =	sadd.s32 $0x88, s3;
	s6 =	simm.s32 @!p1 $0x1082;
	[sflag:s4] =	ssyncset.s32 $0xFFFFF086  }
0x25: {  	[simem:s6], [sflag:s4] =	dma.local [hbm:s3], $0xF7A  }
0x26: {  	[smem:$0x3F8E] =	sst s1;
	(tag) =	ssettag s2;
	_ =	strace s9  }
0x27: {  	s1 =	sld [smem:$0x3F9E]  }
0x28: {  	s2 =	sld [smem:$0x3F9F]  }
0x29: {  	s4 =	sld [smem:$0x3FA1]  }
0x2a: {  	p0 =	seq.s32 s5, $0x0;
	s5 =	sld [smem:$0x3FA2]  }
0x2b: {  	s6 =	sld [smem:$0x3FA3]  }
0x2c: {  	s7 =	sld [smem:$0x3FA4]  }
0x2d: {  	s3 =	simm.s32 $0x108;
	s8 =	sld [smem:$0x3FA5]  }
0x2e: {  	s3 =	simm.s32 @!p0 $0x1082;
	s9 =	sld [smem:$0x3FA6]  }
0x2f: {  	lr =	sadd.s32 s0, s3;
	s0 =	sld [smem:$0x3F9D]  }
0x30: {  	s3 =	sld [smem:$0x3FA0]  }
0x31: {  	[smem:$0x3FA9] =	sst s10  }
0x32: {  	s10 =	sld [smem:$0x3FA7];
	_ =	sdelay $0x3  }
0x33: {  	p0 =	seq.s32 s10, $0x1;
	s10 =	sld [smem:$0x3FA9];
	_ =	sdelay $0x3  }
0x34: {  	[smem:$0x3FA9] =	sst s10  }
0x35: {  	s10 =	sld [smem:$0x3FA8];
	_ =	sdelay $0x3  }
0x36: {  	p1 =	seq.s32 s10, $0x1;
	s10 =	sld [smem:$0x3FA9];
	_ =	sdelay $0x3  }
0x37: {  	[smem:$0x3FA9] =	sst s10  }
0x38: {  	s10 =	sld [smem:$0x3FAA]  }
0x39: {  	_ = 	snop;
	(pc) =	sbr.ind lr, $3  }
0x3a: {  	_ = 	snop  }
0x3b: {  	_ = 	snop  }
0x3c: {  	p2 =	seq.s32 s10, $0x1;
	s10 =	sld [smem:$0x3FA9]  }
0x3d: {  	_ =	shalt  }
0x3e: {  	_ =	shalt  }
0x3f: {  	_ =	shalt  }
0x40: {  	_ =	shalt  }
0x41: {  	_ =	shalt  }
0x42: {  	_ =	shalt  }
0x43: {  	_ =	shalt  }
0x44: {  	_ =	shalt  }
0x45: {  	_ =	shalt  }
0x46: {  	_ =	shalt  }
0x47: {  	_ =	shalt  }
0x48: {  	_ =	shalt  }
0x49: {  	_ =	shalt  }
0x4a: {  	_ =	shalt  }
0x4b: {  	_ =	shalt  }
0x4c: {  	_ =	shalt  }
0x4d: {  	_ =	shalt  }
0x4e: {  	_ =	shalt  }
0x4f: {  	_ =	shalt  }
0x50: {  	_ =	shalt  }
0x51: {  	_ =	shalt  }
0x52: {  	_ =	shalt  }
0x53: {  	_ =	shalt  }
0x54: {  	_ =	shalt  }
0x55: {  	_ =	shalt  }
0x56: {  	_ =	shalt  }
0x57: {  	_ =	shalt  }
0x58: {  	_ =	shalt  }
0x59: {  	_ =	shalt  }
0x5a: {  	_ =	shalt  }
0x5b: {  	_ =	shalt  }
0x5c: {  	_ =	shalt  }
0x5d: {  	_ =	shalt  }
0x5e: {  	_ =	shalt  }
0x5f: {  	_ =	shalt  }
0x60: {  	_ =	shalt  }
0x61: {  	_ =	shalt  }
0x62: {  	_ =	shalt  }
0x63: {  	_ =	shalt  }
0x64: {  	_ =	shalt  }
0x65: {  	_ =	shalt  }
0x66: {  	_ =	shalt  }
0x67: {  	_ =	shalt  }
0x68: {  	_ =	shalt  }
0x69: {  	_ =	shalt  }
0x6a: {  	_ =	shalt  }
0x6b: {  	_ =	shalt  }
0x6c: {  	_ =	shalt  }
0x6d: {  	_ =	shalt  }
0x6e: {  	_ =	shalt  }
0x6f: {  	_ =	shalt  }
0x70: {  	_ =	shalt  }
0x71: {  	_ =	shalt  }
0x72: {  	_ =	shalt  }
0x73: {  	_ =	shalt  }
0x74: {  	_ =	shalt  }
0x75: {  	_ =	shalt  }
0x76: {  	_ =	shalt  }
0x77: {  	_ =	shalt  }
0x78: {  	_ =	shalt  }
0x79: {  	_ =	shalt  }
0x7a: {  	_ =	shalt  }
0x7b: {  	_ =	shalt  }
0x7c: {  	_ =	shalt  }
0x7d: {  	_ =	shalt  }
0x7e: {  	_ =	shalt  }
0x7f: {  	_ =	shalt  }
0x80: {  	_ =	shalt  }
0x81: {  	_ =	shalt  }
0x82: {  	_ =	shalt  }
0x83: {  	_ =	shalt  }
0x84: {  	_ =	shalt  }
0x85: {  	_ =	shalt  }
0x86: {  	_ =	shalt  }
0x87: {  	_ =	shalt  }
.Lfunc_end0:
.L_simem_size_0:
called_computation.2_lowered:
.L_overlay_start_0:
0x88: {  	s2 =	sld [smem:$0x3FD9]  }
0x89: {  	s3 =	sld [smem:$0x3FFE];
	_ =	sdelay $0x1  }
0x8a: {  	s1 =	srdreg.scid  }
0x8b: {  	s0 =	sand.u32 $0x1, s1  }
0x8c: {  	s17 =	sshll.u32 s0, $0xA;
	s2 =	sadd.s32 s3, s2  }
0x8d: {  	s2 =	sadd.s32 s2, s17  }
0x8e: {  	[smem:$0x3FB5] =	sst s2  }
0x8f: {  	_ = 	snop  }
0x90: {  	s18 =	sld [smem:$0x3FC6]  }
0x91: {  	s4 =	sld [smem:$0x3FC5];
	(tm) =	ssettm $0x1  }
0x92: {  	s19 =	sld [smem:$0x3FFB];
	_ =	sdelay $0x3  }
0x93: {  	_ =	strace s19  }
0x94: {  	s2 =	sld [smem:$0x3FFC];
	_ =	sdelay $0x3  }
0x95: {  	_ =	strace s2  }
0x96: {  	s2 =	sld [smem:$0x3FFD];
	_ =	sdelay $0x3  }
0x97: {  	_ =	strace s2  }
0x98: {  	_ =	strace $0x8FFFFFFF  }
0x99: {  	s20 =	sld [smem:$0x3FDB];
	_ =	sdelay $0x1  }
0x9a: {  	s5 =	simm.s32 $_scs_section_size  }
0x9b: {  	s6 =	simm.s32 $_size__tile_overlayer_lowered;
	s7 =	simm.s32 $_tile_overlayer_lowered  }
0x9c: {  	s8 =	simm.s32 $0x1BFF;
	s21 =	sshll.u32 s7, $0x1;
	s5 =	sadd.s32 s5, s20  }
0x9d: {  	s22 =	simm.s32 $0x0;
	s6 =	sshll.u32 s6, $0x1;
	s7 =	sadd.s32 s21, s5  }
0x9e: {  	[timem:s22], [sflag:s8] =	dma.local [hbm:s7], s6  }
0x9f: {  	_ =	swait.ge [sflag:s8], s6  }
0xa0: {  	s6 =	ssub.s32 $0x0, s6;
	[sflag:s8] =	ssyncset.done $0x0  }
0xa1: {  	[sflag:s8] =	ssyncadd.s32 s6;
	_ =	sdelay $0x1  }
0xa2: {  	s23 =	simm.s32 $0x1B8B  }
0xa3: {  	_ =	swait.ge [sflag:s23], $0x1  }
0xa4: {  	[sflag:s23] =	ssyncset.done $0x0  }
0xa5: {  	[sflag:s23] =	ssyncadd.s32 $0xFFFFFFFF  }
0xa6: {  	s6 =	sld [smem:$0x0]  }
0xa7: {  	s7 =	sand.u32 $0xFFFFFFFE, s1  }
0xa8: {  	p0 =	sne.s32 s1, s7  }
0xa9: {  	s7 =	sshll.u32 @p0 s7, $0xE  }
0xaa: {  	s7 =	sadd.s32 @p0 $0x11B8D, s7;
	s8 =	sshll.u32 @p0 s6, $0x11  }
0xab: {  	s7 =	sor.u32 @p0 s8, s7  }
0xac: {  	[sflag:s7] =	ssyncadd.remote.s32 @p0 $0x1;
	_ =	sdelay $0x1  }
0xad: {  	s7 =	simm.s32 @p0 $0x1B8D  }
0xae: {  	_ =	swait.eq @p0 [sflag:s7], $0x1  }
0xaf: {  	[sflag:s7] =	ssyncadd.s32 @p0 $0xFFFFFFFF  }
0xb0: {  	s8 =	sshll.u32 @!p0 s1, $0xE  }
0xb1: {  	s8 =	sor.u32 @!p0 $0x4000, s8;
	s7 =	simm.s32 @!p0 $0x1B8D  }
0xb2: {  	s6 =	sshll.u32 @!p0 s6, $0x11;
	s8 =	sadd.s32 @!p0 $0x11B8D, s8;
	_ =	swait.eq @!p0 [sflag:s7], $0x1  }
0xb3: {  	s6 =	sor.u32 @!p0 s6, s8;
	[sflag:s7] =	ssyncadd.s32 @!p0 $0xFFFFFFFF  }
0xb4: {  	s25 =	simm.s32 $0x1B8E;
	s24 =	sld [smem:$0x3FFE];
	[sflag:s6] =	ssyncadd.remote.s32 @!p0 $0x1  }
0xb5: {  	s26 =	simm.s32 $execute0_lowered;
	[smem:$0x3FD2] =	sst s25  }
0xb6: {  	s7 =	sshll.u32 s26, $0x1;
	_ =	strace $0x8000004F;
	[dreg:$0x1] =	wrdreg $0xFFFFFFFF  }
0xb7: {  	s28 =	simm.s32 $_size_execute0_lowered;
	s5 =	sadd.s32 s5, s7;
	[dreg:$0x0] =	wrdreg $0x0  }
0xb8: {  	s7 =	sshll.u32 s28, $0x1;
	[dreg:$0x2] =	wrdreg s5  }
0xb9: {  	[dreg:$0x3] =	wrdreg s7  }
0xba: {  	[dreg:$0x4] =	wrdreg $0xC0  }
0xbb: {  	_ =	task [dreg:s22], $0x5FFFF  }
0xbc: {  	[dreg:$0x1] =	wrdreg $0xFFFFFFFF  }
0xbd: {  	[dreg:$0x0] =	wrdreg $0x60  }
0xbe: {  	[dreg:$0x2] =	wrdreg s24  }
0xbf: {  	[dreg:$0x3] =	wrdreg s18  }
0xc0: {  	[dreg:$0x4] =	wrdreg s4  }
0xc1: {  	[dreg:$0x5] =	wrdreg $0x9  }
0xc2: {  	_ =	task.clear_ibuf [dreg:s22], $0x6FFFF;
	_ =	strace $0x9000004F  }
0xc3: {  	s29 =	simm.s32 $0x9;
	_ =	strace $0x80000051  }
0xc4: {  	_ =	swait.ge [sflag:s29], $0x1  }
0xc5: {  	[sflag:s29] =	ssyncadd.s32 $0xFFFFFFFF  }
0xc6: {  	_ =	strace $0x90000051  }
0xc7: {  	_ =	sfence  }
0xc8: {  	s30 =	sld [smem:$0x0];
	_ =	sdelay $0x2  }
0xc9: {  	s31 =	sshll.u32 s1, $0xD;
	s1 =	sshrl.u32 s1, $0x2  }
0xca: {  	s4 =	sand.u32 $0x4000, s31;
	s1 =	sadd.s32 s1, s30  }
0xcb: {  	s0 =	sor.u32 s4, s0;
	s1 =	sshll.u32 s1, $0x11  }
0xcc: {  	s0 =	sor.u32 s1, s0  }
0xcd: {  	s0 =	sadd.s32 $0x8F2B, s0  }
0xce: {  	[sflag:s0] =	ssyncadd.remote.s32 $0x1  }
0xcf: {  	_ =	sfence.sel $0xFFFF  }
0xd0: {  	[dreg:$0x0] =	wrdreg $0xFFFFFFFF;
	(pc) =	sbr.abs _section_cstart, $3  }
0xd1: {  	[dreg:$0x1] =	wrdreg $0xFFFFFFFF  }
0xd2: {  	_ =	task.clear_ibuf [dreg:s22], $0x2FFFF;
	_ =	strace $0x9FFFFFFF  }
0xd3: {  	(tm) =	ssettm $0x7FFFFFFF  }
tec
execute0_lowered:
.L_overlay_start_1:
0x0: {  	(tag) =	ssettag $0x1  }
0x1: {  	s6 =	rddreg [dreg:$0x0]  }
0x2: {  	s7 =	rddreg [dreg:$0x1]  }
0x3: {  	s8 =	rddreg [dreg:$0x2]  }
0x4: {  	s0 =	rddreg [dreg:$0x3]  }
0x5: {  	s2 =	simm.s32 $0x0;
	s3 =	srdreg.scid;
	s1 =	stileid.u32  }
0x6: {  	s12 =	simm.s32 $0x800;
	s13 =	simm.s32 $0x80;
	s14 =	simm.s32 $0x1000  }
0x7: {  	s15 =	simm.s32 $0x5000;
	s16 =	simm.s32 $0x9000;
	s17 =	simm.s32 $0xD000  }
0x8: {  	s18 =	simm.s32 $0x1;
	s19 =	simm.s32 $0x2;
	s20 =	simm.s32 $0x3  }
0x9: {  	s21 =	simm.s32 $0x4;
	s22 =	simm.s32 $0x0;
	[smem:$0x7FF] =	sst s2  }
0xa: {  	s5 =	sand.u32 $0x1, s3;
	s3 =	sadd.s32 $0x3400, s6;
	s10 =	sshll.u32 s1, $0xB  }
0xb: {  	s4 =	sadd.s32 $0x2A600, s6;
	s9 =	sshll.u32 s5, $0xF;
	s11 =	ssub.s32 $0x2, s5  }
0xc: {  	s6 =	sadd.s32 $0x151800, s6;
	s5 =	sor.u32 s10, s9;
	s30 =	sshrl.u32 s11, $0x1  }
0xd: {  	_ =	strace $0x80000050;
	s10 =	sshrl.u32 s5, $0x3;
	s11 =	ssub.s32 s11, s30  }
0xe: {  	s31 =	sshll.u32 s5, $0x4;
	s7 =	sadd.s32 s7, s10;
	s8 =	sadd.s32 s8, s10  }
0xf: {  	s9 =	sadd.s32 s6, s31;
	s10 =	smax.u32 s11, $0x1;
	s11 =	simm.s32 $0x5  }
.LBB2_1:
0x10: {  	[tilespmem:s2], [sflag:$0x5] =	stream.linear.gather [hbm4b:s7+s2], $0x800, $0x38;
	[tilespmem:$0x11000] =	vst v63  }
0x11: {  	_ =	swait.ge [sflag:s11], $0x800  }
0x12: {  	[sflag:s11] =	ssyncset.done $0x0  }
0x13: {  	[sflag:s11] =	ssyncadd.s32 $0xFFFFF800  }
0x14: {  	[tilespmem:s12], [sflag:$0x5] =	stream.linear.gather [hbm4b:s8+s2], $0x800, $0x38;
	[tilespmem:$0x11000] =	vst v63  }
0x15: {  	_ =	swait.ge [sflag:s11], $0x800  }
0x16: {  	[sflag:s11] =	ssyncset.done $0x0  }
0x17: {  	[sflag:s11] =	ssyncadd.s32 $0xFFFFF800  }
0x18: {  	[tilespmem:s14], [sflag:$0x1] =	stream.indirect.gather [hbm4b:s3+s13], $0x80, s2, s13, $0xb8;
	[tilespmem:$0x11000] =	vst v63  }
0x19: {  	s23 =	simm.s32 $0x0  }
0x1a: {  	[tilespmem:s15], [sflag:$0x2] =	stream.indirect.gather [hbm4b:s4+s13], $0x80, s12, s13, $0xb8;
	[tilespmem:$0x11000] =	vst v63  }
.LBB2_2:
0x1b: {  	s25 =	sshll.u32 s23, $0x8  }
0x1c: {  	s24 =	sor.u32 $0x80, s25  }
0x1d: {  	[tilespmem:s16], [sflag:$0x3] =	stream.indirect.gather [hbm4b:s3+s13], $0x80, s24, s13, $0xb8;
	[tilespmem:$0x11000] =	vst v63  }
0x1e: {  	s25 =	sadd.s32 $0x880, s25  }
0x1f: {  	[tilespmem:s17], [sflag:$0x4] =	stream.indirect.gather [hbm4b:s4+s13], $0x80, s25, s13, $0xb8;
	[tilespmem:$0x11000] =	vst v63  }
0x20: {  	_ =	swait.ge [sflag:s18], $0x4000  }
0x21: {  	[sflag:s18] =	ssyncset.done $0x0  }
0x22: {  	[sflag:s18] =	ssyncadd.s32 $0xFFFFC000  }
0x23: {  	_ =	swait.ge [sflag:s19], $0x4000  }
0x24: {  	[sflag:s19] =	ssyncset.done $0x0  }
0x25: {  	s25 =	simm.s32 $0x0;
	[sflag:s19] =	ssyncadd.s32 $0xFFFFC000  }
0x26: {  	v7 =	vld [tilespmem:s25+$0x5000]  }
0x27: {  	v11 =	vld [tilespmem:s25+$0x5010]  }
0x28: {  	v5 =	vld [tilespmem:s25+$0x5020]  }
0x29: {  	v4 =	vld [tilespmem:s25+$0x5030]  }
0x2a: {  	v3 =	vld [tilespmem:s25+$0x5040]  }
0x2b: {  	v2 =	vld [tilespmem:s25+$0x5050]  }
0x2c: {  	v1 =	vld [tilespmem:s25+$0x5060]  }
0x2d: {  	v0 =	vld [tilespmem:s25+$0x5070]  }
0x2e: {  	v12 =	vld [tilespmem:s25+$0x1000]  }
0x2f: {  	v13 =	vld [tilespmem:s25+$0x1010]  }
0x30: {  	v10 =	vld [tilespmem:s25+$0x1020]  }
0x31: {  	v9 =	vld [tilespmem:s25+$0x1030]  }
0x32: {  	v8 =	vld [tilespmem:s25+$0x1040]  }
0x33: {  	v6 =	vld [tilespmem:s25+$0x1050];
	v12 =	vadd.f32 v7, v12  }
0x34: {  	s26 =	simm.s32 $0x200;
	v11 =	vadd.f32 v11, v13;
	v7 =	vld [tilespmem:s25+$0x1060]  }
.LBB2_3:
0x35: {  	s28 =	sshra.s32 s26, $0x2;
	p0 =	sne.s32 s26, $0xFE00;
	[tilespmem:s25+$0x1000] =	vst v12;
	v5 =	vadd.f32 v5, v10;
	v10 =	vld [tilespmem:s25+$0x1070]  }
0x36: {  	v12 =	vld [tilespmem:s28+$0x5000];
	[tilespmem:s25+$0x1010] =	vst v11;
	v4 =	vadd.f32 v4, v9  }
0x37: {  	v11 =	vld [tilespmem:s28+$0x5010];
	[tilespmem:s25+$0x1020] =	vst v5;
	v3 =	vadd.f32 v3, v8  }
0x38: {  	v5 =	vld [tilespmem:s28+$0x5020];
	[tilespmem:s25+$0x1030] =	vst v4;
	v2 =	vadd.f32 v2, v6  }
0x39: {  	v4 =	vld [tilespmem:s28+$0x5030];
	[tilespmem:s25+$0x1040] =	vst v3;
	v1 =	vadd.f32 v1, v7  }
0x3a: {  	v3 =	vld [tilespmem:s28+$0x5040];
	[tilespmem:s25+$0x1050] =	vst v2;
	v0 =	vadd.f32 v0, v10  }
0x3b: {  	v2 =	vld [tilespmem:s28+$0x5050];
	[tilespmem:s25+$0x1060] =	vst v1  }
0x3c: {  	v1 =	vld [tilespmem:s28+$0x5060];
	[tilespmem:s25+$0x1070] =	vst v0;
	s25 =	smov.u32 s28  }
0x3d: {  	v0 =	vld [tilespmem:s25+$0x5070]  }
0x3e: {  	v6 =	vld [tilespmem:s25+$0x1000]  }
0x3f: {  	v7 =	vld [tilespmem:s25+$0x1010]  }
.Ltmp0:
0x40: {  	v10 =	vld [tilespmem:s25+$0x1020];
	(pc) =	sbr.rel @p0 .LBB2_3-.Ltmp0, $4  }
0x41: {  	v9 =	vld [tilespmem:s25+$0x1030]  }
0x42: {  	v8 =	vld [tilespmem:s25+$0x1040]  }
0x43: {  	v12 =	vadd.f32 v12, v6;
	v6 =	vld [tilespmem:s25+$0x1050]  }
0x44: {  	s26 =	sadd.s32 $0x200, s26;
	v11 =	vadd.f32 v11, v7;
	v7 =	vld [tilespmem:s25+$0x1060]  }
0x45: {  	[tilespmem:s25+$0x1000] =	vst v12;
	v5 =	vadd.f32 v5, v10;
	v10 =	vld [tilespmem:s25+$0x1070]  }
0x46: {  	[tilespmem:s25+$0x1010] =	vst v11;
	v4 =	vadd.f32 v4, v9  }
0x47: {  	[tilespmem:s25+$0x1020] =	vst v5;
	v3 =	vadd.f32 v3, v8  }
0x48: {  	[tilespmem:s25+$0x1030] =	vst v4;
	v2 =	vadd.f32 v2, v6  }
0x49: {  	[tilespmem:s25+$0x1040] =	vst v3;
	v1 =	vadd.f32 v1, v7  }
0x4a: {  	[tilespmem:s25+$0x1050] =	vst v2;
	v0 =	vadd.f32 v0, v10  }
0x4b: {  	s26 =	sshll.u32 s23, $0xC;
	[tilespmem:s25+$0x1060] =	vst v1  }
0x4c: {  	s30 =	sshll.u32 s23, $0x1;
	s28 =	simm.s32 $0x0;
	s26 =	sadd.s32 s26, s9;
	[tilespmem:s25+$0x1070] =	vst v0  }
0x4d: {  	[hbm4b:s26+s28] =	stream.linear.scatter [tilespmem:s14], [sflag:$0x5], $0x4000, $0x38;
	[tilespmem:$0x11000] =	vst v63  }
0x4e: {  	s25 =	smin.u32 s30, $0xD;
	_ =	swait.ge [sflag:s11], $0x4000  }
0x4f: {  	s25 =	sshll.u32 s25, $0x7;
	[sflag:s11] =	ssyncset.done $0x0  }
0x50: {  	s31 =	sadd.s32 $0x100, s25;
	[sflag:s11] =	ssyncadd.s32 $0xFFFFC000  }
0x51: {  	[tilespmem:s14], [sflag:$0x1] =	stream.indirect.gather [hbm4b:s3+s13], $0x80, s31, s13, $0xb8;
	[tilespmem:$0x11000] =	vst v63  }
0x52: {  	s25 =	sadd.s32 $0x900, s25  }
0x53: {  	[tilespmem:s15], [sflag:$0x2] =	stream.indirect.gather [hbm4b:s4+s13], $0x80, s25, s13, $0xb8;
	[tilespmem:$0x11000] =	vst v63  }
0x54: {  	_ =	swait.ge [sflag:s20], $0x4000  }
0x55: {  	[sflag:s20] =	ssyncset.done $0x0  }
0x56: {  	[sflag:s20] =	ssyncadd.s32 $0xFFFFC000  }
0x57: {  	_ =	swait.ge [sflag:s21], $0x4000  }
0x58: {  	[sflag:s21] =	ssyncset.done $0x0  }
0x59: {  	s25 =	simm.s32 $0x0;
	[sflag:s21] =	ssyncadd.s32 $0xFFFFC000  }
0x5a: {  	v7 =	vld [tilespmem:s25+$0xD000]  }
0x5b: {  	v11 =	vld [tilespmem:s25+$0xD010]  }
0x5c: {  	v5 =	vld [tilespmem:s25+$0xD020]  }
0x5d: {  	v4 =	vld [tilespmem:s25+$0xD030]  }
0x5e: {  	v3 =	vld [tilespmem:s25+$0xD040]  }
0x5f: {  	v2 =	vld [tilespmem:s25+$0xD050]  }
0x60: {  	v1 =	vld [tilespmem:s25+$0xD060]  }
0x61: {  	v0 =	vld [tilespmem:s25+$0xD070]  }
0x62: {  	v12 =	vld [tilespmem:s25+$0x9000]  }
0x63: {  	v13 =	vld [tilespmem:s25+$0x9010]  }
0x64: {  	v10 =	vld [tilespmem:s25+$0x9020]  }
0x65: {  	v9 =	vld [tilespmem:s25+$0x9030]  }
0x66: {  	v8 =	vld [tilespmem:s25+$0x9040]  }
0x67: {  	v6 =	vld [tilespmem:s25+$0x9050];
	v12 =	vadd.f32 v7, v12  }
0x68: {  	s26 =	simm.s32 $0x200;
	v11 =	vadd.f32 v11, v13;
	v7 =	vld [tilespmem:s25+$0x9060]  }
.LBB2_5:
0x69: {  	s28 =	sshra.s32 s26, $0x2;
	p0 =	sne.s32 s26, $0xFE00;
	[tilespmem:s25+$0x9000] =	vst v12;
	v5 =	vadd.f32 v5, v10;
	v10 =	vld [tilespmem:s25+$0x9070]  }
0x6a: {  	v12 =	vld [tilespmem:s28+$0xD000];
	[tilespmem:s25+$0x9010] =	vst v11;
	v4 =	vadd.f32 v4, v9  }
0x6b: {  	v11 =	vld [tilespmem:s28+$0xD010];
	[tilespmem:s25+$0x9020] =	vst v5;
	v3 =	vadd.f32 v3, v8  }
0x6c: {  	v5 =	vld [tilespmem:s28+$0xD020];
	[tilespmem:s25+$0x9030] =	vst v4;
	v2 =	vadd.f32 v2, v6  }
0x6d: {  	v4 =	vld [tilespmem:s28+$0xD030];
	[tilespmem:s25+$0x9040] =	vst v3;
	v1 =	vadd.f32 v1, v7  }
0x6e: {  	v3 =	vld [tilespmem:s28+$0xD040];
	[tilespmem:s25+$0x9050] =	vst v2;
	v0 =	vadd.f32 v0, v10  }
0x6f: {  	v2 =	vld [tilespmem:s28+$0xD050];
	[tilespmem:s25+$0x9060] =	vst v1  }
0x70: {  	v1 =	vld [tilespmem:s28+$0xD060];
	[tilespmem:s25+$0x9070] =	vst v0;
	s25 =	smov.u32 s28  }
0x71: {  	v0 =	vld [tilespmem:s25+$0xD070]  }
0x72: {  	v6 =	vld [tilespmem:s25+$0x9000]  }
0x73: {  	v7 =	vld [tilespmem:s25+$0x9010]  }
.Ltmp1:
0x74: {  	v10 =	vld [tilespmem:s25+$0x9020];
	(pc) =	sbr.rel @p0 .LBB2_5-.Ltmp1, $4  }
0x75: {  	v9 =	vld [tilespmem:s25+$0x9030]  }
0x76: {  	v8 =	vld [tilespmem:s25+$0x9040]  }
0x77: {  	v12 =	vadd.f32 v12, v6;
	v6 =	vld [tilespmem:s25+$0x9050]  }
0x78: {  	s26 =	sadd.s32 $0x200, s26;
	v11 =	vadd.f32 v11, v7;
	v7 =	vld [tilespmem:s25+$0x9060]  }
0x79: {  	[tilespmem:s25+$0x9000] =	vst v12;
	v5 =	vadd.f32 v5, v10;
	v63 =	vld [tilespmem:s25+$0x9070]  }
0x7a: {  	[tilespmem:s25+$0x9010] =	vst v11;
	v4 =	vadd.f32 v4, v9  }
0x7b: {  	[tilespmem:s25+$0x9020] =	vst v5;
	v3 =	vadd.f32 v3, v8  }
0x7c: {  	[tilespmem:s25+$0x9030] =	vst v4;
	v2 =	vadd.f32 v2, v6  }
0x7d: {  	[tilespmem:s25+$0x9040] =	vst v3;
	v1 =	vadd.f32 v1, v7  }
0x7e: {  	s24 =	sadd.s32 s5, s24;
	s23 =	sadd.s32 $0x1, s23;
	[tilespmem:s25+$0x9050] =	vst v2;
	v0 =	vadd.f32 v0, v63  }
0x7f: {  	s24 =	sshll.u32 s24, $0x4;
	p0 =	sne.s32 s23, $0x8;
	[tilespmem:s25+$0x9060] =	vst v1  }
.Ltmp2:
0x80: {  	s24 =	sadd.s32 s6, s24;
	[tilespmem:s25+$0x9070] =	vst v0;
	(pc) =	sbr.rel @p0 .LBB2_2-.Ltmp2, $4  }
0x81: {  	[hbm4b:s24+s2] =	stream.linear.scatter [tilespmem:s16], [sflag:$0x5], $0x4000, $0x38;
	[tilespmem:$0x11000] =	vst v63  }
0x82: {  	_ =	swait.ge [sflag:s11], $0x4000  }
0x83: {  	[sflag:s11] =	ssyncset.done $0x0  }
0x84: {  	[sflag:s11] =	ssyncadd.s32 $0xFFFFC000  }
0x85: {  	s22 =	sadd.s32 $0x1, s22  }
0x86: {  	_ =	swait.ge [sflag:s18], $0x4000;
	p0 =	sne.s32 s22, s10  }
.Ltmp3:
0x87: {  	[sflag:s18] =	ssyncset.done $0x0;
	(pc) =	sbr.rel @p0 .LBB2_1-.Ltmp3, $4  }
0x88: {  	[sflag:s18] =	ssyncadd.s32 $0xFFFFC000  }
0x89: {  	_ =	swait.ge [sflag:s19], $0x4000  }
0x8a: {  	[sflag:s19] =	ssyncset.done $0x0  }
0x8b: {  	[sflag:s19] =	ssyncadd.s32 $0xFFFFC000  }
0x8c: {  	_ =	sfence.sel $0x180000  }
0x8d: {  	[bflag:$0x0] =	sbarrier.arrive $0xFFFF  }
0x8e: {  	p0 =	sne.s32 s1, $0x0;
	_ =	strace $0x90000050  }
0x8f: {  	s0 =	sadd.s32 @!p0 $0x100000, s0;
	[bflag:$0x2] =	sbarrier.arrive $0xFFFF  }
0x90: {  	[sflag:s0] =	ssyncadd.tile.s32 @!p0 $0x1;
	_ =	shalt  }
.Lfunc_end2:
_tile_overlayer_lowered:
.L_overlay_start_2:
0x91: {  	(tag) =	ssettag $0x2  }
0x92: {  	s0 =	rddreg [dreg:$0x0];
	s2 =	stileid.u32  }
0x93: {  	s1 =	rddreg [dreg:$0x1];
	p0 =	sne.s32 s2, $0x0  }
0x94: {  	s3 =	rddreg [dreg:$0x2];
	[bflag:$0x3] =	sbarrier.arrive $0xFFFF;
	s2 =	simm.s32 @!p0 $0x1C05  }
0x95: {  	[timem:s3], [sflag:s2] =	dma.local @!p0 [hbm:s0], s1  }
0x96: {  	s0 =	simm.s32 @!p0 $0x5  }
0x97: {  	_ =	swait.ge @!p0 [sflag:s0], s1  }
0x98: {  	s1 =	ssub.s32 @!p0 $0x0, s1;
	[sflag:s0] =	ssyncset.done @!p0 $0x0  }
0x99: {  	[sflag:s0] =	ssyncadd.s32 @!p0 s1  }
0x9a: {  	[bflag:$0x3] =	sbarrier.arrive $0xFFFF  }
0x9b: {  	_ =	shalt  }

// kernel: kernel.19.cloned.1.call-start
scs
__scs_entry_jumppad:
0x0: {  	(pc) =	sbr.rel $0x88, $3  }
0x1: {  	(tag) =	ssettag $0x0;
	lr =	simm.s32 $0x1  }
0x2: {  	[smem:$0x3F8E] =	sst lr;
	_ =	strace $0xD0000000  }
0x3: {  	_ = 	snop  }
0x4: {  	_ = 	snop  }
0x5: {  	_ = 	snop  }
0x6: {  	_ = 	snop  }
0x7: {  	_ = 	snop  }
__scs_overlays_trampoline_lowered:
0x8: {  	[smem:$0x3F9D] =	sst s0  }
0x9: {  	[smem:$0x3F9E] =	sst s1  }
0xa: {  	[smem:$0x3F9F] =	sst s2  }
0xb: {  	[smem:$0x3FA0] =	sst s3  }
0xc: {  	[smem:$0x3FA1] =	sst s4  }
0xd: {  	[smem:$0x3FA2] =	sst s5  }
0xe: {  	[smem:$0x3FA3] =	sst s6  }
0xf: {  	[smem:$0x3FA4] =	sst s7  }
0x10: {  	[smem:$0x3FA5] =	sst s8  }
0x11: {  	[smem:$0x3FA6] =	sst s9;
	s0 =	simm.s32 @!p0 $0x0  }
0x12: {  	s1 =	sld [smem:$0x3F8C];
	s0 =	simm.s32 @p0 $0x1  }
0x13: {  	[smem:$0x3FA7] =	sst s0;
	s0 =	simm.s32 @!p1 $0x0  }
0x14: {  	s2 =	sld [smem:$0x3F8B];
	s0 =	simm.s32 @p1 $0x1  }
0x15: {  	[smem:$0x3FA8] =	sst s0;
	s0 =	simm.s32 @!p2 $0x0  }
0x16: {  	s3 =	sld [smem:$0x3FDB];
	s0 =	simm.s32 @p2 $0x1  }
0x17: {  	s4 =	simm.s32 $0x1BF5;
	[smem:$0x3FAA] =	sst s0  }
0x18: {  	s0 =	sld [smem:$0x3F8D];
	_ =	swait.ge [sflag:s4], $0x0  }
0x19: {  	s7 =	sld [smem:$0x3F8E]  }
0x1a: {  	s8 =	sadd.s32 $0xFFFFE003, lr  }
0x1b: {  	s9 =	sadd.s32 $0xFFFFFEF7, lr;
	s5 =	simm.s32 $0xFFFFFFFF;
	p2 =	slt.u32 s8, $0xFFFFF086  }
0x1c: {  	p1 =	slt.u32 s9, $0xF7A;
	s5 =	simm.s32 @!p2 $0x0  }
0x1d: {  	s5 =	simm.s32 @p1 $0x1;
	p0 =	seq.s32 s7, s2  }
0x1e: {  	s7 =	smul.u32 @!p0 $0xF7A, s2;
	p2 =	seq.s32 @!p0 s5, $0x0  }
0x1f: {  	s9 =	smul.u32 $0xF7A, s1;
	s8 =	simm.s32 @!p0 $0x1BF5;
	p2 =	por !p2, p0  }
0x20: {  	[sflag:s8] =	ssyncset.s32 @!p0 $0xFFFFF086;
	s6 =	sadd.s32 @!p0 s3, s7;
	s7 =	simm.s32 @!p0 $0x108  }
0x21: {  	s3 =	sadd.s32 s3, s9;
	s6 =	sadd.s32 @!p0 $0x88, s6;
	s7 =	simm.s32 @p2 $0x1082  }
0x22: {  	[simem:s7], [sflag:s8] =	dma.local @!p0 [hbm:s6], $0xF7A  }
0x23: {  	s9 =	sor.u32 $0xD0000000, s2;
	s6 =	simm.s32 $0x108;
	_ =	swait.ge @!p0 [sflag:s8], $0x0  }
0x24: {  	s3 =	sadd.s32 $0x88, s3;
	s6 =	simm.s32 @!p1 $0x1082;
	[sflag:s4] =	ssyncset.s32 $0xFFFFF086  }
0x25: {  	[simem:s6], [sflag:s4] =	dma.local [hbm:s3], $0xF7A  }
0x26: {  	[smem:$0x3F8E] =	sst s1;
	(tag) =	ssettag s2;
	_ =	strace s9  }
0x27: {  	s1 =	sld [smem:$0x3F9E]  }
0x28: {  	s2 =	sld [smem:$0x3F9F]  }
0x29: {  	s4 =	sld [smem:$0x3FA1]  }
0x2a: {  	p0 =	seq.s32 s5, $0x0;
	s5 =	sld [smem:$0x3FA2]  }
0x2b: {  	s6 =	sld [smem:$0x3FA3]  }
0x2c: {  	s7 =	sld [smem:$0x3FA4]  }
0x2d: {  	s3 =	simm.s32 $0x108;
	s8 =	sld [smem:$0x3FA5]  }
0x2e: {  	s3 =	simm.s32 @!p0 $0x1082;
	s9 =	sld [smem:$0x3FA6]  }
0x2f: {  	lr =	sadd.s32 s0, s3;
	s0 =	sld [smem:$0x3F9D]  }
0x30: {  	s3 =	sld [smem:$0x3FA0]  }
0x31: {  	[smem:$0x3FA9] =	sst s10  }
0x32: {  	s10 =	sld [smem:$0x3FA7];
	_ =	sdelay $0x3  }
0x33: {  	p0 =	seq.s32 s10, $0x1;
	s10 =	sld [smem:$0x3FA9];
	_ =	sdelay $0x3  }
0x34: {  	[smem:$0x3FA9] =	sst s10  }
0x35: {  	s10 =	sld [smem:$0x3FA8];
	_ =	sdelay $0x3  }
0x36: {  	p1 =	seq.s32 s10, $0x1;
	s10 =	sld [smem:$0x3FA9];
	_ =	sdelay $0x3  }
0x37: {  	[smem:$0x3FA9] =	sst s10  }
0x38: {  	s10 =	sld [smem:$0x3FAA]  }
0x39: {  	_ = 	snop;
	(pc) =	sbr.ind lr, $3  }
0x3a: {  	_ = 	snop  }
0x3b: {  	_ = 	snop  }
0x3c: {  	p2 =	seq.s32 s10, $0x1;
	s10 =	sld [smem:$0x3FA9]  }
0x3d: {  	_ =	shalt  }
0x3e: {  	_ =	shalt  }
0x3f: {  	_ =	shalt  }
0x40: {  	_ =	shalt  }
0x41: {  	_ =	shalt  }
0x42: {  	_ =	shalt  }
0x43: {  	_ =	shalt  }
0x44: {  	_ =	shalt  }
0x45: {  	_ =	shalt  }
0x46: {  	_ =	shalt  }
0x47: {  	_ =	shalt  }
0x48: {  	_ =	shalt  }
0x49: {  	_ =	shalt  }
0x4a: {  	_ =	shalt  }
0x4b: {  	_ =	shalt  }
0x4c: {  	_ =	shalt  }
0x4d: {  	_ =	shalt  }
0x4e: {  	_ =	shalt  }
0x4f: {  	_ =	shalt  }
0x50: {  	_ =	shalt  }
0x51: {  	_ =	shalt  }
0x52: {  	_ =	shalt  }
0x53: {  	_ =	shalt  }
0x54: {  	_ =	shalt  }
0x55: {  	_ =	shalt  }
0x56: {  	_ =	shalt  }
0x57: {  	_ =	shalt  }
0x58: {  	_ =	shalt  }
0x59: {  	_ =	shalt  }
0x5a: {  	_ =	shalt  }
0x5b: {  	_ =	shalt  }
0x5c: {  	_ =	shalt  }
0x5d: {  	_ =	shalt  }
0x5e: {  	_ =	shalt  }
0x5f: {  	_ =	shalt  }
0x60: {  	_ =	shalt  }
0x61: {  	_ =	shalt  }
0x62: {  	_ =	shalt  }
0x63: {  	_ =	shalt  }
0x64: {  	_ =	shalt  }
0x65: {  	_ =	shalt  }
0x66: {  	_ =	shalt  }
0x67: {  	_ =	shalt  }
0x68: {  	_ =	shalt  }
0x69: {  	_ =	shalt  }
0x6a: {  	_ =	shalt  }
0x6b: {  	_ =	shalt  }
0x6c: {  	_ =	shalt  }
0x6d: {  	_ =	shalt  }
0x6e: {  	_ =	shalt  }
0x6f: {  	_ =	shalt  }
0x70: {  	_ =	shalt  }
0x71: {  	_ =	shalt  }
0x72: {  	_ =	shalt  }
0x73: {  	_ =	shalt  }
0x74: {  	_ =	shalt  }
0x75: {  	_ =	shalt  }
0x76: {  	_ =	shalt  }
0x77: {  	_ =	shalt  }
0x78: {  	_ =	shalt  }
0x79: {  	_ =	shalt  }
0x7a: {  	_ =	shalt  }
0x7b: {  	_ =	shalt  }
0x7c: {  	_ =	shalt  }
0x7d: {  	_ =	shalt  }
0x7e: {  	_ =	shalt  }
0x7f: {  	_ =	shalt  }
0x80: {  	_ =	shalt  }
0x81: {  	_ =	shalt  }
0x82: {  	_ =	shalt  }
0x83: {  	_ =	shalt  }
0x84: {  	_ =	shalt  }
0x85: {  	_ =	shalt  }
0x86: {  	_ =	shalt  }
0x87: {  	_ =	shalt  }
.Lfunc_end0:
.L_simem_size_0:
called_computation.3_lowered:
.L_overlay_start_0:
0x88: {  	s2 =	sld [smem:$0x3FD9]  }
0x89: {  	s3 =	sld [smem:$0x3FFE];
	_ =	sdelay $0x1  }
0x8a: {  	s1 =	srdreg.scid  }
0x8b: {  	s0 =	sand.u32 $0x1, s1  }
0x8c: {  	s17 =	sshll.u32 s0, $0xA;
	s2 =	sadd.s32 s3, s2  }
0x8d: {  	s2 =	sadd.s32 s2, s17  }
0x8e: {  	[smem:$0x3FB5] =	sst s2  }
0x8f: {  	_ = 	snop  }
0x90: {  	s2 =	sld [smem:$0x3FC4]  }
0x91: {  	s18 =	sld [smem:$0x3FC3];
	(tm) =	ssettm $0x1  }
0x92: {  	s4 =	sld [smem:$0x3FFB];
	_ =	sdelay $0x3  }
0x93: {  	_ =	strace s4  }
0x94: {  	s4 =	sld [smem:$0x3FFC];
	_ =	sdelay $0x3  }
0x95: {  	_ =	strace s4  }
0x96: {  	s4 =	sld [smem:$0x3FFD];
	_ =	sdelay $0x3  }
0x97: {  	_ =	strace s4  }
0x98: {  	_ =	strace $0x8FFFFFFF  }
0x99: {  	s19 =	sld [smem:$0x3FDB];
	_ =	sdelay $0x1  }
0x9a: {  	s5 =	simm.s32 $_scs_section_size  }
0x9b: {  	s6 =	simm.s32 $_size__tile_overlayer_lowered;
	s7 =	simm.s32 $_tile_overlayer_lowered  }
0x9c: {  	s22 =	simm.s32 $0x1BFF;
	s21 =	sshll.u32 s7, $0x1;
	s4 =	sadd.s32 s5, s19  }
0x9d: {  	s8 =	simm.s32 $0x0;
	s20 =	sshll.u32 s6, $0x1;
	s6 =	sadd.s32 s21, s4  }
0x9e: {  	[timem:s8], [sflag:s22] =	dma.local [hbm:s6], s20  }
0x9f: {  	_ =	swait.ge [sflag:s22], s20  }
0xa0: {  	s5 =	ssub.s32 $0x0, s20;
	[sflag:s22] =	ssyncset.done $0x0  }
0xa1: {  	[sflag:s22] =	ssyncadd.s32 s5;
	_ =	sdelay $0x1  }
0xa2: {  	s23 =	simm.s32 $0x1B8B  }
0xa3: {  	_ =	swait.ge [sflag:s23], $0x1  }
0xa4: {  	[sflag:s23] =	ssyncset.done $0x0  }
0xa5: {  	s25 =	simm.s32 $0x1B8E;
	s24 =	sld [smem:$0x3FFE];
	[sflag:s23] =	ssyncadd.s32 $0xFFFFFFFF  }
0xa6: {  	s26 =	simm.s32 $execute0_lowered;
	[smem:$0x3FD2] =	sst s25  }
0xa7: {  	s6 =	sshll.u32 s26, $0x1;
	_ =	strace $0x8000004C;
	[dreg:$0x1] =	wrdreg $0xFFFFFFFF  }
0xa8: {  	s28 =	simm.s32 $_size_execute0_lowered;
	s4 =	sadd.s32 s4, s6;
	[dreg:$0x0] =	wrdreg $0x0  }
0xa9: {  	s6 =	sshll.u32 s28, $0x1;
	[dreg:$0x2] =	wrdreg s4  }
0xaa: {  	[dreg:$0x3] =	wrdreg s6  }
0xab: {  	[dreg:$0x4] =	wrdreg $0xC0  }
0xac: {  	_ =	task [dreg:s8], $0x5FFFF  }
0xad: {  	[dreg:$0x1] =	wrdreg $0xFFFFFFFF  }
0xae: {  	[dreg:$0x0] =	wrdreg $0x60  }
0xaf: {  	[dreg:$0x2] =	wrdreg s24  }
0xb0: {  	[dreg:$0x3] =	wrdreg s2  }
0xb1: {  	[dreg:$0x4] =	wrdreg s18  }
0xb2: {  	[dreg:$0x5] =	wrdreg $0xA  }
0xb3: {  	_ =	task.clear_ibuf [dreg:s8], $0x6FFFF;
	_ =	strace $0x9000004C  }
0xb4: {  	s29 =	simm.s32 $0xA;
	_ =	strace $0x8000004E  }
0xb5: {  	_ =	swait.ge [sflag:s29], $0x1  }
0xb6: {  	[sflag:s29] =	ssyncadd.s32 $0xFFFFFFFF  }
0xb7: {  	_ =	strace $0x9000004E  }
0xb8: {  	_ =	sfence  }
0xb9: {  	s30 =	sld [smem:$0x0];
	_ =	sdelay $0x2  }
0xba: {  	s31 =	sshll.u32 s1, $0xD;
	s1 =	sshrl.u32 s1, $0x2  }
0xbb: {  	s3 =	sand.u32 $0x4000, s31;
	s1 =	sadd.s32 s1, s30  }
0xbc: {  	s0 =	sor.u32 s3, s0;
	s1 =	sshll.u32 s1, $0x11  }
0xbd: {  	s0 =	sor.u32 s1, s0  }
0xbe: {  	s0 =	sadd.s32 $0x8F2B, s0  }
0xbf: {  	[sflag:s0] =	ssyncadd.remote.s32 $0x1  }
0xc0: {  	_ =	sfence.sel $0xFFFF  }
0xc1: {  	[dreg:$0x0] =	wrdreg $0xFFFFFFFF;
	(pc) =	sbr.abs _section_cstart, $3  }
0xc2: {  	[dreg:$0x1] =	wrdreg $0xFFFFFFFF  }
0xc3: {  	_ =	task.clear_ibuf [dreg:s8], $0x2FFFF;
	_ =	strace $0x9FFFFFFF  }
0xc4: {  	(tm) =	ssettm $0x7FFFFFFF  }
0xc5: {  	_ =	shalt  }
tec
execute0_lowered:
.L_overlay_start_1:
0x0: {  	(tag) =	ssettag $0x1  }
0x1: {  	s6 =	rddreg [dreg:$0x0]  }
0x2: {  	s7 =	rddreg [dreg:$0x1]  }
0x3: {  	s8 =	rddreg [dreg:$0x2]  }
0x4: {  	s0 =	rddreg [dreg:$0x3]  }
0x5: {  	s2 =	simm.s32 $0x0;
	s3 =	srdreg.scid;
	s1 =	stileid.u32  }
0x6: {  	s12 =	simm.s32 $0x800;
	s13 =	simm.s32 $0x80;
	s14 =	simm.s32 $0x1000  }
0x7: {  	s15 =	simm.s32 $0x5000;
	s16 =	simm.s32 $0x9000;
	s17 =	simm.s32 $0xD000  }
0x8: {  	s18 =	simm.s32 $0x1;
	s19 =	simm.s32 $0x2;
	s20 =	simm.s32 $0x3  }
0x9: {  	s21 =	simm.s32 $0x4;
	s22 =	simm.s32 $0x0;
	[smem:$0x7FF] =	sst s2  }
0xa: {  	s5 =	sand.u32 $0x1, s3;
	s3 =	sadd.s32 $0x3400, s6;
	s10 =	sshll.u32 s1, $0xB  }
0xb: {  	s4 =	sadd.s32 $0x2A600, s6;
	s9 =	sshll.u32 s5, $0xF;
	s11 =	ssub.s32 $0x2, s5  }
0xc: {  	s6 =	sadd.s32 $0x51800, s6;
	s5 =	sor.u32 s10, s9;
	s30 =	sshrl.u32 s11, $0x1  }
0xd: {  	_ =	strace $0x8000004D;
	s10 =	sshrl.u32 s5, $0x3;
	s11 =	ssub.s32 s11, s30  }
0xe: {  	s31 =	sshll.u32 s5, $0x4;
	s7 =	sadd.s32 s7, s10;
	s8 =	sadd.s32 s8, s10  }
0xf: {  	s9 =	sadd.s32 s6, s31;
	s10 =	smax.u32 s11, $0x1;
	s11 =	simm.s32 $0x5  }
.LBB2_1:
0x10: {  	[tilespmem:s2], [sflag:$0x5] =	stream.linear.gather [hbm4b:s7+s2], $0x800, $0x38;
	[tilespmem:$0x11000] =	vst v63  }
0x11: {  	_ =	swait.ge [sflag:s11], $0x800  }
0x12: {  	[sflag:s11] =	ssyncset.done $0x0  }
0x13: {  	[sflag:s11] =	ssyncadd.s32 $0xFFFFF800  }
0x14: {  	[tilespmem:s12], [sflag:$0x5] =	stream.linear.gather [hbm4b:s8+s2], $0x800, $0x38;
	[tilespmem:$0x11000] =	vst v63  }
0x15: {  	_ =	swait.ge [sflag:s11], $0x800  }
0x16: {  	[sflag:s11] =	ssyncset.done $0x0  }
0x17: {  	[sflag:s11] =	ssyncadd.s32 $0xFFFFF800  }
0x18: {  	[tilespmem:s14], [sflag:$0x1] =	stream.indirect.gather [hbm4b:s3+s13], $0x80, s2, s13, $0xb8;
	[tilespmem:$0x11000] =	vst v63  }
0x19: {  	s23 =	simm.s32 $0x0  }
0x1a: {  	[tilespmem:s15], [sflag:$0x2] =	stream.indirect.gather [hbm4b:s4+s13], $0x80, s12, s13, $0xb8;
	[tilespmem:$0x11000] =	vst v63  }
.LBB2_2:
0x1b: {  	s25 =	sshll.u32 s23, $0x8  }
0x1c: {  	s24 =	sor.u32 $0x80, s25  }
0x1d: {  	[tilespmem:s16], [sflag:$0x3] =	stream.indirect.gather [hbm4b:s3+s13], $0x80, s24, s13, $0xb8;
	[tilespmem:$0x11000] =	vst v63  }
0x1e: {  	s25 =	sadd.s32 $0x880, s25  }
0x1f: {  	[tilespmem:s17], [sflag:$0x4] =	stream.indirect.gather [hbm4b:s4+s13], $0x80, s25, s13, $0xb8;
	[tilespmem:$0x11000] =	vst v63  }
0x20: {  	_ =	swait.ge [sflag:s18], $0x4000  }
0x21: {  	[sflag:s18] =	ssyncset.done $0x0  }
0x22: {  	[sflag:s18] =	ssyncadd.s32 $0xFFFFC000  }
0x23: {  	_ =	swait.ge [sflag:s19], $0x4000  }
0x24: {  	[sflag:s19] =	ssyncset.done $0x0  }
0x25: {  	s25 =	simm.s32 $0x0;
	[sflag:s19] =	ssyncadd.s32 $0xFFFFC000  }
0x26: {  	v7 =	vld [tilespmem:s25+$0x5000]  }
0x27: {  	v11 =	vld [tilespmem:s25+$0x5010]  }
0x28: {  	v5 =	vld [tilespmem:s25+$0x5020]  }
0x29: {  	v4 =	vld [tilespmem:s25+$0x5030]  }
0x2a: {  	v3 =	vld [tilespmem:s25+$0x5040]  }
0x2b: {  	v2 =	vld [tilespmem:s25+$0x5050]  }
0x2c: {  	v1 =	vld [tilespmem:s25+$0x5060]  }
0x2d: {  	v0 =	vld [tilespmem:s25+$0x5070]  }
0x2e: {  	v12 =	vld [tilespmem:s25+$0x1000]  }
0x2f: {  	v13 =	vld [tilespmem:s25+$0x1010]  }
0x30: {  	v10 =	vld [tilespmem:s25+$0x1020]  }
0x31: {  	v9 =	vld [tilespmem:s25+$0x1030]  }
0x32: {  	v8 =	vld [tilespmem:s25+$0x1040]  }
0x33: {  	v6 =	vld [tilespmem:s25+$0x1050];
	v12 =	vadd.f32 v7, v12  }
0x34: {  	s26 =	simm.s32 $0x200;
	v11 =	vadd.f32 v11, v13;
	v7 =	vld [tilespmem:s25+$0x1060]  }
.LBB2_3:
0x35: {  	s28 =	sshra.s32 s26, $0x2;
	p0 =	sne.s32 s26, $0xFE00;
	[tilespmem:s25+$0x1000] =	vst v12;
	v5 =	vadd.f32 v5, v10;
	v10 =	vld [tilespmem:s25+$0x1070]  }
0x36: {  	v12 =	vld [tilespmem:s28+$0x5000];
	[tilespmem:s25+$0x1010] =	vst v11;
	v4 =	vadd.f32 v4, v9  }
0x37: {  	v11 =	vld [tilespmem:s28+$0x5010];
	[tilespmem:s25+$0x1020] =	vst v5;
	v3 =	vadd.f32 v3, v8  }
0x38: {  	v5 =	vld [tilespmem:s28+$0x5020];
	[tilespmem:s25+$0x1030] =	vst v4;
	v2 =	vadd.f32 v2, v6  }
0x39: {  	v4 =	vld [tilespmem:s28+$0x5030];
	[tilespmem:s25+$0x1040] =	vst v3;
	v1 =	vadd.f32 v1, v7  }
0x3a: {  	v3 =	vld [tilespmem:s28+$0x5040];
	[tilespmem:s25+$0x1050] =	vst v2;
	v0 =	vadd.f32 v0, v10  }
0x3b: {  	v2 =	vld [tilespmem:s28+$0x5050];
	[tilespmem:s25+$0x1060] =	vst v1  }
0x3c: {  	v1 =	vld [tilespmem:s28+$0x5060];
	[tilespmem:s25+$0x1070] =	vst v0;
	s25 =	smov.u32 s28  }
0x3d: {  	v0 =	vld [tilespmem:s25+$0x5070]  }
0x3e: {  	v6 =	vld [tilespmem:s25+$0x1000]  }
0x3f: {  	v7 =	vld [tilespmem:s25+$0x1010]  }
.Ltmp0:
0x40: {  	v10 =	vld [tilespmem:s25+$0x1020];
	(pc) =	sbr.rel @p0 .LBB2_3-.Ltmp0, $4  }
0x41: {  	v9 =	vld [tilespmem:s25+$0x1030]  }
0x42: {  	v8 =	vld [tilespmem:s25+$0x1040]  }
0x43: {  	v12 =	vadd.f32 v12, v6;
	v6 =	vld [tilespmem:s25+$0x1050]  }
0x44: {  	s26 =	sadd.s32 $0x200, s26;
	v11 =	vadd.f32 v11, v7;
	v7 =	vld [tilespmem:s25+$0x1060]  }
0x45: {  	[tilespmem:s25+$0x1000] =	vst v12;
	v5 =	vadd.f32 v5, v10;
	v10 =	vld [tilespmem:s25+$0x1070]  }
0x46: {  	[tilespmem:s25+$0x1010] =	vst v11;
	v4 =	vadd.f32 v4, v9  }
0x47: {  	[tilespmem:s25+$0x1020] =	vst v5;
	v3 =	vadd.f32 v3, v8  }
0x48: {  	[tilespmem:s25+$0x1030] =	vst v4;
	v2 =	vadd.f32 v2, v6  }
0x49: {  	[tilespmem:s25+$0x1040] =	vst v3;
	v1 =	vadd.f32 v1, v7  }
0x4a: {  	[tilespmem:s25+$0x1050] =	vst v2;
	v0 =	vadd.f32 v0, v10  }
0x4b: {  	s26 =	sshll.u32 s23, $0xC;
	[tilespmem:s25+$0x1060] =	vst v1  }
0x4c: {  	s30 =	sshll.u32 s23, $0x1;
	s28 =	simm.s32 $0x0;
	s26 =	sadd.s32 s26, s9;
	[tilespmem:s25+$0x1070] =	vst v0  }
0x4d: {  	[hbm4b:s26+s28] =	stream.linear.scatter [tilespmem:s14], [sflag:$0x5], $0x4000, $0x38;
	[tilespmem:$0x11000] =	vst v63  }
0x4e: {  	s25 =	smin.u32 s30, $0xD;
	_ =	swait.ge [sflag:s11], $0x4000  }
0x4f: {  	s25 =	sshll.u32 s25, $0x7;
	[sflag:s11] =	ssyncset.done $0x0  }
0x50: {  	s31 =	sadd.s32 $0x100, s25;
	[sflag:s11] =	ssyncadd.s32 $0xFFFFC000  }
0x51: {  	[tilespmem:s14], [sflag:$0x1] =	stream.indirect.gather [hbm4b:s3+s13], $0x80, s31, s13, $0xb8;
	[tilespmem:$0x11000] =	vst v63  }
0x52: {  	s25 =	sadd.s32 $0x900, s25  }
0x53: {  	[tilespmem:s15], [sflag:$0x2] =	stream.indirect.gather [hbm4b:s4+s13], $0x80, s25, s13, $0xb8;
	[tilespmem:$0x11000] =	vst v63  }
0x54: {  	_ =	swait.ge [sflag:s20], $0x4000  }
0x55: {  	[sflag:s20] =	ssyncset.done $0x0  }
0x56: {  	[sflag:s20] =	ssyncadd.s32 $0xFFFFC000  }
0x57: {  	_ =	swait.ge [sflag:s21], $0x4000  }
0x58: {  	[sflag:s21] =	ssyncset.done $0x0  }
0x59: {  	s25 =	simm.s32 $0x0;
	[sflag:s21] =	ssyncadd.s32 $0xFFFFC000  }
0x5a: {  	v7 =	vld [tilespmem:s25+$0xD000]  }
0x5b: {  	v11 =	vld [tilespmem:s25+$0xD010]  }
0x5c: {  	v5 =	vld [tilespmem:s25+$0xD020]  }
0x5d: {  	v4 =	vld [tilespmem:s25+$0xD030]  }
0x5e: {  	v3 =	vld [tilespmem:s25+$0xD040]  }
0x5f: {  	v2 =	vld [tilespmem:s25+$0xD050]  }
0x60: {  	v1 =	vld [tilespmem:s25+$0xD060]  }
0x61: {  	v0 =	vld [tilespmem:s25+$0xD070]  }
0x62: {  	v12 =	vld [tilespmem:s25+$0x9000]  }
0x63: {  	v13 =	vld [tilespmem:s25+$0x9010]  }
0x64: {  	v10 =	vld [tilespmem:s25+$0x9020]  }
0x65: {  	v9 =	vld [tilespmem:s25+$0x9030]  }
0x66: {  	v8 =	vld [tilespmem:s25+$0x9040]  }
0x67: {  	v6 =	vld [tilespmem:s25+$0x9050];
	v12 =	vadd.f32 v7, v12  }
0x68: {  	s26 =	simm.s32 $0x200;
	v11 =	vadd.f32 v11, v13;
	v7 =	vld [tilespmem:s25+$0x9060]  }
.LBB2_5:
0x69: {  	s28 =	sshra.s32 s26, $0x2;
	p0 =	sne.s32 s26, $0xFE00;
	[tilespmem:s25+$0x9000] =	vst v12;
	v5 =	vadd.f32 v5, v10;
	v10 =	vld [tilespmem:s25+$0x9070]  }
0x6a: {  	v12 =	vld [tilespmem:s28+$0xD000];
	[tilespmem:s25+$0x9010] =	vst v11;
	v4 =	vadd.f32 v4, v9  }
0x6b: {  	v11 =	vld [tilespmem:s28+$0xD010];
	[tilespmem:s25+$0x9020] =	vst v5;
	v3 =	vadd.f32 v3, v8  }
0x6c: {  	v5 =	vld [tilespmem:s28+$0xD020];
	[tilespmem:s25+$0x9030] =	vst v4;
	v2 =	vadd.f32 v2, v6  }
0x6d: {  	v4 =	vld [tilespmem:s28+$0xD030];
	[tilespmem:s25+$0x9040] =	vst v3;
	v1 =	vadd.f32 v1, v7  }
0x6e: {  	v3 =	vld [tilespmem:s28+$0xD040];
	[tilespmem:s25+$0x9050] =	vst v2;
	v0 =	vadd.f32 v0, v10  }
0x6f: {  	v2 =	vld [tilespmem:s28+$0xD050];
	[tilespmem:s25+$0x9060] =	vst v1  }
0x70: {  	v1 =	vld [tilespmem:s28+$0xD060];
	[tilespmem:s25+$0x9070] =	vst v0;
	s25 =	smov.u32 s28  }
0x71: {  	v0 =	vld [tilespmem:s25+$0xD070]  }
0x72: {  	v6 =	vld [tilespmem:s25+$0x9000]  }
0x73: {  	v7 =	vld [tilespmem:s25+$0x9010]  }
.Ltmp1:
0x74: {  	v10 =	vld [tilespmem:s25+$0x9020];
	(pc) =	sbr.rel @p0 .LBB2_5-.Ltmp1, $4  }
0x75: {  	v9 =	vld [tilespmem:s25+$0x9030]  }
0x76: {  	v8 =	vld [tilespmem:s25+$0x9040]  }
0x77: {  	v12 =	vadd.f32 v12, v6;
	v6 =	vld [tilespmem:s25+$0x9050]  }
0x78: {  	s26 =	sadd.s32 $0x200, s26;
	v11 =	vadd.f32 v11, v7;
	v7 =	vld [tilespmem:s25+$0x9060]  }
0x79: {  	[tilespmem:s25+$0x9000] =	vst v12;
	v5 =	vadd.f32 v5, v10;
	v63 =	vld [tilespmem:s25+$0x9070]  }
0x7a: {  	[tilespmem:s25+$0x9010] =	vst v11;
	v4 =	vadd.f32 v4, v9  }
0x7b: {  	[tilespmem:s25+$0x9020] =	vst v5;
	v3 =	vadd.f32 v3, v8  }
0x7c: {  	[tilespmem:s25+$0x9030] =	vst v4;
	v2 =	vadd.f32 v2, v6  }
0x7d: {  	[tilespmem:s25+$0x9040] =	vst v3;
	v1 =	vadd.f32 v1, v7  }
0x7e: {  	s24 =	sadd.s32 s5, s24;
	s23 =	sadd.s32 $0x1, s23;
	[tilespmem:s25+$0x9050] =	vst v2;
	v0 =	vadd.f32 v0, v63  }
0x7f: {  	s24 =	sshll.u32 s24, $0x4;
	p0 =	sne.s32 s23, $0x8;
	[tilespmem:s25+$0x9060] =	vst v1  }
.Ltmp2:
0x80: {  	s24 =	sadd.s32 s6, s24;
	[tilespmem:s25+$0x9070] =	vst v0;
	(pc) =	sbr.rel @p0 .LBB2_2-.Ltmp2, $4  }
0x81: {  	[hbm4b:s24+s2] =	stream.linear.scatter [tilespmem:s16], [sflag:$0x5], $0x4000, $0x38;
	[tilespmem:$0x11000] =	vst v63  }
0x82: {  	_ =	swait.ge [sflag:s11], $0x4000  }
0x83: {  	[sflag:s11] =	ssyncset.done $0x0  }
0x84: {  	[sflag:s11] =	ssyncadd.s32 $0xFFFFC000  }
0x85: {  	s22 =	sadd.s32 $0x1, s22  }
0x86: {  	_ =	swait.ge [sflag:s18], $0x4000;
	p0 =	sne.s32 s22, s10  }
.Ltmp3:
0x87: {  	[sflag:s18] =	ssyncset.done $0x0;
	(pc) =	sbr.rel @p0 .LBB2_1-.Ltmp3, $4  }
0x88: {  	[sflag:s18] =	ssyncadd.s32 $0xFFFFC000  }
0x89: {  	_ =	swait.ge [sflag:s19], $0x4000  }
0x8a: {  	[sflag:s19] =	ssyncset.done $0x0  }
0x8b: {  	[sflag:s19] =	ssyncadd.s32 $0xFFFFC000  }
0x8c: {  	_ =	sfence.sel $0x180000  }
0x8d: {  	[bflag:$0x0] =	sbarrier.arrive $0xFFFF  }
0x8e: {  	p0 =	sne.s32 s1, $0x0;
	_ =	strace $0x9000004D  }
0x8f: {  	s0 =	sadd.s32 @!p0 $0x100000, s0;
	[bflag:$0x2] =	sbarrier.arrive $0xFFFF  }
0x90: {  	[sflag:s0] =	ssyncadd.tile.s32 @!p0 $0x1;
	_ =	shalt  }
.Lfunc_end2:
_tile_overlayer_lowered:
.L_overlay_start_2:
0x91: {  	(tag) =	ssettag $0x2  }
0x92: {  	s0 =	rddreg [dreg:$0x0];
	s2 =	stileid.u32  }
0x93: {  	s1 =	rddreg [dreg:$0x1];
	p0 =	sne.s32 s2, $0x0  }
0x94: {  	s3 =	rddreg [dreg:$0x2];
	[bflag:$0x3] =	sbarrier.arrive $0xFFFF;
	s2 =	simm.s32 @!p0 $0x1C05  }
0x95: {  	[timem:s3], [sflag:s2] =	dma.local @!p0 [hbm:s0], s1  }
0x96: {  	s0 =	simm.s32 @!p0 $0x5  }
0x97: {  	_ =	swait.ge @!p0 [sflag:s0], s1  }
0x98: {  	s1 =	ssub.s32 @!p0 $0x0, s1;
	[sflag:s0] =	ssyncset.done @!p0 $0x0  }
0x99: {  	[sflag:s0] =	ssyncadd.s32 @!p0 s1  }
0x9a: {  	[bflag:$0x3] =	sbarrier.arrive $0xFFFF  }
0x9b: {  	_ =	shalt  }

</sc_bundles>
